<compile_context>
chip_gen: v7x
topology: tpu7x:2x2x1
jax: 0.10.2.dev20260603
libtpu: 0.0.44.dev20260713+nightly
codegen_flags: <defaults>
</compile_context>

<pallas_src>
import jax
import jax.numpy as jnp
from jax import lax
from jax.experimental import pallas as pl
from jax.experimental.pallas import tpu as pltpu
from jax.experimental.pallas import tpu_sc as plsc

_B = 16384
_D = 64
_NC = 2
_NS = 16
_NW = _NC * _NS
_RPW = _B // _NW
_L = 16
_HALF = _RPW // 2
_CPAD = 17


def _body(user_hbm, item_hbm, theta_hbm, a_hbm, b_hbm, out_hbm,
          idx_u, idx_i, th_v, a_v, b_v, c_v, out_v, sem, semb):
    wid = lax.axis_index("s") * _NC + lax.axis_index("c")
    base = wid * _RPW

    pltpu.sync_copy(user_hbm.at[pl.ds(base, _RPW)], idx_u)
    pltpu.sync_copy(item_hbm.at[pl.ds(base, _RPW)], idx_i)

    bcps = [pltpu.async_copy(b_hbm.at[idx_i.at[pl.ds(j * 128, 128)]],
                             b_v.at[pl.ds(j * 128, 128)], semb)
            for j in range(_RPW // 128)]

    for half in range(2):
        hbase = half * _HALF

        @pl.loop(0, _HALF // _L)
        def _chunk(c):
            iu = idx_u[pl.ds(hbase + c * _L, _L)]
            ii = idx_i[pl.ds(hbase + c * _L, _L)]
            cps = []
            for j in range(_L):
                r = c * _L + j
                cps.append(pltpu.async_copy(theta_hbm.at[iu[j]], th_v.at[r], sem))
                cps.append(pltpu.async_copy(a_hbm.at[ii[j]], a_v.at[r], sem))
            for cp in cps:
                cp.wait()

        @pl.loop(0, _HALF)
        def _row(i):
            acc = jnp.zeros((_L,), jnp.float32)
            for k in range(_D // _L):
                th = th_v[i, pl.ds(k * _L, _L)]
                ar = a_v[i, pl.ds(k * _L, _L)]
                acc = acc + th / (1.0 + jnp.exp(-ar))
            c_v[pl.ds(i * _CPAD, _L)] = acc

        if half == 0:
            for cp in bcps:
                cp.wait()

        lane = lax.iota(jnp.int32, _L)
        @pl.loop(0, _HALF // _L)
        def _grp(g):
            rowbase = g * (_L * _CPAD)
            dot = jnp.zeros((_L,), jnp.float32)
            for d in range(_L):
                dot = dot + plsc.load_gather(c_v, [rowbase + lane * _CPAD + d])
            bv = b_v[pl.ds(hbase + g * _L, _L)]
            out_v[pl.ds(hbase + g * _L, _L)] = 1.0 / (1.0 + jnp.exp(bv - dot))

    pltpu.sync_copy(out_v, out_hbm.at[pl.ds(base, _RPW)])


def kernel(user, item, theta_table, a_table, b_table):
    user = user.astype(jnp.int32)
    item = item.astype(jnp.int32)
    b_lin = b_table.reshape(-1)
    mesh = plsc.VectorSubcoreMesh(
        core_axis_name="c", subcore_axis_name="s",
        num_cores=_NC, num_subcores=_NS)
    ker = pl.kernel(
        _body,
        out_type=jax.ShapeDtypeStruct((_B,), jnp.float32),
        mesh=mesh,
        compiler_params=pltpu.CompilerParams(needs_layout_passes=False),
        scratch_types=[
            pltpu.VMEM((_RPW,), jnp.int32),
            pltpu.VMEM((_RPW,), jnp.int32),
            pltpu.VMEM((_HALF, _D), jnp.float32),
            pltpu.VMEM((_HALF, _D), jnp.float32),
            pltpu.VMEM((_RPW,), jnp.float32),
            pltpu.VMEM((_HALF * _CPAD,), jnp.float32),
            pltpu.VMEM((_RPW,), jnp.float32),
            pltpu.SemaphoreType.DMA,
            pltpu.SemaphoreType.DMA,
        ],
    )
    return ker(user, item, theta_table, a_table, b_lin)

# --- scband reference (transcript-rebuilt; emitter-appended) ---
"""Pipeline reference for scband-mirtnet-9242769622071 (READ-ONLY COPY).

The authoritative reference and input builder live on the scoring server;
editing this copy changes nothing except your own understanding.
"""

import jax, jax.numpy as jnp
import numpy as np

USER_NUM = 1000000
ITEM_NUM = 100000
LATENT_DIM = 64
A_RANGE = 1.0
BATCH = 16384


def setup_inputs(seed: int = 0) -> dict:
    key = jax.random.key(seed)
    k1, k2, k3, k4, k5 = jax.random.split(key, 5)
    user = jax.random.randint(k1, (BATCH,), 0, USER_NUM, dtype=jnp.int64) if jax.config.jax_enable_x64 else jax.random.randint(k1, (BATCH,), 0, USER_NUM, dtype=jnp.int32)
    item = jax.random.randint(k2, (BATCH,), 0, ITEM_NUM, dtype=jnp.int32)
    theta_table = jax.random.normal(k3, (USER_NUM, LATENT_DIM), dtype=jnp.float32)
    a_table = jax.random.normal(k4, (ITEM_NUM, LATENT_DIM), dtype=jnp.float32)
    b_table = jax.random.normal(k5, (ITEM_NUM, 1), dtype=jnp.float32)
    return {"user": user, "item": item, "theta_table": theta_table, "a_table": a_table, "b_table": b_table}


def reference(user, item, theta_table, a_table, b_table):
    # theta = squeeze(Embedding(user), -1): no-op squeeze since latent_dim > 1
    theta = jnp.take(theta_table, user, axis=0)
    a_raw = jnp.take(a_table, item, axis=0)
    # a_range is not None -> a = a_range * sigmoid(a)
    a = A_RANGE * jax.nn.sigmoid(a_raw)
    b = jnp.squeeze(jnp.take(b_table, item, axis=0), axis=-1)
    # irt2pl: 1 / (1 + exp(-sum(a * theta, axis=-1) + b))
    return 1.0 / (1.0 + jnp.exp(-jnp.sum(a * theta, axis=-1) + b))

if __name__ == "__main__":
    import jax
    _d = setup_inputs()
    print(jax.jit(kernel)(*tuple(_d.values())))

</pallas_src>

<mosaic_0001>
#map = affine_map<(d0, d1) -> (0)>
#map1 = affine_map<(d0, d1) -> (0, 0)>
module attributes {stable_mosaic.version = 14 : i64} {
  func.func @_body(%arg0: i32, %arg1: i32, %arg2: memref<16384xi32, #tpu.memory_space<hbm>>, %arg3: memref<16384xi32, #tpu.memory_space<hbm>>, %arg4: memref<1000000x64xf32, #tpu.memory_space<hbm>>, %arg5: memref<100000x64xf32, #tpu.memory_space<hbm>>, %arg6: memref<100000xf32, #tpu.memory_space<hbm>>, %arg7: memref<16384xf32, #tpu.memory_space<hbm>>, %arg8: memref<512xi32, #tpu.memory_space<vmem>>, %arg9: memref<512xi32, #tpu.memory_space<vmem>>, %arg10: memref<256x64xf32, #tpu.memory_space<vmem>>, %arg11: memref<256x64xf32, #tpu.memory_space<vmem>>, %arg12: memref<512xf32, #tpu.memory_space<vmem>>, %arg13: memref<4352xf32, #tpu.memory_space<vmem>>, %arg14: memref<512xf32, #tpu.memory_space<vmem>>, %arg15: memref<!tpu.dma_semaphore, #tpu.memory_space<semaphore_mem>>, %arg16: memref<!tpu.dma_semaphore, #tpu.memory_space<semaphore_mem>>) attributes {dimension_semantics = [#tpu.dimension_semantics<core_parallel>, #tpu.dimension_semantics<subcore_parallel>], iteration_bounds = array<i64: 2, 16>, scalar_prefetch = 0 : i64, scratch_operands = 9 : i64, tpu.core_type = #tpu.core_type<sc_vector_subcore>, window_params = [{transform_indices = #map}, {transform_indices = #map}, {transform_indices = #map1}, {transform_indices = #map1}, {transform_indices = #map}, {transform_indices = #map}]} {
    %mul3A = arith.constant 2 : i32
    %mul3A_0 = arith.muli %arg1, %mul3A : i32
    %add3A = arith.addi %mul3A_0, %arg0 : i32
    %mul3A_1 = arith.constant 512 : i32
    %mul3A_2 = arith.muli %add3A, %mul3A_1 : i32
    "tpu.region"() ({
      %run_scoped3A = tpu.sem_alloc : memref<!tpu.dma_semaphore, #tpu.memory_space<semaphore_mem>>
      %dma_start3A_79 = tpu.memref_slice %arg2[%mul3A_2] : memref<16384xi32, #tpu.memory_space<hbm>> -> memref<512xi32, #tpu.memory_space<hbm>>
      %dma_start3A_80 = tpu.memref_slice %arg2[%mul3A_2] : memref<16384xi32, #tpu.memory_space<hbm>> -> memref<512xi32, #tpu.memory_space<hbm>>
      tpu.enqueue_dma source(%dma_start3A_80 : memref<512xi32, #tpu.memory_space<hbm>>) target(%arg8 : memref<512xi32, #tpu.memory_space<vmem>>) target_semaphore(%run_scoped3A : memref<!tpu.dma_semaphore, #tpu.memory_space<semaphore_mem>>)
      %dma_wait3A_81 = tpu.memref_slice %arg2[%mul3A_2] : memref<16384xi32, #tpu.memory_space<hbm>> -> memref<512xi32, #tpu.memory_space<hbm>>
      %dma_wait3A_82 = tpu.memref_slice %arg2[%mul3A_2] : memref<16384xi32, #tpu.memory_space<hbm>> -> memref<512xi32, #tpu.memory_space<hbm>>
      tpu.wait_dma2 semaphore(%run_scoped3A : memref<!tpu.dma_semaphore, #tpu.memory_space<semaphore_mem>>) src(%dma_wait3A_82 : memref<512xi32, #tpu.memory_space<hbm>>) dst(%arg8 : memref<512xi32, #tpu.memory_space<vmem>>)
      tpu.yield
    }) : () -> ()
    "tpu.region"() ({
      %run_scoped3A = tpu.sem_alloc : memref<!tpu.dma_semaphore, #tpu.memory_space<semaphore_mem>>
      %dma_start3A_79 = tpu.memref_slice %arg3[%mul3A_2] : memref<16384xi32, #tpu.memory_space<hbm>> -> memref<512xi32, #tpu.memory_space<hbm>>
      %dma_start3A_80 = tpu.memref_slice %arg3[%mul3A_2] : memref<16384xi32, #tpu.memory_space<hbm>> -> memref<512xi32, #tpu.memory_space<hbm>>
      tpu.enqueue_dma source(%dma_start3A_80 : memref<512xi32, #tpu.memory_space<hbm>>) target(%arg9 : memref<512xi32, #tpu.memory_space<vmem>>) target_semaphore(%run_scoped3A : memref<!tpu.dma_semaphore, #tpu.memory_space<semaphore_mem>>)
      %dma_wait3A_81 = tpu.memref_slice %arg3[%mul3A_2] : memref<16384xi32, #tpu.memory_space<hbm>> -> memref<512xi32, #tpu.memory_space<hbm>>
      %dma_wait3A_82 = tpu.memref_slice %arg3[%mul3A_2] : memref<16384xi32, #tpu.memory_space<hbm>> -> memref<512xi32, #tpu.memory_space<hbm>>
      tpu.wait_dma2 semaphore(%run_scoped3A : memref<!tpu.dma_semaphore, #tpu.memory_space<semaphore_mem>>) src(%dma_wait3A_82 : memref<512xi32, #tpu.memory_space<hbm>>) dst(%arg9 : memref<512xi32, #tpu.memory_space<vmem>>)
      tpu.yield
    }) : () -> ()
    %dma_start3A = arith.constant 0 : i32
    %dma_start3A_3 = tpu.memref_slice %arg12[%dma_start3A] : memref<512xf32, #tpu.memory_space<vmem>> -> memref<128xf32, #tpu.memory_space<vmem>>
    %dma_start3A_4 = arith.constant 0 : i32
    %dma_start3A_5 = tpu.memref_slice %arg9[%dma_start3A_4] : memref<512xi32, #tpu.memory_space<vmem>> -> memref<128xi32, #tpu.memory_space<vmem>>
    %dma_start3A_6 = arith.constant 0 : i32
    %dma_start3A_7 = tpu.memref_slice %arg6[%dma_start3A_6] : memref<100000xf32, #tpu.memory_space<hbm>> -> memref<100000xf32, #tpu.memory_space<hbm>>
    tpu.enqueue_indirect_dma source(%dma_start3A_7 : memref<100000xf32, #tpu.memory_space<hbm>>) target(%dma_start3A_3 : memref<128xf32, #tpu.memory_space<vmem>>) offsets(%dma_start3A_5 : memref<128xi32, #tpu.memory_space<vmem>>) semaphore(%arg16 : memref<!tpu.dma_semaphore, #tpu.memory_space<semaphore_mem>>)
    %dma_start3A_8 = arith.constant 128 : i32
    %dma_start3A_9 = tpu.memref_slice %arg12[%dma_start3A_8] : memref<512xf32, #tpu.memory_space<vmem>> -> memref<128xf32, #tpu.memory_space<vmem>>
    %dma_start3A_10 = arith.constant 128 : i32
    %dma_start3A_11 = tpu.memref_slice %arg9[%dma_start3A_10] : memref<512xi32, #tpu.memory_space<vmem>> -> memref<128xi32, #tpu.memory_space<vmem>>
    %dma_start3A_12 = arith.constant 0 : i32
    %dma_start3A_13 = tpu.memref_slice %arg6[%dma_start3A_12] : memref<100000xf32, #tpu.memory_space<hbm>> -> memref<100000xf32, #tpu.memory_space<hbm>>
    tpu.enqueue_indirect_dma source(%dma_start3A_13 : memref<100000xf32, #tpu.memory_space<hbm>>) target(%dma_start3A_9 : memref<128xf32, #tpu.memory_space<vmem>>) offsets(%dma_start3A_11 : memref<128xi32, #tpu.memory_space<vmem>>) semaphore(%arg16 : memref<!tpu.dma_semaphore, #tpu.memory_space<semaphore_mem>>)
    %dma_start3A_14 = arith.constant 256 : i32
    %dma_start3A_15 = tpu.memref_slice %arg12[%dma_start3A_14] : memref<512xf32, #tpu.memory_space<vmem>> -> memref<128xf32, #tpu.memory_space<vmem>>
    %dma_start3A_16 = arith.constant 256 : i32
    %dma_start3A_17 = tpu.memref_slice %arg9[%dma_start3A_16] : memref<512xi32, #tpu.memory_space<vmem>> -> memref<128xi32, #tpu.memory_space<vmem>>
    %dma_start3A_18 = arith.constant 0 : i32
    %dma_start3A_19 = tpu.memref_slice %arg6[%dma_start3A_18] : memref<100000xf32, #tpu.memory_space<hbm>> -> memref<100000xf32, #tpu.memory_space<hbm>>
    tpu.enqueue_indirect_dma source(%dma_start3A_19 : memref<100000xf32, #tpu.memory_space<hbm>>) target(%dma_start3A_15 : memref<128xf32, #tpu.memory_space<vmem>>) offsets(%dma_start3A_17 : memref<128xi32, #tpu.memory_space<vmem>>) semaphore(%arg16 : memref<!tpu.dma_semaphore, #tpu.memory_space<semaphore_mem>>)
    %dma_start3A_20 = arith.constant 384 : i32
    %dma_start3A_21 = tpu.memref_slice %arg12[%dma_start3A_20] : memref<512xf32, #tpu.memory_space<vmem>> -> memref<128xf32, #tpu.memory_space<vmem>>
    %dma_start3A_22 = arith.constant 384 : i32
    %dma_start3A_23 = tpu.memref_slice %arg9[%dma_start3A_22] : memref<512xi32, #tpu.memory_space<vmem>> -> memref<128xi32, #tpu.memory_space<vmem>>
    %dma_start3A_24 = arith.constant 0 : i32
    %dma_start3A_25 = tpu.memref_slice %arg6[%dma_start3A_24] : memref<100000xf32, #tpu.memory_space<hbm>> -> memref<100000xf32, #tpu.memory_space<hbm>>
    tpu.enqueue_indirect_dma source(%dma_start3A_25 : memref<100000xf32, #tpu.memory_space<hbm>>) target(%dma_start3A_21 : memref<128xf32, #tpu.memory_space<vmem>>) offsets(%dma_start3A_23 : memref<128xi32, #tpu.memory_space<vmem>>) semaphore(%arg16 : memref<!tpu.dma_semaphore, #tpu.memory_space<semaphore_mem>>)
    %scan3A = arith.constant 0 : i32
    %scan3A_26 = arith.constant 16 : i32
    %scan3A_27 = arith.addi %scan3A, %scan3A_26 : i32
    %scan3A_28 = arith.constant 1 : i32
    scf.for %scan3A_79 = %scan3A to %scan3A_27 step %scan3A_28  : i32 {
      %mul3A_80 = arith.constant 1 : i32
      %mul3A_81 = arith.muli %scan3A_79, %mul3A_80 : i32
      %add3A_82 = arith.constant 0 : i32
      %add3A_83 = arith.addi %add3A_82, %mul3A_81 : i32
      %mul3A_84 = arith.constant 16 : i32
      %mul3A_85 = arith.muli %add3A_83, %mul3A_84 : i32
      %add3A_86 = arith.constant 0 : i32
      %add3A_87 = arith.addi %add3A_86, %mul3A_85 : i32
      %get3A = arith.index_cast %add3A_87 : i32 to index
      %get3A_88 = tpu.vector_load %arg8[%get3A] {strides = array<i32>} : memref<512xi32, #tpu.memory_space<vmem>>, vector<16xi32>,
      %mul3A_89 = arith.constant 16 : i32
      %mul3A_90 = arith.muli %add3A_83, %mul3A_89 : i32
      %add3A_91 = arith.constant 0 : i32
      %add3A_92 = arith.addi %add3A_91, %mul3A_90 : i32
      %get3A_93 = arith.index_cast %add3A_92 : i32 to index
      %get3A_94 = tpu.vector_load %arg9[%get3A_93] {strides = array<i32>} : memref<512xi32, #tpu.memory_space<vmem>>, vector<16xi32>,
      %mul3A_95 = arith.constant 16 : i32
      %mul3A_96 = arith.muli %add3A_83, %mul3A_95 : i32
      %add3A_97 = arith.constant 0 : i32
      %add3A_98 = arith.addi %mul3A_96, %add3A_97 : i32
      %slice3A = vector.extract_strided_slice %get3A_88 {offsets = [0], sizes = [1], strides = [1]} : vector<16xi32> to vector<1xi32>
      %squeeze3A = vector.extract %slice3A[0] : i32 from vector<1xi32>
      %dma_start3A_99 = arith.constant 0 : i32
      %dma_start3A_100 = tpu.memref_slice %arg10[%add3A_98, %dma_start3A_99] : memref<256x64xf32, #tpu.memory_space<vmem>> -> memref<1x64xf32, #tpu.memory_space<vmem>>
      %dma_start3A_101 = tpu.memref_squeeze %dma_start3A_100 : memref<1x64xf32, #tpu.memory_space<vmem>> -> memref<64xf32, #tpu.memory_space<vmem>>
      %dma_start3A_102 = arith.constant 0 : i32
      %dma_start3A_103 = tpu.memref_slice %arg4[%squeeze3A, %dma_start3A_102] : memref<1000000x64xf32, #tpu.memory_space<hbm>> -> memref<1x64xf32, #tpu.memory_space<hbm>>
      %dma_start3A_104 = tpu.memref_squeeze %dma_start3A_103 : memref<1x64xf32, #tpu.memory_space<hbm>> -> memref<64xf32, #tpu.memory_space<hbm>>
      %dma_start3A_105 = arith.constant 0 : i32
      %dma_start3A_106 = tpu.memref_slice %arg10[%add3A_98, %dma_start3A_105] : memref<256x64xf32, #tpu.memory_space<vmem>> -> memref<1x64xf32, #tpu.memory_space<vmem>>
      %dma_start3A_107 = tpu.memref_squeeze %dma_start3A_106 : memref<1x64xf32, #tpu.memory_space<vmem>> -> memref<64xf32, #tpu.memory_space<vmem>>
      %dma_start3A_108 = arith.constant 0 : i32
      %dma_start3A_109 = tpu.memref_slice %arg4[%squeeze3A, %dma_start3A_108] : memref<1000000x64xf32, #tpu.memory_space<hbm>> -> memref<1x64xf32, #tpu.memory_space<hbm>>
      %dma_start3A_110 = tpu.memref_squeeze %dma_start3A_109 : memref<1x64xf32, #tpu.memory_space<hbm>> -> memref<64xf32, #tpu.memory_space<hbm>>
      tpu.enqueue_dma source(%dma_start3A_110 : memref<64xf32, #tpu.memory_space<hbm>>) target(%dma_start3A_107 : memref<64xf32, #tpu.memory_space<vmem>>) target_semaphore(%arg15 : memref<!tpu.dma_semaphore, #tpu.memory_space<semaphore_mem>>)
      %slice3A_111 = vector.extract_strided_slice %get3A_94 {offsets = [0], sizes = [1], strides = [1]} : vector<16xi32> to vector<1xi32>
      %squeeze3A_112 = vector.extract %slice3A_111[0] : i32 from vector<1xi32>
      %dma_start3A_113 = arith.constant 0 : i32
      %dma_start3A_114 = tpu.memref_slice %arg11[%add3A_98, %dma_start3A_113] : memref<256x64xf32, #tpu.memory_space<vmem>> -> memref<1x64xf32, #tpu.memory_space<vmem>>
      %dma_start3A_115 = tpu.memref_squeeze %dma_start3A_114 : memref<1x64xf32, #tpu.memory_space<vmem>> -> memref<64xf32, #tpu.memory_space<vmem>>
      %dma_start3A_116 = arith.constant 0 : i32
      %dma_start3A_117 = tpu.memref_slice %arg5[%squeeze3A_112, %dma_start3A_116] : memref<100000x64xf32, #tpu.memory_space<hbm>> -> memref<1x64xf32, #tpu.memory_space<hbm>>
      %dma_start3A_118 = tpu.memref_squeeze %dma_start3A_117 : memref<1x64xf32, #tpu.memory_space<hbm>> -> memref<64xf32, #tpu.memory_space<hbm>>
      %dma_start3A_119 = arith.constant 0 : i32
      %dma_start3A_120 = tpu.memref_slice %arg11[%add3A_98, %dma_start3A_119] : memref<256x64xf32, #tpu.memory_space<vmem>> -> memref<1x64xf32, #tpu.memory_space<vmem>>
      %dma_start3A_121 = tpu.memref_squeeze %dma_start3A_120 : memref<1x64xf32, #tpu.memory_space<vmem>> -> memref<64xf32, #tpu.memory_space<vmem>>
      %dma_start3A_122 = arith.constant 0 : i32
      %dma_start3A_123 = tpu.memref_slice %arg5[%squeeze3A_112, %dma_start3A_122] : memref<100000x64xf32, #tpu.memory_space<hbm>> -> memref<1x64xf32, #tpu.memory_space<hbm>>
      %dma_start3A_124 = tpu.memref_squeeze %dma_start3A_123 : memref<1x64xf32, #tpu.memory_space<hbm>> -> memref<64xf32, #tpu.memory_space<hbm>>
      tpu.enqueue_dma source(%dma_start3A_124 : memref<64xf32, #tpu.memory_space<hbm>>) target(%dma_start3A_121 : memref<64xf32, #tpu.memory_space<vmem>>) target_semaphore(%arg15 : memref<!tpu.dma_semaphore, #tpu.memory_space<semaphore_mem>>)
      %mul3A_125 = arith.constant 16 : i32
      %mul3A_126 = arith.muli %add3A_83, %mul3A_125 : i32
      %add3A_127 = arith.constant 1 : i32
      %add3A_128 = arith.addi %mul3A_126, %add3A_127 : i32
      %slice3A_129 = vector.extract_strided_slice %get3A_88 {offsets = [1], sizes = [1], strides = [1]} : vector<16xi32> to vector<1xi32>
      %squeeze3A_130 = vector.extract %slice3A_129[0] : i32 from vector<1xi32>
      %dma_start3A_131 = arith.constant 0 : i32
      %dma_start3A_132 = tpu.memref_slice %arg10[%add3A_128, %dma_start3A_131] : memref<256x64xf32, #tpu.memory_space<vmem>> -> memref<1x64xf32, #tpu.memory_space<vmem>>
      %dma_start3A_133 = tpu.memref_squeeze %dma_start3A_132 : memref<1x64xf32, #tpu.memory_space<vmem>> -> memref<64xf32, #tpu.memory_space<vmem>>
      %dma_start3A_134 = arith.constant 0 : i32
      %dma_start3A_135 = tpu.memref_slice %arg4[%squeeze3A_130, %dma_start3A_134] : memref<1000000x64xf32, #tpu.memory_space<hbm>> -> memref<1x64xf32, #tpu.memory_space<hbm>>
      %dma_start3A_136 = tpu.memref_squeeze %dma_start3A_135 : memref<1x64xf32, #tpu.memory_space<hbm>> -> memref<64xf32, #tpu.memory_space<hbm>>
      %dma_start3A_137 = arith.constant 0 : i32
      %dma_start3A_138 = tpu.memref_slice %arg10[%add3A_128, %dma_start3A_137] : memref<256x64xf32, #tpu.memory_space<vmem>> -> memref<1x64xf32, #tpu.memory_space<vmem>>
      %dma_start3A_139 = tpu.memref_squeeze %dma_start3A_138 : memref<1x64xf32, #tpu.memory_space<vmem>> -> memref<64xf32, #tpu.memory_space<vmem>>
      %dma_start3A_140 = arith.constant 0 : i32
      %dma_start3A_141 = tpu.memref_slice %arg4[%squeeze3A_130, %dma_start3A_140] : memref<1000000x64xf32, #tpu.memory_space<hbm>> -> memref<1x64xf32, #tpu.memory_space<hbm>>
      %dma_start3A_142 = tpu.memref_squeeze %dma_start3A_141 : memref<1x64xf32, #tpu.memory_space<hbm>> -> memref<64xf32, #tpu.memory_space<hbm>>
      tpu.enqueue_dma source(%dma_start3A_142 : memref<64xf32, #tpu.memory_space<hbm>>) target(%dma_start3A_139 : memref<64xf32, #tpu.memory_space<vmem>>) target_semaphore(%arg15 : memref<!tpu.dma_semaphore, #tpu.memory_space<semaphore_mem>>)
      %slice3A_143 = vector.extract_strided_slice %get3A_94 {offsets = [1], sizes = [1], strides = [1]} : vector<16xi32> to vector<1xi32>
      %squeeze3A_144 = vector.extract %slice3A_143[0] : i32 from vector<1xi32>
      %dma_start3A_145 = arith.constant 0 : i32
      %dma_start3A_146 = tpu.memref_slice %arg11[%add3A_128, %dma_start3A_145] : memref<256x64xf32, #tpu.memory_space<vmem>> -> memref<1x64xf32, #tpu.memory_space<vmem>>
      %dma_start3A_147 = tpu.memref_squeeze %dma_start3A_146 : memref<1x64xf32, #tpu.memory_space<vmem>> -> memref<64xf32, #tpu.memory_space<vmem>>
      %dma_start3A_148 = arith.constant 0 : i32
      %dma_start3A_149 = tpu.memref_slice %arg5[%squeeze3A_144, %dma_start3A_148] : memref<100000x64xf32, #tpu.memory_space<hbm>> -> memref<1x64xf32, #tpu.memory_space<hbm>>
      %dma_start3A_150 = tpu.memref_squeeze %dma_start3A_149 : memref<1x64xf32, #tpu.memory_space<hbm>> -> memref<64xf32, #tpu.memory_space<hbm>>
      %dma_start3A_151 = arith.constant 0 : i32
      %dma_start3A_152 = tpu.memref_slice %arg11[%add3A_128, %dma_start3A_151] : memref<256x64xf32, #tpu.memory_space<vmem>> -> memref<1x64xf32, #tpu.memory_space<vmem>>
      %dma_start3A_153 = tpu.memref_squeeze %dma_start3A_152 : memref<1x64xf32, #tpu.memory_space<vmem>> -> memref<64xf32, #tpu.memory_space<vmem>>
      %dma_start3A_154 = arith.constant 0 : i32
      %dma_start3A_155 = tpu.memref_slice %arg5[%squeeze3A_144, %dma_start3A_154] : memref<100000x64xf32, #tpu.memory_space<hbm>> -> memref<1x64xf32, #tpu.memory_space<hbm>>
      %dma_start3A_156 = tpu.memref_squeeze %dma_start3A_155 : memref<1x64xf32, #tpu.memory_space<hbm>> -> memref<64xf32, #tpu.memory_space<hbm>>
      tpu.enqueue_dma source(%dma_start3A_156 : memref<64xf32, #tpu.memory_space<hbm>>) target(%dma_start3A_153 : memref<64xf32, #tpu.memory_space<vmem>>) target_semaphore(%arg15 : memref<!tpu.dma_semaphore, #tpu.memory_space<semaphore_mem>>)
      %mul3A_157 = arith.constant 16 : i32
      %mul3A_158 = arith.muli %add3A_83, %mul3A_157 : i32
      %add3A_159 = arith.constant 2 : i32
      %add3A_160 = arith.addi %mul3A_158, %add3A_159 : i32
      %slice3A_161 = vector.extract_strided_slice %get3A_88 {offsets = [2], sizes = [1], strides = [1]} : vector<16xi32> to vector<1xi32>
      %squeeze3A_162 = vector.extract %slice3A_161[0] : i32 from vector<1xi32>
      %dma_start3A_163 = arith.constant 0 : i32
      %dma_start3A_164 = tpu.memref_slice %arg10[%add3A_160, %dma_start3A_163] : memref<256x64xf32, #tpu.memory_space<vmem>> -> memref<1x64xf32, #tpu.memory_space<vmem>>
      %dma_start3A_165 = tpu.memref_squeeze %dma_start3A_164 : memref<1x64xf32, #tpu.memory_space<vmem>> -> memref<64xf32, #tpu.memory_space<vmem>>
      %dma_start3A_166 = arith.constant 0 : i32
      %dma_start3A_167 = tpu.memref_slice %arg4[%squeeze3A_162, %dma_start3A_166] : memref<1000000x64xf32, #tpu.memory_space<hbm>> -> memref<1x64xf32, #tpu.memory_space<hbm>>
      %dma_start3A_168 = tpu.memref_squeeze %dma_start3A_167 : memref<1x64xf32, #tpu.memory_space<hbm>> -> memref<64xf32, #tpu.memory_space<hbm>>
      %dma_start3A_169 = arith.constant 0 : i32
      %dma_start3A_170 = tpu.memref_slice %arg10[%add3A_160, %dma_start3A_169] : memref<256x64xf32, #tpu.memory_space<vmem>> -> memref<1x64xf32, #tpu.memory_space<vmem>>
      %dma_start3A_171 = tpu.memref_squeeze %dma_start3A_170 : memref<1x64xf32, #tpu.memory_space<vmem>> -> memref<64xf32, #tpu.memory_space<vmem>>
      %dma_start3A_172 = arith.constant 0 : i32
      %dma_start3A_173 = tpu.memref_slice %arg4[%squeeze3A_162, %dma_start3A_172] : memref<1000000x64xf32, #tpu.memory_space<hbm>> -> memref<1x64xf32, #tpu.memory_space<hbm>>
      %dma_start3A_174 = tpu.memref_squeeze %dma_start3A_173 : memref<1x64xf32, #tpu.memory_space<hbm>> -> memref<64xf32, #tpu.memory_space<hbm>>
      tpu.enqueue_dma source(%dma_start3A_174 : memref<64xf32, #tpu.memory_space<hbm>>) target(%dma_start3A_171 : memref<64xf32, #tpu.memory_space<vmem>>) target_semaphore(%arg15 : memref<!tpu.dma_semaphore, #tpu.memory_space<semaphore_mem>>)
      %slice3A_175 = vector.extract_strided_slice %get3A_94 {offsets = [2], sizes = [1], strides = [1]} : vector<16xi32> to vector<1xi32>
      %squeeze3A_176 = vector.extract %slice3A_175[0] : i32 from vector<1xi32>
      %dma_start3A_177 = arith.constant 0 : i32
      %dma_start3A_178 = tpu.memref_slice %arg11[%add3A_160, %dma_start3A_177] : memref<256x64xf32, #tpu.memory_space<vmem>> -> memref<1x64xf32, #tpu.memory_space<vmem>>
      %dma_start3A_179 = tpu.memref_squeeze %dma_start3A_178 : memref<1x64xf32, #tpu.memory_space<vmem>> -> memref<64xf32, #tpu.memory_space<vmem>>
      %dma_start3A_180 = arith.constant 0 : i32
      %dma_start3A_181 = tpu.memref_slice %arg5[%squeeze3A_176, %dma_start3A_180] : memref<100000x64xf32, #tpu.memory_space<hbm>> -> memref<1x64xf32, #tpu.memory_space<hbm>>
      %dma_start3A_182 = tpu.memref_squeeze %dma_start3A_181 : memref<1x64xf32, #tpu.memory_space<hbm>> -> memref<64xf32, #tpu.memory_space<hbm>>
      %dma_start3A_183 = arith.constant 0 : i32
      %dma_start3A_184 = tpu.memref_slice %arg11[%add3A_160, %dma_start3A_183] : memref<256x64xf32, #tpu.memory_space<vmem>> -> memref<1x64xf32, #tpu.memory_space<vmem>>
      %dma_start3A_185 = tpu.memref_squeeze %dma_start3A_184 : memref<1x64xf32, #tpu.memory_space<vmem>> -> memref<64xf32, #tpu.memory_space<vmem>>
      %dma_start3A_186 = arith.constant 0 : i32
      %dma_start3A_187 = tpu.memref_slice %arg5[%squeeze3A_176, %dma_start3A_186] : memref<100000x64xf32, #tpu.memory_space<hbm>> -> memref<1x64xf32, #tpu.memory_space<hbm>>
      %dma_start3A_188 = tpu.memref_squeeze %dma_start3A_187 : memref<1x64xf32, #tpu.memory_space<hbm>> -> memref<64xf32, #tpu.memory_space<hbm>>
      tpu.enqueue_dma source(%dma_start3A_188 : memref<64xf32, #tpu.memory_space<hbm>>) target(%dma_start3A_185 : memref<64xf32, #tpu.memory_space<vmem>>) target_semaphore(%arg15 : memref<!tpu.dma_semaphore, #tpu.memory_space<semaphore_mem>>)
      %mul3A_189 = arith.constant 16 : i32
      %mul3A_190 = arith.muli %add3A_83, %mul3A_189 : i32
      %add3A_191 = arith.constant 3 : i32
      %add3A_192 = arith.addi %mul3A_190, %add3A_191 : i32
      %slice3A_193 = vector.extract_strided_slice %get3A_88 {offsets = [3], sizes = [1], strides = [1]} : vector<16xi32> to vector<1xi32>
      %squeeze3A_194 = vector.extract %slice3A_193[0] : i32 from vector<1xi32>
      %dma_start3A_195 = arith.constant 0 : i32
      %dma_start3A_196 = tpu.memref_slice %arg10[%add3A_192, %dma_start3A_195] : memref<256x64xf32, #tpu.memory_space<vmem>> -> memref<1x64xf32, #tpu.memory_space<vmem>>
      %dma_start3A_197 = tpu.memref_squeeze %dma_start3A_196 : memref<1x64xf32, #tpu.memory_space<vmem>> -> memref<64xf32, #tpu.memory_space<vmem>>
      %dma_start3A_198 = arith.constant 0 : i32
      %dma_start3A_199 = tpu.memref_slice %arg4[%squeeze3A_194, %dma_start3A_198] : memref<1000000x64xf32, #tpu.memory_space<hbm>> -> memref<1x64xf32, #tpu.memory_space<hbm>>
      %dma_start3A_200 = tpu.memref_squeeze %dma_start3A_199 : memref<1x64xf32, #tpu.memory_space<hbm>> -> memref<64xf32, #tpu.memory_space<hbm>>
      %dma_start3A_201 = arith.constant 0 : i32
      %dma_start3A_202 = tpu.memref_slice %arg10[%add3A_192, %dma_start3A_201] : memref<256x64xf32, #tpu.memory_space<vmem>> -> memref<1x64xf32, #tpu.memory_space<vmem>>
      %dma_start3A_203 = tpu.memref_squeeze %dma_start3A_202 : memref<1x64xf32, #tpu.memory_space<vmem>> -> memref<64xf32, #tpu.memory_space<vmem>>
      %dma_start3A_204 = arith.constant 0 : i32
      %dma_start3A_205 = tpu.memref_slice %arg4[%squeeze3A_194, %dma_start3A_204] : memref<1000000x64xf32, #tpu.memory_space<hbm>> -> memref<1x64xf32, #tpu.memory_space<hbm>>
      %dma_start3A_206 = tpu.memref_squeeze %dma_start3A_205 : memref<1x64xf32, #tpu.memory_space<hbm>> -> memref<64xf32, #tpu.memory_space<hbm>>
      tpu.enqueue_dma source(%dma_start3A_206 : memref<64xf32, #tpu.memory_space<hbm>>) target(%dma_start3A_203 : memref<64xf32, #tpu.memory_space<vmem>>) target_semaphore(%arg15 : memref<!tpu.dma_semaphore, #tpu.memory_space<semaphore_mem>>)
      %slice3A_207 = vector.extract_strided_slice %get3A_94 {offsets = [3], sizes = [1], strides = [1]} : vector<16xi32> to vector<1xi32>
      %squeeze3A_208 = vector.extract %slice3A_207[0] : i32 from vector<1xi32>
      %dma_start3A_209 = arith.constant 0 : i32
      %dma_start3A_210 = tpu.memref_slice %arg11[%add3A_192, %dma_start3A_209] : memref<256x64xf32, #tpu.memory_space<vmem>> -> memref<1x64xf32, #tpu.memory_space<vmem>>
      %dma_start3A_211 = tpu.memref_squeeze %dma_start3A_210 : memref<1x64xf32, #tpu.memory_space<vmem>> -> memref<64xf32, #tpu.memory_space<vmem>>
      %dma_start3A_212 = arith.constant 0 : i32
      %dma_start3A_213 = tpu.memref_slice %arg5[%squeeze3A_208, %dma_start3A_212] : memref<100000x64xf32, #tpu.memory_space<hbm>> -> memref<1x64xf32, #tpu.memory_space<hbm>>
      %dma_start3A_214 = tpu.memref_squeeze %dma_start3A_213 : memref<1x64xf32, #tpu.memory_space<hbm>> -> memref<64xf32, #tpu.memory_space<hbm>>
      %dma_start3A_215 = arith.constant 0 : i32
      %dma_start3A_216 = tpu.memref_slice %arg11[%add3A_192, %dma_start3A_215] : memref<256x64xf32, #tpu.memory_space<vmem>> -> memref<1x64xf32, #tpu.memory_space<vmem>>
      %dma_start3A_217 = tpu.memref_squeeze %dma_start3A_216 : memref<1x64xf32, #tpu.memory_space<vmem>> -> memref<64xf32, #tpu.memory_space<vmem>>
      %dma_start3A_218 = arith.constant 0 : i32
      %dma_start3A_219 = tpu.memref_slice %arg5[%squeeze3A_208, %dma_start3A_218] : memref<100000x64xf32, #tpu.memory_space<hbm>> -> memref<1x64xf32, #tpu.memory_space<hbm>>
      %dma_start3A_220 = tpu.memref_squeeze %dma_start3A_219 : memref<1x64xf32, #tpu.memory_space<hbm>> -> memref<64xf32, #tpu.memory_space<hbm>>
      tpu.enqueue_dma source(%dma_start3A_220 : memref<64xf32, #tpu.memory_space<hbm>>) target(%dma_start3A_217 : memref<64xf32, #tpu.memory_space<vmem>>) target_semaphore(%arg15 : memref<!tpu.dma_semaphore, #tpu.memory_space<semaphore_mem>>)
      %mul3A_221 = arith.constant 16 : i32
      %mul3A_222 = arith.muli %add3A_83, %mul3A_221 : i32
      %add3A_223 = arith.constant 4 : i32
      %add3A_224 = arith.addi %mul3A_222, %add3A_223 : i32
      %slice3A_225 = vector.extract_strided_slice %get3A_88 {offsets = [4], sizes = [1], strides = [1]} : vector<16xi32> to vector<1xi32>
      %squeeze3A_226 = vector.extract %slice3A_225[0] : i32 from vector<1xi32>
      %dma_start3A_227 = arith.constant 0 : i32
      %dma_start3A_228 = tpu.memref_slice %arg10[%add3A_224, %dma_start3A_227] : memref<256x64xf32, #tpu.memory_space<vmem>> -> memref<1x64xf32, #tpu.memory_space<vmem>>
      %dma_start3A_229 = tpu.memref_squeeze %dma_start3A_228 : memref<1x64xf32, #tpu.memory_space<vmem>> -> memref<64xf32, #tpu.memory_space<vmem>>
      %dma_start3A_230 = arith.constant 0 : i32
      %dma_start3A_231 = tpu.memref_slice %arg4[%squeeze3A_226, %dma_start3A_230] : memref<1000000x64xf32, #tpu.memory_space<hbm>> -> memref<1x64xf32, #tpu.memory_space<hbm>>
      %dma_start3A_232 = tpu.memref_squeeze %dma_start3A_231 : memref<1x64xf32, #tpu.memory_space<hbm>> -> memref<64xf32, #tpu.memory_space<hbm>>
      %dma_start3A_233 = arith.constant 0 : i32
      %dma_start3A_234 = tpu.memref_slice %arg10[%add3A_224, %dma_start3A_233] : memref<256x64xf32, #tpu.memory_space<vmem>> -> memref<1x64xf32, #tpu.memory_space<vmem>>
      %dma_start3A_235 = tpu.memref_squeeze %dma_start3A_234 : memref<1x64xf32, #tpu.memory_space<vmem>> -> memref<64xf32, #tpu.memory_space<vmem>>
      %dma_start3A_236 = arith.constant 0 : i32
      %dma_start3A_237 = tpu.memref_slice %arg4[%squeeze3A_226, %dma_start3A_236] : memref<1000000x64xf32, #tpu.memory_space<hbm>> -> memref<1x64xf32, #tpu.memory_space<hbm>>
      %dma_start3A_238 = tpu.memref_squeeze %dma_start3A_237 : memref<1x64xf32, #tpu.memory_space<hbm>> -> memref<64xf32, #tpu.memory_space<hbm>>
      tpu.enqueue_dma source(%dma_start3A_238 : memref<64xf32, #tpu.memory_space<hbm>>) target(%dma_start3A_235 : memref<64xf32, #tpu.memory_space<vmem>>) target_semaphore(%arg15 : memref<!tpu.dma_semaphore, #tpu.memory_space<semaphore_mem>>)
      %slice3A_239 = vector.extract_strided_slice %get3A_94 {offsets = [4], sizes = [1], strides = [1]} : vector<16xi32> to vector<1xi32>
      %squeeze3A_240 = vector.extract %slice3A_239[0] : i32 from vector<1xi32>
      %dma_start3A_241 = arith.constant 0 : i32
      %dma_start3A_242 = tpu.memref_slice %arg11[%add3A_224, %dma_start3A_241] : memref<256x64xf32, #tpu.memory_space<vmem>> -> memref<1x64xf32, #tpu.memory_space<vmem>>
      %dma_start3A_243 = tpu.memref_squeeze %dma_start3A_242 : memref<1x64xf32, #tpu.memory_space<vmem>> -> memref<64xf32, #tpu.memory_space<vmem>>
      %dma_start3A_244 = arith.constant 0 : i32
      %dma_start3A_245 = tpu.memref_slice %arg5[%squeeze3A_240, %dma_start3A_244] : memref<100000x64xf32, #tpu.memory_space<hbm>> -> memref<1x64xf32, #tpu.memory_space<hbm>>
      %dma_start3A_246 = tpu.memref_squeeze %dma_start3A_245 : memref<1x64xf32, #tpu.memory_space<hbm>> -> memref<64xf32, #tpu.memory_space<hbm>>
      %dma_start3A_247 = arith.constant 0 : i32
      %dma_start3A_248 = tpu.memref_slice %arg11[%add3A_224, %dma_start3A_247] : memref<256x64xf32, #tpu.memory_space<vmem>> -> memref<1x64xf32, #tpu.memory_space<vmem>>
      %dma_start3A_249 = tpu.memref_squeeze %dma_start3A_248 : memref<1x64xf32, #tpu.memory_space<vmem>> -> memref<64xf32, #tpu.memory_space<vmem>>
      %dma_start3A_250 = arith.constant 0 : i32
      %dma_start3A_251 = tpu.memref_slice %arg5[%squeeze3A_240, %dma_start3A_250] : memref<100000x64xf32, #tpu.memory_space<hbm>> -> memref<1x64xf32, #tpu.memory_space<hbm>>
      %dma_start3A_252 = tpu.memref_squeeze %dma_start3A_251 : memref<1x64xf32, #tpu.memory_space<hbm>> -> memref<64xf32, #tpu.memory_space<hbm>>
      tpu.enqueue_dma source(%dma_start3A_252 : memref<64xf32, #tpu.memory_space<hbm>>) target(%dma_start3A_249 : memref<64xf32, #tpu.memory_space<vmem>>) target_semaphore(%arg15 : memref<!tpu.dma_semaphore, #tpu.memory_space<semaphore_mem>>)
      %mul3A_253 = arith.constant 16 : i32
      %mul3A_254 = arith.muli %add3A_83, %mul3A_253 : i32
      %add3A_255 = arith.constant 5 : i32
      %add3A_256 = arith.addi %mul3A_254, %add3A_255 : i32
      %slice3A_257 = vector.extract_strided_slice %get3A_88 {offsets = [5], sizes = [1], strides = [1]} : vector<16xi32> to vector<1xi32>
      %squeeze3A_258 = vector.extract %slice3A_257[0] : i32 from vector<1xi32>
      %dma_start3A_259 = arith.constant 0 : i32
      %dma_start3A_260 = tpu.memref_slice %arg10[%add3A_256, %dma_start3A_259] : memref<256x64xf32, #tpu.memory_space<vmem>> -> memref<1x64xf32, #tpu.memory_space<vmem>>
      %dma_start3A_261 = tpu.memref_squeeze %dma_start3A_260 : memref<1x64xf32, #tpu.memory_space<vmem>> -> memref<64xf32, #tpu.memory_space<vmem>>
      %dma_start3A_262 = arith.constant 0 : i32
      %dma_start3A_263 = tpu.memref_slice %arg4[%squeeze3A_258, %dma_start3A_262] : memref<1000000x64xf32, #tpu.memory_space<hbm>> -> memref<1x64xf32, #tpu.memory_space<hbm>>
      %dma_start3A_264 = tpu.memref_squeeze %dma_start3A_263 : memref<1x64xf32, #tpu.memory_space<hbm>> -> memref<64xf32, #tpu.memory_space<hbm>>
      %dma_start3A_265 = arith.constant 0 : i32
      %dma_start3A_266 = tpu.memref_slice %arg10[%add3A_256, %dma_start3A_265] : memref<256x64xf32, #tpu.memory_space<vmem>> -> memref<1x64xf32, #tpu.memory_space<vmem>>
      %dma_start3A_267 = tpu.memref_squeeze %dma_start3A_266 : memref<1x64xf32, #tpu.memory_space<vmem>> -> memref<64xf32, #tpu.memory_space<vmem>>
      %dma_start3A_268 = arith.constant 0 : i32
      %dma_start3A_269 = tpu.memref_slice %arg4[%squeeze3A_258, %dma_start3A_268] : memref<1000000x64xf32, #tpu.memory_space<hbm>> -> memref<1x64xf32, #tpu.memory_space<hbm>>
      %dma_start3A_270 = tpu.memref_squeeze %dma_start3A_269 : memref<1x64xf32, #tpu.memory_space<hbm>> -> memref<64xf32, #tpu.memory_space<hbm>>
      tpu.enqueue_dma source(%dma_start3A_270 : memref<64xf32, #tpu.memory_space<hbm>>) target(%dma_start3A_267 : memref<64xf32, #tpu.memory_space<vmem>>) target_semaphore(%arg15 : memref<!tpu.dma_semaphore, #tpu.memory_space<semaphore_mem>>)
      %slice3A_271 = vector.extract_strided_slice %get3A_94 {offsets = [5], sizes = [1], strides = [1]} : vector<16xi32> to vector<1xi32>
      %squeeze3A_272 = vector.extract %slice3A_271[0] : i32 from vector<1xi32>
      %dma_start3A_273 = arith.constant 0 : i32
      %dma_start3A_274 = tpu.memref_slice %arg11[%add3A_256, %dma_start3A_273] : memref<256x64xf32, #tpu.memory_space<vmem>> -> memref<1x64xf32, #tpu.memory_space<vmem>>
      %dma_start3A_275 = tpu.memref_squeeze %dma_start3A_274 : memref<1x64xf32, #tpu.memory_space<vmem>> -> memref<64xf32, #tpu.memory_space<vmem>>
      %dma_start3A_276 = arith.constant 0 : i32
      %dma_start3A_277 = tpu.memref_slice %arg5[%squeeze3A_272, %dma_start3A_276] : memref<100000x64xf32, #tpu.memory_space<hbm>> -> memref<1x64xf32, #tpu.memory_space<hbm>>
      %dma_start3A_278 = tpu.memref_squeeze %dma_start3A_277 : memref<1x64xf32, #tpu.memory_space<hbm>> -> memref<64xf32, #tpu.memory_space<hbm>>
      %dma_start3A_279 = arith.constant 0 : i32
      %dma_start3A_280 = tpu.memref_slice %arg11[%add3A_256, %dma_start3A_279] : memref<256x64xf32, #tpu.memory_space<vmem>> -> memref<1x64xf32, #tpu.memory_space<vmem>>
      %dma_start3A_281 = tpu.memref_squeeze %dma_start3A_280 : memref<1x64xf32, #tpu.memory_space<vmem>> -> memref<64xf32, #tpu.memory_space<vmem>>
      %dma_start3A_282 = arith.constant 0 : i32
      %dma_start3A_283 = tpu.memref_slice %arg5[%squeeze3A_272, %dma_start3A_282] : memref<100000x64xf32, #tpu.memory_space<hbm>> -> memref<1x64xf32, #tpu.memory_space<hbm>>
      %dma_start3A_284 = tpu.memref_squeeze %dma_start3A_283 : memref<1x64xf32, #tpu.memory_space<hbm>> -> memref<64xf32, #tpu.memory_space<hbm>>
      tpu.enqueue_dma source(%dma_start3A_284 : memref<64xf32, #tpu.memory_space<hbm>>) target(%dma_start3A_281 : memref<64xf32, #tpu.memory_space<vmem>>) target_semaphore(%arg15 : memref<!tpu.dma_semaphore, #tpu.memory_space<semaphore_mem>>)
      %mul3A_285 = arith.constant 16 : i32
      %mul3A_286 = arith.muli %add3A_83, %mul3A_285 : i32
      %add3A_287 = arith.constant 6 : i32
      %add3A_288 = arith.addi %mul3A_286, %add3A_287 : i32
      %slice3A_289 = vector.extract_strided_slice %get3A_88 {offsets = [6], sizes = [1], strides = [1]} : vector<16xi32> to vector<1xi32>
      %squeeze3A_290 = vector.extract %slice3A_289[0] : i32 from vector<1xi32>
      %dma_start3A_291 = arith.constant 0 : i32
      %dma_start3A_292 = tpu.memref_slice %arg10[%add3A_288, %dma_start3A_291] : memref<256x64xf32, #tpu.memory_space<vmem>> -> memref<1x64xf32, #tpu.memory_space<vmem>>
      %dma_start3A_293 = tpu.memref_squeeze %dma_start3A_292 : memref<1x64xf32, #tpu.memory_space<vmem>> -> memref<64xf32, #tpu.memory_space<vmem>>
      %dma_start3A_294 = arith.constant 0 : i32
      %dma_start3A_295 = tpu.memref_slice %arg4[%squeeze3A_290, %dma_start3A_294] : memref<1000000x64xf32, #tpu.memory_space<hbm>> -> memref<1x64xf32, #tpu.memory_space<hbm>>
      %dma_start3A_296 = tpu.memref_squeeze %dma_start3A_295 : memref<1x64xf32, #tpu.memory_space<hbm>> -> memref<64xf32, #tpu.memory_space<hbm>>
      %dma_start3A_297 = arith.constant 0 : i32
      %dma_start3A_298 = tpu.memref_slice %arg10[%add3A_288, %dma_start3A_297] : memref<256x64xf32, #tpu.memory_space<vmem>> -> memref<1x64xf32, #tpu.memory_space<vmem>>
      %dma_start3A_299 = tpu.memref_squeeze %dma_start3A_298 : memref<1x64xf32, #tpu.memory_space<vmem>> -> memref<64xf32, #tpu.memory_space<vmem>>
      %dma_start3A_300 = arith.constant 0 : i32
      %dma_start3A_301 = tpu.memref_slice %arg4[%squeeze3A_290, %dma_start3A_300] : memref<1000000x64xf32, #tpu.memory_space<hbm>> -> memref<1x64xf32, #tpu.memory_space<hbm>>
      %dma_start3A_302 = tpu.memref_squeeze %dma_start3A_301 : memref<1x64xf32, #tpu.memory_space<hbm>> -> memref<64xf32, #tpu.memory_space<hbm>>
      tpu.enqueue_dma source(%dma_start3A_302 : memref<64xf32, #tpu.memory_space<hbm>>) target(%dma_start3A_299 : memref<64xf32, #tpu.memory_space<vmem>>) target_semaphore(%arg15 : memref<!tpu.dma_semaphore, #tpu.memory_space<semaphore_mem>>)
      %slice3A_303 = vector.extract_strided_slice %get3A_94 {offsets = [6], sizes = [1], strides = [1]} : vector<16xi32> to vector<1xi32>
      %squeeze3A_304 = vector.extract %slice3A_303[0] : i32 from vector<1xi32>
      %dma_start3A_305 = arith.constant 0 : i32
      %dma_start3A_306 = tpu.memref_slice %arg11[%add3A_288, %dma_start3A_305] : memref<256x64xf32, #tpu.memory_space<vmem>> -> memref<1x64xf32, #tpu.memory_space<vmem>>
      %dma_start3A_307 = tpu.memref_squeeze %dma_start3A_306 : memref<1x64xf32, #tpu.memory_space<vmem>> -> memref<64xf32, #tpu.memory_space<vmem>>
      %dma_start3A_308 = arith.constant 0 : i32
      %dma_start3A_309 = tpu.memref_slice %arg5[%squeeze3A_304, %dma_start3A_308] : memref<100000x64xf32, #tpu.memory_space<hbm>> -> memref<1x64xf32, #tpu.memory_space<hbm>>
      %dma_start3A_310 = tpu.memref_squeeze %dma_start3A_309 : memref<1x64xf32, #tpu.memory_space<hbm>> -> memref<64xf32, #tpu.memory_space<hbm>>
      %dma_start3A_311 = arith.constant 0 : i32
      %dma_start3A_312 = tpu.memref_slice %arg11[%add3A_288, %dma_start3A_311] : memref<256x64xf32, #tpu.memory_space<vmem>> -> memref<1x64xf32, #tpu.memory_space<vmem>>
      %dma_start3A_313 = tpu.memref_squeeze %dma_start3A_312 : memref<1x64xf32, #tpu.memory_space<vmem>> -> memref<64xf32, #tpu.memory_space<vmem>>
      %dma_start3A_314 = arith.constant 0 : i32
      %dma_start3A_315 = tpu.memref_slice %arg5[%squeeze3A_304, %dma_start3A_314] : memref<100000x64xf32, #tpu.memory_space<hbm>> -> memref<1x64xf32, #tpu.memory_space<hbm>>
      %dma_start3A_316 = tpu.memref_squeeze %dma_start3A_315 : memref<1x64xf32, #tpu.memory_space<hbm>> -> memref<64xf32, #tpu.memory_space<hbm>>
      tpu.enqueue_dma source(%dma_start3A_316 : memref<64xf32, #tpu.memory_space<hbm>>) target(%dma_start3A_313 : memref<64xf32, #tpu.memory_space<vmem>>) target_semaphore(%arg15 : memref<!tpu.dma_semaphore, #tpu.memory_space<semaphore_mem>>)
      %mul3A_317 = arith.constant 16 : i32
      %mul3A_318 = arith.muli %add3A_83, %mul3A_317 : i32
      %add3A_319 = arith.constant 7 : i32
      %add3A_320 = arith.addi %mul3A_318, %add3A_319 : i32
      %slice3A_321 = vector.extract_strided_slice %get3A_88 {offsets = [7], sizes = [1], strides = [1]} : vector<16xi32> to vector<1xi32>
      %squeeze3A_322 = vector.extract %slice3A_321[0] : i32 from vector<1xi32>
      %dma_start3A_323 = arith.constant 0 : i32
      %dma_start3A_324 = tpu.memref_slice %arg10[%add3A_320, %dma_start3A_323] : memref<256x64xf32, #tpu.memory_space<vmem>> -> memref<1x64xf32, #tpu.memory_space<vmem>>
      %dma_start3A_325 = tpu.memref_squeeze %dma_start3A_324 : memref<1x64xf32, #tpu.memory_space<vmem>> -> memref<64xf32, #tpu.memory_space<vmem>>
      %dma_start3A_326 = arith.constant 0 : i32
      %dma_start3A_327 = tpu.memref_slice %arg4[%squeeze3A_322, %dma_start3A_326] : memref<1000000x64xf32, #tpu.memory_space<hbm>> -> memref<1x64xf32, #tpu.memory_space<hbm>>
      %dma_start3A_328 = tpu.memref_squeeze %dma_start3A_327 : memref<1x64xf32, #tpu.memory_space<hbm>> -> memref<64xf32, #tpu.memory_space<hbm>>
      %dma_start3A_329 = arith.constant 0 : i32
      %dma_start3A_330 = tpu.memref_slice %arg10[%add3A_320, %dma_start3A_329] : memref<256x64xf32, #tpu.memory_space<vmem>> -> memref<1x64xf32, #tpu.memory_space<vmem>>
      %dma_start3A_331 = tpu.memref_squeeze %dma_start3A_330 : memref<1x64xf32, #tpu.memory_space<vmem>> -> memref<64xf32, #tpu.memory_space<vmem>>
      %dma_start3A_332 = arith.constant 0 : i32
      %dma_start3A_333 = tpu.memref_slice %arg4[%squeeze3A_322, %dma_start3A_332] : memref<1000000x64xf32, #tpu.memory_space<hbm>> -> memref<1x64xf32, #tpu.memory_space<hbm>>
      %dma_start3A_334 = tpu.memref_squeeze %dma_start3A_333 : memref<1x64xf32, #tpu.memory_space<hbm>> -> memref<64xf32, #tpu.memory_space<hbm>>
      tpu.enqueue_dma source(%dma_start3A_334 : memref<64xf32, #tpu.memory_space<hbm>>) target(%dma_start3A_331 : memref<64xf32, #tpu.memory_space<vmem>>) target_semaphore(%arg15 : memref<!tpu.dma_semaphore, #tpu.memory_space<semaphore_mem>>)
      %slice3A_335 = vector.extract_strided_slice %get3A_94 {offsets = [7], sizes = [1], strides = [1]} : vector<16xi32> to vector<1xi32>
      %squeeze3A_336 = vector.extract %slice3A_335[0] : i32 from vector<1xi32>
      %dma_start3A_337 = arith.constant 0 : i32
      %dma_start3A_338 = tpu.memref_slice %arg11[%add3A_320, %dma_start3A_337] : memref<256x64xf32, #tpu.memory_space<vmem>> -> memref<1x64xf32, #tpu.memory_space<vmem>>
      %dma_start3A_339 = tpu.memref_squeeze %dma_start3A_338 : memref<1x64xf32, #tpu.memory_space<vmem>> -> memref<64xf32, #tpu.memory_space<vmem>>
      %dma_start3A_340 = arith.constant 0 : i32
      %dma_start3A_341 = tpu.memref_slice %arg5[%squeeze3A_336, %dma_start3A_340] : memref<100000x64xf32, #tpu.memory_space<hbm>> -> memref<1x64xf32, #tpu.memory_space<hbm>>
      %dma_start3A_342 = tpu.memref_squeeze %dma_start3A_341 : memref<1x64xf32, #tpu.memory_space<hbm>> -> memref<64xf32, #tpu.memory_space<hbm>>
      %dma_start3A_343 = arith.constant 0 : i32
      %dma_start3A_344 = tpu.memref_slice %arg11[%add3A_320, %dma_start3A_343] : memref<256x64xf32, #tpu.memory_space<vmem>> -> memref<1x64xf32, #tpu.memory_space<vmem>>
      %dma_start3A_345 = tpu.memref_squeeze %dma_start3A_344 : memref<1x64xf32, #tpu.memory_space<vmem>> -> memref<64xf32, #tpu.memory_space<vmem>>
      %dma_start3A_346 = arith.constant 0 : i32
      %dma_start3A_347 = tpu.memref_slice %arg5[%squeeze3A_336, %dma_start3A_346] : memref<100000x64xf32, #tpu.memory_space<hbm>> -> memref<1x64xf32, #tpu.memory_space<hbm>>
      %dma_start3A_348 = tpu.memref_squeeze %dma_start3A_347 : memref<1x64xf32, #tpu.memory_space<hbm>> -> memref<64xf32, #tpu.memory_space<hbm>>
      tpu.enqueue_dma source(%dma_start3A_348 : memref<64xf32, #tpu.memory_space<hbm>>) target(%dma_start3A_345 : memref<64xf32, #tpu.memory_space<vmem>>) target_semaphore(%arg15 : memref<!tpu.dma_semaphore, #tpu.memory_space<semaphore_mem>>)
      %mul3A_349 = arith.constant 16 : i32
      %mul3A_350 = arith.muli %add3A_83, %mul3A_349 : i32
      %add3A_351 = arith.constant 8 : i32
      %add3A_352 = arith.addi %mul3A_350, %add3A_351 : i32
      %slice3A_353 = vector.extract_strided_slice %get3A_88 {offsets = [8], sizes = [1], strides = [1]} : vector<16xi32> to vector<1xi32>
      %squeeze3A_354 = vector.extract %slice3A_353[0] : i32 from vector<1xi32>
      %dma_start3A_355 = arith.constant 0 : i32
      %dma_start3A_356 = tpu.memref_slice %arg10[%add3A_352, %dma_start3A_355] : memref<256x64xf32, #tpu.memory_space<vmem>> -> memref<1x64xf32, #tpu.memory_space<vmem>>
      %dma_start3A_357 = tpu.memref_squeeze %dma_start3A_356 : memref<1x64xf32, #tpu.memory_space<vmem>> -> memref<64xf32, #tpu.memory_space<vmem>>
      %dma_start3A_358 = arith.constant 0 : i32
      %dma_start3A_359 = tpu.memref_slice %arg4[%squeeze3A_354, %dma_start3A_358] : memref<1000000x64xf32, #tpu.memory_space<hbm>> -> memref<1x64xf32, #tpu.memory_space<hbm>>
      %dma_start3A_360 = tpu.memref_squeeze %dma_start3A_359 : memref<1x64xf32, #tpu.memory_space<hbm>> -> memref<64xf32, #tpu.memory_space<hbm>>
      %dma_start3A_361 = arith.constant 0 : i32
      %dma_start3A_362 = tpu.memref_slice %arg10[%add3A_352, %dma_start3A_361] : memref<256x64xf32, #tpu.memory_space<vmem>> -> memref<1x64xf32, #tpu.memory_space<vmem>>
      %dma_start3A_363 = tpu.memref_squeeze %dma_start3A_362 : memref<1x64xf32, #tpu.memory_space<vmem>> -> memref<64xf32, #tpu.memory_space<vmem>>
      %dma_start3A_364 = arith.constant 0 : i32
      %dma_start3A_365 = tpu.memref_slice %arg4[%squeeze3A_354, %dma_start3A_364] : memref<1000000x64xf32, #tpu.memory_space<hbm>> -> memref<1x64xf32, #tpu.memory_space<hbm>>
      %dma_start3A_366 = tpu.memref_squeeze %dma_start3A_365 : memref<1x64xf32, #tpu.memory_space<hbm>> -> memref<64xf32, #tpu.memory_space<hbm>>
      tpu.enqueue_dma source(%dma_start3A_366 : memref<64xf32, #tpu.memory_space<hbm>>) target(%dma_start3A_363 : memref<64xf32, #tpu.memory_space<vmem>>) target_semaphore(%arg15 : memref<!tpu.dma_semaphore, #tpu.memory_space<semaphore_mem>>)
      %slice3A_367 = vector.extract_strided_slice %get3A_94 {offsets = [8], sizes = [1], strides = [1]} : vector<16xi32> to vector<1xi32>
      %squeeze3A_368 = vector.extract %slice3A_367[0] : i32 from vector<1xi32>
      %dma_start3A_369 = arith.constant 0 : i32
      %dma_start3A_370 = tpu.memref_slice %arg11[%add3A_352, %dma_start3A_369] : memref<256x64xf32, #tpu.memory_space<vmem>> -> memref<1x64xf32, #tpu.memory_space<vmem>>
      %dma_start3A_371 = tpu.memref_squeeze %dma_start3A_370 : memref<1x64xf32, #tpu.memory_space<vmem>> -> memref<64xf32, #tpu.memory_space<vmem>>
      %dma_start3A_372 = arith.constant 0 : i32
      %dma_start3A_373 = tpu.memref_slice %arg5[%squeeze3A_368, %dma_start3A_372] : memref<100000x64xf32, #tpu.memory_space<hbm>> -> memref<1x64xf32, #tpu.memory_space<hbm>>
      %dma_start3A_374 = tpu.memref_squeeze %dma_start3A_373 : memref<1x64xf32, #tpu.memory_space<hbm>> -> memref<64xf32, #tpu.memory_space<hbm>>
      %dma_start3A_375 = arith.constant 0 : i32
      %dma_start3A_376 = tpu.memref_slice %arg11[%add3A_352, %dma_start3A_375] : memref<256x64xf32, #tpu.memory_space<vmem>> -> memref<1x64xf32, #tpu.memory_space<vmem>>
      %dma_start3A_377 = tpu.memref_squeeze %dma_start3A_376 : memref<1x64xf32, #tpu.memory_space<vmem>> -> memref<64xf32, #tpu.memory_space<vmem>>
      %dma_start3A_378 = arith.constant 0 : i32
      %dma_start3A_379 = tpu.memref_slice %arg5[%squeeze3A_368, %dma_start3A_378] : memref<100000x64xf32, #tpu.memory_space<hbm>> -> memref<1x64xf32, #tpu.memory_space<hbm>>
      %dma_start3A_380 = tpu.memref_squeeze %dma_start3A_379 : memref<1x64xf32, #tpu.memory_space<hbm>> -> memref<64xf32, #tpu.memory_space<hbm>>
      tpu.enqueue_dma source(%dma_start3A_380 : memref<64xf32, #tpu.memory_space<hbm>>) target(%dma_start3A_377 : memref<64xf32, #tpu.memory_space<vmem>>) target_semaphore(%arg15 : memref<!tpu.dma_semaphore, #tpu.memory_space<semaphore_mem>>)
      %mul3A_381 = arith.constant 16 : i32
      %mul3A_382 = arith.muli %add3A_83, %mul3A_381 : i32
      %add3A_383 = arith.constant 9 : i32
      %add3A_384 = arith.addi %mul3A_382, %add3A_383 : i32
      %slice3A_385 = vector.extract_strided_slice %get3A_88 {offsets = [9], sizes = [1], strides = [1]} : vector<16xi32> to vector<1xi32>
      %squeeze3A_386 = vector.extract %slice3A_385[0] : i32 from vector<1xi32>
      %dma_start3A_387 = arith.constant 0 : i32
      %dma_start3A_388 = tpu.memref_slice %arg10[%add3A_384, %dma_start3A_387] : memref<256x64xf32, #tpu.memory_space<vmem>> -> memref<1x64xf32, #tpu.memory_space<vmem>>
      %dma_start3A_389 = tpu.memref_squeeze %dma_start3A_388 : memref<1x64xf32, #tpu.memory_space<vmem>> -> memref<64xf32, #tpu.memory_space<vmem>>
      %dma_start3A_390 = arith.constant 0 : i32
      %dma_start3A_391 = tpu.memref_slice %arg4[%squeeze3A_386, %dma_start3A_390] : memref<1000000x64xf32, #tpu.memory_space<hbm>> -> memref<1x64xf32, #tpu.memory_space<hbm>>
      %dma_start3A_392 = tpu.memref_squeeze %dma_start3A_391 : memref<1x64xf32, #tpu.memory_space<hbm>> -> memref<64xf32, #tpu.memory_space<hbm>>
      %dma_start3A_393 = arith.constant 0 : i32
      %dma_start3A_394 = tpu.memref_slice %arg10[%add3A_384, %dma_start3A_393] : memref<256x64xf32, #tpu.memory_space<vmem>> -> memref<1x64xf32, #tpu.memory_space<vmem>>
      %dma_start3A_395 = tpu.memref_squeeze %dma_start3A_394 : memref<1x64xf32, #tpu.memory_space<vmem>> -> memref<64xf32, #tpu.memory_space<vmem>>
      %dma_start3A_396 = arith.constant 0 : i32
      %dma_start3A_397 = tpu.memref_slice %arg4[%squeeze3A_386, %dma_start3A_396] : memref<1000000x64xf32, #tpu.memory_space<hbm>> -> memref<1x64xf32, #tpu.memory_space<hbm>>
      %dma_start3A_398 = tpu.memref_squeeze %dma_start3A_397 : memref<1x64xf32, #tpu.memory_space<hbm>> -> memref<64xf32, #tpu.memory_space<hbm>>
      tpu.enqueue_dma source(%dma_start3A_398 : memref<64xf32, #tpu.memory_space<hbm>>) target(%dma_start3A_395 : memref<64xf32, #tpu.memory_space<vmem>>) target_semaphore(%arg15 : memref<!tpu.dma_semaphore, #tpu.memory_space<semaphore_mem>>)
      %slice3A_399 = vector.extract_strided_slice %get3A_94 {offsets = [9], sizes = [1], strides = [1]} : vector<16xi32> to vector<1xi32>
      %squeeze3A_400 = vector.extract %slice3A_399[0] : i32 from vector<1xi32>
      %dma_start3A_401 = arith.constant 0 : i32
      %dma_start3A_402 = tpu.memref_slice %arg11[%add3A_384, %dma_start3A_401] : memref<256x64xf32, #tpu.memory_space<vmem>> -> memref<1x64xf32, #tpu.memory_space<vmem>>
      %dma_start3A_403 = tpu.memref_squeeze %dma_start3A_402 : memref<1x64xf32, #tpu.memory_space<vmem>> -> memref<64xf32, #tpu.memory_space<vmem>>
      %dma_start3A_404 = arith.constant 0 : i32
      %dma_start3A_405 = tpu.memref_slice %arg5[%squeeze3A_400, %dma_start3A_404] : memref<100000x64xf32, #tpu.memory_space<hbm>> -> memref<1x64xf32, #tpu.memory_space<hbm>>
      %dma_start3A_406 = tpu.memref_squeeze %dma_start3A_405 : memref<1x64xf32, #tpu.memory_space<hbm>> -> memref<64xf32, #tpu.memory_space<hbm>>
      %dma_start3A_407 = arith.constant 0 : i32
      %dma_start3A_408 = tpu.memref_slice %arg11[%add3A_384, %dma_start3A_407] : memref<256x64xf32, #tpu.memory_space<vmem>> -> memref<1x64xf32, #tpu.memory_space<vmem>>
      %dma_start3A_409 = tpu.memref_squeeze %dma_start3A_408 : memref<1x64xf32, #tpu.memory_space<vmem>> -> memref<64xf32, #tpu.memory_space<vmem>>
      %dma_start3A_410 = arith.constant 0 : i32
      %dma_start3A_411 = tpu.memref_slice %arg5[%squeeze3A_400, %dma_start3A_410] : memref<100000x64xf32, #tpu.memory_space<hbm>> -> memref<1x64xf32, #tpu.memory_space<hbm>>
      %dma_start3A_412 = tpu.memref_squeeze %dma_start3A_411 : memref<1x64xf32, #tpu.memory_space<hbm>> -> memref<64xf32, #tpu.memory_space<hbm>>
      tpu.enqueue_dma source(%dma_start3A_412 : memref<64xf32, #tpu.memory_space<hbm>>) target(%dma_start3A_409 : memref<64xf32, #tpu.memory_space<vmem>>) target_semaphore(%arg15 : memref<!tpu.dma_semaphore, #tpu.memory_space<semaphore_mem>>)
      %mul3A_413 = arith.constant 16 : i32
      %mul3A_414 = arith.muli %add3A_83, %mul3A_413 : i32
      %add3A_415 = arith.constant 10 : i32
      %add3A_416 = arith.addi %mul3A_414, %add3A_415 : i32
      %slice3A_417 = vector.extract_strided_slice %get3A_88 {offsets = [10], sizes = [1], strides = [1]} : vector<16xi32> to vector<1xi32>
      %squeeze3A_418 = vector.extract %slice3A_417[0] : i32 from vector<1xi32>
      %dma_start3A_419 = arith.constant 0 : i32
      %dma_start3A_420 = tpu.memref_slice %arg10[%add3A_416, %dma_start3A_419] : memref<256x64xf32, #tpu.memory_space<vmem>> -> memref<1x64xf32, #tpu.memory_space<vmem>>
      %dma_start3A_421 = tpu.memref_squeeze %dma_start3A_420 : memref<1x64xf32, #tpu.memory_space<vmem>> -> memref<64xf32, #tpu.memory_space<vmem>>
      %dma_start3A_422 = arith.constant 0 : i32
      %dma_start3A_423 = tpu.memref_slice %arg4[%squeeze3A_418, %dma_start3A_422] : memref<1000000x64xf32, #tpu.memory_space<hbm>> -> memref<1x64xf32, #tpu.memory_space<hbm>>
      %dma_start3A_424 = tpu.memref_squeeze %dma_start3A_423 : memref<1x64xf32, #tpu.memory_space<hbm>> -> memref<64xf32, #tpu.memory_space<hbm>>
      %dma_start3A_425 = arith.constant 0 : i32
      %dma_start3A_426 = tpu.memref_slice %arg10[%add3A_416, %dma_start3A_425] : memref<256x64xf32, #tpu.memory_space<vmem>> -> memref<1x64xf32, #tpu.memory_space<vmem>>
      %dma_start3A_427 = tpu.memref_squeeze %dma_start3A_426 : memref<1x64xf32, #tpu.memory_space<vmem>> -> memref<64xf32, #tpu.memory_space<vmem>>
      %dma_start3A_428 = arith.constant 0 : i32
      %dma_start3A_429 = tpu.memref_slice %arg4[%squeeze3A_418, %dma_start3A_428] : memref<1000000x64xf32, #tpu.memory_space<hbm>> -> memref<1x64xf32, #tpu.memory_space<hbm>>
      %dma_start3A_430 = tpu.memref_squeeze %dma_start3A_429 : memref<1x64xf32, #tpu.memory_space<hbm>> -> memref<64xf32, #tpu.memory_space<hbm>>
      tpu.enqueue_dma source(%dma_start3A_430 : memref<64xf32, #tpu.memory_space<hbm>>) target(%dma_start3A_427 : memref<64xf32, #tpu.memory_space<vmem>>) target_semaphore(%arg15 : memref<!tpu.dma_semaphore, #tpu.memory_space<semaphore_mem>>)
      %slice3A_431 = vector.extract_strided_slice %get3A_94 {offsets = [10], sizes = [1], strides = [1]} : vector<16xi32> to vector<1xi32>
      %squeeze3A_432 = vector.extract %slice3A_431[0] : i32 from vector<1xi32>
      %dma_start3A_433 = arith.constant 0 : i32
      %dma_start3A_434 = tpu.memref_slice %arg11[%add3A_416, %dma_start3A_433] : memref<256x64xf32, #tpu.memory_space<vmem>> -> memref<1x64xf32, #tpu.memory_space<vmem>>
      %dma_start3A_435 = tpu.memref_squeeze %dma_start3A_434 : memref<1x64xf32, #tpu.memory_space<vmem>> -> memref<64xf32, #tpu.memory_space<vmem>>
      %dma_start3A_436 = arith.constant 0 : i32
      %dma_start3A_437 = tpu.memref_slice %arg5[%squeeze3A_432, %dma_start3A_436] : memref<100000x64xf32, #tpu.memory_space<hbm>> -> memref<1x64xf32, #tpu.memory_space<hbm>>
      %dma_start3A_438 = tpu.memref_squeeze %dma_start3A_437 : memref<1x64xf32, #tpu.memory_space<hbm>> -> memref<64xf32, #tpu.memory_space<hbm>>
      %dma_start3A_439 = arith.constant 0 : i32
      %dma_start3A_440 = tpu.memref_slice %arg11[%add3A_416, %dma_start3A_439] : memref<256x64xf32, #tpu.memory_space<vmem>> -> memref<1x64xf32, #tpu.memory_space<vmem>>
      %dma_start3A_441 = tpu.memref_squeeze %dma_start3A_440 : memref<1x64xf32, #tpu.memory_space<vmem>> -> memref<64xf32, #tpu.memory_space<vmem>>
      %dma_start3A_442 = arith.constant 0 : i32
      %dma_start3A_443 = tpu.memref_slice %arg5[%squeeze3A_432, %dma_start3A_442] : memref<100000x64xf32, #tpu.memory_space<hbm>> -> memref<1x64xf32, #tpu.memory_space<hbm>>
      %dma_start3A_444 = tpu.memref_squeeze %dma_start3A_443 : memref<1x64xf32, #tpu.memory_space<hbm>> -> memref<64xf32, #tpu.memory_space<hbm>>
      tpu.enqueue_dma source(%dma_start3A_444 : memref<64xf32, #tpu.memory_space<hbm>>) target(%dma_start3A_441 : memref<64xf32, #tpu.memory_space<vmem>>) target_semaphore(%arg15 : memref<!tpu.dma_semaphore, #tpu.memory_space<semaphore_mem>>)
      %mul3A_445 = arith.constant 16 : i32
      %mul3A_446 = arith.muli %add3A_83, %mul3A_445 : i32
      %add3A_447 = arith.constant 11 : i32
      %add3A_448 = arith.addi %mul3A_446, %add3A_447 : i32
      %slice3A_449 = vector.extract_strided_slice %get3A_88 {offsets = [11], sizes = [1], strides = [1]} : vector<16xi32> to vector<1xi32>
      %squeeze3A_450 = vector.extract %slice3A_449[0] : i32 from vector<1xi32>
      %dma_start3A_451 = arith.constant 0 : i32
      %dma_start3A_452 = tpu.memref_slice %arg10[%add3A_448, %dma_start3A_451] : memref<256x64xf32, #tpu.memory_space<vmem>> -> memref<1x64xf32, #tpu.memory_space<vmem>>
      %dma_start3A_453 = tpu.memref_squeeze %dma_start3A_452 : memref<1x64xf32, #tpu.memory_space<vmem>> -> memref<64xf32, #tpu.memory_space<vmem>>
      %dma_start3A_454 = arith.constant 0 : i32
      %dma_start3A_455 = tpu.memref_slice %arg4[%squeeze3A_450, %dma_start3A_454] : memref<1000000x64xf32, #tpu.memory_space<hbm>> -> memref<1x64xf32, #tpu.memory_space<hbm>>
      %dma_start3A_456 = tpu.memref_squeeze %dma_start3A_455 : memref<1x64xf32, #tpu.memory_space<hbm>> -> memref<64xf32, #tpu.memory_space<hbm>>
      %dma_start3A_457 = arith.constant 0 : i32
      %dma_start3A_458 = tpu.memref_slice %arg10[%add3A_448, %dma_start3A_457] : memref<256x64xf32, #tpu.memory_space<vmem>> -> memref<1x64xf32, #tpu.memory_space<vmem>>
      %dma_start3A_459 = tpu.memref_squeeze %dma_start3A_458 : memref<1x64xf32, #tpu.memory_space<vmem>> -> memref<64xf32, #tpu.memory_space<vmem>>
      %dma_start3A_460 = arith.constant 0 : i32
      %dma_start3A_461 = tpu.memref_slice %arg4[%squeeze3A_450, %dma_start3A_460] : memref<1000000x64xf32, #tpu.memory_space<hbm>> -> memref<1x64xf32, #tpu.memory_space<hbm>>
      %dma_start3A_462 = tpu.memref_squeeze %dma_start3A_461 : memref<1x64xf32, #tpu.memory_space<hbm>> -> memref<64xf32, #tpu.memory_space<hbm>>
      tpu.enqueue_dma source(%dma_start3A_462 : memref<64xf32, #tpu.memory_space<hbm>>) target(%dma_start3A_459 : memref<64xf32, #tpu.memory_space<vmem>>) target_semaphore(%arg15 : memref<!tpu.dma_semaphore, #tpu.memory_space<semaphore_mem>>)
      %slice3A_463 = vector.extract_strided_slice %get3A_94 {offsets = [11], sizes = [1], strides = [1]} : vector<16xi32> to vector<1xi32>
      %squeeze3A_464 = vector.extract %slice3A_463[0] : i32 from vector<1xi32>
      %dma_start3A_465 = arith.constant 0 : i32
      %dma_start3A_466 = tpu.memref_slice %arg11[%add3A_448, %dma_start3A_465] : memref<256x64xf32, #tpu.memory_space<vmem>> -> memref<1x64xf32, #tpu.memory_space<vmem>>
      %dma_start3A_467 = tpu.memref_squeeze %dma_start3A_466 : memref<1x64xf32, #tpu.memory_space<vmem>> -> memref<64xf32, #tpu.memory_space<vmem>>
      %dma_start3A_468 = arith.constant 0 : i32
      %dma_start3A_469 = tpu.memref_slice %arg5[%squeeze3A_464, %dma_start3A_468] : memref<100000x64xf32, #tpu.memory_space<hbm>> -> memref<1x64xf32, #tpu.memory_space<hbm>>
      %dma_start3A_470 = tpu.memref_squeeze %dma_start3A_469 : memref<1x64xf32, #tpu.memory_space<hbm>> -> memref<64xf32, #tpu.memory_space<hbm>>
      %dma_start3A_471 = arith.constant 0 : i32
      %dma_start3A_472 = tpu.memref_slice %arg11[%add3A_448, %dma_start3A_471] : memref<256x64xf32, #tpu.memory_space<vmem>> -> memref<1x64xf32, #tpu.memory_space<vmem>>
      %dma_start3A_473 = tpu.memref_squeeze %dma_start3A_472 : memref<1x64xf32, #tpu.memory_space<vmem>> -> memref<64xf32, #tpu.memory_space<vmem>>
      %dma_start3A_474 = arith.constant 0 : i32
      %dma_start3A_475 = tpu.memref_slice %arg5[%squeeze3A_464, %dma_start3A_474] : memref<100000x64xf32, #tpu.memory_space<hbm>> -> memref<1x64xf32, #tpu.memory_space<hbm>>
      %dma_start3A_476 = tpu.memref_squeeze %dma_start3A_475 : memref<1x64xf32, #tpu.memory_space<hbm>> -> memref<64xf32, #tpu.memory_space<hbm>>
      tpu.enqueue_dma source(%dma_start3A_476 : memref<64xf32, #tpu.memory_space<hbm>>) target(%dma_start3A_473 : memref<64xf32, #tpu.memory_space<vmem>>) target_semaphore(%arg15 : memref<!tpu.dma_semaphore, #tpu.memory_space<semaphore_mem>>)
      %mul3A_477 = arith.constant 16 : i32
      %mul3A_478 = arith.muli %add3A_83, %mul3A_477 : i32
      %add3A_479 = arith.constant 12 : i32
      %add3A_480 = arith.addi %mul3A_478, %add3A_479 : i32
      %slice3A_481 = vector.extract_strided_slice %get3A_88 {offsets = [12], sizes = [1], strides = [1]} : vector<16xi32> to vector<1xi32>
      %squeeze3A_482 = vector.extract %slice3A_481[0] : i32 from vector<1xi32>
      %dma_start3A_483 = arith.constant 0 : i32
      %dma_start3A_484 = tpu.memref_slice %arg10[%add3A_480, %dma_start3A_483] : memref<256x64xf32, #tpu.memory_space<vmem>> -> memref<1x64xf32, #tpu.memory_space<vmem>>
      %dma_start3A_485 = tpu.memref_squeeze %dma_start3A_484 : memref<1x64xf32, #tpu.memory_space<vmem>> -> memref<64xf32, #tpu.memory_space<vmem>>
      %dma_start3A_486 = arith.constant 0 : i32
      %dma_start3A_487 = tpu.memref_slice %arg4[%squeeze3A_482, %dma_start3A_486] : memref<1000000x64xf32, #tpu.memory_space<hbm>> -> memref<1x64xf32, #tpu.memory_space<hbm>>
      %dma_start3A_488 = tpu.memref_squeeze %dma_start3A_487 : memref<1x64xf32, #tpu.memory_space<hbm>> -> memref<64xf32, #tpu.memory_space<hbm>>
      %dma_start3A_489 = arith.constant 0 : i32
      %dma_start3A_490 = tpu.memref_slice %arg10[%add3A_480, %dma_start3A_489] : memref<256x64xf32, #tpu.memory_space<vmem>> -> memref<1x64xf32, #tpu.memory_space<vmem>>
      %dma_start3A_491 = tpu.memref_squeeze %dma_start3A_490 : memref<1x64xf32, #tpu.memory_space<vmem>> -> memref<64xf32, #tpu.memory_space<vmem>>
      %dma_start3A_492 = arith.constant 0 : i32
      %dma_start3A_493 = tpu.memref_slice %arg4[%squeeze3A_482, %dma_start3A_492] : memref<1000000x64xf32, #tpu.memory_space<hbm>> -> memref<1x64xf32, #tpu.memory_space<hbm>>
      %dma_start3A_494 = tpu.memref_squeeze %dma_start3A_493 : memref<1x64xf32, #tpu.memory_space<hbm>> -> memref<64xf32, #tpu.memory_space<hbm>>
      tpu.enqueue_dma source(%dma_start3A_494 : memref<64xf32, #tpu.memory_space<hbm>>) target(%dma_start3A_491 : memref<64xf32, #tpu.memory_space<vmem>>) target_semaphore(%arg15 : memref<!tpu.dma_semaphore, #tpu.memory_space<semaphore_mem>>)
      %slice3A_495 = vector.extract_strided_slice %get3A_94 {offsets = [12], sizes = [1], strides = [1]} : vector<16xi32> to vector<1xi32>
      %squeeze3A_496 = vector.extract %slice3A_495[0] : i32 from vector<1xi32>
      %dma_start3A_497 = arith.constant 0 : i32
      %dma_start3A_498 = tpu.memref_slice %arg11[%add3A_480, %dma_start3A_497] : memref<256x64xf32, #tpu.memory_space<vmem>> -> memref<1x64xf32, #tpu.memory_space<vmem>>
      %dma_start3A_499 = tpu.memref_squeeze %dma_start3A_498 : memref<1x64xf32, #tpu.memory_space<vmem>> -> memref<64xf32, #tpu.memory_space<vmem>>
      %dma_start3A_500 = arith.constant 0 : i32
      %dma_start3A_501 = tpu.memref_slice %arg5[%squeeze3A_496, %dma_start3A_500] : memref<100000x64xf32, #tpu.memory_space<hbm>> -> memref<1x64xf32, #tpu.memory_space<hbm>>
      %dma_start3A_502 = tpu.memref_squeeze %dma_start3A_501 : memref<1x64xf32, #tpu.memory_space<hbm>> -> memref<64xf32, #tpu.memory_space<hbm>>
      %dma_start3A_503 = arith.constant 0 : i32
      %dma_start3A_504 = tpu.memref_slice %arg11[%add3A_480, %dma_start3A_503] : memref<256x64xf32, #tpu.memory_space<vmem>> -> memref<1x64xf32, #tpu.memory_space<vmem>>
      %dma_start3A_505 = tpu.memref_squeeze %dma_start3A_504 : memref<1x64xf32, #tpu.memory_space<vmem>> -> memref<64xf32, #tpu.memory_space<vmem>>
      %dma_start3A_506 = arith.constant 0 : i32
      %dma_start3A_507 = tpu.memref_slice %arg5[%squeeze3A_496, %dma_start3A_506] : memref<100000x64xf32, #tpu.memory_space<hbm>> -> memref<1x64xf32, #tpu.memory_space<hbm>>
      %dma_start3A_508 = tpu.memref_squeeze %dma_start3A_507 : memref<1x64xf32, #tpu.memory_space<hbm>> -> memref<64xf32, #tpu.memory_space<hbm>>
      tpu.enqueue_dma source(%dma_start3A_508 : memref<64xf32, #tpu.memory_space<hbm>>) target(%dma_start3A_505 : memref<64xf32, #tpu.memory_space<vmem>>) target_semaphore(%arg15 : memref<!tpu.dma_semaphore, #tpu.memory_space<semaphore_mem>>)
      %mul3A_509 = arith.constant 16 : i32
      %mul3A_510 = arith.muli %add3A_83, %mul3A_509 : i32
      %add3A_511 = arith.constant 13 : i32
      %add3A_512 = arith.addi %mul3A_510, %add3A_511 : i32
      %slice3A_513 = vector.extract_strided_slice %get3A_88 {offsets = [13], sizes = [1], strides = [1]} : vector<16xi32> to vector<1xi32>
      %squeeze3A_514 = vector.extract %slice3A_513[0] : i32 from vector<1xi32>
      %dma_start3A_515 = arith.constant 0 : i32
      %dma_start3A_516 = tpu.memref_slice %arg10[%add3A_512, %dma_start3A_515] : memref<256x64xf32, #tpu.memory_space<vmem>> -> memref<1x64xf32, #tpu.memory_space<vmem>>
      %dma_start3A_517 = tpu.memref_squeeze %dma_start3A_516 : memref<1x64xf32, #tpu.memory_space<vmem>> -> memref<64xf32, #tpu.memory_space<vmem>>
      %dma_start3A_518 = arith.constant 0 : i32
      %dma_start3A_519 = tpu.memref_slice %arg4[%squeeze3A_514, %dma_start3A_518] : memref<1000000x64xf32, #tpu.memory_space<hbm>> -> memref<1x64xf32, #tpu.memory_space<hbm>>
      %dma_start3A_520 = tpu.memref_squeeze %dma_start3A_519 : memref<1x64xf32, #tpu.memory_space<hbm>> -> memref<64xf32, #tpu.memory_space<hbm>>
      %dma_start3A_521 = arith.constant 0 : i32
      %dma_start3A_522 = tpu.memref_slice %arg10[%add3A_512, %dma_start3A_521] : memref<256x64xf32, #tpu.memory_space<vmem>> -> memref<1x64xf32, #tpu.memory_space<vmem>>
      %dma_start3A_523 = tpu.memref_squeeze %dma_start3A_522 : memref<1x64xf32, #tpu.memory_space<vmem>> -> memref<64xf32, #tpu.memory_space<vmem>>
      %dma_start3A_524 = arith.constant 0 : i32
      %dma_start3A_525 = tpu.memref_slice %arg4[%squeeze3A_514, %dma_start3A_524] : memref<1000000x64xf32, #tpu.memory_space<hbm>> -> memref<1x64xf32, #tpu.memory_space<hbm>>
      %dma_start3A_526 = tpu.memref_squeeze %dma_start3A_525 : memref<1x64xf32, #tpu.memory_space<hbm>> -> memref<64xf32, #tpu.memory_space<hbm>>
      tpu.enqueue_dma source(%dma_start3A_526 : memref<64xf32, #tpu.memory_space<hbm>>) target(%dma_start3A_523 : memref<64xf32, #tpu.memory_space<vmem>>) target_semaphore(%arg15 : memref<!tpu.dma_semaphore, #tpu.memory_space<semaphore_mem>>)
      %slice3A_527 = vector.extract_strided_slice %get3A_94 {offsets = [13], sizes = [1], strides = [1]} : vector<16xi32> to vector<1xi32>
      %squeeze3A_528 = vector.extract %slice3A_527[0] : i32 from vector<1xi32>
      %dma_start3A_529 = arith.constant 0 : i32
      %dma_start3A_530 = tpu.memref_slice %arg11[%add3A_512, %dma_start3A_529] : memref<256x64xf32, #tpu.memory_space<vmem>> -> memref<1x64xf32, #tpu.memory_space<vmem>>
      %dma_start3A_531 = tpu.memref_squeeze %dma_start3A_530 : memref<1x64xf32, #tpu.memory_space<vmem>> -> memref<64xf32, #tpu.memory_space<vmem>>
      %dma_start3A_532 = arith.constant 0 : i32
      %dma_start3A_533 = tpu.memref_slice %arg5[%squeeze3A_528, %dma_start3A_532] : memref<100000x64xf32, #tpu.memory_space<hbm>> -> memref<1x64xf32, #tpu.memory_space<hbm>>
      %dma_start3A_534 = tpu.memref_squeeze %dma_start3A_533 : memref<1x64xf32, #tpu.memory_space<hbm>> -> memref<64xf32, #tpu.memory_space<hbm>>
      %dma_start3A_535 = arith.constant 0 : i32
      %dma_start3A_536 = tpu.memref_slice %arg11[%add3A_512, %dma_start3A_535] : memref<256x64xf32, #tpu.memory_space<vmem>> -> memref<1x64xf32, #tpu.memory_space<vmem>>
      %dma_start3A_537 = tpu.memref_squeeze %dma_start3A_536 : memref<1x64xf32, #tpu.memory_space<vmem>> -> memref<64xf32, #tpu.memory_space<vmem>>
      %dma_start3A_538 = arith.constant 0 : i32
      %dma_start3A_539 = tpu.memref_slice %arg5[%squeeze3A_528, %dma_start3A_538] : memref<100000x64xf32, #tpu.memory_space<hbm>> -> memref<1x64xf32, #tpu.memory_space<hbm>>
      %dma_start3A_540 = tpu.memref_squeeze %dma_start3A_539 : memref<1x64xf32, #tpu.memory_space<hbm>> -> memref<64xf32, #tpu.memory_space<hbm>>
      tpu.enqueue_dma source(%dma_start3A_540 : memref<64xf32, #tpu.memory_space<hbm>>) target(%dma_start3A_537 : memref<64xf32, #tpu.memory_space<vmem>>) target_semaphore(%arg15 : memref<!tpu.dma_semaphore, #tpu.memory_space<semaphore_mem>>)
      %mul3A_541 = arith.constant 16 : i32
      %mul3A_542 = arith.muli %add3A_83, %mul3A_541 : i32
      %add3A_543 = arith.constant 14 : i32
      %add3A_544 = arith.addi %mul3A_542, %add3A_543 : i32
      %slice3A_545 = vector.extract_strided_slice %get3A_88 {offsets = [14], sizes = [1], strides = [1]} : vector<16xi32> to vector<1xi32>
      %squeeze3A_546 = vector.extract %slice3A_545[0] : i32 from vector<1xi32>
      %dma_start3A_547 = arith.constant 0 : i32
      %dma_start3A_548 = tpu.memref_slice %arg10[%add3A_544, %dma_start3A_547] : memref<256x64xf32, #tpu.memory_space<vmem>> -> memref<1x64xf32, #tpu.memory_space<vmem>>
      %dma_start3A_549 = tpu.memref_squeeze %dma_start3A_548 : memref<1x64xf32, #tpu.memory_space<vmem>> -> memref<64xf32, #tpu.memory_space<vmem>>
      %dma_start3A_550 = arith.constant 0 : i32
      %dma_start3A_551 = tpu.memref_slice %arg4[%squeeze3A_546, %dma_start3A_550] : memref<1000000x64xf32, #tpu.memory_space<hbm>> -> memref<1x64xf32, #tpu.memory_space<hbm>>
      %dma_start3A_552 = tpu.memref_squeeze %dma_start3A_551 : memref<1x64xf32, #tpu.memory_space<hbm>> -> memref<64xf32, #tpu.memory_space<hbm>>
      %dma_start3A_553 = arith.constant 0 : i32
      %dma_start3A_554 = tpu.memref_slice %arg10[%add3A_544, %dma_start3A_553] : memref<256x64xf32, #tpu.memory_space<vmem>> -> memref<1x64xf32, #tpu.memory_space<vmem>>
      %dma_start3A_555 = tpu.memref_squeeze %dma_start3A_554 : memref<1x64xf32, #tpu.memory_space<vmem>> -> memref<64xf32, #tpu.memory_space<vmem>>
      %dma_start3A_556 = arith.constant 0 : i32
      %dma_start3A_557 = tpu.memref_slice %arg4[%squeeze3A_546, %dma_start3A_556] : memref<1000000x64xf32, #tpu.memory_space<hbm>> -> memref<1x64xf32, #tpu.memory_space<hbm>>
      %dma_start3A_558 = tpu.memref_squeeze %dma_start3A_557 : memref<1x64xf32, #tpu.memory_space<hbm>> -> memref<64xf32, #tpu.memory_space<hbm>>
      tpu.enqueue_dma source(%dma_start3A_558 : memref<64xf32, #tpu.memory_space<hbm>>) target(%dma_start3A_555 : memref<64xf32, #tpu.memory_space<vmem>>) target_semaphore(%arg15 : memref<!tpu.dma_semaphore, #tpu.memory_space<semaphore_mem>>)
      %slice3A_559 = vector.extract_strided_slice %get3A_94 {offsets = [14], sizes = [1], strides = [1]} : vector<16xi32> to vector<1xi32>
      %squeeze3A_560 = vector.extract %slice3A_559[0] : i32 from vector<1xi32>
      %dma_start3A_561 = arith.constant 0 : i32
      %dma_start3A_562 = tpu.memref_slice %arg11[%add3A_544, %dma_start3A_561] : memref<256x64xf32, #tpu.memory_space<vmem>> -> memref<1x64xf32, #tpu.memory_space<vmem>>
      %dma_start3A_563 = tpu.memref_squeeze %dma_start3A_562 : memref<1x64xf32, #tpu.memory_space<vmem>> -> memref<64xf32, #tpu.memory_space<vmem>>
      %dma_start3A_564 = arith.constant 0 : i32
      %dma_start3A_565 = tpu.memref_slice %arg5[%squeeze3A_560, %dma_start3A_564] : memref<100000x64xf32, #tpu.memory_space<hbm>> -> memref<1x64xf32, #tpu.memory_space<hbm>>
      %dma_start3A_566 = tpu.memref_squeeze %dma_start3A_565 : memref<1x64xf32, #tpu.memory_space<hbm>> -> memref<64xf32, #tpu.memory_space<hbm>>
      %dma_start3A_567 = arith.constant 0 : i32
      %dma_start3A_568 = tpu.memref_slice %arg11[%add3A_544, %dma_start3A_567] : memref<256x64xf32, #tpu.memory_space<vmem>> -> memref<1x64xf32, #tpu.memory_space<vmem>>
      %dma_start3A_569 = tpu.memref_squeeze %dma_start3A_568 : memref<1x64xf32, #tpu.memory_space<vmem>> -> memref<64xf32, #tpu.memory_space<vmem>>
      %dma_start3A_570 = arith.constant 0 : i32
      %dma_start3A_571 = tpu.memref_slice %arg5[%squeeze3A_560, %dma_start3A_570] : memref<100000x64xf32, #tpu.memory_space<hbm>> -> memref<1x64xf32, #tpu.memory_space<hbm>>
      %dma_start3A_572 = tpu.memref_squeeze %dma_start3A_571 : memref<1x64xf32, #tpu.memory_space<hbm>> -> memref<64xf32, #tpu.memory_space<hbm>>
      tpu.enqueue_dma source(%dma_start3A_572 : memref<64xf32, #tpu.memory_space<hbm>>) target(%dma_start3A_569 : memref<64xf32, #tpu.memory_space<vmem>>) target_semaphore(%arg15 : memref<!tpu.dma_semaphore, #tpu.memory_space<semaphore_mem>>)
      %mul3A_573 = arith.constant 16 : i32
      %mul3A_574 = arith.muli %add3A_83, %mul3A_573 : i32
      %add3A_575 = arith.constant 15 : i32
      %add3A_576 = arith.addi %mul3A_574, %add3A_575 : i32
      %slice3A_577 = vector.extract_strided_slice %get3A_88 {offsets = [15], sizes = [1], strides = [1]} : vector<16xi32> to vector<1xi32>
      %squeeze3A_578 = vector.extract %slice3A_577[0] : i32 from vector<1xi32>
      %dma_start3A_579 = arith.constant 0 : i32
      %dma_start3A_580 = tpu.memref_slice %arg10[%add3A_576, %dma_start3A_579] : memref<256x64xf32, #tpu.memory_space<vmem>> -> memref<1x64xf32, #tpu.memory_space<vmem>>
      %dma_start3A_581 = tpu.memref_squeeze %dma_start3A_580 : memref<1x64xf32, #tpu.memory_space<vmem>> -> memref<64xf32, #tpu.memory_space<vmem>>
      %dma_start3A_582 = arith.constant 0 : i32
      %dma_start3A_583 = tpu.memref_slice %arg4[%squeeze3A_578, %dma_start3A_582] : memref<1000000x64xf32, #tpu.memory_space<hbm>> -> memref<1x64xf32, #tpu.memory_space<hbm>>
      %dma_start3A_584 = tpu.memref_squeeze %dma_start3A_583 : memref<1x64xf32, #tpu.memory_space<hbm>> -> memref<64xf32, #tpu.memory_space<hbm>>
      %dma_start3A_585 = arith.constant 0 : i32
      %dma_start3A_586 = tpu.memref_slice %arg10[%add3A_576, %dma_start3A_585] : memref<256x64xf32, #tpu.memory_space<vmem>> -> memref<1x64xf32, #tpu.memory_space<vmem>>
      %dma_start3A_587 = tpu.memref_squeeze %dma_start3A_586 : memref<1x64xf32, #tpu.memory_space<vmem>> -> memref<64xf32, #tpu.memory_space<vmem>>
      %dma_start3A_588 = arith.constant 0 : i32
      %dma_start3A_589 = tpu.memref_slice %arg4[%squeeze3A_578, %dma_start3A_588] : memref<1000000x64xf32, #tpu.memory_space<hbm>> -> memref<1x64xf32, #tpu.memory_space<hbm>>
      %dma_start3A_590 = tpu.memref_squeeze %dma_start3A_589 : memref<1x64xf32, #tpu.memory_space<hbm>> -> memref<64xf32, #tpu.memory_space<hbm>>
      tpu.enqueue_dma source(%dma_start3A_590 : memref<64xf32, #tpu.memory_space<hbm>>) target(%dma_start3A_587 : memref<64xf32, #tpu.memory_space<vmem>>) target_semaphore(%arg15 : memref<!tpu.dma_semaphore, #tpu.memory_space<semaphore_mem>>)
      %slice3A_591 = vector.extract_strided_slice %get3A_94 {offsets = [15], sizes = [1], strides = [1]} : vector<16xi32> to vector<1xi32>
      %squeeze3A_592 = vector.extract %slice3A_591[0] : i32 from vector<1xi32>
      %dma_start3A_593 = arith.constant 0 : i32
      %dma_start3A_594 = tpu.memref_slice %arg11[%add3A_576, %dma_start3A_593] : memref<256x64xf32, #tpu.memory_space<vmem>> -> memref<1x64xf32, #tpu.memory_space<vmem>>
      %dma_start3A_595 = tpu.memref_squeeze %dma_start3A_594 : memref<1x64xf32, #tpu.memory_space<vmem>> -> memref<64xf32, #tpu.memory_space<vmem>>
      %dma_start3A_596 = arith.constant 0 : i32
      %dma_start3A_597 = tpu.memref_slice %arg5[%squeeze3A_592, %dma_start3A_596] : memref<100000x64xf32, #tpu.memory_space<hbm>> -> memref<1x64xf32, #tpu.memory_space<hbm>>
      %dma_start3A_598 = tpu.memref_squeeze %dma_start3A_597 : memref<1x64xf32, #tpu.memory_space<hbm>> -> memref<64xf32, #tpu.memory_space<hbm>>
      %dma_start3A_599 = arith.constant 0 : i32
      %dma_start3A_600 = tpu.memref_slice %arg11[%add3A_576, %dma_start3A_599] : memref<256x64xf32, #tpu.memory_space<vmem>> -> memref<1x64xf32, #tpu.memory_space<vmem>>
      %dma_start3A_601 = tpu.memref_squeeze %dma_start3A_600 : memref<1x64xf32, #tpu.memory_space<vmem>> -> memref<64xf32, #tpu.memory_space<vmem>>
      %dma_start3A_602 = arith.constant 0 : i32
      %dma_start3A_603 = tpu.memref_slice %arg5[%squeeze3A_592, %dma_start3A_602] : memref<100000x64xf32, #tpu.memory_space<hbm>> -> memref<1x64xf32, #tpu.memory_space<hbm>>
      %dma_start3A_604 = tpu.memref_squeeze %dma_start3A_603 : memref<1x64xf32, #tpu.memory_space<hbm>> -> memref<64xf32, #tpu.memory_space<hbm>>
      tpu.enqueue_dma source(%dma_start3A_604 : memref<64xf32, #tpu.memory_space<hbm>>) target(%dma_start3A_601 : memref<64xf32, #tpu.memory_space<vmem>>) target_semaphore(%arg15 : memref<!tpu.dma_semaphore, #tpu.memory_space<semaphore_mem>>)
      %dma_wait3A_605 = arith.constant 0 : i32
      %dma_wait3A_606 = tpu.memref_slice %arg10[%add3A_98, %dma_wait3A_605] : memref<256x64xf32, #tpu.memory_space<vmem>> -> memref<1x64xf32, #tpu.memory_space<vmem>>
      %dma_wait3A_607 = tpu.memref_squeeze %dma_wait3A_606 : memref<1x64xf32, #tpu.memory_space<vmem>> -> memref<64xf32, #tpu.memory_space<vmem>>
      %dma_wait3A_608 = arith.constant 0 : i32
      %dma_wait3A_609 = tpu.memref_slice %arg4[%squeeze3A, %dma_wait3A_608] : memref<1000000x64xf32, #tpu.memory_space<hbm>> -> memref<1x64xf32, #tpu.memory_space<hbm>>
      %dma_wait3A_610 = tpu.memref_squeeze %dma_wait3A_609 : memref<1x64xf32, #tpu.memory_space<hbm>> -> memref<64xf32, #tpu.memory_space<hbm>>
      %dma_wait3A_611 = arith.constant 0 : i32
      %dma_wait3A_612 = tpu.memref_slice %arg10[%add3A_98, %dma_wait3A_611] : memref<256x64xf32, #tpu.memory_space<vmem>> -> memref<1x64xf32, #tpu.memory_space<vmem>>
      %dma_wait3A_613 = tpu.memref_squeeze %dma_wait3A_612 : memref<1x64xf32, #tpu.memory_space<vmem>> -> memref<64xf32, #tpu.memory_space<vmem>>
      %dma_wait3A_614 = arith.constant 0 : i32
      %dma_wait3A_615 = tpu.memref_slice %arg4[%squeeze3A, %dma_wait3A_614] : memref<1000000x64xf32, #tpu.memory_space<hbm>> -> memref<1x64xf32, #tpu.memory_space<hbm>>
      %dma_wait3A_616 = tpu.memref_squeeze %dma_wait3A_615 : memref<1x64xf32, #tpu.memory_space<hbm>> -> memref<64xf32, #tpu.memory_space<hbm>>
      tpu.wait_dma2 semaphore(%arg15 : memref<!tpu.dma_semaphore, #tpu.memory_space<semaphore_mem>>) src(%dma_wait3A_616 : memref<64xf32, #tpu.memory_space<hbm>>) dst(%dma_wait3A_613 : memref<64xf32, #tpu.memory_space<vmem>>)
      %dma_wait3A_617 = arith.constant 0 : i32
      %dma_wait3A_618 = tpu.memref_slice %arg11[%add3A_98, %dma_wait3A_617] : memref<256x64xf32, #tpu.memory_space<vmem>> -> memref<1x64xf32, #tpu.memory_space<vmem>>
      %dma_wait3A_619 = tpu.memref_squeeze %dma_wait3A_618 : memref<1x64xf32, #tpu.memory_space<vmem>> -> memref<64xf32, #tpu.memory_space<vmem>>
      %dma_wait3A_620 = arith.constant 0 : i32
      %dma_wait3A_621 = tpu.memref_slice %arg5[%squeeze3A_112, %dma_wait3A_620] : memref<100000x64xf32, #tpu.memory_space<hbm>> -> memref<1x64xf32, #tpu.memory_space<hbm>>
      %dma_wait3A_622 = tpu.memref_squeeze %dma_wait3A_621 : memref<1x64xf32, #tpu.memory_space<hbm>> -> memref<64xf32, #tpu.memory_space<hbm>>
      %dma_wait3A_623 = arith.constant 0 : i32
      %dma_wait3A_624 = tpu.memref_slice %arg11[%add3A_98, %dma_wait3A_623] : memref<256x64xf32, #tpu.memory_space<vmem>> -> memref<1x64xf32, #tpu.memory_space<vmem>>
      %dma_wait3A_625 = tpu.memref_squeeze %dma_wait3A_624 : memref<1x64xf32, #tpu.memory_space<vmem>> -> memref<64xf32, #tpu.memory_space<vmem>>
      %dma_wait3A_626 = arith.constant 0 : i32
      %dma_wait3A_627 = tpu.memref_slice %arg5[%squeeze3A_112, %dma_wait3A_626] : memref<100000x64xf32, #tpu.memory_space<hbm>> -> memref<1x64xf32, #tpu.memory_space<hbm>>
      %dma_wait3A_628 = tpu.memref_squeeze %dma_wait3A_627 : memref<1x64xf32, #tpu.memory_space<hbm>> -> memref<64xf32, #tpu.memory_space<hbm>>
      tpu.wait_dma2 semaphore(%arg15 : memref<!tpu.dma_semaphore, #tpu.memory_space<semaphore_mem>>) src(%dma_wait3A_628 : memref<64xf32, #tpu.memory_space<hbm>>) dst(%dma_wait3A_625 : memref<64xf32, #tpu.memory_space<vmem>>)
      %dma_wait3A_629 = arith.constant 0 : i32
      %dma_wait3A_630 = tpu.memref_slice %arg10[%add3A_128, %dma_wait3A_629] : memref<256x64xf32, #tpu.memory_space<vmem>> -> memref<1x64xf32, #tpu.memory_space<vmem>>
      %dma_wait3A_631 = tpu.memref_squeeze %dma_wait3A_630 : memref<1x64xf32, #tpu.memory_space<vmem>> -> memref<64xf32, #tpu.memory_space<vmem>>
      %dma_wait3A_632 = arith.constant 0 : i32
      %dma_wait3A_633 = tpu.memref_slice %arg4[%squeeze3A_130, %dma_wait3A_632] : memref<1000000x64xf32, #tpu.memory_space<hbm>> -> memref<1x64xf32, #tpu.memory_space<hbm>>
      %dma_wait3A_634 = tpu.memref_squeeze %dma_wait3A_633 : memref<1x64xf32, #tpu.memory_space<hbm>> -> memref<64xf32, #tpu.memory_space<hbm>>
      %dma_wait3A_635 = arith.constant 0 : i32
      %dma_wait3A_636 = tpu.memref_slice %arg10[%add3A_128, %dma_wait3A_635] : memref<256x64xf32, #tpu.memory_space<vmem>> -> memref<1x64xf32, #tpu.memory_space<vmem>>
      %dma_wait3A_637 = tpu.memref_squeeze %dma_wait3A_636 : memref<1x64xf32, #tpu.memory_space<vmem>> -> memref<64xf32, #tpu.memory_space<vmem>>
      %dma_wait3A_638 = arith.constant 0 : i32
      %dma_wait3A_639 = tpu.memref_slice %arg4[%squeeze3A_130, %dma_wait3A_638] : memref<1000000x64xf32, #tpu.memory_space<hbm>> -> memref<1x64xf32, #tpu.memory_space<hbm>>
      %dma_wait3A_640 = tpu.memref_squeeze %dma_wait3A_639 : memref<1x64xf32, #tpu.memory_space<hbm>> -> memref<64xf32, #tpu.memory_space<hbm>>
      tpu.wait_dma2 semaphore(%arg15 : memref<!tpu.dma_semaphore, #tpu.memory_space<semaphore_mem>>) src(%dma_wait3A_640 : memref<64xf32, #tpu.memory_space<hbm>>) dst(%dma_wait3A_637 : memref<64xf32, #tpu.memory_space<vmem>>)
      %dma_wait3A_641 = arith.constant 0 : i32
      %dma_wait3A_642 = tpu.memref_slice %arg11[%add3A_128, %dma_wait3A_641] : memref<256x64xf32, #tpu.memory_space<vmem>> -> memref<1x64xf32, #tpu.memory_space<vmem>>
      %dma_wait3A_643 = tpu.memref_squeeze %dma_wait3A_642 : memref<1x64xf32, #tpu.memory_space<vmem>> -> memref<64xf32, #tpu.memory_space<vmem>>
      %dma_wait3A_644 = arith.constant 0 : i32
      %dma_wait3A_645 = tpu.memref_slice %arg5[%squeeze3A_144, %dma_wait3A_644] : memref<100000x64xf32, #tpu.memory_space<hbm>> -> memref<1x64xf32, #tpu.memory_space<hbm>>
      %dma_wait3A_646 = tpu.memref_squeeze %dma_wait3A_645 : memref<1x64xf32, #tpu.memory_space<hbm>> -> memref<64xf32, #tpu.memory_space<hbm>>
      %dma_wait3A_647 = arith.constant 0 : i32
      %dma_wait3A_648 = tpu.memref_slice %arg11[%add3A_128, %dma_wait3A_647] : memref<256x64xf32, #tpu.memory_space<vmem>> -> memref<1x64xf32, #tpu.memory_space<vmem>>
      %dma_wait3A_649 = tpu.memref_squeeze %dma_wait3A_648 : memref<1x64xf32, #tpu.memory_space<vmem>> -> memref<64xf32, #tpu.memory_space<vmem>>
      %dma_wait3A_650 = arith.constant 0 : i32
      %dma_wait3A_651 = tpu.memref_slice %arg5[%squeeze3A_144, %dma_wait3A_650] : memref<100000x64xf32, #tpu.memory_space<hbm>> -> memref<1x64xf32, #tpu.memory_space<hbm>>
      %dma_wait3A_652 = tpu.memref_squeeze %dma_wait3A_651 : memref<1x64xf32, #tpu.memory_space<hbm>> -> memref<64xf32, #tpu.memory_space<hbm>>
      tpu.wait_dma2 semaphore(%arg15 : memref<!tpu.dma_semaphore, #tpu.memory_space<semaphore_mem>>) src(%dma_wait3A_652 : memref<64xf32, #tpu.memory_space<hbm>>) dst(%dma_wait3A_649 : memref<64xf32, #tpu.memory_space<vmem>>)
      %dma_wait3A_653 = arith.constant 0 : i32
      %dma_wait3A_654 = tpu.memref_slice %arg10[%add3A_160, %dma_wait3A_653] : memref<256x64xf32, #tpu.memory_space<vmem>> -> memref<1x64xf32, #tpu.memory_space<vmem>>
      %dma_wait3A_655 = tpu.memref_squeeze %dma_wait3A_654 : memref<1x64xf32, #tpu.memory_space<vmem>> -> memref<64xf32, #tpu.memory_space<vmem>>
      %dma_wait3A_656 = arith.constant 0 : i32
      %dma_wait3A_657 = tpu.memref_slice %arg4[%squeeze3A_162, %dma_wait3A_656] : memref<1000000x64xf32, #tpu.memory_space<hbm>> -> memref<1x64xf32, #tpu.memory_space<hbm>>
      %dma_wait3A_658 = tpu.memref_squeeze %dma_wait3A_657 : memref<1x64xf32, #tpu.memory_space<hbm>> -> memref<64xf32, #tpu.memory_space<hbm>>
      %dma_wait3A_659 = arith.constant 0 : i32
      %dma_wait3A_660 = tpu.memref_slice %arg10[%add3A_160, %dma_wait3A_659] : memref<256x64xf32, #tpu.memory_space<vmem>> -> memref<1x64xf32, #tpu.memory_space<vmem>>
      %dma_wait3A_661 = tpu.memref_squeeze %dma_wait3A_660 : memref<1x64xf32, #tpu.memory_space<vmem>> -> memref<64xf32, #tpu.memory_space<vmem>>
      %dma_wait3A_662 = arith.constant 0 : i32
      %dma_wait3A_663 = tpu.memref_slice %arg4[%squeeze3A_162, %dma_wait3A_662] : memref<1000000x64xf32, #tpu.memory_space<hbm>> -> memref<1x64xf32, #tpu.memory_space<hbm>>
      %dma_wait3A_664 = tpu.memref_squeeze %dma_wait3A_663 : memref<1x64xf32, #tpu.memory_space<hbm>> -> memref<64xf32, #tpu.memory_space<hbm>>
      tpu.wait_dma2 semaphore(%arg15 : memref<!tpu.dma_semaphore, #tpu.memory_space<semaphore_mem>>) src(%dma_wait3A_664 : memref<64xf32, #tpu.memory_space<hbm>>) dst(%dma_wait3A_661 : memref<64xf32, #tpu.memory_space<vmem>>)
      %dma_wait3A_665 = arith.constant 0 : i32
      %dma_wait3A_666 = tpu.memref_slice %arg11[%add3A_160, %dma_wait3A_665] : memref<256x64xf32, #tpu.memory_space<vmem>> -> memref<1x64xf32, #tpu.memory_space<vmem>>
      %dma_wait3A_667 = tpu.memref_squeeze %dma_wait3A_666 : memref<1x64xf32, #tpu.memory_space<vmem>> -> memref<64xf32, #tpu.memory_space<vmem>>
      %dma_wait3A_668 = arith.constant 0 : i32
      %dma_wait3A_669 = tpu.memref_slice %arg5[%squeeze3A_176, %dma_wait3A_668] : memref<100000x64xf32, #tpu.memory_space<hbm>> -> memref<1x64xf32, #tpu.memory_space<hbm>>
      %dma_wait3A_670 = tpu.memref_squeeze %dma_wait3A_669 : memref<1x64xf32, #tpu.memory_space<hbm>> -> memref<64xf32, #tpu.memory_space<hbm>>
      %dma_wait3A_671 = arith.constant 0 : i32
      %dma_wait3A_672 = tpu.memref_slice %arg11[%add3A_160, %dma_wait3A_671] : memref<256x64xf32, #tpu.memory_space<vmem>> -> memref<1x64xf32, #tpu.memory_space<vmem>>
      %dma_wait3A_673 = tpu.memref_squeeze %dma_wait3A_672 : memref<1x64xf32, #tpu.memory_space<vmem>> -> memref<64xf32, #tpu.memory_space<vmem>>
      %dma_wait3A_674 = arith.constant 0 : i32
      %dma_wait3A_675 = tpu.memref_slice %arg5[%squeeze3A_176, %dma_wait3A_674] : memref<100000x64xf32, #tpu.memory_space<hbm>> -> memref<1x64xf32, #tpu.memory_space<hbm>>
      %dma_wait3A_676 = tpu.memref_squeeze %dma_wait3A_675 : memref<1x64xf32, #tpu.memory_space<hbm>> -> memref<64xf32, #tpu.memory_space<hbm>>
      tpu.wait_dma2 semaphore(%arg15 : memref<!tpu.dma_semaphore, #tpu.memory_space<semaphore_mem>>) src(%dma_wait3A_676 : memref<64xf32, #tpu.memory_space<hbm>>) dst(%dma_wait3A_673 : memref<64xf32, #tpu.memory_space<vmem>>)
      %dma_wait3A_677 = arith.constant 0 : i32
      %dma_wait3A_678 = tpu.memref_slice %arg10[%add3A_192, %dma_wait3A_677] : memref<256x64xf32, #tpu.memory_space<vmem>> -> memref<1x64xf32, #tpu.memory_space<vmem>>
      %dma_wait3A_679 = tpu.memref_squeeze %dma_wait3A_678 : memref<1x64xf32, #tpu.memory_space<vmem>> -> memref<64xf32, #tpu.memory_space<vmem>>
      %dma_wait3A_680 = arith.constant 0 : i32
      %dma_wait3A_681 = tpu.memref_slice %arg4[%squeeze3A_194, %dma_wait3A_680] : memref<1000000x64xf32, #tpu.memory_space<hbm>> -> memref<1x64xf32, #tpu.memory_space<hbm>>
      %dma_wait3A_682 = tpu.memref_squeeze %dma_wait3A_681 : memref<1x64xf32, #tpu.memory_space<hbm>> -> memref<64xf32, #tpu.memory_space<hbm>>
      %dma_wait3A_683 = arith.constant 0 : i32
      %dma_wait3A_684 = tpu.memref_slice %arg10[%add3A_192, %dma_wait3A_683] : memref<256x64xf32, #tpu.memory_space<vmem>> -> memref<1x64xf32, #tpu.memory_space<vmem>>
      %dma_wait3A_685 = tpu.memref_squeeze %dma_wait3A_684 : memref<1x64xf32, #tpu.memory_space<vmem>> -> memref<64xf32, #tpu.memory_space<vmem>>
      %dma_wait3A_686 = arith.constant 0 : i32
      %dma_wait3A_687 = tpu.memref_slice %arg4[%squeeze3A_194, %dma_wait3A_686] : memref<1000000x64xf32, #tpu.memory_space<hbm>> -> memref<1x64xf32, #tpu.memory_space<hbm>>
      %dma_wait3A_688 = tpu.memref_squeeze %dma_wait3A_687 : memref<1x64xf32, #tpu.memory_space<hbm>> -> memref<64xf32, #tpu.memory_space<hbm>>
      tpu.wait_dma2 semaphore(%arg15 : memref<!tpu.dma_semaphore, #tpu.memory_space<semaphore_mem>>) src(%dma_wait3A_688 : memref<64xf32, #tpu.memory_space<hbm>>) dst(%dma_wait3A_685 : memref<64xf32, #tpu.memory_space<vmem>>)
      %dma_wait3A_689 = arith.constant 0 : i32
      %dma_wait3A_690 = tpu.memref_slice %arg11[%add3A_192, %dma_wait3A_689] : memref<256x64xf32, #tpu.memory_space<vmem>> -> memref<1x64xf32, #tpu.memory_space<vmem>>
      %dma_wait3A_691 = tpu.memref_squeeze %dma_wait3A_690 : memref<1x64xf32, #tpu.memory_space<vmem>> -> memref<64xf32, #tpu.memory_space<vmem>>
      %dma_wait3A_692 = arith.constant 0 : i32
      %dma_wait3A_693 = tpu.memref_slice %arg5[%squeeze3A_208, %dma_wait3A_692] : memref<100000x64xf32, #tpu.memory_space<hbm>> -> memref<1x64xf32, #tpu.memory_space<hbm>>
      %dma_wait3A_694 = tpu.memref_squeeze %dma_wait3A_693 : memref<1x64xf32, #tpu.memory_space<hbm>> -> memref<64xf32, #tpu.memory_space<hbm>>
      %dma_wait3A_695 = arith.constant 0 : i32
      %dma_wait3A_696 = tpu.memref_slice %arg11[%add3A_192, %dma_wait3A_695] : memref<256x64xf32, #tpu.memory_space<vmem>> -> memref<1x64xf32, #tpu.memory_space<vmem>>
      %dma_wait3A_697 = tpu.memref_squeeze %dma_wait3A_696 : memref<1x64xf32, #tpu.memory_space<vmem>> -> memref<64xf32, #tpu.memory_space<vmem>>
      %dma_wait3A_698 = arith.constant 0 : i32
      %dma_wait3A_699 = tpu.memref_slice %arg5[%squeeze3A_208, %dma_wait3A_698] : memref<100000x64xf32, #tpu.memory_space<hbm>> -> memref<1x64xf32, #tpu.memory_space<hbm>>
      %dma_wait3A_700 = tpu.memref_squeeze %dma_wait3A_699 : memref<1x64xf32, #tpu.memory_space<hbm>> -> memref<64xf32, #tpu.memory_space<hbm>>
      tpu.wait_dma2 semaphore(%arg15 : memref<!tpu.dma_semaphore, #tpu.memory_space<semaphore_mem>>) src(%dma_wait3A_700 : memref<64xf32, #tpu.memory_space<hbm>>) dst(%dma_wait3A_697 : memref<64xf32, #tpu.memory_space<vmem>>)
      %dma_wait3A_701 = arith.constant 0 : i32
      %dma_wait3A_702 = tpu.memref_slice %arg10[%add3A_224, %dma_wait3A_701] : memref<256x64xf32, #tpu.memory_space<vmem>> -> memref<1x64xf32, #tpu.memory_space<vmem>>
      %dma_wait3A_703 = tpu.memref_squeeze %dma_wait3A_702 : memref<1x64xf32, #tpu.memory_space<vmem>> -> memref<64xf32, #tpu.memory_space<vmem>>
      %dma_wait3A_704 = arith.constant 0 : i32
      %dma_wait3A_705 = tpu.memref_slice %arg4[%squeeze3A_226, %dma_wait3A_704] : memref<1000000x64xf32, #tpu.memory_space<hbm>> -> memref<1x64xf32, #tpu.memory_space<hbm>>
      %dma_wait3A_706 = tpu.memref_squeeze %dma_wait3A_705 : memref<1x64xf32, #tpu.memory_space<hbm>> -> memref<64xf32, #tpu.memory_space<hbm>>
      %dma_wait3A_707 = arith.constant 0 : i32
      %dma_wait3A_708 = tpu.memref_slice %arg10[%add3A_224, %dma_wait3A_707] : memref<256x64xf32, #tpu.memory_space<vmem>> -> memref<1x64xf32, #tpu.memory_space<vmem>>
      %dma_wait3A_709 = tpu.memref_squeeze %dma_wait3A_708 : memref<1x64xf32, #tpu.memory_space<vmem>> -> memref<64xf32, #tpu.memory_space<vmem>>
      %dma_wait3A_710 = arith.constant 0 : i32
      %dma_wait3A_711 = tpu.memref_slice %arg4[%squeeze3A_226, %dma_wait3A_710] : memref<1000000x64xf32, #tpu.memory_space<hbm>> -> memref<1x64xf32, #tpu.memory_space<hbm>>
      %dma_wait3A_712 = tpu.memref_squeeze %dma_wait3A_711 : memref<1x64xf32, #tpu.memory_space<hbm>> -> memref<64xf32, #tpu.memory_space<hbm>>
      tpu.wait_dma2 semaphore(%arg15 : memref<!tpu.dma_semaphore, #tpu.memory_space<semaphore_mem>>) src(%dma_wait3A_712 : memref<64xf32, #tpu.memory_space<hbm>>) dst(%dma_wait3A_709 : memref<64xf32, #tpu.memory_space<vmem>>)
      %dma_wait3A_713 = arith.constant 0 : i32
      %dma_wait3A_714 = tpu.memref_slice %arg11[%add3A_224, %dma_wait3A_713] : memref<256x64xf32, #tpu.memory_space<vmem>> -> memref<1x64xf32, #tpu.memory_space<vmem>>
      %dma_wait3A_715 = tpu.memref_squeeze %dma_wait3A_714 : memref<1x64xf32, #tpu.memory_space<vmem>> -> memref<64xf32, #tpu.memory_space<vmem>>
      %dma_wait3A_716 = arith.constant 0 : i32
      %dma_wait3A_717 = tpu.memref_slice %arg5[%squeeze3A_240, %dma_wait3A_716] : memref<100000x64xf32, #tpu.memory_space<hbm>> -> memref<1x64xf32, #tpu.memory_space<hbm>>
      %dma_wait3A_718 = tpu.memref_squeeze %dma_wait3A_717 : memref<1x64xf32, #tpu.memory_space<hbm>> -> memref<64xf32, #tpu.memory_space<hbm>>
      %dma_wait3A_719 = arith.constant 0 : i32
      %dma_wait3A_720 = tpu.memref_slice %arg11[%add3A_224, %dma_wait3A_719] : memref<256x64xf32, #tpu.memory_space<vmem>> -> memref<1x64xf32, #tpu.memory_space<vmem>>
      %dma_wait3A_721 = tpu.memref_squeeze %dma_wait3A_720 : memref<1x64xf32, #tpu.memory_space<vmem>> -> memref<64xf32, #tpu.memory_space<vmem>>
      %dma_wait3A_722 = arith.constant 0 : i32
      %dma_wait3A_723 = tpu.memref_slice %arg5[%squeeze3A_240, %dma_wait3A_722] : memref<100000x64xf32, #tpu.memory_space<hbm>> -> memref<1x64xf32, #tpu.memory_space<hbm>>
      %dma_wait3A_724 = tpu.memref_squeeze %dma_wait3A_723 : memref<1x64xf32, #tpu.memory_space<hbm>> -> memref<64xf32, #tpu.memory_space<hbm>>
      tpu.wait_dma2 semaphore(%arg15 : memref<!tpu.dma_semaphore, #tpu.memory_space<semaphore_mem>>) src(%dma_wait3A_724 : memref<64xf32, #tpu.memory_space<hbm>>) dst(%dma_wait3A_721 : memref<64xf32, #tpu.memory_space<vmem>>)
      %dma_wait3A_725 = arith.constant 0 : i32
      %dma_wait3A_726 = tpu.memref_slice %arg10[%add3A_256, %dma_wait3A_725] : memref<256x64xf32, #tpu.memory_space<vmem>> -> memref<1x64xf32, #tpu.memory_space<vmem>>
      %dma_wait3A_727 = tpu.memref_squeeze %dma_wait3A_726 : memref<1x64xf32, #tpu.memory_space<vmem>> -> memref<64xf32, #tpu.memory_space<vmem>>
      %dma_wait3A_728 = arith.constant 0 : i32
      %dma_wait3A_729 = tpu.memref_slice %arg4[%squeeze3A_258, %dma_wait3A_728] : memref<1000000x64xf32, #tpu.memory_space<hbm>> -> memref<1x64xf32, #tpu.memory_space<hbm>>
      %dma_wait3A_730 = tpu.memref_squeeze %dma_wait3A_729 : memref<1x64xf32, #tpu.memory_space<hbm>> -> memref<64xf32, #tpu.memory_space<hbm>>
      %dma_wait3A_731 = arith.constant 0 : i32
      %dma_wait3A_732 = tpu.memref_slice %arg10[%add3A_256, %dma_wait3A_731] : memref<256x64xf32, #tpu.memory_space<vmem>> -> memref<1x64xf32, #tpu.memory_space<vmem>>
      %dma_wait3A_733 = tpu.memref_squeeze %dma_wait3A_732 : memref<1x64xf32, #tpu.memory_space<vmem>> -> memref<64xf32, #tpu.memory_space<vmem>>
      %dma_wait3A_734 = arith.constant 0 : i32
      %dma_wait3A_735 = tpu.memref_slice %arg4[%squeeze3A_258, %dma_wait3A_734] : memref<1000000x64xf32, #tpu.memory_space<hbm>> -> memref<1x64xf32, #tpu.memory_space<hbm>>
      %dma_wait3A_736 = tpu.memref_squeeze %dma_wait3A_735 : memref<1x64xf32, #tpu.memory_space<hbm>> -> memref<64xf32, #tpu.memory_space<hbm>>
      tpu.wait_dma2 semaphore(%arg15 : memref<!tpu.dma_semaphore, #tpu.memory_space<semaphore_mem>>) src(%dma_wait3A_736 : memref<64xf32, #tpu.memory_space<hbm>>) dst(%dma_wait3A_733 : memref<64xf32, #tpu.memory_space<vmem>>)
      %dma_wait3A_737 = arith.constant 0 : i32
      %dma_wait3A_738 = tpu.memref_slice %arg11[%add3A_256, %dma_wait3A_737] : memref<256x64xf32, #tpu.memory_space<vmem>> -> memref<1x64xf32, #tpu.memory_space<vmem>>
      %dma_wait3A_739 = tpu.memref_squeeze %dma_wait3A_738 : memref<1x64xf32, #tpu.memory_space<vmem>> -> memref<64xf32, #tpu.memory_space<vmem>>
      %dma_wait3A_740 = arith.constant 0 : i32
      %dma_wait3A_741 = tpu.memref_slice %arg5[%squeeze3A_272, %dma_wait3A_740] : memref<100000x64xf32, #tpu.memory_space<hbm>> -> memref<1x64xf32, #tpu.memory_space<hbm>>
      %dma_wait3A_742 = tpu.memref_squeeze %dma_wait3A_741 : memref<1x64xf32, #tpu.memory_space<hbm>> -> memref<64xf32, #tpu.memory_space<hbm>>
      %dma_wait3A_743 = arith.constant 0 : i32
      %dma_wait3A_744 = tpu.memref_slice %arg11[%add3A_256, %dma_wait3A_743] : memref<256x64xf32, #tpu.memory_space<vmem>> -> memref<1x64xf32, #tpu.memory_space<vmem>>
      %dma_wait3A_745 = tpu.memref_squeeze %dma_wait3A_744 : memref<1x64xf32, #tpu.memory_space<vmem>> -> memref<64xf32, #tpu.memory_space<vmem>>
      %dma_wait3A_746 = arith.constant 0 : i32
      %dma_wait3A_747 = tpu.memref_slice %arg5[%squeeze3A_272, %dma_wait3A_746] : memref<100000x64xf32, #tpu.memory_space<hbm>> -> memref<1x64xf32, #tpu.memory_space<hbm>>
      %dma_wait3A_748 = tpu.memref_squeeze %dma_wait3A_747 : memref<1x64xf32, #tpu.memory_space<hbm>> -> memref<64xf32, #tpu.memory_space<hbm>>
      tpu.wait_dma2 semaphore(%arg15 : memref<!tpu.dma_semaphore, #tpu.memory_space<semaphore_mem>>) src(%dma_wait3A_748 : memref<64xf32, #tpu.memory_space<hbm>>) dst(%dma_wait3A_745 : memref<64xf32, #tpu.memory_space<vmem>>)
      %dma_wait3A_749 = arith.constant 0 : i32
      %dma_wait3A_750 = tpu.memref_slice %arg10[%add3A_288, %dma_wait3A_749] : memref<256x64xf32, #tpu.memory_space<vmem>> -> memref<1x64xf32, #tpu.memory_space<vmem>>
      %dma_wait3A_751 = tpu.memref_squeeze %dma_wait3A_750 : memref<1x64xf32, #tpu.memory_space<vmem>> -> memref<64xf32, #tpu.memory_space<vmem>>
      %dma_wait3A_752 = arith.constant 0 : i32
      %dma_wait3A_753 = tpu.memref_slice %arg4[%squeeze3A_290, %dma_wait3A_752] : memref<1000000x64xf32, #tpu.memory_space<hbm>> -> memref<1x64xf32, #tpu.memory_space<hbm>>
      %dma_wait3A_754 = tpu.memref_squeeze %dma_wait3A_753 : memref<1x64xf32, #tpu.memory_space<hbm>> -> memref<64xf32, #tpu.memory_space<hbm>>
      %dma_wait3A_755 = arith.constant 0 : i32
      %dma_wait3A_756 = tpu.memref_slice %arg10[%add3A_288, %dma_wait3A_755] : memref<256x64xf32, #tpu.memory_space<vmem>> -> memref<1x64xf32, #tpu.memory_space<vmem>>
      %dma_wait3A_757 = tpu.memref_squeeze %dma_wait3A_756 : memref<1x64xf32, #tpu.memory_space<vmem>> -> memref<64xf32, #tpu.memory_space<vmem>>
      %dma_wait3A_758 = arith.constant 0 : i32
      %dma_wait3A_759 = tpu.memref_slice %arg4[%squeeze3A_290, %dma_wait3A_758] : memref<1000000x64xf32, #tpu.memory_space<hbm>> -> memref<1x64xf32, #tpu.memory_space<hbm>>
      %dma_wait3A_760 = tpu.memref_squeeze %dma_wait3A_759 : memref<1x64xf32, #tpu.memory_space<hbm>> -> memref<64xf32, #tpu.memory_space<hbm>>
      tpu.wait_dma2 semaphore(%arg15 : memref<!tpu.dma_semaphore, #tpu.memory_space<semaphore_mem>>) src(%dma_wait3A_760 : memref<64xf32, #tpu.memory_space<hbm>>) dst(%dma_wait3A_757 : memref<64xf32, #tpu.memory_space<vmem>>)
      %dma_wait3A_761 = arith.constant 0 : i32
      %dma_wait3A_762 = tpu.memref_slice %arg11[%add3A_288, %dma_wait3A_761] : memref<256x64xf32, #tpu.memory_space<vmem>> -> memref<1x64xf32, #tpu.memory_space<vmem>>
      %dma_wait3A_763 = tpu.memref_squeeze %dma_wait3A_762 : memref<1x64xf32, #tpu.memory_space<vmem>> -> memref<64xf32, #tpu.memory_space<vmem>>
      %dma_wait3A_764 = arith.constant 0 : i32
      %dma_wait3A_765 = tpu.memref_slice %arg5[%squeeze3A_304, %dma_wait3A_764] : memref<100000x64xf32, #tpu.memory_space<hbm>> -> memref<1x64xf32, #tpu.memory_space<hbm>>
      %dma_wait3A_766 = tpu.memref_squeeze %dma_wait3A_765 : memref<1x64xf32, #tpu.memory_space<hbm>> -> memref<64xf32, #tpu.memory_space<hbm>>
      %dma_wait3A_767 = arith.constant 0 : i32
      %dma_wait3A_768 = tpu.memref_slice %arg11[%add3A_288, %dma_wait3A_767] : memref<256x64xf32, #tpu.memory_space<vmem>> -> memref<1x64xf32, #tpu.memory_space<vmem>>
      %dma_wait3A_769 = tpu.memref_squeeze %dma_wait3A_768 : memref<1x64xf32, #tpu.memory_space<vmem>> -> memref<64xf32, #tpu.memory_space<vmem>>
      %dma_wait3A_770 = arith.constant 0 : i32
      %dma_wait3A_771 = tpu.memref_slice %arg5[%squeeze3A_304, %dma_wait3A_770] : memref<100000x64xf32, #tpu.memory_space<hbm>> -> memref<1x64xf32, #tpu.memory_space<hbm>>
      %dma_wait3A_772 = tpu.memref_squeeze %dma_wait3A_771 : memref<1x64xf32, #tpu.memory_space<hbm>> -> memref<64xf32, #tpu.memory_space<hbm>>
      tpu.wait_dma2 semaphore(%arg15 : memref<!tpu.dma_semaphore, #tpu.memory_space<semaphore_mem>>) src(%dma_wait3A_772 : memref<64xf32, #tpu.memory_space<hbm>>) dst(%dma_wait3A_769 : memref<64xf32, #tpu.memory_space<vmem>>)
      %dma_wait3A_773 = arith.constant 0 : i32
      %dma_wait3A_774 = tpu.memref_slice %arg10[%add3A_320, %dma_wait3A_773] : memref<256x64xf32, #tpu.memory_space<vmem>> -> memref<1x64xf32, #tpu.memory_space<vmem>>
      %dma_wait3A_775 = tpu.memref_squeeze %dma_wait3A_774 : memref<1x64xf32, #tpu.memory_space<vmem>> -> memref<64xf32, #tpu.memory_space<vmem>>
      %dma_wait3A_776 = arith.constant 0 : i32
      %dma_wait3A_777 = tpu.memref_slice %arg4[%squeeze3A_322, %dma_wait3A_776] : memref<1000000x64xf32, #tpu.memory_space<hbm>> -> memref<1x64xf32, #tpu.memory_space<hbm>>
      %dma_wait3A_778 = tpu.memref_squeeze %dma_wait3A_777 : memref<1x64xf32, #tpu.memory_space<hbm>> -> memref<64xf32, #tpu.memory_space<hbm>>
      %dma_wait3A_779 = arith.constant 0 : i32
      %dma_wait3A_780 = tpu.memref_slice %arg10[%add3A_320, %dma_wait3A_779] : memref<256x64xf32, #tpu.memory_space<vmem>> -> memref<1x64xf32, #tpu.memory_space<vmem>>
      %dma_wait3A_781 = tpu.memref_squeeze %dma_wait3A_780 : memref<1x64xf32, #tpu.memory_space<vmem>> -> memref<64xf32, #tpu.memory_space<vmem>>
      %dma_wait3A_782 = arith.constant 0 : i32
      %dma_wait3A_783 = tpu.memref_slice %arg4[%squeeze3A_322, %dma_wait3A_782] : memref<1000000x64xf32, #tpu.memory_space<hbm>> -> memref<1x64xf32, #tpu.memory_space<hbm>>
      %dma_wait3A_784 = tpu.memref_squeeze %dma_wait3A_783 : memref<1x64xf32, #tpu.memory_space<hbm>> -> memref<64xf32, #tpu.memory_space<hbm>>
      tpu.wait_dma2 semaphore(%arg15 : memref<!tpu.dma_semaphore, #tpu.memory_space<semaphore_mem>>) src(%dma_wait3A_784 : memref<64xf32, #tpu.memory_space<hbm>>) dst(%dma_wait3A_781 : memref<64xf32, #tpu.memory_space<vmem>>)
      %dma_wait3A_785 = arith.constant 0 : i32
      %dma_wait3A_786 = tpu.memref_slice %arg11[%add3A_320, %dma_wait3A_785] : memref<256x64xf32, #tpu.memory_space<vmem>> -> memref<1x64xf32, #tpu.memory_space<vmem>>
      %dma_wait3A_787 = tpu.memref_squeeze %dma_wait3A_786 : memref<1x64xf32, #tpu.memory_space<vmem>> -> memref<64xf32, #tpu.memory_space<vmem>>
      %dma_wait3A_788 = arith.constant 0 : i32
      %dma_wait3A_789 = tpu.memref_slice %arg5[%squeeze3A_336, %dma_wait3A_788] : memref<100000x64xf32, #tpu.memory_space<hbm>> -> memref<1x64xf32, #tpu.memory_space<hbm>>
      %dma_wait3A_790 = tpu.memref_squeeze %dma_wait3A_789 : memref<1x64xf32, #tpu.memory_space<hbm>> -> memref<64xf32, #tpu.memory_space<hbm>>
      %dma_wait3A_791 = arith.constant 0 : i32
      %dma_wait3A_792 = tpu.memref_slice %arg11[%add3A_320, %dma_wait3A_791] : memref<256x64xf32, #tpu.memory_space<vmem>> -> memref<1x64xf32, #tpu.memory_space<vmem>>
      %dma_wait3A_793 = tpu.memref_squeeze %dma_wait3A_792 : memref<1x64xf32, #tpu.memory_space<vmem>> -> memref<64xf32, #tpu.memory_space<vmem>>
      %dma_wait3A_794 = arith.constant 0 : i32
      %dma_wait3A_795 = tpu.memref_slice %arg5[%squeeze3A_336, %dma_wait3A_794] : memref<100000x64xf32, #tpu.memory_space<hbm>> -> memref<1x64xf32, #tpu.memory_space<hbm>>
      %dma_wait3A_796 = tpu.memref_squeeze %dma_wait3A_795 : memref<1x64xf32, #tpu.memory_space<hbm>> -> memref<64xf32, #tpu.memory_space<hbm>>
      tpu.wait_dma2 semaphore(%arg15 : memref<!tpu.dma_semaphore, #tpu.memory_space<semaphore_mem>>) src(%dma_wait3A_796 : memref<64xf32, #tpu.memory_space<hbm>>) dst(%dma_wait3A_793 : memref<64xf32, #tpu.memory_space<vmem>>)
      %dma_wait3A_797 = arith.constant 0 : i32
      %dma_wait3A_798 = tpu.memref_slice %arg10[%add3A_352, %dma_wait3A_797] : memref<256x64xf32, #tpu.memory_space<vmem>> -> memref<1x64xf32, #tpu.memory_space<vmem>>
      %dma_wait3A_799 = tpu.memref_squeeze %dma_wait3A_798 : memref<1x64xf32, #tpu.memory_space<vmem>> -> memref<64xf32, #tpu.memory_space<vmem>>
      %dma_wait3A_800 = arith.constant 0 : i32
      %dma_wait3A_801 = tpu.memref_slice %arg4[%squeeze3A_354, %dma_wait3A_800] : memref<1000000x64xf32, #tpu.memory_space<hbm>> -> memref<1x64xf32, #tpu.memory_space<hbm>>
      %dma_wait3A_802 = tpu.memref_squeeze %dma_wait3A_801 : memref<1x64xf32, #tpu.memory_space<hbm>> -> memref<64xf32, #tpu.memory_space<hbm>>
      %dma_wait3A_803 = arith.constant 0 : i32
      %dma_wait3A_804 = tpu.memref_slice %arg10[%add3A_352, %dma_wait3A_803] : memref<256x64xf32, #tpu.memory_space<vmem>> -> memref<1x64xf32, #tpu.memory_space<vmem>>
      %dma_wait3A_805 = tpu.memref_squeeze %dma_wait3A_804 : memref<1x64xf32, #tpu.memory_space<vmem>> -> memref<64xf32, #tpu.memory_space<vmem>>
      %dma_wait3A_806 = arith.constant 0 : i32
      %dma_wait3A_807 = tpu.memref_slice %arg4[%squeeze3A_354, %dma_wait3A_806] : memref<1000000x64xf32, #tpu.memory_space<hbm>> -> memref<1x64xf32, #tpu.memory_space<hbm>>
      %dma_wait3A_808 = tpu.memref_squeeze %dma_wait3A_807 : memref<1x64xf32, #tpu.memory_space<hbm>> -> memref<64xf32, #tpu.memory_space<hbm>>
      tpu.wait_dma2 semaphore(%arg15 : memref<!tpu.dma_semaphore, #tpu.memory_space<semaphore_mem>>) src(%dma_wait3A_808 : memref<64xf32, #tpu.memory_space<hbm>>) dst(%dma_wait3A_805 : memref<64xf32, #tpu.memory_space<vmem>>)
      %dma_wait3A_809 = arith.constant 0 : i32
      %dma_wait3A_810 = tpu.memref_slice %arg11[%add3A_352, %dma_wait3A_809] : memref<256x64xf32, #tpu.memory_space<vmem>> -> memref<1x64xf32, #tpu.memory_space<vmem>>
      %dma_wait3A_811 = tpu.memref_squeeze %dma_wait3A_810 : memref<1x64xf32, #tpu.memory_space<vmem>> -> memref<64xf32, #tpu.memory_space<vmem>>
      %dma_wait3A_812 = arith.constant 0 : i32
      %dma_wait3A_813 = tpu.memref_slice %arg5[%squeeze3A_368, %dma_wait3A_812] : memref<100000x64xf32, #tpu.memory_space<hbm>> -> memref<1x64xf32, #tpu.memory_space<hbm>>
      %dma_wait3A_814 = tpu.memref_squeeze %dma_wait3A_813 : memref<1x64xf32, #tpu.memory_space<hbm>> -> memref<64xf32, #tpu.memory_space<hbm>>
      %dma_wait3A_815 = arith.constant 0 : i32
      %dma_wait3A_816 = tpu.memref_slice %arg11[%add3A_352, %dma_wait3A_815] : memref<256x64xf32, #tpu.memory_space<vmem>> -> memref<1x64xf32, #tpu.memory_space<vmem>>
      %dma_wait3A_817 = tpu.memref_squeeze %dma_wait3A_816 : memref<1x64xf32, #tpu.memory_space<vmem>> -> memref<64xf32, #tpu.memory_space<vmem>>
      %dma_wait3A_818 = arith.constant 0 : i32
      %dma_wait3A_819 = tpu.memref_slice %arg5[%squeeze3A_368, %dma_wait3A_818] : memref<100000x64xf32, #tpu.memory_space<hbm>> -> memref<1x64xf32, #tpu.memory_space<hbm>>
      %dma_wait3A_820 = tpu.memref_squeeze %dma_wait3A_819 : memref<1x64xf32, #tpu.memory_space<hbm>> -> memref<64xf32, #tpu.memory_space<hbm>>
      tpu.wait_dma2 semaphore(%arg15 : memref<!tpu.dma_semaphore, #tpu.memory_space<semaphore_mem>>) src(%dma_wait3A_820 : memref<64xf32, #tpu.memory_space<hbm>>) dst(%dma_wait3A_817 : memref<64xf32, #tpu.memory_space<vmem>>)
      %dma_wait3A_821 = arith.constant 0 : i32
      %dma_wait3A_822 = tpu.memref_slice %arg10[%add3A_384, %dma_wait3A_821] : memref<256x64xf32, #tpu.memory_space<vmem>> -> memref<1x64xf32, #tpu.memory_space<vmem>>
      %dma_wait3A_823 = tpu.memref_squeeze %dma_wait3A_822 : memref<1x64xf32, #tpu.memory_space<vmem>> -> memref<64xf32, #tpu.memory_space<vmem>>
      %dma_wait3A_824 = arith.constant 0 : i32
      %dma_wait3A_825 = tpu.memref_slice %arg4[%squeeze3A_386, %dma_wait3A_824] : memref<1000000x64xf32, #tpu.memory_space<hbm>> -> memref<1x64xf32, #tpu.memory_space<hbm>>
      %dma_wait3A_826 = tpu.memref_squeeze %dma_wait3A_825 : memref<1x64xf32, #tpu.memory_space<hbm>> -> memref<64xf32, #tpu.memory_space<hbm>>
      %dma_wait3A_827 = arith.constant 0 : i32
      %dma_wait3A_828 = tpu.memref_slice %arg10[%add3A_384, %dma_wait3A_827] : memref<256x64xf32, #tpu.memory_space<vmem>> -> memref<1x64xf32, #tpu.memory_space<vmem>>
      %dma_wait3A_829 = tpu.memref_squeeze %dma_wait3A_828 : memref<1x64xf32, #tpu.memory_space<vmem>> -> memref<64xf32, #tpu.memory_space<vmem>>
      %dma_wait3A_830 = arith.constant 0 : i32
      %dma_wait3A_831 = tpu.memref_slice %arg4[%squeeze3A_386, %dma_wait3A_830] : memref<1000000x64xf32, #tpu.memory_space<hbm>> -> memref<1x64xf32, #tpu.memory_space<hbm>>
      %dma_wait3A_832 = tpu.memref_squeeze %dma_wait3A_831 : memref<1x64xf32, #tpu.memory_space<hbm>> -> memref<64xf32, #tpu.memory_space<hbm>>
      tpu.wait_dma2 semaphore(%arg15 : memref<!tpu.dma_semaphore, #tpu.memory_space<semaphore_mem>>) src(%dma_wait3A_832 : memref<64xf32, #tpu.memory_space<hbm>>) dst(%dma_wait3A_829 : memref<64xf32, #tpu.memory_space<vmem>>)
      %dma_wait3A_833 = arith.constant 0 : i32
      %dma_wait3A_834 = tpu.memref_slice %arg11[%add3A_384, %dma_wait3A_833] : memref<256x64xf32, #tpu.memory_space<vmem>> -> memref<1x64xf32, #tpu.memory_space<vmem>>
      %dma_wait3A_835 = tpu.memref_squeeze %dma_wait3A_834 : memref<1x64xf32, #tpu.memory_space<vmem>> -> memref<64xf32, #tpu.memory_space<vmem>>
      %dma_wait3A_836 = arith.constant 0 : i32
      %dma_wait3A_837 = tpu.memref_slice %arg5[%squeeze3A_400, %dma_wait3A_836] : memref<100000x64xf32, #tpu.memory_space<hbm>> -> memref<1x64xf32, #tpu.memory_space<hbm>>
      %dma_wait3A_838 = tpu.memref_squeeze %dma_wait3A_837 : memref<1x64xf32, #tpu.memory_space<hbm>> -> memref<64xf32, #tpu.memory_space<hbm>>
      %dma_wait3A_839 = arith.constant 0 : i32
      %dma_wait3A_840 = tpu.memref_slice %arg11[%add3A_384, %dma_wait3A_839] : memref<256x64xf32, #tpu.memory_space<vmem>> -> memref<1x64xf32, #tpu.memory_space<vmem>>
      %dma_wait3A_841 = tpu.memref_squeeze %dma_wait3A_840 : memref<1x64xf32, #tpu.memory_space<vmem>> -> memref<64xf32, #tpu.memory_space<vmem>>
      %dma_wait3A_842 = arith.constant 0 : i32
      %dma_wait3A_843 = tpu.memref_slice %arg5[%squeeze3A_400, %dma_wait3A_842] : memref<100000x64xf32, #tpu.memory_space<hbm>> -> memref<1x64xf32, #tpu.memory_space<hbm>>
      %dma_wait3A_844 = tpu.memref_squeeze %dma_wait3A_843 : memref<1x64xf32, #tpu.memory_space<hbm>> -> memref<64xf32, #tpu.memory_space<hbm>>
      tpu.wait_dma2 semaphore(%arg15 : memref<!tpu.dma_semaphore, #tpu.memory_space<semaphore_mem>>) src(%dma_wait3A_844 : memref<64xf32, #tpu.memory_space<hbm>>) dst(%dma_wait3A_841 : memref<64xf32, #tpu.memory_space<vmem>>)
      %dma_wait3A_845 = arith.constant 0 : i32
      %dma_wait3A_846 = tpu.memref_slice %arg10[%add3A_416, %dma_wait3A_845] : memref<256x64xf32, #tpu.memory_space<vmem>> -> memref<1x64xf32, #tpu.memory_space<vmem>>
      %dma_wait3A_847 = tpu.memref_squeeze %dma_wait3A_846 : memref<1x64xf32, #tpu.memory_space<vmem>> -> memref<64xf32, #tpu.memory_space<vmem>>
      %dma_wait3A_848 = arith.constant 0 : i32
      %dma_wait3A_849 = tpu.memref_slice %arg4[%squeeze3A_418, %dma_wait3A_848] : memref<1000000x64xf32, #tpu.memory_space<hbm>> -> memref<1x64xf32, #tpu.memory_space<hbm>>
      %dma_wait3A_850 = tpu.memref_squeeze %dma_wait3A_849 : memref<1x64xf32, #tpu.memory_space<hbm>> -> memref<64xf32, #tpu.memory_space<hbm>>
      %dma_wait3A_851 = arith.constant 0 : i32
      %dma_wait3A_852 = tpu.memref_slice %arg10[%add3A_416, %dma_wait3A_851] : memref<256x64xf32, #tpu.memory_space<vmem>> -> memref<1x64xf32, #tpu.memory_space<vmem>>
      %dma_wait3A_853 = tpu.memref_squeeze %dma_wait3A_852 : memref<1x64xf32, #tpu.memory_space<vmem>> -> memref<64xf32, #tpu.memory_space<vmem>>
      %dma_wait3A_854 = arith.constant 0 : i32
      %dma_wait3A_855 = tpu.memref_slice %arg4[%squeeze3A_418, %dma_wait3A_854] : memref<1000000x64xf32, #tpu.memory_space<hbm>> -> memref<1x64xf32, #tpu.memory_space<hbm>>
      %dma_wait3A_856 = tpu.memref_squeeze %dma_wait3A_855 : memref<1x64xf32, #tpu.memory_space<hbm>> -> memref<64xf32, #tpu.memory_space<hbm>>
      tpu.wait_dma2 semaphore(%arg15 : memref<!tpu.dma_semaphore, #tpu.memory_space<semaphore_mem>>) src(%dma_wait3A_856 : memref<64xf32, #tpu.memory_space<hbm>>) dst(%dma_wait3A_853 : memref<64xf32, #tpu.memory_space<vmem>>)
      %dma_wait3A_857 = arith.constant 0 : i32
      %dma_wait3A_858 = tpu.memref_slice %arg11[%add3A_416, %dma_wait3A_857] : memref<256x64xf32, #tpu.memory_space<vmem>> -> memref<1x64xf32, #tpu.memory_space<vmem>>
      %dma_wait3A_859 = tpu.memref_squeeze %dma_wait3A_858 : memref<1x64xf32, #tpu.memory_space<vmem>> -> memref<64xf32, #tpu.memory_space<vmem>>
      %dma_wait3A_860 = arith.constant 0 : i32
      %dma_wait3A_861 = tpu.memref_slice %arg5[%squeeze3A_432, %dma_wait3A_860] : memref<100000x64xf32, #tpu.memory_space<hbm>> -> memref<1x64xf32, #tpu.memory_space<hbm>>
      %dma_wait3A_862 = tpu.memref_squeeze %dma_wait3A_861 : memref<1x64xf32, #tpu.memory_space<hbm>> -> memref<64xf32, #tpu.memory_space<hbm>>
      %dma_wait3A_863 = arith.constant 0 : i32
      %dma_wait3A_864 = tpu.memref_slice %arg11[%add3A_416, %dma_wait3A_863] : memref<256x64xf32, #tpu.memory_space<vmem>> -> memref<1x64xf32, #tpu.memory_space<vmem>>
      %dma_wait3A_865 = tpu.memref_squeeze %dma_wait3A_864 : memref<1x64xf32, #tpu.memory_space<vmem>> -> memref<64xf32, #tpu.memory_space<vmem>>
      %dma_wait3A_866 = arith.constant 0 : i32
      %dma_wait3A_867 = tpu.memref_slice %arg5[%squeeze3A_432, %dma_wait3A_866] : memref<100000x64xf32, #tpu.memory_space<hbm>> -> memref<1x64xf32, #tpu.memory_space<hbm>>
      %dma_wait3A_868 = tpu.memref_squeeze %dma_wait3A_867 : memref<1x64xf32, #tpu.memory_space<hbm>> -> memref<64xf32, #tpu.memory_space<hbm>>
      tpu.wait_dma2 semaphore(%arg15 : memref<!tpu.dma_semaphore, #tpu.memory_space<semaphore_mem>>) src(%dma_wait3A_868 : memref<64xf32, #tpu.memory_space<hbm>>) dst(%dma_wait3A_865 : memref<64xf32, #tpu.memory_space<vmem>>)
      %dma_wait3A_869 = arith.constant 0 : i32
      %dma_wait3A_870 = tpu.memref_slice %arg10[%add3A_448, %dma_wait3A_869] : memref<256x64xf32, #tpu.memory_space<vmem>> -> memref<1x64xf32, #tpu.memory_space<vmem>>
      %dma_wait3A_871 = tpu.memref_squeeze %dma_wait3A_870 : memref<1x64xf32, #tpu.memory_space<vmem>> -> memref<64xf32, #tpu.memory_space<vmem>>
      %dma_wait3A_872 = arith.constant 0 : i32
      %dma_wait3A_873 = tpu.memref_slice %arg4[%squeeze3A_450, %dma_wait3A_872] : memref<1000000x64xf32, #tpu.memory_space<hbm>> -> memref<1x64xf32, #tpu.memory_space<hbm>>
      %dma_wait3A_874 = tpu.memref_squeeze %dma_wait3A_873 : memref<1x64xf32, #tpu.memory_space<hbm>> -> memref<64xf32, #tpu.memory_space<hbm>>
      %dma_wait3A_875 = arith.constant 0 : i32
      %dma_wait3A_876 = tpu.memref_slice %arg10[%add3A_448, %dma_wait3A_875] : memref<256x64xf32, #tpu.memory_space<vmem>> -> memref<1x64xf32, #tpu.memory_space<vmem>>
      %dma_wait3A_877 = tpu.memref_squeeze %dma_wait3A_876 : memref<1x64xf32, #tpu.memory_space<vmem>> -> memref<64xf32, #tpu.memory_space<vmem>>
      %dma_wait3A_878 = arith.constant 0 : i32
      %dma_wait3A_879 = tpu.memref_slice %arg4[%squeeze3A_450, %dma_wait3A_878] : memref<1000000x64xf32, #tpu.memory_space<hbm>> -> memref<1x64xf32, #tpu.memory_space<hbm>>
      %dma_wait3A_880 = tpu.memref_squeeze %dma_wait3A_879 : memref<1x64xf32, #tpu.memory_space<hbm>> -> memref<64xf32, #tpu.memory_space<hbm>>
      tpu.wait_dma2 semaphore(%arg15 : memref<!tpu.dma_semaphore, #tpu.memory_space<semaphore_mem>>) src(%dma_wait3A_880 : memref<64xf32, #tpu.memory_space<hbm>>) dst(%dma_wait3A_877 : memref<64xf32, #tpu.memory_space<vmem>>)
      %dma_wait3A_881 = arith.constant 0 : i32
      %dma_wait3A_882 = tpu.memref_slice %arg11[%add3A_448, %dma_wait3A_881] : memref<256x64xf32, #tpu.memory_space<vmem>> -> memref<1x64xf32, #tpu.memory_space<vmem>>
      %dma_wait3A_883 = tpu.memref_squeeze %dma_wait3A_882 : memref<1x64xf32, #tpu.memory_space<vmem>> -> memref<64xf32, #tpu.memory_space<vmem>>
      %dma_wait3A_884 = arith.constant 0 : i32
      %dma_wait3A_885 = tpu.memref_slice %arg5[%squeeze3A_464, %dma_wait3A_884] : memref<100000x64xf32, #tpu.memory_space<hbm>> -> memref<1x64xf32, #tpu.memory_space<hbm>>
      %dma_wait3A_886 = tpu.memref_squeeze %dma_wait3A_885 : memref<1x64xf32, #tpu.memory_space<hbm>> -> memref<64xf32, #tpu.memory_space<hbm>>
      %dma_wait3A_887 = arith.constant 0 : i32
      %dma_wait3A_888 = tpu.memref_slice %arg11[%add3A_448, %dma_wait3A_887] : memref<256x64xf32, #tpu.memory_space<vmem>> -> memref<1x64xf32, #tpu.memory_space<vmem>>
      %dma_wait3A_889 = tpu.memref_squeeze %dma_wait3A_888 : memref<1x64xf32, #tpu.memory_space<vmem>> -> memref<64xf32, #tpu.memory_space<vmem>>
      %dma_wait3A_890 = arith.constant 0 : i32
      %dma_wait3A_891 = tpu.memref_slice %arg5[%squeeze3A_464, %dma_wait3A_890] : memref<100000x64xf32, #tpu.memory_space<hbm>> -> memref<1x64xf32, #tpu.memory_space<hbm>>
      %dma_wait3A_892 = tpu.memref_squeeze %dma_wait3A_891 : memref<1x64xf32, #tpu.memory_space<hbm>> -> memref<64xf32, #tpu.memory_space<hbm>>
      tpu.wait_dma2 semaphore(%arg15 : memref<!tpu.dma_semaphore, #tpu.memory_space<semaphore_mem>>) src(%dma_wait3A_892 : memref<64xf32, #tpu.memory_space<hbm>>) dst(%dma_wait3A_889 : memref<64xf32, #tpu.memory_space<vmem>>)
      %dma_wait3A_893 = arith.constant 0 : i32
      %dma_wait3A_894 = tpu.memref_slice %arg10[%add3A_480, %dma_wait3A_893] : memref<256x64xf32, #tpu.memory_space<vmem>> -> memref<1x64xf32, #tpu.memory_space<vmem>>
      %dma_wait3A_895 = tpu.memref_squeeze %dma_wait3A_894 : memref<1x64xf32, #tpu.memory_space<vmem>> -> memref<64xf32, #tpu.memory_space<vmem>>
      %dma_wait3A_896 = arith.constant 0 : i32
      %dma_wait3A_897 = tpu.memref_slice %arg4[%squeeze3A_482, %dma_wait3A_896] : memref<1000000x64xf32, #tpu.memory_space<hbm>> -> memref<1x64xf32, #tpu.memory_space<hbm>>
      %dma_wait3A_898 = tpu.memref_squeeze %dma_wait3A_897 : memref<1x64xf32, #tpu.memory_space<hbm>> -> memref<64xf32, #tpu.memory_space<hbm>>
      %dma_wait3A_899 = arith.constant 0 : i32
      %dma_wait3A_900 = tpu.memref_slice %arg10[%add3A_480, %dma_wait3A_899] : memref<256x64xf32, #tpu.memory_space<vmem>> -> memref<1x64xf32, #tpu.memory_space<vmem>>
      %dma_wait3A_901 = tpu.memref_squeeze %dma_wait3A_900 : memref<1x64xf32, #tpu.memory_space<vmem>> -> memref<64xf32, #tpu.memory_space<vmem>>
      %dma_wait3A_902 = arith.constant 0 : i32
      %dma_wait3A_903 = tpu.memref_slice %arg4[%squeeze3A_482, %dma_wait3A_902] : memref<1000000x64xf32, #tpu.memory_space<hbm>> -> memref<1x64xf32, #tpu.memory_space<hbm>>
      %dma_wait3A_904 = tpu.memref_squeeze %dma_wait3A_903 : memref<1x64xf32, #tpu.memory_space<hbm>> -> memref<64xf32, #tpu.memory_space<hbm>>
      tpu.wait_dma2 semaphore(%arg15 : memref<!tpu.dma_semaphore, #tpu.memory_space<semaphore_mem>>) src(%dma_wait3A_904 : memref<64xf32, #tpu.memory_space<hbm>>) dst(%dma_wait3A_901 : memref<64xf32, #tpu.memory_space<vmem>>)
      %dma_wait3A_905 = arith.constant 0 : i32
      %dma_wait3A_906 = tpu.memref_slice %arg11[%add3A_480, %dma_wait3A_905] : memref<256x64xf32, #tpu.memory_space<vmem>> -> memref<1x64xf32, #tpu.memory_space<vmem>>
      %dma_wait3A_907 = tpu.memref_squeeze %dma_wait3A_906 : memref<1x64xf32, #tpu.memory_space<vmem>> -> memref<64xf32, #tpu.memory_space<vmem>>
      %dma_wait3A_908 = arith.constant 0 : i32
      %dma_wait3A_909 = tpu.memref_slice %arg5[%squeeze3A_496, %dma_wait3A_908] : memref<100000x64xf32, #tpu.memory_space<hbm>> -> memref<1x64xf32, #tpu.memory_space<hbm>>
      %dma_wait3A_910 = tpu.memref_squeeze %dma_wait3A_909 : memref<1x64xf32, #tpu.memory_space<hbm>> -> memref<64xf32, #tpu.memory_space<hbm>>
      %dma_wait3A_911 = arith.constant 0 : i32
      %dma_wait3A_912 = tpu.memref_slice %arg11[%add3A_480, %dma_wait3A_911] : memref<256x64xf32, #tpu.memory_space<vmem>> -> memref<1x64xf32, #tpu.memory_space<vmem>>
      %dma_wait3A_913 = tpu.memref_squeeze %dma_wait3A_912 : memref<1x64xf32, #tpu.memory_space<vmem>> -> memref<64xf32, #tpu.memory_space<vmem>>
      %dma_wait3A_914 = arith.constant 0 : i32
      %dma_wait3A_915 = tpu.memref_slice %arg5[%squeeze3A_496, %dma_wait3A_914] : memref<100000x64xf32, #tpu.memory_space<hbm>> -> memref<1x64xf32, #tpu.memory_space<hbm>>
      %dma_wait3A_916 = tpu.memref_squeeze %dma_wait3A_915 : memref<1x64xf32, #tpu.memory_space<hbm>> -> memref<64xf32, #tpu.memory_space<hbm>>
      tpu.wait_dma2 semaphore(%arg15 : memref<!tpu.dma_semaphore, #tpu.memory_space<semaphore_mem>>) src(%dma_wait3A_916 : memref<64xf32, #tpu.memory_space<hbm>>) dst(%dma_wait3A_913 : memref<64xf32, #tpu.memory_space<vmem>>)
      %dma_wait3A_917 = arith.constant 0 : i32
      %dma_wait3A_918 = tpu.memref_slice %arg10[%add3A_512, %dma_wait3A_917] : memref<256x64xf32, #tpu.memory_space<vmem>> -> memref<1x64xf32, #tpu.memory_space<vmem>>
      %dma_wait3A_919 = tpu.memref_squeeze %dma_wait3A_918 : memref<1x64xf32, #tpu.memory_space<vmem>> -> memref<64xf32, #tpu.memory_space<vmem>>
      %dma_wait3A_920 = arith.constant 0 : i32
      %dma_wait3A_921 = tpu.memref_slice %arg4[%squeeze3A_514, %dma_wait3A_920] : memref<1000000x64xf32, #tpu.memory_space<hbm>> -> memref<1x64xf32, #tpu.memory_space<hbm>>
      %dma_wait3A_922 = tpu.memref_squeeze %dma_wait3A_921 : memref<1x64xf32, #tpu.memory_space<hbm>> -> memref<64xf32, #tpu.memory_space<hbm>>
      %dma_wait3A_923 = arith.constant 0 : i32
      %dma_wait3A_924 = tpu.memref_slice %arg10[%add3A_512, %dma_wait3A_923] : memref<256x64xf32, #tpu.memory_space<vmem>> -> memref<1x64xf32, #tpu.memory_space<vmem>>
      %dma_wait3A_925 = tpu.memref_squeeze %dma_wait3A_924 : memref<1x64xf32, #tpu.memory_space<vmem>> -> memref<64xf32, #tpu.memory_space<vmem>>
      %dma_wait3A_926 = arith.constant 0 : i32
      %dma_wait3A_927 = tpu.memref_slice %arg4[%squeeze3A_514, %dma_wait3A_926] : memref<1000000x64xf32, #tpu.memory_space<hbm>> -> memref<1x64xf32, #tpu.memory_space<hbm>>
      %dma_wait3A_928 = tpu.memref_squeeze %dma_wait3A_927 : memref<1x64xf32, #tpu.memory_space<hbm>> -> memref<64xf32, #tpu.memory_space<hbm>>
      tpu.wait_dma2 semaphore(%arg15 : memref<!tpu.dma_semaphore, #tpu.memory_space<semaphore_mem>>) src(%dma_wait3A_928 : memref<64xf32, #tpu.memory_space<hbm>>) dst(%dma_wait3A_925 : memref<64xf32, #tpu.memory_space<vmem>>)
      %dma_wait3A_929 = arith.constant 0 : i32
      %dma_wait3A_930 = tpu.memref_slice %arg11[%add3A_512, %dma_wait3A_929] : memref<256x64xf32, #tpu.memory_space<vmem>> -> memref<1x64xf32, #tpu.memory_space<vmem>>
      %dma_wait3A_931 = tpu.memref_squeeze %dma_wait3A_930 : memref<1x64xf32, #tpu.memory_space<vmem>> -> memref<64xf32, #tpu.memory_space<vmem>>
      %dma_wait3A_932 = arith.constant 0 : i32
      %dma_wait3A_933 = tpu.memref_slice %arg5[%squeeze3A_528, %dma_wait3A_932] : memref<100000x64xf32, #tpu.memory_space<hbm>> -> memref<1x64xf32, #tpu.memory_space<hbm>>
      %dma_wait3A_934 = tpu.memref_squeeze %dma_wait3A_933 : memref<1x64xf32, #tpu.memory_space<hbm>> -> memref<64xf32, #tpu.memory_space<hbm>>
      %dma_wait3A_935 = arith.constant 0 : i32
      %dma_wait3A_936 = tpu.memref_slice %arg11[%add3A_512, %dma_wait3A_935] : memref<256x64xf32, #tpu.memory_space<vmem>> -> memref<1x64xf32, #tpu.memory_space<vmem>>
      %dma_wait3A_937 = tpu.memref_squeeze %dma_wait3A_936 : memref<1x64xf32, #tpu.memory_space<vmem>> -> memref<64xf32, #tpu.memory_space<vmem>>
      %dma_wait3A_938 = arith.constant 0 : i32
      %dma_wait3A_939 = tpu.memref_slice %arg5[%squeeze3A_528, %dma_wait3A_938] : memref<100000x64xf32, #tpu.memory_space<hbm>> -> memref<1x64xf32, #tpu.memory_space<hbm>>
      %dma_wait3A_940 = tpu.memref_squeeze %dma_wait3A_939 : memref<1x64xf32, #tpu.memory_space<hbm>> -> memref<64xf32, #tpu.memory_space<hbm>>
      tpu.wait_dma2 semaphore(%arg15 : memref<!tpu.dma_semaphore, #tpu.memory_space<semaphore_mem>>) src(%dma_wait3A_940 : memref<64xf32, #tpu.memory_space<hbm>>) dst(%dma_wait3A_937 : memref<64xf32, #tpu.memory_space<vmem>>)
      %dma_wait3A_941 = arith.constant 0 : i32
      %dma_wait3A_942 = tpu.memref_slice %arg10[%add3A_544, %dma_wait3A_941] : memref<256x64xf32, #tpu.memory_space<vmem>> -> memref<1x64xf32, #tpu.memory_space<vmem>>
      %dma_wait3A_943 = tpu.memref_squeeze %dma_wait3A_942 : memref<1x64xf32, #tpu.memory_space<vmem>> -> memref<64xf32, #tpu.memory_space<vmem>>
      %dma_wait3A_944 = arith.constant 0 : i32
      %dma_wait3A_945 = tpu.memref_slice %arg4[%squeeze3A_546, %dma_wait3A_944] : memref<1000000x64xf32, #tpu.memory_space<hbm>> -> memref<1x64xf32, #tpu.memory_space<hbm>>
      %dma_wait3A_946 = tpu.memref_squeeze %dma_wait3A_945 : memref<1x64xf32, #tpu.memory_space<hbm>> -> memref<64xf32, #tpu.memory_space<hbm>>
      %dma_wait3A_947 = arith.constant 0 : i32
      %dma_wait3A_948 = tpu.memref_slice %arg10[%add3A_544, %dma_wait3A_947] : memref<256x64xf32, #tpu.memory_space<vmem>> -> memref<1x64xf32, #tpu.memory_space<vmem>>
      %dma_wait3A_949 = tpu.memref_squeeze %dma_wait3A_948 : memref<1x64xf32, #tpu.memory_space<vmem>> -> memref<64xf32, #tpu.memory_space<vmem>>
      %dma_wait3A_950 = arith.constant 0 : i32
      %dma_wait3A_951 = tpu.memref_slice %arg4[%squeeze3A_546, %dma_wait3A_950] : memref<1000000x64xf32, #tpu.memory_space<hbm>> -> memref<1x64xf32, #tpu.memory_space<hbm>>
      %dma_wait3A_952 = tpu.memref_squeeze %dma_wait3A_951 : memref<1x64xf32, #tpu.memory_space<hbm>> -> memref<64xf32, #tpu.memory_space<hbm>>
      tpu.wait_dma2 semaphore(%arg15 : memref<!tpu.dma_semaphore, #tpu.memory_space<semaphore_mem>>) src(%dma_wait3A_952 : memref<64xf32, #tpu.memory_space<hbm>>) dst(%dma_wait3A_949 : memref<64xf32, #tpu.memory_space<vmem>>)
      %dma_wait3A_953 = arith.constant 0 : i32
      %dma_wait3A_954 = tpu.memref_slice %arg11[%add3A_544, %dma_wait3A_953] : memref<256x64xf32, #tpu.memory_space<vmem>> -> memref<1x64xf32, #tpu.memory_space<vmem>>
      %dma_wait3A_955 = tpu.memref_squeeze %dma_wait3A_954 : memref<1x64xf32, #tpu.memory_space<vmem>> -> memref<64xf32, #tpu.memory_space<vmem>>
      %dma_wait3A_956 = arith.constant 0 : i32
      %dma_wait3A_957 = tpu.memref_slice %arg5[%squeeze3A_560, %dma_wait3A_956] : memref<100000x64xf32, #tpu.memory_space<hbm>> -> memref<1x64xf32, #tpu.memory_space<hbm>>
      %dma_wait3A_958 = tpu.memref_squeeze %dma_wait3A_957 : memref<1x64xf32, #tpu.memory_space<hbm>> -> memref<64xf32, #tpu.memory_space<hbm>>
      %dma_wait3A_959 = arith.constant 0 : i32
      %dma_wait3A_960 = tpu.memref_slice %arg11[%add3A_544, %dma_wait3A_959] : memref<256x64xf32, #tpu.memory_space<vmem>> -> memref<1x64xf32, #tpu.memory_space<vmem>>
      %dma_wait3A_961 = tpu.memref_squeeze %dma_wait3A_960 : memref<1x64xf32, #tpu.memory_space<vmem>> -> memref<64xf32, #tpu.memory_space<vmem>>
      %dma_wait3A_962 = arith.constant 0 : i32
      %dma_wait3A_963 = tpu.memref_slice %arg5[%squeeze3A_560, %dma_wait3A_962] : memref<100000x64xf32, #tpu.memory_space<hbm>> -> memref<1x64xf32, #tpu.memory_space<hbm>>
      %dma_wait3A_964 = tpu.memref_squeeze %dma_wait3A_963 : memref<1x64xf32, #tpu.memory_space<hbm>> -> memref<64xf32, #tpu.memory_space<hbm>>
      tpu.wait_dma2 semaphore(%arg15 : memref<!tpu.dma_semaphore, #tpu.memory_space<semaphore_mem>>) src(%dma_wait3A_964 : memref<64xf32, #tpu.memory_space<hbm>>) dst(%dma_wait3A_961 : memref<64xf32, #tpu.memory_space<vmem>>)
      %dma_wait3A_965 = arith.constant 0 : i32
      %dma_wait3A_966 = tpu.memref_slice %arg10[%add3A_576, %dma_wait3A_965] : memref<256x64xf32, #tpu.memory_space<vmem>> -> memref<1x64xf32, #tpu.memory_space<vmem>>
      %dma_wait3A_967 = tpu.memref_squeeze %dma_wait3A_966 : memref<1x64xf32, #tpu.memory_space<vmem>> -> memref<64xf32, #tpu.memory_space<vmem>>
      %dma_wait3A_968 = arith.constant 0 : i32
      %dma_wait3A_969 = tpu.memref_slice %arg4[%squeeze3A_578, %dma_wait3A_968] : memref<1000000x64xf32, #tpu.memory_space<hbm>> -> memref<1x64xf32, #tpu.memory_space<hbm>>
      %dma_wait3A_970 = tpu.memref_squeeze %dma_wait3A_969 : memref<1x64xf32, #tpu.memory_space<hbm>> -> memref<64xf32, #tpu.memory_space<hbm>>
      %dma_wait3A_971 = arith.constant 0 : i32
      %dma_wait3A_972 = tpu.memref_slice %arg10[%add3A_576, %dma_wait3A_971] : memref<256x64xf32, #tpu.memory_space<vmem>> -> memref<1x64xf32, #tpu.memory_space<vmem>>
      %dma_wait3A_973 = tpu.memref_squeeze %dma_wait3A_972 : memref<1x64xf32, #tpu.memory_space<vmem>> -> memref<64xf32, #tpu.memory_space<vmem>>
      %dma_wait3A_974 = arith.constant 0 : i32
      %dma_wait3A_975 = tpu.memref_slice %arg4[%squeeze3A_578, %dma_wait3A_974] : memref<1000000x64xf32, #tpu.memory_space<hbm>> -> memref<1x64xf32, #tpu.memory_space<hbm>>
      %dma_wait3A_976 = tpu.memref_squeeze %dma_wait3A_975 : memref<1x64xf32, #tpu.memory_space<hbm>> -> memref<64xf32, #tpu.memory_space<hbm>>
      tpu.wait_dma2 semaphore(%arg15 : memref<!tpu.dma_semaphore, #tpu.memory_space<semaphore_mem>>) src(%dma_wait3A_976 : memref<64xf32, #tpu.memory_space<hbm>>) dst(%dma_wait3A_973 : memref<64xf32, #tpu.memory_space<vmem>>)
      %dma_wait3A_977 = arith.constant 0 : i32
      %dma_wait3A_978 = tpu.memref_slice %arg11[%add3A_576, %dma_wait3A_977] : memref<256x64xf32, #tpu.memory_space<vmem>> -> memref<1x64xf32, #tpu.memory_space<vmem>>
      %dma_wait3A_979 = tpu.memref_squeeze %dma_wait3A_978 : memref<1x64xf32, #tpu.memory_space<vmem>> -> memref<64xf32, #tpu.memory_space<vmem>>
      %dma_wait3A_980 = arith.constant 0 : i32
      %dma_wait3A_981 = tpu.memref_slice %arg5[%squeeze3A_592, %dma_wait3A_980] : memref<100000x64xf32, #tpu.memory_space<hbm>> -> memref<1x64xf32, #tpu.memory_space<hbm>>
      %dma_wait3A_982 = tpu.memref_squeeze %dma_wait3A_981 : memref<1x64xf32, #tpu.memory_space<hbm>> -> memref<64xf32, #tpu.memory_space<hbm>>
      %dma_wait3A_983 = arith.constant 0 : i32
      %dma_wait3A_984 = tpu.memref_slice %arg11[%add3A_576, %dma_wait3A_983] : memref<256x64xf32, #tpu.memory_space<vmem>> -> memref<1x64xf32, #tpu.memory_space<vmem>>
      %dma_wait3A_985 = tpu.memref_squeeze %dma_wait3A_984 : memref<1x64xf32, #tpu.memory_space<vmem>> -> memref<64xf32, #tpu.memory_space<vmem>>
      %dma_wait3A_986 = arith.constant 0 : i32
      %dma_wait3A_987 = tpu.memref_slice %arg5[%squeeze3A_592, %dma_wait3A_986] : memref<100000x64xf32, #tpu.memory_space<hbm>> -> memref<1x64xf32, #tpu.memory_space<hbm>>
      %dma_wait3A_988 = tpu.memref_squeeze %dma_wait3A_987 : memref<1x64xf32, #tpu.memory_space<hbm>> -> memref<64xf32, #tpu.memory_space<hbm>>
      tpu.wait_dma2 semaphore(%arg15 : memref<!tpu.dma_semaphore, #tpu.memory_space<semaphore_mem>>) src(%dma_wait3A_988 : memref<64xf32, #tpu.memory_space<hbm>>) dst(%dma_wait3A_985 : memref<64xf32, #tpu.memory_space<vmem>>)
    }
    %scan3A_29 = arith.constant 16 : i32
    %scan3A_30 = arith.constant 0 : i32
    %scan3A_31 = arith.constant 256 : i32
    %scan3A_32 = arith.addi %scan3A_30, %scan3A_31 : i32
    %scan3A_33 = arith.constant 1 : i32
    scf.for %scan3A_79 = %scan3A_30 to %scan3A_32 step %scan3A_33  : i32 {
      %mul3A_80 = arith.constant 1 : i32
      %mul3A_81 = arith.muli %scan3A_79, %mul3A_80 : i32
      %add3A_82 = arith.constant 0 : i32
      %add3A_83 = arith.addi %add3A_82, %mul3A_81 : i32
      %broadcast_in_dim3A = arith.constant 0.000000e+00 : f32
      %broadcast_in_dim3A_84 = vector.broadcast %broadcast_in_dim3A : f32 to vector<16xf32>
      %get3A = arith.index_cast %add3A_83 : i32 to index
      %get3A_85 = arith.constant 0 : index
      %get3A_86 = tpu.vector_load %arg10[%get3A, %get3A_85] {strides = array<i32>} : memref<256x64xf32, #tpu.memory_space<vmem>>, vector<16xf32>,
      %get3A_87 = arith.index_cast %add3A_83 : i32 to index
      %get3A_88 = arith.constant 0 : index
      %get3A_89 = tpu.vector_load %arg11[%get3A_87, %get3A_88] {strides = array<i32>} : memref<256x64xf32, #tpu.memory_space<vmem>>, vector<16xf32>,
      %neg3A = arith.constant 0.000000e+00 : f32
      %neg3A_90 = vector.broadcast %neg3A : f32 to vector<16xf32>
      %neg3A_91 = arith.subf %neg3A_90, %get3A_89 : vector<16xf32>
      %exp3A = math.exp %neg3A_91 : vector<16xf32>
      %add3A_92 = arith.constant 1.000000e+00 : f32
      %add3A_93 = vector.broadcast %add3A_92 : f32 to vector<16xf32>
      %add3A_94 = arith.addf %add3A_93, %exp3A : vector<16xf32>
      %div3A = arith.divf %get3A_86, %add3A_94 : vector<16xf32>
      %add3A_95 = arith.addf %broadcast_in_dim3A_84, %div3A : vector<16xf32>
      %get3A_96 = arith.index_cast %add3A_83 : i32 to index
      %get3A_97 = arith.constant 16 : index
      %get3A_98 = tpu.vector_load %arg10[%get3A_96, %get3A_97] {strides = array<i32>} : memref<256x64xf32, #tpu.memory_space<vmem>>, vector<16xf32>,
      %get3A_99 = arith.index_cast %add3A_83 : i32 to index
      %get3A_100 = arith.constant 16 : index
      %get3A_101 = tpu.vector_load %arg11[%get3A_99, %get3A_100] {strides = array<i32>} : memref<256x64xf32, #tpu.memory_space<vmem>>, vector<16xf32>,
      %neg3A_102 = arith.constant 0.000000e+00 : f32
      %neg3A_103 = vector.broadcast %neg3A_102 : f32 to vector<16xf32>
      %neg3A_104 = arith.subf %neg3A_103, %get3A_101 : vector<16xf32>
      %exp3A_105 = math.exp %neg3A_104 : vector<16xf32>
      %add3A_106 = arith.constant 1.000000e+00 : f32
      %add3A_107 = vector.broadcast %add3A_106 : f32 to vector<16xf32>
      %add3A_108 = arith.addf %add3A_107, %exp3A_105 : vector<16xf32>
      %div3A_109 = arith.divf %get3A_98, %add3A_108 : vector<16xf32>
      %add3A_110 = arith.addf %add3A_95, %div3A_109 : vector<16xf32>
      %get3A_111 = arith.index_cast %add3A_83 : i32 to index
      %get3A_112 = arith.constant 32 : index
      %get3A_113 = tpu.vector_load %arg10[%get3A_111, %get3A_112] {strides = array<i32>} : memref<256x64xf32, #tpu.memory_space<vmem>>, vector<16xf32>,
      %get3A_114 = arith.index_cast %add3A_83 : i32 to index
      %get3A_115 = arith.constant 32 : index
      %get3A_116 = tpu.vector_load %arg11[%get3A_114, %get3A_115] {strides = array<i32>} : memref<256x64xf32, #tpu.memory_space<vmem>>, vector<16xf32>,
      %neg3A_117 = arith.constant 0.000000e+00 : f32
      %neg3A_118 = vector.broadcast %neg3A_117 : f32 to vector<16xf32>
      %neg3A_119 = arith.subf %neg3A_118, %get3A_116 : vector<16xf32>
      %exp3A_120 = math.exp %neg3A_119 : vector<16xf32>
      %add3A_121 = arith.constant 1.000000e+00 : f32
      %add3A_122 = vector.broadcast %add3A_121 : f32 to vector<16xf32>
      %add3A_123 = arith.addf %add3A_122, %exp3A_120 : vector<16xf32>
      %div3A_124 = arith.divf %get3A_113, %add3A_123 : vector<16xf32>
      %add3A_125 = arith.addf %add3A_110, %div3A_124 : vector<16xf32>
      %get3A_126 = arith.index_cast %add3A_83 : i32 to index
      %get3A_127 = arith.constant 48 : index
      %get3A_128 = tpu.vector_load %arg10[%get3A_126, %get3A_127] {strides = array<i32>} : memref<256x64xf32, #tpu.memory_space<vmem>>, vector<16xf32>,
      %get3A_129 = arith.index_cast %add3A_83 : i32 to index
      %get3A_130 = arith.constant 48 : index
      %get3A_131 = tpu.vector_load %arg11[%get3A_129, %get3A_130] {strides = array<i32>} : memref<256x64xf32, #tpu.memory_space<vmem>>, vector<16xf32>,
      %neg3A_132 = arith.constant 0.000000e+00 : f32
      %neg3A_133 = vector.broadcast %neg3A_132 : f32 to vector<16xf32>
      %neg3A_134 = arith.subf %neg3A_133, %get3A_131 : vector<16xf32>
      %exp3A_135 = math.exp %neg3A_134 : vector<16xf32>
      %add3A_136 = arith.constant 1.000000e+00 : f32
      %add3A_137 = vector.broadcast %add3A_136 : f32 to vector<16xf32>
      %add3A_138 = arith.addf %add3A_137, %exp3A_135 : vector<16xf32>
      %div3A_139 = arith.divf %get3A_128, %add3A_138 : vector<16xf32>
      %add3A_140 = arith.addf %add3A_125, %div3A_139 : vector<16xf32>
      %mul3A_141 = arith.constant 17 : i32
      %mul3A_142 = arith.muli %add3A_83, %mul3A_141 : i32
      %swap3A = arith.index_cast %mul3A_142 : i32 to index
      %swap3A_143 = tpu.vector_load %arg13[%swap3A] {strides = array<i32>} : memref<4352xf32, #tpu.memory_space<vmem>>, vector<16xf32>,
      tpu.vector_store %arg13[%swap3A], %add3A_140 {strides = array<i32>} : memref<4352xf32, #tpu.memory_space<vmem>>, vector<16xf32>,
    }
    %scan3A_34 = arith.constant 256 : i32
    %dma_wait3A = arith.constant 0 : i32
    %dma_wait3A_35 = tpu.memref_slice %arg12[%dma_wait3A] : memref<512xf32, #tpu.memory_space<vmem>> -> memref<128xf32, #tpu.memory_space<vmem>>
    %dma_wait3A_36 = arith.constant 0 : i32
    %dma_wait3A_37 = tpu.memref_slice %arg9[%dma_wait3A_36] : memref<512xi32, #tpu.memory_space<vmem>> -> memref<128xi32, #tpu.memory_space<vmem>>
    %dma_wait3A_38 = arith.constant 0 : i32
    %dma_wait3A_39 = tpu.memref_slice %arg6[%dma_wait3A_38] : memref<100000xf32, #tpu.memory_space<hbm>> -> memref<100000xf32, #tpu.memory_space<hbm>>
    tpu.wait_indirect_dma semaphore(%arg16 : memref<!tpu.dma_semaphore, #tpu.memory_space<semaphore_mem>>) src(%dma_wait3A_39 : memref<100000xf32, #tpu.memory_space<hbm>>) dst(%dma_wait3A_35 : memref<128xf32, #tpu.memory_space<vmem>>)
    %dma_wait3A_40 = arith.constant 128 : i32
    %dma_wait3A_41 = tpu.memref_slice %arg12[%dma_wait3A_40] : memref<512xf32, #tpu.memory_space<vmem>> -> memref<128xf32, #tpu.memory_space<vmem>>
    %dma_wait3A_42 = arith.constant 128 : i32
    %dma_wait3A_43 = tpu.memref_slice %arg9[%dma_wait3A_42] : memref<512xi32, #tpu.memory_space<vmem>> -> memref<128xi32, #tpu.memory_space<vmem>>
    %dma_wait3A_44 = arith.constant 0 : i32
    %dma_wait3A_45 = tpu.memref_slice %arg6[%dma_wait3A_44] : memref<100000xf32, #tpu.memory_space<hbm>> -> memref<100000xf32, #tpu.memory_space<hbm>>
    tpu.wait_indirect_dma semaphore(%arg16 : memref<!tpu.dma_semaphore, #tpu.memory_space<semaphore_mem>>) src(%dma_wait3A_45 : memref<100000xf32, #tpu.memory_space<hbm>>) dst(%dma_wait3A_41 : memref<128xf32, #tpu.memory_space<vmem>>)
    %dma_wait3A_46 = arith.constant 256 : i32
    %dma_wait3A_47 = tpu.memref_slice %arg12[%dma_wait3A_46] : memref<512xf32, #tpu.memory_space<vmem>> -> memref<128xf32, #tpu.memory_space<vmem>>
    %dma_wait3A_48 = arith.constant 256 : i32
    %dma_wait3A_49 = tpu.memref_slice %arg9[%dma_wait3A_48] : memref<512xi32, #tpu.memory_space<vmem>> -> memref<128xi32, #tpu.memory_space<vmem>>
    %dma_wait3A_50 = arith.constant 0 : i32
    %dma_wait3A_51 = tpu.memref_slice %arg6[%dma_wait3A_50] : memref<100000xf32, #tpu.memory_space<hbm>> -> memref<100000xf32, #tpu.memory_space<hbm>>
    tpu.wait_indirect_dma semaphore(%arg16 : memref<!tpu.dma_semaphore, #tpu.memory_space<semaphore_mem>>) src(%dma_wait3A_51 : memref<100000xf32, #tpu.memory_space<hbm>>) dst(%dma_wait3A_47 : memref<128xf32, #tpu.memory_space<vmem>>)
    %dma_wait3A_52 = arith.constant 384 : i32
    %dma_wait3A_53 = tpu.memref_slice %arg12[%dma_wait3A_52] : memref<512xf32, #tpu.memory_space<vmem>> -> memref<128xf32, #tpu.memory_space<vmem>>
    %dma_wait3A_54 = arith.constant 384 : i32
    %dma_wait3A_55 = tpu.memref_slice %arg9[%dma_wait3A_54] : memref<512xi32, #tpu.memory_space<vmem>> -> memref<128xi32, #tpu.memory_space<vmem>>
    %dma_wait3A_56 = arith.constant 0 : i32
    %dma_wait3A_57 = tpu.memref_slice %arg6[%dma_wait3A_56] : memref<100000xf32, #tpu.memory_space<hbm>> -> memref<100000xf32, #tpu.memory_space<hbm>>
    tpu.wait_indirect_dma semaphore(%arg16 : memref<!tpu.dma_semaphore, #tpu.memory_space<semaphore_mem>>) src(%dma_wait3A_57 : memref<100000xf32, #tpu.memory_space<hbm>>) dst(%dma_wait3A_53 : memref<128xf32, #tpu.memory_space<vmem>>)
    %iota3A = tpu.iota {dimensions = array<i32: 0>} : vector<16xi32>
    %scan3A_58 = arith.constant 0 : i32
    %scan3A_59 = arith.constant 16 : i32
    %scan3A_60 = arith.addi %scan3A_58, %scan3A_59 : i32
    %scan3A_61 = arith.constant 1 : i32
    scf.for %scan3A_79 = %scan3A_58 to %scan3A_60 step %scan3A_61  : i32 {
      %mul3A_80 = arith.constant 1 : i32
      %mul3A_81 = arith.muli %scan3A_79, %mul3A_80 : i32
      %add3A_82 = arith.constant 0 : i32
      %add3A_83 = arith.addi %add3A_82, %mul3A_81 : i32
      %mul3A_84 = arith.constant 272 : i32
      %mul3A_85 = arith.muli %add3A_83, %mul3A_84 : i32
      %broadcast_in_dim3A = arith.constant 0.000000e+00 : f32
      %broadcast_in_dim3A_86 = vector.broadcast %broadcast_in_dim3A : f32 to vector<16xf32>
      %mul3A_87 = arith.constant 17 : i32
      %mul3A_88 = vector.broadcast %mul3A_87 : i32 to vector<16xi32>
      %mul3A_89 = arith.muli %iota3A, %mul3A_88 : vector<16xi32>
      %add3A_90 = vector.broadcast %mul3A_85 : i32 to vector<16xi32>
      %add3A_91 = arith.addi %add3A_90, %mul3A_89 : vector<16xi32>
      %add3A_92 = arith.constant 0 : i32
      %add3A_93 = vector.broadcast %add3A_92 : i32 to vector<16xi32>
      %add3A_94 = arith.addi %add3A_91, %add3A_93 : vector<16xi32>
      %gather3A = tpu.vector_load_idx %arg13[%add3A_94] : memref<4352xf32, #tpu.memory_space<vmem>>[vector<16xi32>], vector<16xf32>,
      %add3A_95 = arith.addf %broadcast_in_dim3A_86, %gather3A : vector<16xf32>
      %mul3A_96 = arith.constant 17 : i32
      %mul3A_97 = vector.broadcast %mul3A_96 : i32 to vector<16xi32>
      %mul3A_98 = arith.muli %iota3A, %mul3A_97 : vector<16xi32>
      %add3A_99 = vector.broadcast %mul3A_85 : i32 to vector<16xi32>
      %add3A_100 = arith.addi %add3A_99, %mul3A_98 : vector<16xi32>
      %add3A_101 = arith.constant 1 : i32
      %add3A_102 = vector.broadcast %add3A_101 : i32 to vector<16xi32>
      %add3A_103 = arith.addi %add3A_100, %add3A_102 : vector<16xi32>
      %gather3A_104 = tpu.vector_load_idx %arg13[%add3A_103] : memref<4352xf32, #tpu.memory_space<vmem>>[vector<16xi32>], vector<16xf32>,
      %add3A_105 = arith.addf %add3A_95, %gather3A_104 : vector<16xf32>
      %mul3A_106 = arith.constant 17 : i32
      %mul3A_107 = vector.broadcast %mul3A_106 : i32 to vector<16xi32>
      %mul3A_108 = arith.muli %iota3A, %mul3A_107 : vector<16xi32>
      %add3A_109 = vector.broadcast %mul3A_85 : i32 to vector<16xi32>
      %add3A_110 = arith.addi %add3A_109, %mul3A_108 : vector<16xi32>
      %add3A_111 = arith.constant 2 : i32
      %add3A_112 = vector.broadcast %add3A_111 : i32 to vector<16xi32>
      %add3A_113 = arith.addi %add3A_110, %add3A_112 : vector<16xi32>
      %gather3A_114 = tpu.vector_load_idx %arg13[%add3A_113] : memref<4352xf32, #tpu.memory_space<vmem>>[vector<16xi32>], vector<16xf32>,
      %add3A_115 = arith.addf %add3A_105, %gather3A_114 : vector<16xf32>
      %mul3A_116 = arith.constant 17 : i32
      %mul3A_117 = vector.broadcast %mul3A_116 : i32 to vector<16xi32>
      %mul3A_118 = arith.muli %iota3A, %mul3A_117 : vector<16xi32>
      %add3A_119 = vector.broadcast %mul3A_85 : i32 to vector<16xi32>
      %add3A_120 = arith.addi %add3A_119, %mul3A_118 : vector<16xi32>
      %add3A_121 = arith.constant 3 : i32
      %add3A_122 = vector.broadcast %add3A_121 : i32 to vector<16xi32>
      %add3A_123 = arith.addi %add3A_120, %add3A_122 : vector<16xi32>
      %gather3A_124 = tpu.vector_load_idx %arg13[%add3A_123] : memref<4352xf32, #tpu.memory_space<vmem>>[vector<16xi32>], vector<16xf32>,
      %add3A_125 = arith.addf %add3A_115, %gather3A_124 : vector<16xf32>
      %mul3A_126 = arith.constant 17 : i32
      %mul3A_127 = vector.broadcast %mul3A_126 : i32 to vector<16xi32>
      %mul3A_128 = arith.muli %iota3A, %mul3A_127 : vector<16xi32>
      %add3A_129 = vector.broadcast %mul3A_85 : i32 to vector<16xi32>
      %add3A_130 = arith.addi %add3A_129, %mul3A_128 : vector<16xi32>
      %add3A_131 = arith.constant 4 : i32
      %add3A_132 = vector.broadcast %add3A_131 : i32 to vector<16xi32>
      %add3A_133 = arith.addi %add3A_130, %add3A_132 : vector<16xi32>
      %gather3A_134 = tpu.vector_load_idx %arg13[%add3A_133] : memref<4352xf32, #tpu.memory_space<vmem>>[vector<16xi32>], vector<16xf32>,
      %add3A_135 = arith.addf %add3A_125, %gather3A_134 : vector<16xf32>
      %mul3A_136 = arith.constant 17 : i32
      %mul3A_137 = vector.broadcast %mul3A_136 : i32 to vector<16xi32>
      %mul3A_138 = arith.muli %iota3A, %mul3A_137 : vector<16xi32>
      %add3A_139 = vector.broadcast %mul3A_85 : i32 to vector<16xi32>
      %add3A_140 = arith.addi %add3A_139, %mul3A_138 : vector<16xi32>
      %add3A_141 = arith.constant 5 : i32
      %add3A_142 = vector.broadcast %add3A_141 : i32 to vector<16xi32>
      %add3A_143 = arith.addi %add3A_140, %add3A_142 : vector<16xi32>
      %gather3A_144 = tpu.vector_load_idx %arg13[%add3A_143] : memref<4352xf32, #tpu.memory_space<vmem>>[vector<16xi32>], vector<16xf32>,
      %add3A_145 = arith.addf %add3A_135, %gather3A_144 : vector<16xf32>
      %mul3A_146 = arith.constant 17 : i32
      %mul3A_147 = vector.broadcast %mul3A_146 : i32 to vector<16xi32>
      %mul3A_148 = arith.muli %iota3A, %mul3A_147 : vector<16xi32>
      %add3A_149 = vector.broadcast %mul3A_85 : i32 to vector<16xi32>
      %add3A_150 = arith.addi %add3A_149, %mul3A_148 : vector<16xi32>
      %add3A_151 = arith.constant 6 : i32
      %add3A_152 = vector.broadcast %add3A_151 : i32 to vector<16xi32>
      %add3A_153 = arith.addi %add3A_150, %add3A_152 : vector<16xi32>
      %gather3A_154 = tpu.vector_load_idx %arg13[%add3A_153] : memref<4352xf32, #tpu.memory_space<vmem>>[vector<16xi32>], vector<16xf32>,
      %add3A_155 = arith.addf %add3A_145, %gather3A_154 : vector<16xf32>
      %mul3A_156 = arith.constant 17 : i32
      %mul3A_157 = vector.broadcast %mul3A_156 : i32 to vector<16xi32>
      %mul3A_158 = arith.muli %iota3A, %mul3A_157 : vector<16xi32>
      %add3A_159 = vector.broadcast %mul3A_85 : i32 to vector<16xi32>
      %add3A_160 = arith.addi %add3A_159, %mul3A_158 : vector<16xi32>
      %add3A_161 = arith.constant 7 : i32
      %add3A_162 = vector.broadcast %add3A_161 : i32 to vector<16xi32>
      %add3A_163 = arith.addi %add3A_160, %add3A_162 : vector<16xi32>
      %gather3A_164 = tpu.vector_load_idx %arg13[%add3A_163] : memref<4352xf32, #tpu.memory_space<vmem>>[vector<16xi32>], vector<16xf32>,
      %add3A_165 = arith.addf %add3A_155, %gather3A_164 : vector<16xf32>
      %mul3A_166 = arith.constant 17 : i32
      %mul3A_167 = vector.broadcast %mul3A_166 : i32 to vector<16xi32>
      %mul3A_168 = arith.muli %iota3A, %mul3A_167 : vector<16xi32>
      %add3A_169 = vector.broadcast %mul3A_85 : i32 to vector<16xi32>
      %add3A_170 = arith.addi %add3A_169, %mul3A_168 : vector<16xi32>
      %add3A_171 = arith.constant 8 : i32
      %add3A_172 = vector.broadcast %add3A_171 : i32 to vector<16xi32>
      %add3A_173 = arith.addi %add3A_170, %add3A_172 : vector<16xi32>
      %gather3A_174 = tpu.vector_load_idx %arg13[%add3A_173] : memref<4352xf32, #tpu.memory_space<vmem>>[vector<16xi32>], vector<16xf32>,
      %add3A_175 = arith.addf %add3A_165, %gather3A_174 : vector<16xf32>
      %mul3A_176 = arith.constant 17 : i32
      %mul3A_177 = vector.broadcast %mul3A_176 : i32 to vector<16xi32>
      %mul3A_178 = arith.muli %iota3A, %mul3A_177 : vector<16xi32>
      %add3A_179 = vector.broadcast %mul3A_85 : i32 to vector<16xi32>
      %add3A_180 = arith.addi %add3A_179, %mul3A_178 : vector<16xi32>
      %add3A_181 = arith.constant 9 : i32
      %add3A_182 = vector.broadcast %add3A_181 : i32 to vector<16xi32>
      %add3A_183 = arith.addi %add3A_180, %add3A_182 : vector<16xi32>
      %gather3A_184 = tpu.vector_load_idx %arg13[%add3A_183] : memref<4352xf32, #tpu.memory_space<vmem>>[vector<16xi32>], vector<16xf32>,
      %add3A_185 = arith.addf %add3A_175, %gather3A_184 : vector<16xf32>
      %mul3A_186 = arith.constant 17 : i32
      %mul3A_187 = vector.broadcast %mul3A_186 : i32 to vector<16xi32>
      %mul3A_188 = arith.muli %iota3A, %mul3A_187 : vector<16xi32>
      %add3A_189 = vector.broadcast %mul3A_85 : i32 to vector<16xi32>
      %add3A_190 = arith.addi %add3A_189, %mul3A_188 : vector<16xi32>
      %add3A_191 = arith.constant 10 : i32
      %add3A_192 = vector.broadcast %add3A_191 : i32 to vector<16xi32>
      %add3A_193 = arith.addi %add3A_190, %add3A_192 : vector<16xi32>
      %gather3A_194 = tpu.vector_load_idx %arg13[%add3A_193] : memref<4352xf32, #tpu.memory_space<vmem>>[vector<16xi32>], vector<16xf32>,
      %add3A_195 = arith.addf %add3A_185, %gather3A_194 : vector<16xf32>
      %mul3A_196 = arith.constant 17 : i32
      %mul3A_197 = vector.broadcast %mul3A_196 : i32 to vector<16xi32>
      %mul3A_198 = arith.muli %iota3A, %mul3A_197 : vector<16xi32>
      %add3A_199 = vector.broadcast %mul3A_85 : i32 to vector<16xi32>
      %add3A_200 = arith.addi %add3A_199, %mul3A_198 : vector<16xi32>
      %add3A_201 = arith.constant 11 : i32
      %add3A_202 = vector.broadcast %add3A_201 : i32 to vector<16xi32>
      %add3A_203 = arith.addi %add3A_200, %add3A_202 : vector<16xi32>
      %gather3A_204 = tpu.vector_load_idx %arg13[%add3A_203] : memref<4352xf32, #tpu.memory_space<vmem>>[vector<16xi32>], vector<16xf32>,
      %add3A_205 = arith.addf %add3A_195, %gather3A_204 : vector<16xf32>
      %mul3A_206 = arith.constant 17 : i32
      %mul3A_207 = vector.broadcast %mul3A_206 : i32 to vector<16xi32>
      %mul3A_208 = arith.muli %iota3A, %mul3A_207 : vector<16xi32>
      %add3A_209 = vector.broadcast %mul3A_85 : i32 to vector<16xi32>
      %add3A_210 = arith.addi %add3A_209, %mul3A_208 : vector<16xi32>
      %add3A_211 = arith.constant 12 : i32
      %add3A_212 = vector.broadcast %add3A_211 : i32 to vector<16xi32>
      %add3A_213 = arith.addi %add3A_210, %add3A_212 : vector<16xi32>
      %gather3A_214 = tpu.vector_load_idx %arg13[%add3A_213] : memref<4352xf32, #tpu.memory_space<vmem>>[vector<16xi32>], vector<16xf32>,
      %add3A_215 = arith.addf %add3A_205, %gather3A_214 : vector<16xf32>
      %mul3A_216 = arith.constant 17 : i32
      %mul3A_217 = vector.broadcast %mul3A_216 : i32 to vector<16xi32>
      %mul3A_218 = arith.muli %iota3A, %mul3A_217 : vector<16xi32>
      %add3A_219 = vector.broadcast %mul3A_85 : i32 to vector<16xi32>
      %add3A_220 = arith.addi %add3A_219, %mul3A_218 : vector<16xi32>
      %add3A_221 = arith.constant 13 : i32
      %add3A_222 = vector.broadcast %add3A_221 : i32 to vector<16xi32>
      %add3A_223 = arith.addi %add3A_220, %add3A_222 : vector<16xi32>
      %gather3A_224 = tpu.vector_load_idx %arg13[%add3A_223] : memref<4352xf32, #tpu.memory_space<vmem>>[vector<16xi32>], vector<16xf32>,
      %add3A_225 = arith.addf %add3A_215, %gather3A_224 : vector<16xf32>
      %mul3A_226 = arith.constant 17 : i32
      %mul3A_227 = vector.broadcast %mul3A_226 : i32 to vector<16xi32>
      %mul3A_228 = arith.muli %iota3A, %mul3A_227 : vector<16xi32>
      %add3A_229 = vector.broadcast %mul3A_85 : i32 to vector<16xi32>
      %add3A_230 = arith.addi %add3A_229, %mul3A_228 : vector<16xi32>
      %add3A_231 = arith.constant 14 : i32
      %add3A_232 = vector.broadcast %add3A_231 : i32 to vector<16xi32>
      %add3A_233 = arith.addi %add3A_230, %add3A_232 : vector<16xi32>
      %gather3A_234 = tpu.vector_load_idx %arg13[%add3A_233] : memref<4352xf32, #tpu.memory_space<vmem>>[vector<16xi32>], vector<16xf32>,
      %add3A_235 = arith.addf %add3A_225, %gather3A_234 : vector<16xf32>
      %mul3A_236 = arith.constant 17 : i32
      %mul3A_237 = vector.broadcast %mul3A_236 : i32 to vector<16xi32>
      %mul3A_238 = arith.muli %iota3A, %mul3A_237 : vector<16xi32>
      %add3A_239 = vector.broadcast %mul3A_85 : i32 to vector<16xi32>
      %add3A_240 = arith.addi %add3A_239, %mul3A_238 : vector<16xi32>
      %add3A_241 = arith.constant 15 : i32
      %add3A_242 = vector.broadcast %add3A_241 : i32 to vector<16xi32>
      %add3A_243 = arith.addi %add3A_240, %add3A_242 : vector<16xi32>
      %gather3A_244 = tpu.vector_load_idx %arg13[%add3A_243] : memref<4352xf32, #tpu.memory_space<vmem>>[vector<16xi32>], vector<16xf32>,
      %add3A_245 = arith.addf %add3A_235, %gather3A_244 : vector<16xf32>
      %mul3A_246 = arith.constant 16 : i32
      %mul3A_247 = arith.muli %add3A_83, %mul3A_246 : i32
      %add3A_248 = arith.constant 0 : i32
      %add3A_249 = arith.addi %add3A_248, %mul3A_247 : i32
      %get3A = arith.index_cast %add3A_249 : i32 to index
      %get3A_250 = tpu.vector_load %arg12[%get3A] {strides = array<i32>} : memref<512xf32, #tpu.memory_space<vmem>>, vector<16xf32>,
      %sub3A = arith.subf %get3A_250, %add3A_245 : vector<16xf32>
      %exp3A = math.exp %sub3A : vector<16xf32>
      %add3A_251 = arith.constant 1.000000e+00 : f32
      %add3A_252 = vector.broadcast %add3A_251 : f32 to vector<16xf32>
      %add3A_253 = arith.addf %add3A_252, %exp3A : vector<16xf32>
      %div3A = arith.constant 1.000000e+00 : f32
      %div3A_254 = vector.broadcast %div3A : f32 to vector<16xf32>
      %div3A_255 = arith.divf %div3A_254, %add3A_253 : vector<16xf32>
      %mul3A_256 = arith.constant 16 : i32
      %mul3A_257 = arith.muli %add3A_83, %mul3A_256 : i32
      %add3A_258 = arith.constant 0 : i32
      %add3A_259 = arith.addi %add3A_258, %mul3A_257 : i32
      %swap3A = arith.index_cast %add3A_259 : i32 to index
      %swap3A_260 = tpu.vector_load %arg14[%swap3A] {strides = array<i32>} : memref<512xf32, #tpu.memory_space<vmem>>, vector<16xf32>,
      tpu.vector_store %arg14[%swap3A], %div3A_255 {strides = array<i32>} : memref<512xf32, #tpu.memory_space<vmem>>, vector<16xf32>,
    }
    %scan3A_62 = arith.constant 16 : i32
    %scan3A_63 = arith.constant 0 : i32
    %scan3A_64 = arith.constant 16 : i32
    %scan3A_65 = arith.addi %scan3A_63, %scan3A_64 : i32
    %scan3A_66 = arith.constant 1 : i32
    scf.for %scan3A_79 = %scan3A_63 to %scan3A_65 step %scan3A_66  : i32 {
      %mul3A_80 = arith.constant 1 : i32
      %mul3A_81 = arith.muli %scan3A_79, %mul3A_80 : i32
      %add3A_82 = arith.constant 0 : i32
      %add3A_83 = arith.addi %add3A_82, %mul3A_81 : i32
      %mul3A_84 = arith.constant 16 : i32
      %mul3A_85 = arith.muli %add3A_83, %mul3A_84 : i32
      %add3A_86 = arith.constant 256 : i32
      %add3A_87 = arith.addi %add3A_86, %mul3A_85 : i32
      %get3A = arith.index_cast %add3A_87 : i32 to index
      %get3A_88 = tpu.vector_load %arg8[%get3A] {strides = array<i32>} : memref<512xi32, #tpu.memory_space<vmem>>, vector<16xi32>,
      %mul3A_89 = arith.constant 16 : i32
      %mul3A_90 = arith.muli %add3A_83, %mul3A_89 : i32
      %add3A_91 = arith.constant 256 : i32
      %add3A_92 = arith.addi %add3A_91, %mul3A_90 : i32
      %get3A_93 = arith.index_cast %add3A_92 : i32 to index
      %get3A_94 = tpu.vector_load %arg9[%get3A_93] {strides = array<i32>} : memref<512xi32, #tpu.memory_space<vmem>>, vector<16xi32>,
      %mul3A_95 = arith.constant 16 : i32
      %mul3A_96 = arith.muli %add3A_83, %mul3A_95 : i32
      %add3A_97 = arith.constant 0 : i32
      %add3A_98 = arith.addi %mul3A_96, %add3A_97 : i32
      %slice3A = vector.extract_strided_slice %get3A_88 {offsets = [0], sizes = [1], strides = [1]} : vector<16xi32> to vector<1xi32>
      %squeeze3A = vector.extract %slice3A[0] : i32 from vector<1xi32>
      %dma_start3A_99 = arith.constant 0 : i32
      %dma_start3A_100 = tpu.memref_slice %arg10[%add3A_98, %dma_start3A_99] : memref<256x64xf32, #tpu.memory_space<vmem>> -> memref<1x64xf32, #tpu.memory_space<vmem>>
      %dma_start3A_101 = tpu.memref_squeeze %dma_start3A_100 : memref<1x64xf32, #tpu.memory_space<vmem>> -> memref<64xf32, #tpu.memory_space<vmem>>
      %dma_start3A_102 = arith.constant 0 : i32
      %dma_start3A_103 = tpu.memref_slice %arg4[%squeeze3A, %dma_start3A_102] : memref<1000000x64xf32, #tpu.memory_space<hbm>> -> memref<1x64xf32, #tpu.memory_space<hbm>>
      %dma_start3A_104 = tpu.memref_squeeze %dma_start3A_103 : memref<1x64xf32, #tpu.memory_space<hbm>> -> memref<64xf32, #tpu.memory_space<hbm>>
      %dma_start3A_105 = arith.constant 0 : i32
      %dma_start3A_106 = tpu.memref_slice %arg10[%add3A_98, %dma_start3A_105] : memref<256x64xf32, #tpu.memory_space<vmem>> -> memref<1x64xf32, #tpu.memory_space<vmem>>
      %dma_start3A_107 = tpu.memref_squeeze %dma_start3A_106 : memref<1x64xf32, #tpu.memory_space<vmem>> -> memref<64xf32, #tpu.memory_space<vmem>>
      %dma_start3A_108 = arith.constant 0 : i32
      %dma_start3A_109 = tpu.memref_slice %arg4[%squeeze3A, %dma_start3A_108] : memref<1000000x64xf32, #tpu.memory_space<hbm>> -> memref<1x64xf32, #tpu.memory_space<hbm>>
      %dma_start3A_110 = tpu.memref_squeeze %dma_start3A_109 : memref<1x64xf32, #tpu.memory_space<hbm>> -> memref<64xf32, #tpu.memory_space<hbm>>
      tpu.enqueue_dma source(%dma_start3A_110 : memref<64xf32, #tpu.memory_space<hbm>>) target(%dma_start3A_107 : memref<64xf32, #tpu.memory_space<vmem>>) target_semaphore(%arg15 : memref<!tpu.dma_semaphore, #tpu.memory_space<semaphore_mem>>)
      %slice3A_111 = vector.extract_strided_slice %get3A_94 {offsets = [0], sizes = [1], strides = [1]} : vector<16xi32> to vector<1xi32>
      %squeeze3A_112 = vector.extract %slice3A_111[0] : i32 from vector<1xi32>
      %dma_start3A_113 = arith.constant 0 : i32
      %dma_start3A_114 = tpu.memref_slice %arg11[%add3A_98, %dma_start3A_113] : memref<256x64xf32, #tpu.memory_space<vmem>> -> memref<1x64xf32, #tpu.memory_space<vmem>>
      %dma_start3A_115 = tpu.memref_squeeze %dma_start3A_114 : memref<1x64xf32, #tpu.memory_space<vmem>> -> memref<64xf32, #tpu.memory_space<vmem>>
      %dma_start3A_116 = arith.constant 0 : i32
      %dma_start3A_117 = tpu.memref_slice %arg5[%squeeze3A_112, %dma_start3A_116] : memref<100000x64xf32, #tpu.memory_space<hbm>> -> memref<1x64xf32, #tpu.memory_space<hbm>>
      %dma_start3A_118 = tpu.memref_squeeze %dma_start3A_117 : memref<1x64xf32, #tpu.memory_space<hbm>> -> memref<64xf32, #tpu.memory_space<hbm>>
      %dma_start3A_119 = arith.constant 0 : i32
      %dma_start3A_120 = tpu.memref_slice %arg11[%add3A_98, %dma_start3A_119] : memref<256x64xf32, #tpu.memory_space<vmem>> -> memref<1x64xf32, #tpu.memory_space<vmem>>
      %dma_start3A_121 = tpu.memref_squeeze %dma_start3A_120 : memref<1x64xf32, #tpu.memory_space<vmem>> -> memref<64xf32, #tpu.memory_space<vmem>>
      %dma_start3A_122 = arith.constant 0 : i32
      %dma_start3A_123 = tpu.memref_slice %arg5[%squeeze3A_112, %dma_start3A_122] : memref<100000x64xf32, #tpu.memory_space<hbm>> -> memref<1x64xf32, #tpu.memory_space<hbm>>
      %dma_start3A_124 = tpu.memref_squeeze %dma_start3A_123 : memref<1x64xf32, #tpu.memory_space<hbm>> -> memref<64xf32, #tpu.memory_space<hbm>>
      tpu.enqueue_dma source(%dma_start3A_124 : memref<64xf32, #tpu.memory_space<hbm>>) target(%dma_start3A_121 : memref<64xf32, #tpu.memory_space<vmem>>) target_semaphore(%arg15 : memref<!tpu.dma_semaphore, #tpu.memory_space<semaphore_mem>>)
      %mul3A_125 = arith.constant 16 : i32
      %mul3A_126 = arith.muli %add3A_83, %mul3A_125 : i32
      %add3A_127 = arith.constant 1 : i32
      %add3A_128 = arith.addi %mul3A_126, %add3A_127 : i32
      %slice3A_129 = vector.extract_strided_slice %get3A_88 {offsets = [1], sizes = [1], strides = [1]} : vector<16xi32> to vector<1xi32>
      %squeeze3A_130 = vector.extract %slice3A_129[0] : i32 from vector<1xi32>
      %dma_start3A_131 = arith.constant 0 : i32
      %dma_start3A_132 = tpu.memref_slice %arg10[%add3A_128, %dma_start3A_131] : memref<256x64xf32, #tpu.memory_space<vmem>> -> memref<1x64xf32, #tpu.memory_space<vmem>>
      %dma_start3A_133 = tpu.memref_squeeze %dma_start3A_132 : memref<1x64xf32, #tpu.memory_space<vmem>> -> memref<64xf32, #tpu.memory_space<vmem>>
      %dma_start3A_134 = arith.constant 0 : i32
      %dma_start3A_135 = tpu.memref_slice %arg4[%squeeze3A_130, %dma_start3A_134] : memref<1000000x64xf32, #tpu.memory_space<hbm>> -> memref<1x64xf32, #tpu.memory_space<hbm>>
      %dma_start3A_136 = tpu.memref_squeeze %dma_start3A_135 : memref<1x64xf32, #tpu.memory_space<hbm>> -> memref<64xf32, #tpu.memory_space<hbm>>
      %dma_start3A_137 = arith.constant 0 : i32
      %dma_start3A_138 = tpu.memref_slice %arg10[%add3A_128, %dma_start3A_137] : memref<256x64xf32, #tpu.memory_space<vmem>> -> memref<1x64xf32, #tpu.memory_space<vmem>>
      %dma_start3A_139 = tpu.memref_squeeze %dma_start3A_138 : memref<1x64xf32, #tpu.memory_space<vmem>> -> memref<64xf32, #tpu.memory_space<vmem>>
      %dma_start3A_140 = arith.constant 0 : i32
      %dma_start3A_141 = tpu.memref_slice %arg4[%squeeze3A_130, %dma_start3A_140] : memref<1000000x64xf32, #tpu.memory_space<hbm>> -> memref<1x64xf32, #tpu.memory_space<hbm>>
      %dma_start3A_142 = tpu.memref_squeeze %dma_start3A_141 : memref<1x64xf32, #tpu.memory_space<hbm>> -> memref<64xf32, #tpu.memory_space<hbm>>
      tpu.enqueue_dma source(%dma_start3A_142 : memref<64xf32, #tpu.memory_space<hbm>>) target(%dma_start3A_139 : memref<64xf32, #tpu.memory_space<vmem>>) target_semaphore(%arg15 : memref<!tpu.dma_semaphore, #tpu.memory_space<semaphore_mem>>)
      %slice3A_143 = vector.extract_strided_slice %get3A_94 {offsets = [1], sizes = [1], strides = [1]} : vector<16xi32> to vector<1xi32>
      %squeeze3A_144 = vector.extract %slice3A_143[0] : i32 from vector<1xi32>
      %dma_start3A_145 = arith.constant 0 : i32
      %dma_start3A_146 = tpu.memref_slice %arg11[%add3A_128, %dma_start3A_145] : memref<256x64xf32, #tpu.memory_space<vmem>> -> memref<1x64xf32, #tpu.memory_space<vmem>>
      %dma_start3A_147 = tpu.memref_squeeze %dma_start3A_146 : memref<1x64xf32, #tpu.memory_space<vmem>> -> memref<64xf32, #tpu.memory_space<vmem>>
      %dma_start3A_148 = arith.constant 0 : i32
      %dma_start3A_149 = tpu.memref_slice %arg5[%squeeze3A_144, %dma_start3A_148] : memref<100000x64xf32, #tpu.memory_space<hbm>> -> memref<1x64xf32, #tpu.memory_space<hbm>>
      %dma_start3A_150 = tpu.memref_squeeze %dma_start3A_149 : memref<1x64xf32, #tpu.memory_space<hbm>> -> memref<64xf32, #tpu.memory_space<hbm>>
      %dma_start3A_151 = arith.constant 0 : i32
      %dma_start3A_152 = tpu.memref_slice %arg11[%add3A_128, %dma_start3A_151] : memref<256x64xf32, #tpu.memory_space<vmem>> -> memref<1x64xf32, #tpu.memory_space<vmem>>
      %dma_start3A_153 = tpu.memref_squeeze %dma_start3A_152 : memref<1x64xf32, #tpu.memory_space<vmem>> -> memref<64xf32, #tpu.memory_space<vmem>>
      %dma_start3A_154 = arith.constant 0 : i32
      %dma_start3A_155 = tpu.memref_slice %arg5[%squeeze3A_144, %dma_start3A_154] : memref<100000x64xf32, #tpu.memory_space<hbm>> -> memref<1x64xf32, #tpu.memory_space<hbm>>
      %dma_start3A_156 = tpu.memref_squeeze %dma_start3A_155 : memref<1x64xf32, #tpu.memory_space<hbm>> -> memref<64xf32, #tpu.memory_space<hbm>>
      tpu.enqueue_dma source(%dma_start3A_156 : memref<64xf32, #tpu.memory_space<hbm>>) target(%dma_start3A_153 : memref<64xf32, #tpu.memory_space<vmem>>) target_semaphore(%arg15 : memref<!tpu.dma_semaphore, #tpu.memory_space<semaphore_mem>>)
      %mul3A_157 = arith.constant 16 : i32
      %mul3A_158 = arith.muli %add3A_83, %mul3A_157 : i32
      %add3A_159 = arith.constant 2 : i32
      %add3A_160 = arith.addi %mul3A_158, %add3A_159 : i32
      %slice3A_161 = vector.extract_strided_slice %get3A_88 {offsets = [2], sizes = [1], strides = [1]} : vector<16xi32> to vector<1xi32>
      %squeeze3A_162 = vector.extract %slice3A_161[0] : i32 from vector<1xi32>
      %dma_start3A_163 = arith.constant 0 : i32
      %dma_start3A_164 = tpu.memref_slice %arg10[%add3A_160, %dma_start3A_163] : memref<256x64xf32, #tpu.memory_space<vmem>> -> memref<1x64xf32, #tpu.memory_space<vmem>>
      %dma_start3A_165 = tpu.memref_squeeze %dma_start3A_164 : memref<1x64xf32, #tpu.memory_space<vmem>> -> memref<64xf32, #tpu.memory_space<vmem>>
      %dma_start3A_166 = arith.constant 0 : i32
      %dma_start3A_167 = tpu.memref_slice %arg4[%squeeze3A_162, %dma_start3A_166] : memref<1000000x64xf32, #tpu.memory_space<hbm>> -> memref<1x64xf32, #tpu.memory_space<hbm>>
      %dma_start3A_168 = tpu.memref_squeeze %dma_start3A_167 : memref<1x64xf32, #tpu.memory_space<hbm>> -> memref<64xf32, #tpu.memory_space<hbm>>
      %dma_start3A_169 = arith.constant 0 : i32
      %dma_start3A_170 = tpu.memref_slice %arg10[%add3A_160, %dma_start3A_169] : memref<256x64xf32, #tpu.memory_space<vmem>> -> memref<1x64xf32, #tpu.memory_space<vmem>>
      %dma_start3A_171 = tpu.memref_squeeze %dma_start3A_170 : memref<1x64xf32, #tpu.memory_space<vmem>> -> memref<64xf32, #tpu.memory_space<vmem>>
      %dma_start3A_172 = arith.constant 0 : i32
      %dma_start3A_173 = tpu.memref_slice %arg4[%squeeze3A_162, %dma_start3A_172] : memref<1000000x64xf32, #tpu.memory_space<hbm>> -> memref<1x64xf32, #tpu.memory_space<hbm>>
      %dma_start3A_174 = tpu.memref_squeeze %dma_start3A_173 : memref<1x64xf32, #tpu.memory_space<hbm>> -> memref<64xf32, #tpu.memory_space<hbm>>
      tpu.enqueue_dma source(%dma_start3A_174 : memref<64xf32, #tpu.memory_space<hbm>>) target(%dma_start3A_171 : memref<64xf32, #tpu.memory_space<vmem>>) target_semaphore(%arg15 : memref<!tpu.dma_semaphore, #tpu.memory_space<semaphore_mem>>)
      %slice3A_175 = vector.extract_strided_slice %get3A_94 {offsets = [2], sizes = [1], strides = [1]} : vector<16xi32> to vector<1xi32>
      %squeeze3A_176 = vector.extract %slice3A_175[0] : i32 from vector<1xi32>
      %dma_start3A_177 = arith.constant 0 : i32
      %dma_start3A_178 = tpu.memref_slice %arg11[%add3A_160, %dma_start3A_177] : memref<256x64xf32, #tpu.memory_space<vmem>> -> memref<1x64xf32, #tpu.memory_space<vmem>>
      %dma_start3A_179 = tpu.memref_squeeze %dma_start3A_178 : memref<1x64xf32, #tpu.memory_space<vmem>> -> memref<64xf32, #tpu.memory_space<vmem>>
      %dma_start3A_180 = arith.constant 0 : i32
      %dma_start3A_181 = tpu.memref_slice %arg5[%squeeze3A_176, %dma_start3A_180] : memref<100000x64xf32, #tpu.memory_space<hbm>> -> memref<1x64xf32, #tpu.memory_space<hbm>>
      %dma_start3A_182 = tpu.memref_squeeze %dma_start3A_181 : memref<1x64xf32, #tpu.memory_space<hbm>> -> memref<64xf32, #tpu.memory_space<hbm>>
      %dma_start3A_183 = arith.constant 0 : i32
      %dma_start3A_184 = tpu.memref_slice %arg11[%add3A_160, %dma_start3A_183] : memref<256x64xf32, #tpu.memory_space<vmem>> -> memref<1x64xf32, #tpu.memory_space<vmem>>
      %dma_start3A_185 = tpu.memref_squeeze %dma_start3A_184 : memref<1x64xf32, #tpu.memory_space<vmem>> -> memref<64xf32, #tpu.memory_space<vmem>>
      %dma_start3A_186 = arith.constant 0 : i32
      %dma_start3A_187 = tpu.memref_slice %arg5[%squeeze3A_176, %dma_start3A_186] : memref<100000x64xf32, #tpu.memory_space<hbm>> -> memref<1x64xf32, #tpu.memory_space<hbm>>
      %dma_start3A_188 = tpu.memref_squeeze %dma_start3A_187 : memref<1x64xf32, #tpu.memory_space<hbm>> -> memref<64xf32, #tpu.memory_space<hbm>>
      tpu.enqueue_dma source(%dma_start3A_188 : memref<64xf32, #tpu.memory_space<hbm>>) target(%dma_start3A_185 : memref<64xf32, #tpu.memory_space<vmem>>) target_semaphore(%arg15 : memref<!tpu.dma_semaphore, #tpu.memory_space<semaphore_mem>>)
      %mul3A_189 = arith.constant 16 : i32
      %mul3A_190 = arith.muli %add3A_83, %mul3A_189 : i32
      %add3A_191 = arith.constant 3 : i32
      %add3A_192 = arith.addi %mul3A_190, %add3A_191 : i32
      %slice3A_193 = vector.extract_strided_slice %get3A_88 {offsets = [3], sizes = [1], strides = [1]} : vector<16xi32> to vector<1xi32>
      %squeeze3A_194 = vector.extract %slice3A_193[0] : i32 from vector<1xi32>
      %dma_start3A_195 = arith.constant 0 : i32
      %dma_start3A_196 = tpu.memref_slice %arg10[%add3A_192, %dma_start3A_195] : memref<256x64xf32, #tpu.memory_space<vmem>> -> memref<1x64xf32, #tpu.memory_space<vmem>>
      %dma_start3A_197 = tpu.memref_squeeze %dma_start3A_196 : memref<1x64xf32, #tpu.memory_space<vmem>> -> memref<64xf32, #tpu.memory_space<vmem>>
      %dma_start3A_198 = arith.constant 0 : i32
      %dma_start3A_199 = tpu.memref_slice %arg4[%squeeze3A_194, %dma_start3A_198] : memref<1000000x64xf32, #tpu.memory_space<hbm>> -> memref<1x64xf32, #tpu.memory_space<hbm>>
      %dma_start3A_200 = tpu.memref_squeeze %dma_start3A_199 : memref<1x64xf32, #tpu.memory_space<hbm>> -> memref<64xf32, #tpu.memory_space<hbm>>
      %dma_start3A_201 = arith.constant 0 : i32
      %dma_start3A_202 = tpu.memref_slice %arg10[%add3A_192, %dma_start3A_201] : memref<256x64xf32, #tpu.memory_space<vmem>> -> memref<1x64xf32, #tpu.memory_space<vmem>>
      %dma_start3A_203 = tpu.memref_squeeze %dma_start3A_202 : memref<1x64xf32, #tpu.memory_space<vmem>> -> memref<64xf32, #tpu.memory_space<vmem>>
      %dma_start3A_204 = arith.constant 0 : i32
      %dma_start3A_205 = tpu.memref_slice %arg4[%squeeze3A_194, %dma_start3A_204] : memref<1000000x64xf32, #tpu.memory_space<hbm>> -> memref<1x64xf32, #tpu.memory_space<hbm>>
      %dma_start3A_206 = tpu.memref_squeeze %dma_start3A_205 : memref<1x64xf32, #tpu.memory_space<hbm>> -> memref<64xf32, #tpu.memory_space<hbm>>
      tpu.enqueue_dma source(%dma_start3A_206 : memref<64xf32, #tpu.memory_space<hbm>>) target(%dma_start3A_203 : memref<64xf32, #tpu.memory_space<vmem>>) target_semaphore(%arg15 : memref<!tpu.dma_semaphore, #tpu.memory_space<semaphore_mem>>)
      %slice3A_207 = vector.extract_strided_slice %get3A_94 {offsets = [3], sizes = [1], strides = [1]} : vector<16xi32> to vector<1xi32>
      %squeeze3A_208 = vector.extract %slice3A_207[0] : i32 from vector<1xi32>
      %dma_start3A_209 = arith.constant 0 : i32
      %dma_start3A_210 = tpu.memref_slice %arg11[%add3A_192, %dma_start3A_209] : memref<256x64xf32, #tpu.memory_space<vmem>> -> memref<1x64xf32, #tpu.memory_space<vmem>>
      %dma_start3A_211 = tpu.memref_squeeze %dma_start3A_210 : memref<1x64xf32, #tpu.memory_space<vmem>> -> memref<64xf32, #tpu.memory_space<vmem>>
      %dma_start3A_212 = arith.constant 0 : i32
      %dma_start3A_213 = tpu.memref_slice %arg5[%squeeze3A_208, %dma_start3A_212] : memref<100000x64xf32, #tpu.memory_space<hbm>> -> memref<1x64xf32, #tpu.memory_space<hbm>>
      %dma_start3A_214 = tpu.memref_squeeze %dma_start3A_213 : memref<1x64xf32, #tpu.memory_space<hbm>> -> memref<64xf32, #tpu.memory_space<hbm>>
      %dma_start3A_215 = arith.constant 0 : i32
      %dma_start3A_216 = tpu.memref_slice %arg11[%add3A_192, %dma_start3A_215] : memref<256x64xf32, #tpu.memory_space<vmem>> -> memref<1x64xf32, #tpu.memory_space<vmem>>
      %dma_start3A_217 = tpu.memref_squeeze %dma_start3A_216 : memref<1x64xf32, #tpu.memory_space<vmem>> -> memref<64xf32, #tpu.memory_space<vmem>>
      %dma_start3A_218 = arith.constant 0 : i32
      %dma_start3A_219 = tpu.memref_slice %arg5[%squeeze3A_208, %dma_start3A_218] : memref<100000x64xf32, #tpu.memory_space<hbm>> -> memref<1x64xf32, #tpu.memory_space<hbm>>
      %dma_start3A_220 = tpu.memref_squeeze %dma_start3A_219 : memref<1x64xf32, #tpu.memory_space<hbm>> -> memref<64xf32, #tpu.memory_space<hbm>>
      tpu.enqueue_dma source(%dma_start3A_220 : memref<64xf32, #tpu.memory_space<hbm>>) target(%dma_start3A_217 : memref<64xf32, #tpu.memory_space<vmem>>) target_semaphore(%arg15 : memref<!tpu.dma_semaphore, #tpu.memory_space<semaphore_mem>>)
      %mul3A_221 = arith.constant 16 : i32
      %mul3A_222 = arith.muli %add3A_83, %mul3A_221 : i32
      %add3A_223 = arith.constant 4 : i32
      %add3A_224 = arith.addi %mul3A_222, %add3A_223 : i32
      %slice3A_225 = vector.extract_strided_slice %get3A_88 {offsets = [4], sizes = [1], strides = [1]} : vector<16xi32> to vector<1xi32>
      %squeeze3A_226 = vector.extract %slice3A_225[0] : i32 from vector<1xi32>
      %dma_start3A_227 = arith.constant 0 : i32
      %dma_start3A_228 = tpu.memref_slice %arg10[%add3A_224, %dma_start3A_227] : memref<256x64xf32, #tpu.memory_space<vmem>> -> memref<1x64xf32, #tpu.memory_space<vmem>>
      %dma_start3A_229 = tpu.memref_squeeze %dma_start3A_228 : memref<1x64xf32, #tpu.memory_space<vmem>> -> memref<64xf32, #tpu.memory_space<vmem>>
      %dma_start3A_230 = arith.constant 0 : i32
      %dma_start3A_231 = tpu.memref_slice %arg4[%squeeze3A_226, %dma_start3A_230] : memref<1000000x64xf32, #tpu.memory_space<hbm>> -> memref<1x64xf32, #tpu.memory_space<hbm>>
      %dma_start3A_232 = tpu.memref_squeeze %dma_start3A_231 : memref<1x64xf32, #tpu.memory_space<hbm>> -> memref<64xf32, #tpu.memory_space<hbm>>
      %dma_start3A_233 = arith.constant 0 : i32
      %dma_start3A_234 = tpu.memref_slice %arg10[%add3A_224, %dma_start3A_233] : memref<256x64xf32, #tpu.memory_space<vmem>> -> memref<1x64xf32, #tpu.memory_space<vmem>>
      %dma_start3A_235 = tpu.memref_squeeze %dma_start3A_234 : memref<1x64xf32, #tpu.memory_space<vmem>> -> memref<64xf32, #tpu.memory_space<vmem>>
      %dma_start3A_236 = arith.constant 0 : i32
      %dma_start3A_237 = tpu.memref_slice %arg4[%squeeze3A_226, %dma_start3A_236] : memref<1000000x64xf32, #tpu.memory_space<hbm>> -> memref<1x64xf32, #tpu.memory_space<hbm>>
      %dma_start3A_238 = tpu.memref_squeeze %dma_start3A_237 : memref<1x64xf32, #tpu.memory_space<hbm>> -> memref<64xf32, #tpu.memory_space<hbm>>
      tpu.enqueue_dma source(%dma_start3A_238 : memref<64xf32, #tpu.memory_space<hbm>>) target(%dma_start3A_235 : memref<64xf32, #tpu.memory_space<vmem>>) target_semaphore(%arg15 : memref<!tpu.dma_semaphore, #tpu.memory_space<semaphore_mem>>)
      %slice3A_239 = vector.extract_strided_slice %get3A_94 {offsets = [4], sizes = [1], strides = [1]} : vector<16xi32> to vector<1xi32>
      %squeeze3A_240 = vector.extract %slice3A_239[0] : i32 from vector<1xi32>
      %dma_start3A_241 = arith.constant 0 : i32
      %dma_start3A_242 = tpu.memref_slice %arg11[%add3A_224, %dma_start3A_241] : memref<256x64xf32, #tpu.memory_space<vmem>> -> memref<1x64xf32, #tpu.memory_space<vmem>>
      %dma_start3A_243 = tpu.memref_squeeze %dma_start3A_242 : memref<1x64xf32, #tpu.memory_space<vmem>> -> memref<64xf32, #tpu.memory_space<vmem>>
      %dma_start3A_244 = arith.constant 0 : i32
      %dma_start3A_245 = tpu.memref_slice %arg5[%squeeze3A_240, %dma_start3A_244] : memref<100000x64xf32, #tpu.memory_space<hbm>> -> memref<1x64xf32, #tpu.memory_space<hbm>>
      %dma_start3A_246 = tpu.memref_squeeze %dma_start3A_245 : memref<1x64xf32, #tpu.memory_space<hbm>> -> memref<64xf32, #tpu.memory_space<hbm>>
      %dma_start3A_247 = arith.constant 0 : i32
      %dma_start3A_248 = tpu.memref_slice %arg11[%add3A_224, %dma_start3A_247] : memref<256x64xf32, #tpu.memory_space<vmem>> -> memref<1x64xf32, #tpu.memory_space<vmem>>
      %dma_start3A_249 = tpu.memref_squeeze %dma_start3A_248 : memref<1x64xf32, #tpu.memory_space<vmem>> -> memref<64xf32, #tpu.memory_space<vmem>>
      %dma_start3A_250 = arith.constant 0 : i32
      %dma_start3A_251 = tpu.memref_slice %arg5[%squeeze3A_240, %dma_start3A_250] : memref<100000x64xf32, #tpu.memory_space<hbm>> -> memref<1x64xf32, #tpu.memory_space<hbm>>
      %dma_start3A_252 = tpu.memref_squeeze %dma_start3A_251 : memref<1x64xf32, #tpu.memory_space<hbm>> -> memref<64xf32, #tpu.memory_space<hbm>>
      tpu.enqueue_dma source(%dma_start3A_252 : memref<64xf32, #tpu.memory_space<hbm>>) target(%dma_start3A_249 : memref<64xf32, #tpu.memory_space<vmem>>) target_semaphore(%arg15 : memref<!tpu.dma_semaphore, #tpu.memory_space<semaphore_mem>>)
      %mul3A_253 = arith.constant 16 : i32
      %mul3A_254 = arith.muli %add3A_83, %mul3A_253 : i32
      %add3A_255 = arith.constant 5 : i32
      %add3A_256 = arith.addi %mul3A_254, %add3A_255 : i32
      %slice3A_257 = vector.extract_strided_slice %get3A_88 {offsets = [5], sizes = [1], strides = [1]} : vector<16xi32> to vector<1xi32>
      %squeeze3A_258 = vector.extract %slice3A_257[0] : i32 from vector<1xi32>
      %dma_start3A_259 = arith.constant 0 : i32
      %dma_start3A_260 = tpu.memref_slice %arg10[%add3A_256, %dma_start3A_259] : memref<256x64xf32, #tpu.memory_space<vmem>> -> memref<1x64xf32, #tpu.memory_space<vmem>>
      %dma_start3A_261 = tpu.memref_squeeze %dma_start3A_260 : memref<1x64xf32, #tpu.memory_space<vmem>> -> memref<64xf32, #tpu.memory_space<vmem>>
      %dma_start3A_262 = arith.constant 0 : i32
      %dma_start3A_263 = tpu.memref_slice %arg4[%squeeze3A_258, %dma_start3A_262] : memref<1000000x64xf32, #tpu.memory_space<hbm>> -> memref<1x64xf32, #tpu.memory_space<hbm>>
      %dma_start3A_264 = tpu.memref_squeeze %dma_start3A_263 : memref<1x64xf32, #tpu.memory_space<hbm>> -> memref<64xf32, #tpu.memory_space<hbm>>
      %dma_start3A_265 = arith.constant 0 : i32
      %dma_start3A_266 = tpu.memref_slice %arg10[%add3A_256, %dma_start3A_265] : memref<256x64xf32, #tpu.memory_space<vmem>> -> memref<1x64xf32, #tpu.memory_space<vmem>>
      %dma_start3A_267 = tpu.memref_squeeze %dma_start3A_266 : memref<1x64xf32, #tpu.memory_space<vmem>> -> memref<64xf32, #tpu.memory_space<vmem>>
      %dma_start3A_268 = arith.constant 0 : i32
      %dma_start3A_269 = tpu.memref_slice %arg4[%squeeze3A_258, %dma_start3A_268] : memref<1000000x64xf32, #tpu.memory_space<hbm>> -> memref<1x64xf32, #tpu.memory_space<hbm>>
      %dma_start3A_270 = tpu.memref_squeeze %dma_start3A_269 : memref<1x64xf32, #tpu.memory_space<hbm>> -> memref<64xf32, #tpu.memory_space<hbm>>
      tpu.enqueue_dma source(%dma_start3A_270 : memref<64xf32, #tpu.memory_space<hbm>>) target(%dma_start3A_267 : memref<64xf32, #tpu.memory_space<vmem>>) target_semaphore(%arg15 : memref<!tpu.dma_semaphore, #tpu.memory_space<semaphore_mem>>)
      %slice3A_271 = vector.extract_strided_slice %get3A_94 {offsets = [5], sizes = [1], strides = [1]} : vector<16xi32> to vector<1xi32>
      %squeeze3A_272 = vector.extract %slice3A_271[0] : i32 from vector<1xi32>
      %dma_start3A_273 = arith.constant 0 : i32
      %dma_start3A_274 = tpu.memref_slice %arg11[%add3A_256, %dma_start3A_273] : memref<256x64xf32, #tpu.memory_space<vmem>> -> memref<1x64xf32, #tpu.memory_space<vmem>>
      %dma_start3A_275 = tpu.memref_squeeze %dma_start3A_274 : memref<1x64xf32, #tpu.memory_space<vmem>> -> memref<64xf32, #tpu.memory_space<vmem>>
      %dma_start3A_276 = arith.constant 0 : i32
      %dma_start3A_277 = tpu.memref_slice %arg5[%squeeze3A_272, %dma_start3A_276] : memref<100000x64xf32, #tpu.memory_space<hbm>> -> memref<1x64xf32, #tpu.memory_space<hbm>>
      %dma_start3A_278 = tpu.memref_squeeze %dma_start3A_277 : memref<1x64xf32, #tpu.memory_space<hbm>> -> memref<64xf32, #tpu.memory_space<hbm>>
      %dma_start3A_279 = arith.constant 0 : i32
      %dma_start3A_280 = tpu.memref_slice %arg11[%add3A_256, %dma_start3A_279] : memref<256x64xf32, #tpu.memory_space<vmem>> -> memref<1x64xf32, #tpu.memory_space<vmem>>
      %dma_start3A_281 = tpu.memref_squeeze %dma_start3A_280 : memref<1x64xf32, #tpu.memory_space<vmem>> -> memref<64xf32, #tpu.memory_space<vmem>>
      %dma_start3A_282 = arith.constant 0 : i32
      %dma_start3A_283 = tpu.memref_slice %arg5[%squeeze3A_272, %dma_start3A_282] : memref<100000x64xf32, #tpu.memory_space<hbm>> -> memref<1x64xf32, #tpu.memory_space<hbm>>
      %dma_start3A_284 = tpu.memref_squeeze %dma_start3A_283 : memref<1x64xf32, #tpu.memory_space<hbm>> -> memref<64xf32, #tpu.memory_space<hbm>>
      tpu.enqueue_dma source(%dma_start3A_284 : memref<64xf32, #tpu.memory_space<hbm>>) target(%dma_start3A_281 : memref<64xf32, #tpu.memory_space<vmem>>) target_semaphore(%arg15 : memref<!tpu.dma_semaphore, #tpu.memory_space<semaphore_mem>>)
      %mul3A_285 = arith.constant 16 : i32
      %mul3A_286 = arith.muli %add3A_83, %mul3A_285 : i32
      %add3A_287 = arith.constant 6 : i32
      %add3A_288 = arith.addi %mul3A_286, %add3A_287 : i32
      %slice3A_289 = vector.extract_strided_slice %get3A_88 {offsets = [6], sizes = [1], strides = [1]} : vector<16xi32> to vector<1xi32>
      %squeeze3A_290 = vector.extract %slice3A_289[0] : i32 from vector<1xi32>
      %dma_start3A_291 = arith.constant 0 : i32
      %dma_start3A_292 = tpu.memref_slice %arg10[%add3A_288, %dma_start3A_291] : memref<256x64xf32, #tpu.memory_space<vmem>> -> memref<1x64xf32, #tpu.memory_space<vmem>>
      %dma_start3A_293 = tpu.memref_squeeze %dma_start3A_292 : memref<1x64xf32, #tpu.memory_space<vmem>> -> memref<64xf32, #tpu.memory_space<vmem>>
      %dma_start3A_294 = arith.constant 0 : i32
      %dma_start3A_295 = tpu.memref_slice %arg4[%squeeze3A_290, %dma_start3A_294] : memref<1000000x64xf32, #tpu.memory_space<hbm>> -> memref<1x64xf32, #tpu.memory_space<hbm>>
      %dma_start3A_296 = tpu.memref_squeeze %dma_start3A_295 : memref<1x64xf32, #tpu.memory_space<hbm>> -> memref<64xf32, #tpu.memory_space<hbm>>
      %dma_start3A_297 = arith.constant 0 : i32
      %dma_start3A_298 = tpu.memref_slice %arg10[%add3A_288, %dma_start3A_297] : memref<256x64xf32, #tpu.memory_space<vmem>> -> memref<1x64xf32, #tpu.memory_space<vmem>>
      %dma_start3A_299 = tpu.memref_squeeze %dma_start3A_298 : memref<1x64xf32, #tpu.memory_space<vmem>> -> memref<64xf32, #tpu.memory_space<vmem>>
      %dma_start3A_300 = arith.constant 0 : i32
      %dma_start3A_301 = tpu.memref_slice %arg4[%squeeze3A_290, %dma_start3A_300] : memref<1000000x64xf32, #tpu.memory_space<hbm>> -> memref<1x64xf32, #tpu.memory_space<hbm>>
      %dma_start3A_302 = tpu.memref_squeeze %dma_start3A_301 : memref<1x64xf32, #tpu.memory_space<hbm>> -> memref<64xf32, #tpu.memory_space<hbm>>
      tpu.enqueue_dma source(%dma_start3A_302 : memref<64xf32, #tpu.memory_space<hbm>>) target(%dma_start3A_299 : memref<64xf32, #tpu.memory_space<vmem>>) target_semaphore(%arg15 : memref<!tpu.dma_semaphore, #tpu.memory_space<semaphore_mem>>)
      %slice3A_303 = vector.extract_strided_slice %get3A_94 {offsets = [6], sizes = [1], strides = [1]} : vector<16xi32> to vector<1xi32>
      %squeeze3A_304 = vector.extract %slice3A_303[0] : i32 from vector<1xi32>
      %dma_start3A_305 = arith.constant 0 : i32
      %dma_start3A_306 = tpu.memref_slice %arg11[%add3A_288, %dma_start3A_305] : memref<256x64xf32, #tpu.memory_space<vmem>> -> memref<1x64xf32, #tpu.memory_space<vmem>>
      %dma_start3A_307 = tpu.memref_squeeze %dma_start3A_306 : memref<1x64xf32, #tpu.memory_space<vmem>> -> memref<64xf32, #tpu.memory_space<vmem>>
      %dma_start3A_308 = arith.constant 0 : i32
      %dma_start3A_309 = tpu.memref_slice %arg5[%squeeze3A_304, %dma_start3A_308] : memref<100000x64xf32, #tpu.memory_space<hbm>> -> memref<1x64xf32, #tpu.memory_space<hbm>>
      %dma_start3A_310 = tpu.memref_squeeze %dma_start3A_309 : memref<1x64xf32, #tpu.memory_space<hbm>> -> memref<64xf32, #tpu.memory_space<hbm>>
      %dma_start3A_311 = arith.constant 0 : i32
      %dma_start3A_312 = tpu.memref_slice %arg11[%add3A_288, %dma_start3A_311] : memref<256x64xf32, #tpu.memory_space<vmem>> -> memref<1x64xf32, #tpu.memory_space<vmem>>
      %dma_start3A_313 = tpu.memref_squeeze %dma_start3A_312 : memref<1x64xf32, #tpu.memory_space<vmem>> -> memref<64xf32, #tpu.memory_space<vmem>>
      %dma_start3A_314 = arith.constant 0 : i32
      %dma_start3A_315 = tpu.memref_slice %arg5[%squeeze3A_304, %dma_start3A_314] : memref<100000x64xf32, #tpu.memory_space<hbm>> -> memref<1x64xf32, #tpu.memory_space<hbm>>
      %dma_start3A_316 = tpu.memref_squeeze %dma_start3A_315 : memref<1x64xf32, #tpu.memory_space<hbm>> -> memref<64xf32, #tpu.memory_space<hbm>>
      tpu.enqueue_dma source(%dma_start3A_316 : memref<64xf32, #tpu.memory_space<hbm>>) target(%dma_start3A_313 : memref<64xf32, #tpu.memory_space<vmem>>) target_semaphore(%arg15 : memref<!tpu.dma_semaphore, #tpu.memory_space<semaphore_mem>>)
      %mul3A_317 = arith.constant 16 : i32
      %mul3A_318 = arith.muli %add3A_83, %mul3A_317 : i32
      %add3A_319 = arith.constant 7 : i32
      %add3A_320 = arith.addi %mul3A_318, %add3A_319 : i32
      %slice3A_321 = vector.extract_strided_slice %get3A_88 {offsets = [7], sizes = [1], strides = [1]} : vector<16xi32> to vector<1xi32>
      %squeeze3A_322 = vector.extract %slice3A_321[0] : i32 from vector<1xi32>
      %dma_start3A_323 = arith.constant 0 : i32
      %dma_start3A_324 = tpu.memref_slice %arg10[%add3A_320, %dma_start3A_323] : memref<256x64xf32, #tpu.memory_space<vmem>> -> memref<1x64xf32, #tpu.memory_space<vmem>>
      %dma_start3A_325 = tpu.memref_squeeze %dma_start3A_324 : memref<1x64xf32, #tpu.memory_space<vmem>> -> memref<64xf32, #tpu.memory_space<vmem>>
      %dma_start3A_326 = arith.constant 0 : i32
      %dma_start3A_327 = tpu.memref_slice %arg4[%squeeze3A_322, %dma_start3A_326] : memref<1000000x64xf32, #tpu.memory_space<hbm>> -> memref<1x64xf32, #tpu.memory_space<hbm>>
      %dma_start3A_328 = tpu.memref_squeeze %dma_start3A_327 : memref<1x64xf32, #tpu.memory_space<hbm>> -> memref<64xf32, #tpu.memory_space<hbm>>
      %dma_start3A_329 = arith.constant 0 : i32
      %dma_start3A_330 = tpu.memref_slice %arg10[%add3A_320, %dma_start3A_329] : memref<256x64xf32, #tpu.memory_space<vmem>> -> memref<1x64xf32, #tpu.memory_space<vmem>>
      %dma_start3A_331 = tpu.memref_squeeze %dma_start3A_330 : memref<1x64xf32, #tpu.memory_space<vmem>> -> memref<64xf32, #tpu.memory_space<vmem>>
      %dma_start3A_332 = arith.constant 0 : i32
      %dma_start3A_333 = tpu.memref_slice %arg4[%squeeze3A_322, %dma_start3A_332] : memref<1000000x64xf32, #tpu.memory_space<hbm>> -> memref<1x64xf32, #tpu.memory_space<hbm>>
      %dma_start3A_334 = tpu.memref_squeeze %dma_start3A_333 : memref<1x64xf32, #tpu.memory_space<hbm>> -> memref<64xf32, #tpu.memory_space<hbm>>
      tpu.enqueue_dma source(%dma_start3A_334 : memref<64xf32, #tpu.memory_space<hbm>>) target(%dma_start3A_331 : memref<64xf32, #tpu.memory_space<vmem>>) target_semaphore(%arg15 : memref<!tpu.dma_semaphore, #tpu.memory_space<semaphore_mem>>)
      %slice3A_335 = vector.extract_strided_slice %get3A_94 {offsets = [7], sizes = [1], strides = [1]} : vector<16xi32> to vector<1xi32>
      %squeeze3A_336 = vector.extract %slice3A_335[0] : i32 from vector<1xi32>
      %dma_start3A_337 = arith.constant 0 : i32
      %dma_start3A_338 = tpu.memref_slice %arg11[%add3A_320, %dma_start3A_337] : memref<256x64xf32, #tpu.memory_space<vmem>> -> memref<1x64xf32, #tpu.memory_space<vmem>>
      %dma_start3A_339 = tpu.memref_squeeze %dma_start3A_338 : memref<1x64xf32, #tpu.memory_space<vmem>> -> memref<64xf32, #tpu.memory_space<vmem>>
      %dma_start3A_340 = arith.constant 0 : i32
      %dma_start3A_341 = tpu.memref_slice %arg5[%squeeze3A_336, %dma_start3A_340] : memref<100000x64xf32, #tpu.memory_space<hbm>> -> memref<1x64xf32, #tpu.memory_space<hbm>>
      %dma_start3A_342 = tpu.memref_squeeze %dma_start3A_341 : memref<1x64xf32, #tpu.memory_space<hbm>> -> memref<64xf32, #tpu.memory_space<hbm>>
      %dma_start3A_343 = arith.constant 0 : i32
      %dma_start3A_344 = tpu.memref_slice %arg11[%add3A_320, %dma_start3A_343] : memref<256x64xf32, #tpu.memory_space<vmem>> -> memref<1x64xf32, #tpu.memory_space<vmem>>
      %dma_start3A_345 = tpu.memref_squeeze %dma_start3A_344 : memref<1x64xf32, #tpu.memory_space<vmem>> -> memref<64xf32, #tpu.memory_space<vmem>>
      %dma_start3A_346 = arith.constant 0 : i32
      %dma_start3A_347 = tpu.memref_slice %arg5[%squeeze3A_336, %dma_start3A_346] : memref<100000x64xf32, #tpu.memory_space<hbm>> -> memref<1x64xf32, #tpu.memory_space<hbm>>
      %dma_start3A_348 = tpu.memref_squeeze %dma_start3A_347 : memref<1x64xf32, #tpu.memory_space<hbm>> -> memref<64xf32, #tpu.memory_space<hbm>>
      tpu.enqueue_dma source(%dma_start3A_348 : memref<64xf32, #tpu.memory_space<hbm>>) target(%dma_start3A_345 : memref<64xf32, #tpu.memory_space<vmem>>) target_semaphore(%arg15 : memref<!tpu.dma_semaphore, #tpu.memory_space<semaphore_mem>>)
      %mul3A_349 = arith.constant 16 : i32
      %mul3A_350 = arith.muli %add3A_83, %mul3A_349 : i32
      %add3A_351 = arith.constant 8 : i32
      %add3A_352 = arith.addi %mul3A_350, %add3A_351 : i32
      %slice3A_353 = vector.extract_strided_slice %get3A_88 {offsets = [8], sizes = [1], strides = [1]} : vector<16xi32> to vector<1xi32>
      %squeeze3A_354 = vector.extract %slice3A_353[0] : i32 from vector<1xi32>
      %dma_start3A_355 = arith.constant 0 : i32
      %dma_start3A_356 = tpu.memref_slice %arg10[%add3A_352, %dma_start3A_355] : memref<256x64xf32, #tpu.memory_space<vmem>> -> memref<1x64xf32, #tpu.memory_space<vmem>>
      %dma_start3A_357 = tpu.memref_squeeze %dma_start3A_356 : memref<1x64xf32, #tpu.memory_space<vmem>> -> memref<64xf32, #tpu.memory_space<vmem>>
      %dma_start3A_358 = arith.constant 0 : i32
      %dma_start3A_359 = tpu.memref_slice %arg4[%squeeze3A_354, %dma_start3A_358] : memref<1000000x64xf32, #tpu.memory_space<hbm>> -> memref<1x64xf32, #tpu.memory_space<hbm>>
      %dma_start3A_360 = tpu.memref_squeeze %dma_start3A_359 : memref<1x64xf32, #tpu.memory_space<hbm>> -> memref<64xf32, #tpu.memory_space<hbm>>
      %dma_start3A_361 = arith.constant 0 : i32
      %dma_start3A_362 = tpu.memref_slice %arg10[%add3A_352, %dma_start3A_361] : memref<256x64xf32, #tpu.memory_space<vmem>> -> memref<1x64xf32, #tpu.memory_space<vmem>>
      %dma_start3A_363 = tpu.memref_squeeze %dma_start3A_362 : memref<1x64xf32, #tpu.memory_space<vmem>> -> memref<64xf32, #tpu.memory_space<vmem>>
      %dma_start3A_364 = arith.constant 0 : i32
      %dma_start3A_365 = tpu.memref_slice %arg4[%squeeze3A_354, %dma_start3A_364] : memref<1000000x64xf32, #tpu.memory_space<hbm>> -> memref<1x64xf32, #tpu.memory_space<hbm>>
      %dma_start3A_366 = tpu.memref_squeeze %dma_start3A_365 : memref<1x64xf32, #tpu.memory_space<hbm>> -> memref<64xf32, #tpu.memory_space<hbm>>
      tpu.enqueue_dma source(%dma_start3A_366 : memref<64xf32, #tpu.memory_space<hbm>>) target(%dma_start3A_363 : memref<64xf32, #tpu.memory_space<vmem>>) target_semaphore(%arg15 : memref<!tpu.dma_semaphore, #tpu.memory_space<semaphore_mem>>)
      %slice3A_367 = vector.extract_strided_slice %get3A_94 {offsets = [8], sizes = [1], strides = [1]} : vector<16xi32> to vector<1xi32>
      %squeeze3A_368 = vector.extract %slice3A_367[0] : i32 from vector<1xi32>
      %dma_start3A_369 = arith.constant 0 : i32
      %dma_start3A_370 = tpu.memref_slice %arg11[%add3A_352, %dma_start3A_369] : memref<256x64xf32, #tpu.memory_space<vmem>> -> memref<1x64xf32, #tpu.memory_space<vmem>>
      %dma_start3A_371 = tpu.memref_squeeze %dma_start3A_370 : memref<1x64xf32, #tpu.memory_space<vmem>> -> memref<64xf32, #tpu.memory_space<vmem>>
      %dma_start3A_372 = arith.constant 0 : i32
      %dma_start3A_373 = tpu.memref_slice %arg5[%squeeze3A_368, %dma_start3A_372] : memref<100000x64xf32, #tpu.memory_space<hbm>> -> memref<1x64xf32, #tpu.memory_space<hbm>>
      %dma_start3A_374 = tpu.memref_squeeze %dma_start3A_373 : memref<1x64xf32, #tpu.memory_space<hbm>> -> memref<64xf32, #tpu.memory_space<hbm>>
      %dma_start3A_375 = arith.constant 0 : i32
      %dma_start3A_376 = tpu.memref_slice %arg11[%add3A_352, %dma_start3A_375] : memref<256x64xf32, #tpu.memory_space<vmem>> -> memref<1x64xf32, #tpu.memory_space<vmem>>
      %dma_start3A_377 = tpu.memref_squeeze %dma_start3A_376 : memref<1x64xf32, #tpu.memory_space<vmem>> -> memref<64xf32, #tpu.memory_space<vmem>>
      %dma_start3A_378 = arith.constant 0 : i32
      %dma_start3A_379 = tpu.memref_slice %arg5[%squeeze3A_368, %dma_start3A_378] : memref<100000x64xf32, #tpu.memory_space<hbm>> -> memref<1x64xf32, #tpu.memory_space<hbm>>
      %dma_start3A_380 = tpu.memref_squeeze %dma_start3A_379 : memref<1x64xf32, #tpu.memory_space<hbm>> -> memref<64xf32, #tpu.memory_space<hbm>>
      tpu.enqueue_dma source(%dma_start3A_380 : memref<64xf32, #tpu.memory_space<hbm>>) target(%dma_start3A_377 : memref<64xf32, #tpu.memory_space<vmem>>) target_semaphore(%arg15 : memref<!tpu.dma_semaphore, #tpu.memory_space<semaphore_mem>>)
      %mul3A_381 = arith.constant 16 : i32
      %mul3A_382 = arith.muli %add3A_83, %mul3A_381 : i32
      %add3A_383 = arith.constant 9 : i32
      %add3A_384 = arith.addi %mul3A_382, %add3A_383 : i32
      %slice3A_385 = vector.extract_strided_slice %get3A_88 {offsets = [9], sizes = [1], strides = [1]} : vector<16xi32> to vector<1xi32>
      %squeeze3A_386 = vector.extract %slice3A_385[0] : i32 from vector<1xi32>
      %dma_start3A_387 = arith.constant 0 : i32
      %dma_start3A_388 = tpu.memref_slice %arg10[%add3A_384, %dma_start3A_387] : memref<256x64xf32, #tpu.memory_space<vmem>> -> memref<1x64xf32, #tpu.memory_space<vmem>>
      %dma_start3A_389 = tpu.memref_squeeze %dma_start3A_388 : memref<1x64xf32, #tpu.memory_space<vmem>> -> memref<64xf32, #tpu.memory_space<vmem>>
      %dma_start3A_390 = arith.constant 0 : i32
      %dma_start3A_391 = tpu.memref_slice %arg4[%squeeze3A_386, %dma_start3A_390] : memref<1000000x64xf32, #tpu.memory_space<hbm>> -> memref<1x64xf32, #tpu.memory_space<hbm>>
      %dma_start3A_392 = tpu.memref_squeeze %dma_start3A_391 : memref<1x64xf32, #tpu.memory_space<hbm>> -> memref<64xf32, #tpu.memory_space<hbm>>
      %dma_start3A_393 = arith.constant 0 : i32
      %dma_start3A_394 = tpu.memref_slice %arg10[%add3A_384, %dma_start3A_393] : memref<256x64xf32, #tpu.memory_space<vmem>> -> memref<1x64xf32, #tpu.memory_space<vmem>>
      %dma_start3A_395 = tpu.memref_squeeze %dma_start3A_394 : memref<1x64xf32, #tpu.memory_space<vmem>> -> memref<64xf32, #tpu.memory_space<vmem>>
      %dma_start3A_396 = arith.constant 0 : i32
      %dma_start3A_397 = tpu.memref_slice %arg4[%squeeze3A_386, %dma_start3A_396] : memref<1000000x64xf32, #tpu.memory_space<hbm>> -> memref<1x64xf32, #tpu.memory_space<hbm>>
      %dma_start3A_398 = tpu.memref_squeeze %dma_start3A_397 : memref<1x64xf32, #tpu.memory_space<hbm>> -> memref<64xf32, #tpu.memory_space<hbm>>
      tpu.enqueue_dma source(%dma_start3A_398 : memref<64xf32, #tpu.memory_space<hbm>>) target(%dma_start3A_395 : memref<64xf32, #tpu.memory_space<vmem>>) target_semaphore(%arg15 : memref<!tpu.dma_semaphore, #tpu.memory_space<semaphore_mem>>)
      %slice3A_399 = vector.extract_strided_slice %get3A_94 {offsets = [9], sizes = [1], strides = [1]} : vector<16xi32> to vector<1xi32>
      %squeeze3A_400 = vector.extract %slice3A_399[0] : i32 from vector<1xi32>
      %dma_start3A_401 = arith.constant 0 : i32
      %dma_start3A_402 = tpu.memref_slice %arg11[%add3A_384, %dma_start3A_401] : memref<256x64xf32, #tpu.memory_space<vmem>> -> memref<1x64xf32, #tpu.memory_space<vmem>>
      %dma_start3A_403 = tpu.memref_squeeze %dma_start3A_402 : memref<1x64xf32, #tpu.memory_space<vmem>> -> memref<64xf32, #tpu.memory_space<vmem>>
      %dma_start3A_404 = arith.constant 0 : i32
      %dma_start3A_405 = tpu.memref_slice %arg5[%squeeze3A_400, %dma_start3A_404] : memref<100000x64xf32, #tpu.memory_space<hbm>> -> memref<1x64xf32, #tpu.memory_space<hbm>>
      %dma_start3A_406 = tpu.memref_squeeze %dma_start3A_405 : memref<1x64xf32, #tpu.memory_space<hbm>> -> memref<64xf32, #tpu.memory_space<hbm>>
      %dma_start3A_407 = arith.constant 0 : i32
      %dma_start3A_408 = tpu.memref_slice %arg11[%add3A_384, %dma_start3A_407] : memref<256x64xf32, #tpu.memory_space<vmem>> -> memref<1x64xf32, #tpu.memory_space<vmem>>
      %dma_start3A_409 = tpu.memref_squeeze %dma_start3A_408 : memref<1x64xf32, #tpu.memory_space<vmem>> -> memref<64xf32, #tpu.memory_space<vmem>>
      %dma_start3A_410 = arith.constant 0 : i32
      %dma_start3A_411 = tpu.memref_slice %arg5[%squeeze3A_400, %dma_start3A_410] : memref<100000x64xf32, #tpu.memory_space<hbm>> -> memref<1x64xf32, #tpu.memory_space<hbm>>
      %dma_start3A_412 = tpu.memref_squeeze %dma_start3A_411 : memref<1x64xf32, #tpu.memory_space<hbm>> -> memref<64xf32, #tpu.memory_space<hbm>>
      tpu.enqueue_dma source(%dma_start3A_412 : memref<64xf32, #tpu.memory_space<hbm>>) target(%dma_start3A_409 : memref<64xf32, #tpu.memory_space<vmem>>) target_semaphore(%arg15 : memref<!tpu.dma_semaphore, #tpu.memory_space<semaphore_mem>>)
      %mul3A_413 = arith.constant 16 : i32
      %mul3A_414 = arith.muli %add3A_83, %mul3A_413 : i32
      %add3A_415 = arith.constant 10 : i32
      %add3A_416 = arith.addi %mul3A_414, %add3A_415 : i32
      %slice3A_417 = vector.extract_strided_slice %get3A_88 {offsets = [10], sizes = [1], strides = [1]} : vector<16xi32> to vector<1xi32>
      %squeeze3A_418 = vector.extract %slice3A_417[0] : i32 from vector<1xi32>
      %dma_start3A_419 = arith.constant 0 : i32
      %dma_start3A_420 = tpu.memref_slice %arg10[%add3A_416, %dma_start3A_419] : memref<256x64xf32, #tpu.memory_space<vmem>> -> memref<1x64xf32, #tpu.memory_space<vmem>>
      %dma_start3A_421 = tpu.memref_squeeze %dma_start3A_420 : memref<1x64xf32, #tpu.memory_space<vmem>> -> memref<64xf32, #tpu.memory_space<vmem>>
      %dma_start3A_422 = arith.constant 0 : i32
      %dma_start3A_423 = tpu.memref_slice %arg4[%squeeze3A_418, %dma_start3A_422] : memref<1000000x64xf32, #tpu.memory_space<hbm>> -> memref<1x64xf32, #tpu.memory_space<hbm>>
      %dma_start3A_424 = tpu.memref_squeeze %dma_start3A_423 : memref<1x64xf32, #tpu.memory_space<hbm>> -> memref<64xf32, #tpu.memory_space<hbm>>
      %dma_start3A_425 = arith.constant 0 : i32
      %dma_start3A_426 = tpu.memref_slice %arg10[%add3A_416, %dma_start3A_425] : memref<256x64xf32, #tpu.memory_space<vmem>> -> memref<1x64xf32, #tpu.memory_space<vmem>>
      %dma_start3A_427 = tpu.memref_squeeze %dma_start3A_426 : memref<1x64xf32, #tpu.memory_space<vmem>> -> memref<64xf32, #tpu.memory_space<vmem>>
      %dma_start3A_428 = arith.constant 0 : i32
      %dma_start3A_429 = tpu.memref_slice %arg4[%squeeze3A_418, %dma_start3A_428] : memref<1000000x64xf32, #tpu.memory_space<hbm>> -> memref<1x64xf32, #tpu.memory_space<hbm>>
      %dma_start3A_430 = tpu.memref_squeeze %dma_start3A_429 : memref<1x64xf32, #tpu.memory_space<hbm>> -> memref<64xf32, #tpu.memory_space<hbm>>
      tpu.enqueue_dma source(%dma_start3A_430 : memref<64xf32, #tpu.memory_space<hbm>>) target(%dma_start3A_427 : memref<64xf32, #tpu.memory_space<vmem>>) target_semaphore(%arg15 : memref<!tpu.dma_semaphore, #tpu.memory_space<semaphore_mem>>)
      %slice3A_431 = vector.extract_strided_slice %get3A_94 {offsets = [10], sizes = [1], strides = [1]} : vector<16xi32> to vector<1xi32>
      %squeeze3A_432 = vector.extract %slice3A_431[0] : i32 from vector<1xi32>
      %dma_start3A_433 = arith.constant 0 : i32
      %dma_start3A_434 = tpu.memref_slice %arg11[%add3A_416, %dma_start3A_433] : memref<256x64xf32, #tpu.memory_space<vmem>> -> memref<1x64xf32, #tpu.memory_space<vmem>>
      %dma_start3A_435 = tpu.memref_squeeze %dma_start3A_434 : memref<1x64xf32, #tpu.memory_space<vmem>> -> memref<64xf32, #tpu.memory_space<vmem>>
      %dma_start3A_436 = arith.constant 0 : i32
      %dma_start3A_437 = tpu.memref_slice %arg5[%squeeze3A_432, %dma_start3A_436] : memref<100000x64xf32, #tpu.memory_space<hbm>> -> memref<1x64xf32, #tpu.memory_space<hbm>>
      %dma_start3A_438 = tpu.memref_squeeze %dma_start3A_437 : memref<1x64xf32, #tpu.memory_space<hbm>> -> memref<64xf32, #tpu.memory_space<hbm>>
      %dma_start3A_439 = arith.constant 0 : i32
      %dma_start3A_440 = tpu.memref_slice %arg11[%add3A_416, %dma_start3A_439] : memref<256x64xf32, #tpu.memory_space<vmem>> -> memref<1x64xf32, #tpu.memory_space<vmem>>
      %dma_start3A_441 = tpu.memref_squeeze %dma_start3A_440 : memref<1x64xf32, #tpu.memory_space<vmem>> -> memref<64xf32, #tpu.memory_space<vmem>>
      %dma_start3A_442 = arith.constant 0 : i32
      %dma_start3A_443 = tpu.memref_slice %arg5[%squeeze3A_432, %dma_start3A_442] : memref<100000x64xf32, #tpu.memory_space<hbm>> -> memref<1x64xf32, #tpu.memory_space<hbm>>
      %dma_start3A_444 = tpu.memref_squeeze %dma_start3A_443 : memref<1x64xf32, #tpu.memory_space<hbm>> -> memref<64xf32, #tpu.memory_space<hbm>>
      tpu.enqueue_dma source(%dma_start3A_444 : memref<64xf32, #tpu.memory_space<hbm>>) target(%dma_start3A_441 : memref<64xf32, #tpu.memory_space<vmem>>) target_semaphore(%arg15 : memref<!tpu.dma_semaphore, #tpu.memory_space<semaphore_mem>>)
      %mul3A_445 = arith.constant 16 : i32
      %mul3A_446 = arith.muli %add3A_83, %mul3A_445 : i32
      %add3A_447 = arith.constant 11 : i32
      %add3A_448 = arith.addi %mul3A_446, %add3A_447 : i32
      %slice3A_449 = vector.extract_strided_slice %get3A_88 {offsets = [11], sizes = [1], strides = [1]} : vector<16xi32> to vector<1xi32>
      %squeeze3A_450 = vector.extract %slice3A_449[0] : i32 from vector<1xi32>
      %dma_start3A_451 = arith.constant 0 : i32
      %dma_start3A_452 = tpu.memref_slice %arg10[%add3A_448, %dma_start3A_451] : memref<256x64xf32, #tpu.memory_space<vmem>> -> memref<1x64xf32, #tpu.memory_space<vmem>>
      %dma_start3A_453 = tpu.memref_squeeze %dma_start3A_452 : memref<1x64xf32, #tpu.memory_space<vmem>> -> memref<64xf32, #tpu.memory_space<vmem>>
      %dma_start3A_454 = arith.constant 0 : i32
      %dma_start3A_455 = tpu.memref_slice %arg4[%squeeze3A_450, %dma_start3A_454] : memref<1000000x64xf32, #tpu.memory_space<hbm>> -> memref<1x64xf32, #tpu.memory_space<hbm>>
      %dma_start3A_456 = tpu.memref_squeeze %dma_start3A_455 : memref<1x64xf32, #tpu.memory_space<hbm>> -> memref<64xf32, #tpu.memory_space<hbm>>
      %dma_start3A_457 = arith.constant 0 : i32
      %dma_start3A_458 = tpu.memref_slice %arg10[%add3A_448, %dma_start3A_457] : memref<256x64xf32, #tpu.memory_space<vmem>> -> memref<1x64xf32, #tpu.memory_space<vmem>>
      %dma_start3A_459 = tpu.memref_squeeze %dma_start3A_458 : memref<1x64xf32, #tpu.memory_space<vmem>> -> memref<64xf32, #tpu.memory_space<vmem>>
      %dma_start3A_460 = arith.constant 0 : i32
      %dma_start3A_461 = tpu.memref_slice %arg4[%squeeze3A_450, %dma_start3A_460] : memref<1000000x64xf32, #tpu.memory_space<hbm>> -> memref<1x64xf32, #tpu.memory_space<hbm>>
      %dma_start3A_462 = tpu.memref_squeeze %dma_start3A_461 : memref<1x64xf32, #tpu.memory_space<hbm>> -> memref<64xf32, #tpu.memory_space<hbm>>
      tpu.enqueue_dma source(%dma_start3A_462 : memref<64xf32, #tpu.memory_space<hbm>>) target(%dma_start3A_459 : memref<64xf32, #tpu.memory_space<vmem>>) target_semaphore(%arg15 : memref<!tpu.dma_semaphore, #tpu.memory_space<semaphore_mem>>)
      %slice3A_463 = vector.extract_strided_slice %get3A_94 {offsets = [11], sizes = [1], strides = [1]} : vector<16xi32> to vector<1xi32>
      %squeeze3A_464 = vector.extract %slice3A_463[0] : i32 from vector<1xi32>
      %dma_start3A_465 = arith.constant 0 : i32
      %dma_start3A_466 = tpu.memref_slice %arg11[%add3A_448, %dma_start3A_465] : memref<256x64xf32, #tpu.memory_space<vmem>> -> memref<1x64xf32, #tpu.memory_space<vmem>>
      %dma_start3A_467 = tpu.memref_squeeze %dma_start3A_466 : memref<1x64xf32, #tpu.memory_space<vmem>> -> memref<64xf32, #tpu.memory_space<vmem>>
      %dma_start3A_468 = arith.constant 0 : i32
      %dma_start3A_469 = tpu.memref_slice %arg5[%squeeze3A_464, %dma_start3A_468] : memref<100000x64xf32, #tpu.memory_space<hbm>> -> memref<1x64xf32, #tpu.memory_space<hbm>>
      %dma_start3A_470 = tpu.memref_squeeze %dma_start3A_469 : memref<1x64xf32, #tpu.memory_space<hbm>> -> memref<64xf32, #tpu.memory_space<hbm>>
      %dma_start3A_471 = arith.constant 0 : i32
      %dma_start3A_472 = tpu.memref_slice %arg11[%add3A_448, %dma_start3A_471] : memref<256x64xf32, #tpu.memory_space<vmem>> -> memref<1x64xf32, #tpu.memory_space<vmem>>
      %dma_start3A_473 = tpu.memref_squeeze %dma_start3A_472 : memref<1x64xf32, #tpu.memory_space<vmem>> -> memref<64xf32, #tpu.memory_space<vmem>>
      %dma_start3A_474 = arith.constant 0 : i32
      %dma_start3A_475 = tpu.memref_slice %arg5[%squeeze3A_464, %dma_start3A_474] : memref<100000x64xf32, #tpu.memory_space<hbm>> -> memref<1x64xf32, #tpu.memory_space<hbm>>
      %dma_start3A_476 = tpu.memref_squeeze %dma_start3A_475 : memref<1x64xf32, #tpu.memory_space<hbm>> -> memref<64xf32, #tpu.memory_space<hbm>>
      tpu.enqueue_dma source(%dma_start3A_476 : memref<64xf32, #tpu.memory_space<hbm>>) target(%dma_start3A_473 : memref<64xf32, #tpu.memory_space<vmem>>) target_semaphore(%arg15 : memref<!tpu.dma_semaphore, #tpu.memory_space<semaphore_mem>>)
      %mul3A_477 = arith.constant 16 : i32
      %mul3A_478 = arith.muli %add3A_83, %mul3A_477 : i32
      %add3A_479 = arith.constant 12 : i32
      %add3A_480 = arith.addi %mul3A_478, %add3A_479 : i32
      %slice3A_481 = vector.extract_strided_slice %get3A_88 {offsets = [12], sizes = [1], strides = [1]} : vector<16xi32> to vector<1xi32>
      %squeeze3A_482 = vector.extract %slice3A_481[0] : i32 from vector<1xi32>
      %dma_start3A_483 = arith.constant 0 : i32
      %dma_start3A_484 = tpu.memref_slice %arg10[%add3A_480, %dma_start3A_483] : memref<256x64xf32, #tpu.memory_space<vmem>> -> memref<1x64xf32, #tpu.memory_space<vmem>>
      %dma_start3A_485 = tpu.memref_squeeze %dma_start3A_484 : memref<1x64xf32, #tpu.memory_space<vmem>> -> memref<64xf32, #tpu.memory_space<vmem>>
      %dma_start3A_486 = arith.constant 0 : i32
      %dma_start3A_487 = tpu.memref_slice %arg4[%squeeze3A_482, %dma_start3A_486] : memref<1000000x64xf32, #tpu.memory_space<hbm>> -> memref<1x64xf32, #tpu.memory_space<hbm>>
      %dma_start3A_488 = tpu.memref_squeeze %dma_start3A_487 : memref<1x64xf32, #tpu.memory_space<hbm>> -> memref<64xf32, #tpu.memory_space<hbm>>
      %dma_start3A_489 = arith.constant 0 : i32
      %dma_start3A_490 = tpu.memref_slice %arg10[%add3A_480, %dma_start3A_489] : memref<256x64xf32, #tpu.memory_space<vmem>> -> memref<1x64xf32, #tpu.memory_space<vmem>>
      %dma_start3A_491 = tpu.memref_squeeze %dma_start3A_490 : memref<1x64xf32, #tpu.memory_space<vmem>> -> memref<64xf32, #tpu.memory_space<vmem>>
      %dma_start3A_492 = arith.constant 0 : i32
      %dma_start3A_493 = tpu.memref_slice %arg4[%squeeze3A_482, %dma_start3A_492] : memref<1000000x64xf32, #tpu.memory_space<hbm>> -> memref<1x64xf32, #tpu.memory_space<hbm>>
      %dma_start3A_494 = tpu.memref_squeeze %dma_start3A_493 : memref<1x64xf32, #tpu.memory_space<hbm>> -> memref<64xf32, #tpu.memory_space<hbm>>
      tpu.enqueue_dma source(%dma_start3A_494 : memref<64xf32, #tpu.memory_space<hbm>>) target(%dma_start3A_491 : memref<64xf32, #tpu.memory_space<vmem>>) target_semaphore(%arg15 : memref<!tpu.dma_semaphore, #tpu.memory_space<semaphore_mem>>)
      %slice3A_495 = vector.extract_strided_slice %get3A_94 {offsets = [12], sizes = [1], strides = [1]} : vector<16xi32> to vector<1xi32>
      %squeeze3A_496 = vector.extract %slice3A_495[0] : i32 from vector<1xi32>
      %dma_start3A_497 = arith.constant 0 : i32
      %dma_start3A_498 = tpu.memref_slice %arg11[%add3A_480, %dma_start3A_497] : memref<256x64xf32, #tpu.memory_space<vmem>> -> memref<1x64xf32, #tpu.memory_space<vmem>>
      %dma_start3A_499 = tpu.memref_squeeze %dma_start3A_498 : memref<1x64xf32, #tpu.memory_space<vmem>> -> memref<64xf32, #tpu.memory_space<vmem>>
      %dma_start3A_500 = arith.constant 0 : i32
      %dma_start3A_501 = tpu.memref_slice %arg5[%squeeze3A_496, %dma_start3A_500] : memref<100000x64xf32, #tpu.memory_space<hbm>> -> memref<1x64xf32, #tpu.memory_space<hbm>>
      %dma_start3A_502 = tpu.memref_squeeze %dma_start3A_501 : memref<1x64xf32, #tpu.memory_space<hbm>> -> memref<64xf32, #tpu.memory_space<hbm>>
      %dma_start3A_503 = arith.constant 0 : i32
      %dma_start3A_504 = tpu.memref_slice %arg11[%add3A_480, %dma_start3A_503] : memref<256x64xf32, #tpu.memory_space<vmem>> -> memref<1x64xf32, #tpu.memory_space<vmem>>
      %dma_start3A_505 = tpu.memref_squeeze %dma_start3A_504 : memref<1x64xf32, #tpu.memory_space<vmem>> -> memref<64xf32, #tpu.memory_space<vmem>>
      %dma_start3A_506 = arith.constant 0 : i32
      %dma_start3A_507 = tpu.memref_slice %arg5[%squeeze3A_496, %dma_start3A_506] : memref<100000x64xf32, #tpu.memory_space<hbm>> -> memref<1x64xf32, #tpu.memory_space<hbm>>
      %dma_start3A_508 = tpu.memref_squeeze %dma_start3A_507 : memref<1x64xf32, #tpu.memory_space<hbm>> -> memref<64xf32, #tpu.memory_space<hbm>>
      tpu.enqueue_dma source(%dma_start3A_508 : memref<64xf32, #tpu.memory_space<hbm>>) target(%dma_start3A_505 : memref<64xf32, #tpu.memory_space<vmem>>) target_semaphore(%arg15 : memref<!tpu.dma_semaphore, #tpu.memory_space<semaphore_mem>>)
      %mul3A_509 = arith.constant 16 : i32
      %mul3A_510 = arith.muli %add3A_83, %mul3A_509 : i32
      %add3A_511 = arith.constant 13 : i32
      %add3A_512 = arith.addi %mul3A_510, %add3A_511 : i32
      %slice3A_513 = vector.extract_strided_slice %get3A_88 {offsets = [13], sizes = [1], strides = [1]} : vector<16xi32> to vector<1xi32>
      %squeeze3A_514 = vector.extract %slice3A_513[0] : i32 from vector<1xi32>
      %dma_start3A_515 = arith.constant 0 : i32
      %dma_start3A_516 = tpu.memref_slice %arg10[%add3A_512, %dma_start3A_515] : memref<256x64xf32, #tpu.memory_space<vmem>> -> memref<1x64xf32, #tpu.memory_space<vmem>>
      %dma_start3A_517 = tpu.memref_squeeze %dma_start3A_516 : memref<1x64xf32, #tpu.memory_space<vmem>> -> memref<64xf32, #tpu.memory_space<vmem>>
      %dma_start3A_518 = arith.constant 0 : i32
      %dma_start3A_519 = tpu.memref_slice %arg4[%squeeze3A_514, %dma_start3A_518] : memref<1000000x64xf32, #tpu.memory_space<hbm>> -> memref<1x64xf32, #tpu.memory_space<hbm>>
      %dma_start3A_520 = tpu.memref_squeeze %dma_start3A_519 : memref<1x64xf32, #tpu.memory_space<hbm>> -> memref<64xf32, #tpu.memory_space<hbm>>
      %dma_start3A_521 = arith.constant 0 : i32
      %dma_start3A_522 = tpu.memref_slice %arg10[%add3A_512, %dma_start3A_521] : memref<256x64xf32, #tpu.memory_space<vmem>> -> memref<1x64xf32, #tpu.memory_space<vmem>>
      %dma_start3A_523 = tpu.memref_squeeze %dma_start3A_522 : memref<1x64xf32, #tpu.memory_space<vmem>> -> memref<64xf32, #tpu.memory_space<vmem>>
      %dma_start3A_524 = arith.constant 0 : i32
      %dma_start3A_525 = tpu.memref_slice %arg4[%squeeze3A_514, %dma_start3A_524] : memref<1000000x64xf32, #tpu.memory_space<hbm>> -> memref<1x64xf32, #tpu.memory_space<hbm>>
      %dma_start3A_526 = tpu.memref_squeeze %dma_start3A_525 : memref<1x64xf32, #tpu.memory_space<hbm>> -> memref<64xf32, #tpu.memory_space<hbm>>
      tpu.enqueue_dma source(%dma_start3A_526 : memref<64xf32, #tpu.memory_space<hbm>>) target(%dma_start3A_523 : memref<64xf32, #tpu.memory_space<vmem>>) target_semaphore(%arg15 : memref<!tpu.dma_semaphore, #tpu.memory_space<semaphore_mem>>)
      %slice3A_527 = vector.extract_strided_slice %get3A_94 {offsets = [13], sizes = [1], strides = [1]} : vector<16xi32> to vector<1xi32>
      %squeeze3A_528 = vector.extract %slice3A_527[0] : i32 from vector<1xi32>
      %dma_start3A_529 = arith.constant 0 : i32
      %dma_start3A_530 = tpu.memref_slice %arg11[%add3A_512, %dma_start3A_529] : memref<256x64xf32, #tpu.memory_space<vmem>> -> memref<1x64xf32, #tpu.memory_space<vmem>>
      %dma_start3A_531 = tpu.memref_squeeze %dma_start3A_530 : memref<1x64xf32, #tpu.memory_space<vmem>> -> memref<64xf32, #tpu.memory_space<vmem>>
      %dma_start3A_532 = arith.constant 0 : i32
      %dma_start3A_533 = tpu.memref_slice %arg5[%squeeze3A_528, %dma_start3A_532] : memref<100000x64xf32, #tpu.memory_space<hbm>> -> memref<1x64xf32, #tpu.memory_space<hbm>>
      %dma_start3A_534 = tpu.memref_squeeze %dma_start3A_533 : memref<1x64xf32, #tpu.memory_space<hbm>> -> memref<64xf32, #tpu.memory_space<hbm>>
      %dma_start3A_535 = arith.constant 0 : i32
      %dma_start3A_536 = tpu.memref_slice %arg11[%add3A_512, %dma_start3A_535] : memref<256x64xf32, #tpu.memory_space<vmem>> -> memref<1x64xf32, #tpu.memory_space<vmem>>
      %dma_start3A_537 = tpu.memref_squeeze %dma_start3A_536 : memref<1x64xf32, #tpu.memory_space<vmem>> -> memref<64xf32, #tpu.memory_space<vmem>>
      %dma_start3A_538 = arith.constant 0 : i32
      %dma_start3A_539 = tpu.memref_slice %arg5[%squeeze3A_528, %dma_start3A_538] : memref<100000x64xf32, #tpu.memory_space<hbm>> -> memref<1x64xf32, #tpu.memory_space<hbm>>
      %dma_start3A_540 = tpu.memref_squeeze %dma_start3A_539 : memref<1x64xf32, #tpu.memory_space<hbm>> -> memref<64xf32, #tpu.memory_space<hbm>>
      tpu.enqueue_dma source(%dma_start3A_540 : memref<64xf32, #tpu.memory_space<hbm>>) target(%dma_start3A_537 : memref<64xf32, #tpu.memory_space<vmem>>) target_semaphore(%arg15 : memref<!tpu.dma_semaphore, #tpu.memory_space<semaphore_mem>>)
      %mul3A_541 = arith.constant 16 : i32
      %mul3A_542 = arith.muli %add3A_83, %mul3A_541 : i32
      %add3A_543 = arith.constant 14 : i32
      %add3A_544 = arith.addi %mul3A_542, %add3A_543 : i32
      %slice3A_545 = vector.extract_strided_slice %get3A_88 {offsets = [14], sizes = [1], strides = [1]} : vector<16xi32> to vector<1xi32>
      %squeeze3A_546 = vector.extract %slice3A_545[0] : i32 from vector<1xi32>
      %dma_start3A_547 = arith.constant 0 : i32
      %dma_start3A_548 = tpu.memref_slice %arg10[%add3A_544, %dma_start3A_547] : memref<256x64xf32, #tpu.memory_space<vmem>> -> memref<1x64xf32, #tpu.memory_space<vmem>>
      %dma_start3A_549 = tpu.memref_squeeze %dma_start3A_548 : memref<1x64xf32, #tpu.memory_space<vmem>> -> memref<64xf32, #tpu.memory_space<vmem>>
      %dma_start3A_550 = arith.constant 0 : i32
      %dma_start3A_551 = tpu.memref_slice %arg4[%squeeze3A_546, %dma_start3A_550] : memref<1000000x64xf32, #tpu.memory_space<hbm>> -> memref<1x64xf32, #tpu.memory_space<hbm>>
      %dma_start3A_552 = tpu.memref_squeeze %dma_start3A_551 : memref<1x64xf32, #tpu.memory_space<hbm>> -> memref<64xf32, #tpu.memory_space<hbm>>
      %dma_start3A_553 = arith.constant 0 : i32
      %dma_start3A_554 = tpu.memref_slice %arg10[%add3A_544, %dma_start3A_553] : memref<256x64xf32, #tpu.memory_space<vmem>> -> memref<1x64xf32, #tpu.memory_space<vmem>>
      %dma_start3A_555 = tpu.memref_squeeze %dma_start3A_554 : memref<1x64xf32, #tpu.memory_space<vmem>> -> memref<64xf32, #tpu.memory_space<vmem>>
      %dma_start3A_556 = arith.constant 0 : i32
      %dma_start3A_557 = tpu.memref_slice %arg4[%squeeze3A_546, %dma_start3A_556] : memref<1000000x64xf32, #tpu.memory_space<hbm>> -> memref<1x64xf32, #tpu.memory_space<hbm>>
      %dma_start3A_558 = tpu.memref_squeeze %dma_start3A_557 : memref<1x64xf32, #tpu.memory_space<hbm>> -> memref<64xf32, #tpu.memory_space<hbm>>
      tpu.enqueue_dma source(%dma_start3A_558 : memref<64xf32, #tpu.memory_space<hbm>>) target(%dma_start3A_555 : memref<64xf32, #tpu.memory_space<vmem>>) target_semaphore(%arg15 : memref<!tpu.dma_semaphore, #tpu.memory_space<semaphore_mem>>)
      %slice3A_559 = vector.extract_strided_slice %get3A_94 {offsets = [14], sizes = [1], strides = [1]} : vector<16xi32> to vector<1xi32>
      %squeeze3A_560 = vector.extract %slice3A_559[0] : i32 from vector<1xi32>
      %dma_start3A_561 = arith.constant 0 : i32
      %dma_start3A_562 = tpu.memref_slice %arg11[%add3A_544, %dma_start3A_561] : memref<256x64xf32, #tpu.memory_space<vmem>> -> memref<1x64xf32, #tpu.memory_space<vmem>>
      %dma_start3A_563 = tpu.memref_squeeze %dma_start3A_562 : memref<1x64xf32, #tpu.memory_space<vmem>> -> memref<64xf32, #tpu.memory_space<vmem>>
      %dma_start3A_564 = arith.constant 0 : i32
      %dma_start3A_565 = tpu.memref_slice %arg5[%squeeze3A_560, %dma_start3A_564] : memref<100000x64xf32, #tpu.memory_space<hbm>> -> memref<1x64xf32, #tpu.memory_space<hbm>>
      %dma_start3A_566 = tpu.memref_squeeze %dma_start3A_565 : memref<1x64xf32, #tpu.memory_space<hbm>> -> memref<64xf32, #tpu.memory_space<hbm>>
      %dma_start3A_567 = arith.constant 0 : i32
      %dma_start3A_568 = tpu.memref_slice %arg11[%add3A_544, %dma_start3A_567] : memref<256x64xf32, #tpu.memory_space<vmem>> -> memref<1x64xf32, #tpu.memory_space<vmem>>
      %dma_start3A_569 = tpu.memref_squeeze %dma_start3A_568 : memref<1x64xf32, #tpu.memory_space<vmem>> -> memref<64xf32, #tpu.memory_space<vmem>>
      %dma_start3A_570 = arith.constant 0 : i32
      %dma_start3A_571 = tpu.memref_slice %arg5[%squeeze3A_560, %dma_start3A_570] : memref<100000x64xf32, #tpu.memory_space<hbm>> -> memref<1x64xf32, #tpu.memory_space<hbm>>
      %dma_start3A_572 = tpu.memref_squeeze %dma_start3A_571 : memref<1x64xf32, #tpu.memory_space<hbm>> -> memref<64xf32, #tpu.memory_space<hbm>>
      tpu.enqueue_dma source(%dma_start3A_572 : memref<64xf32, #tpu.memory_space<hbm>>) target(%dma_start3A_569 : memref<64xf32, #tpu.memory_space<vmem>>) target_semaphore(%arg15 : memref<!tpu.dma_semaphore, #tpu.memory_space<semaphore_mem>>)
      %mul3A_573 = arith.constant 16 : i32
      %mul3A_574 = arith.muli %add3A_83, %mul3A_573 : i32
      %add3A_575 = arith.constant 15 : i32
      %add3A_576 = arith.addi %mul3A_574, %add3A_575 : i32
      %slice3A_577 = vector.extract_strided_slice %get3A_88 {offsets = [15], sizes = [1], strides = [1]} : vector<16xi32> to vector<1xi32>
      %squeeze3A_578 = vector.extract %slice3A_577[0] : i32 from vector<1xi32>
      %dma_start3A_579 = arith.constant 0 : i32
      %dma_start3A_580 = tpu.memref_slice %arg10[%add3A_576, %dma_start3A_579] : memref<256x64xf32, #tpu.memory_space<vmem>> -> memref<1x64xf32, #tpu.memory_space<vmem>>
      %dma_start3A_581 = tpu.memref_squeeze %dma_start3A_580 : memref<1x64xf32, #tpu.memory_space<vmem>> -> memref<64xf32, #tpu.memory_space<vmem>>
      %dma_start3A_582 = arith.constant 0 : i32
      %dma_start3A_583 = tpu.memref_slice %arg4[%squeeze3A_578, %dma_start3A_582] : memref<1000000x64xf32, #tpu.memory_space<hbm>> -> memref<1x64xf32, #tpu.memory_space<hbm>>
      %dma_start3A_584 = tpu.memref_squeeze %dma_start3A_583 : memref<1x64xf32, #tpu.memory_space<hbm>> -> memref<64xf32, #tpu.memory_space<hbm>>
      %dma_start3A_585 = arith.constant 0 : i32
      %dma_start3A_586 = tpu.memref_slice %arg10[%add3A_576, %dma_start3A_585] : memref<256x64xf32, #tpu.memory_space<vmem>> -> memref<1x64xf32, #tpu.memory_space<vmem>>
      %dma_start3A_587 = tpu.memref_squeeze %dma_start3A_586 : memref<1x64xf32, #tpu.memory_space<vmem>> -> memref<64xf32, #tpu.memory_space<vmem>>
      %dma_start3A_588 = arith.constant 0 : i32
      %dma_start3A_589 = tpu.memref_slice %arg4[%squeeze3A_578, %dma_start3A_588] : memref<1000000x64xf32, #tpu.memory_space<hbm>> -> memref<1x64xf32, #tpu.memory_space<hbm>>
      %dma_start3A_590 = tpu.memref_squeeze %dma_start3A_589 : memref<1x64xf32, #tpu.memory_space<hbm>> -> memref<64xf32, #tpu.memory_space<hbm>>
      tpu.enqueue_dma source(%dma_start3A_590 : memref<64xf32, #tpu.memory_space<hbm>>) target(%dma_start3A_587 : memref<64xf32, #tpu.memory_space<vmem>>) target_semaphore(%arg15 : memref<!tpu.dma_semaphore, #tpu.memory_space<semaphore_mem>>)
      %slice3A_591 = vector.extract_strided_slice %get3A_94 {offsets = [15], sizes = [1], strides = [1]} : vector<16xi32> to vector<1xi32>
      %squeeze3A_592 = vector.extract %slice3A_591[0] : i32 from vector<1xi32>
      %dma_start3A_593 = arith.constant 0 : i32
      %dma_start3A_594 = tpu.memref_slice %arg11[%add3A_576, %dma_start3A_593] : memref<256x64xf32, #tpu.memory_space<vmem>> -> memref<1x64xf32, #tpu.memory_space<vmem>>
      %dma_start3A_595 = tpu.memref_squeeze %dma_start3A_594 : memref<1x64xf32, #tpu.memory_space<vmem>> -> memref<64xf32, #tpu.memory_space<vmem>>
      %dma_start3A_596 = arith.constant 0 : i32
      %dma_start3A_597 = tpu.memref_slice %arg5[%squeeze3A_592, %dma_start3A_596] : memref<100000x64xf32, #tpu.memory_space<hbm>> -> memref<1x64xf32, #tpu.memory_space<hbm>>
      %dma_start3A_598 = tpu.memref_squeeze %dma_start3A_597 : memref<1x64xf32, #tpu.memory_space<hbm>> -> memref<64xf32, #tpu.memory_space<hbm>>
      %dma_start3A_599 = arith.constant 0 : i32
      %dma_start3A_600 = tpu.memref_slice %arg11[%add3A_576, %dma_start3A_599] : memref<256x64xf32, #tpu.memory_space<vmem>> -> memref<1x64xf32, #tpu.memory_space<vmem>>
      %dma_start3A_601 = tpu.memref_squeeze %dma_start3A_600 : memref<1x64xf32, #tpu.memory_space<vmem>> -> memref<64xf32, #tpu.memory_space<vmem>>
      %dma_start3A_602 = arith.constant 0 : i32
      %dma_start3A_603 = tpu.memref_slice %arg5[%squeeze3A_592, %dma_start3A_602] : memref<100000x64xf32, #tpu.memory_space<hbm>> -> memref<1x64xf32, #tpu.memory_space<hbm>>
      %dma_start3A_604 = tpu.memref_squeeze %dma_start3A_603 : memref<1x64xf32, #tpu.memory_space<hbm>> -> memref<64xf32, #tpu.memory_space<hbm>>
      tpu.enqueue_dma source(%dma_start3A_604 : memref<64xf32, #tpu.memory_space<hbm>>) target(%dma_start3A_601 : memref<64xf32, #tpu.memory_space<vmem>>) target_semaphore(%arg15 : memref<!tpu.dma_semaphore, #tpu.memory_space<semaphore_mem>>)
      %dma_wait3A_605 = arith.constant 0 : i32
      %dma_wait3A_606 = tpu.memref_slice %arg10[%add3A_98, %dma_wait3A_605] : memref<256x64xf32, #tpu.memory_space<vmem>> -> memref<1x64xf32, #tpu.memory_space<vmem>>
      %dma_wait3A_607 = tpu.memref_squeeze %dma_wait3A_606 : memref<1x64xf32, #tpu.memory_space<vmem>> -> memref<64xf32, #tpu.memory_space<vmem>>
      %dma_wait3A_608 = arith.constant 0 : i32
      %dma_wait3A_609 = tpu.memref_slice %arg4[%squeeze3A, %dma_wait3A_608] : memref<1000000x64xf32, #tpu.memory_space<hbm>> -> memref<1x64xf32, #tpu.memory_space<hbm>>
      %dma_wait3A_610 = tpu.memref_squeeze %dma_wait3A_609 : memref<1x64xf32, #tpu.memory_space<hbm>> -> memref<64xf32, #tpu.memory_space<hbm>>
      %dma_wait3A_611 = arith.constant 0 : i32
      %dma_wait3A_612 = tpu.memref_slice %arg10[%add3A_98, %dma_wait3A_611] : memref<256x64xf32, #tpu.memory_space<vmem>> -> memref<1x64xf32, #tpu.memory_space<vmem>>
      %dma_wait3A_613 = tpu.memref_squeeze %dma_wait3A_612 : memref<1x64xf32, #tpu.memory_space<vmem>> -> memref<64xf32, #tpu.memory_space<vmem>>
      %dma_wait3A_614 = arith.constant 0 : i32
      %dma_wait3A_615 = tpu.memref_slice %arg4[%squeeze3A, %dma_wait3A_614] : memref<1000000x64xf32, #tpu.memory_space<hbm>> -> memref<1x64xf32, #tpu.memory_space<hbm>>
      %dma_wait3A_616 = tpu.memref_squeeze %dma_wait3A_615 : memref<1x64xf32, #tpu.memory_space<hbm>> -> memref<64xf32, #tpu.memory_space<hbm>>
      tpu.wait_dma2 semaphore(%arg15 : memref<!tpu.dma_semaphore, #tpu.memory_space<semaphore_mem>>) src(%dma_wait3A_616 : memref<64xf32, #tpu.memory_space<hbm>>) dst(%dma_wait3A_613 : memref<64xf32, #tpu.memory_space<vmem>>)
      %dma_wait3A_617 = arith.constant 0 : i32
      %dma_wait3A_618 = tpu.memref_slice %arg11[%add3A_98, %dma_wait3A_617] : memref<256x64xf32, #tpu.memory_space<vmem>> -> memref<1x64xf32, #tpu.memory_space<vmem>>
      %dma_wait3A_619 = tpu.memref_squeeze %dma_wait3A_618 : memref<1x64xf32, #tpu.memory_space<vmem>> -> memref<64xf32, #tpu.memory_space<vmem>>
      %dma_wait3A_620 = arith.constant 0 : i32
      %dma_wait3A_621 = tpu.memref_slice %arg5[%squeeze3A_112, %dma_wait3A_620] : memref<100000x64xf32, #tpu.memory_space<hbm>> -> memref<1x64xf32, #tpu.memory_space<hbm>>
      %dma_wait3A_622 = tpu.memref_squeeze %dma_wait3A_621 : memref<1x64xf32, #tpu.memory_space<hbm>> -> memref<64xf32, #tpu.memory_space<hbm>>
      %dma_wait3A_623 = arith.constant 0 : i32
      %dma_wait3A_624 = tpu.memref_slice %arg11[%add3A_98, %dma_wait3A_623] : memref<256x64xf32, #tpu.memory_space<vmem>> -> memref<1x64xf32, #tpu.memory_space<vmem>>
      %dma_wait3A_625 = tpu.memref_squeeze %dma_wait3A_624 : memref<1x64xf32, #tpu.memory_space<vmem>> -> memref<64xf32, #tpu.memory_space<vmem>>
      %dma_wait3A_626 = arith.constant 0 : i32
      %dma_wait3A_627 = tpu.memref_slice %arg5[%squeeze3A_112, %dma_wait3A_626] : memref<100000x64xf32, #tpu.memory_space<hbm>> -> memref<1x64xf32, #tpu.memory_space<hbm>>
      %dma_wait3A_628 = tpu.memref_squeeze %dma_wait3A_627 : memref<1x64xf32, #tpu.memory_space<hbm>> -> memref<64xf32, #tpu.memory_space<hbm>>
      tpu.wait_dma2 semaphore(%arg15 : memref<!tpu.dma_semaphore, #tpu.memory_space<semaphore_mem>>) src(%dma_wait3A_628 : memref<64xf32, #tpu.memory_space<hbm>>) dst(%dma_wait3A_625 : memref<64xf32, #tpu.memory_space<vmem>>)
      %dma_wait3A_629 = arith.constant 0 : i32
      %dma_wait3A_630 = tpu.memref_slice %arg10[%add3A_128, %dma_wait3A_629] : memref<256x64xf32, #tpu.memory_space<vmem>> -> memref<1x64xf32, #tpu.memory_space<vmem>>
      %dma_wait3A_631 = tpu.memref_squeeze %dma_wait3A_630 : memref<1x64xf32, #tpu.memory_space<vmem>> -> memref<64xf32, #tpu.memory_space<vmem>>
      %dma_wait3A_632 = arith.constant 0 : i32
      %dma_wait3A_633 = tpu.memref_slice %arg4[%squeeze3A_130, %dma_wait3A_632] : memref<1000000x64xf32, #tpu.memory_space<hbm>> -> memref<1x64xf32, #tpu.memory_space<hbm>>
      %dma_wait3A_634 = tpu.memref_squeeze %dma_wait3A_633 : memref<1x64xf32, #tpu.memory_space<hbm>> -> memref<64xf32, #tpu.memory_space<hbm>>
      %dma_wait3A_635 = arith.constant 0 : i32
      %dma_wait3A_636 = tpu.memref_slice %arg10[%add3A_128, %dma_wait3A_635] : memref<256x64xf32, #tpu.memory_space<vmem>> -> memref<1x64xf32, #tpu.memory_space<vmem>>
      %dma_wait3A_637 = tpu.memref_squeeze %dma_wait3A_636 : memref<1x64xf32, #tpu.memory_space<vmem>> -> memref<64xf32, #tpu.memory_space<vmem>>
      %dma_wait3A_638 = arith.constant 0 : i32
      %dma_wait3A_639 = tpu.memref_slice %arg4[%squeeze3A_130, %dma_wait3A_638] : memref<1000000x64xf32, #tpu.memory_space<hbm>> -> memref<1x64xf32, #tpu.memory_space<hbm>>
      %dma_wait3A_640 = tpu.memref_squeeze %dma_wait3A_639 : memref<1x64xf32, #tpu.memory_space<hbm>> -> memref<64xf32, #tpu.memory_space<hbm>>
      tpu.wait_dma2 semaphore(%arg15 : memref<!tpu.dma_semaphore, #tpu.memory_space<semaphore_mem>>) src(%dma_wait3A_640 : memref<64xf32, #tpu.memory_space<hbm>>) dst(%dma_wait3A_637 : memref<64xf32, #tpu.memory_space<vmem>>)
      %dma_wait3A_641 = arith.constant 0 : i32
      %dma_wait3A_642 = tpu.memref_slice %arg11[%add3A_128, %dma_wait3A_641] : memref<256x64xf32, #tpu.memory_space<vmem>> -> memref<1x64xf32, #tpu.memory_space<vmem>>
      %dma_wait3A_643 = tpu.memref_squeeze %dma_wait3A_642 : memref<1x64xf32, #tpu.memory_space<vmem>> -> memref<64xf32, #tpu.memory_space<vmem>>
      %dma_wait3A_644 = arith.constant 0 : i32
      %dma_wait3A_645 = tpu.memref_slice %arg5[%squeeze3A_144, %dma_wait3A_644] : memref<100000x64xf32, #tpu.memory_space<hbm>> -> memref<1x64xf32, #tpu.memory_space<hbm>>
      %dma_wait3A_646 = tpu.memref_squeeze %dma_wait3A_645 : memref<1x64xf32, #tpu.memory_space<hbm>> -> memref<64xf32, #tpu.memory_space<hbm>>
      %dma_wait3A_647 = arith.constant 0 : i32
      %dma_wait3A_648 = tpu.memref_slice %arg11[%add3A_128, %dma_wait3A_647] : memref<256x64xf32, #tpu.memory_space<vmem>> -> memref<1x64xf32, #tpu.memory_space<vmem>>
      %dma_wait3A_649 = tpu.memref_squeeze %dma_wait3A_648 : memref<1x64xf32, #tpu.memory_space<vmem>> -> memref<64xf32, #tpu.memory_space<vmem>>
      %dma_wait3A_650 = arith.constant 0 : i32
      %dma_wait3A_651 = tpu.memref_slice %arg5[%squeeze3A_144, %dma_wait3A_650] : memref<100000x64xf32, #tpu.memory_space<hbm>> -> memref<1x64xf32, #tpu.memory_space<hbm>>
      %dma_wait3A_652 = tpu.memref_squeeze %dma_wait3A_651 : memref<1x64xf32, #tpu.memory_space<hbm>> -> memref<64xf32, #tpu.memory_space<hbm>>
      tpu.wait_dma2 semaphore(%arg15 : memref<!tpu.dma_semaphore, #tpu.memory_space<semaphore_mem>>) src(%dma_wait3A_652 : memref<64xf32, #tpu.memory_space<hbm>>) dst(%dma_wait3A_649 : memref<64xf32, #tpu.memory_space<vmem>>)
      %dma_wait3A_653 = arith.constant 0 : i32
      %dma_wait3A_654 = tpu.memref_slice %arg10[%add3A_160, %dma_wait3A_653] : memref<256x64xf32, #tpu.memory_space<vmem>> -> memref<1x64xf32, #tpu.memory_space<vmem>>
      %dma_wait3A_655 = tpu.memref_squeeze %dma_wait3A_654 : memref<1x64xf32, #tpu.memory_space<vmem>> -> memref<64xf32, #tpu.memory_space<vmem>>
      %dma_wait3A_656 = arith.constant 0 : i32
      %dma_wait3A_657 = tpu.memref_slice %arg4[%squeeze3A_162, %dma_wait3A_656] : memref<1000000x64xf32, #tpu.memory_space<hbm>> -> memref<1x64xf32, #tpu.memory_space<hbm>>
      %dma_wait3A_658 = tpu.memref_squeeze %dma_wait3A_657 : memref<1x64xf32, #tpu.memory_space<hbm>> -> memref<64xf32, #tpu.memory_space<hbm>>
      %dma_wait3A_659 = arith.constant 0 : i32
      %dma_wait3A_660 = tpu.memref_slice %arg10[%add3A_160, %dma_wait3A_659] : memref<256x64xf32, #tpu.memory_space<vmem>> -> memref<1x64xf32, #tpu.memory_space<vmem>>
      %dma_wait3A_661 = tpu.memref_squeeze %dma_wait3A_660 : memref<1x64xf32, #tpu.memory_space<vmem>> -> memref<64xf32, #tpu.memory_space<vmem>>
      %dma_wait3A_662 = arith.constant 0 : i32
      %dma_wait3A_663 = tpu.memref_slice %arg4[%squeeze3A_162, %dma_wait3A_662] : memref<1000000x64xf32, #tpu.memory_space<hbm>> -> memref<1x64xf32, #tpu.memory_space<hbm>>
      %dma_wait3A_664 = tpu.memref_squeeze %dma_wait3A_663 : memref<1x64xf32, #tpu.memory_space<hbm>> -> memref<64xf32, #tpu.memory_space<hbm>>
      tpu.wait_dma2 semaphore(%arg15 : memref<!tpu.dma_semaphore, #tpu.memory_space<semaphore_mem>>) src(%dma_wait3A_664 : memref<64xf32, #tpu.memory_space<hbm>>) dst(%dma_wait3A_661 : memref<64xf32, #tpu.memory_space<vmem>>)
      %dma_wait3A_665 = arith.constant 0 : i32
      %dma_wait3A_666 = tpu.memref_slice %arg11[%add3A_160, %dma_wait3A_665] : memref<256x64xf32, #tpu.memory_space<vmem>> -> memref<1x64xf32, #tpu.memory_space<vmem>>
      %dma_wait3A_667 = tpu.memref_squeeze %dma_wait3A_666 : memref<1x64xf32, #tpu.memory_space<vmem>> -> memref<64xf32, #tpu.memory_space<vmem>>
      %dma_wait3A_668 = arith.constant 0 : i32
      %dma_wait3A_669 = tpu.memref_slice %arg5[%squeeze3A_176, %dma_wait3A_668] : memref<100000x64xf32, #tpu.memory_space<hbm>> -> memref<1x64xf32, #tpu.memory_space<hbm>>
      %dma_wait3A_670 = tpu.memref_squeeze %dma_wait3A_669 : memref<1x64xf32, #tpu.memory_space<hbm>> -> memref<64xf32, #tpu.memory_space<hbm>>
      %dma_wait3A_671 = arith.constant 0 : i32
      %dma_wait3A_672 = tpu.memref_slice %arg11[%add3A_160, %dma_wait3A_671] : memref<256x64xf32, #tpu.memory_space<vmem>> -> memref<1x64xf32, #tpu.memory_space<vmem>>
      %dma_wait3A_673 = tpu.memref_squeeze %dma_wait3A_672 : memref<1x64xf32, #tpu.memory_space<vmem>> -> memref<64xf32, #tpu.memory_space<vmem>>
      %dma_wait3A_674 = arith.constant 0 : i32
      %dma_wait3A_675 = tpu.memref_slice %arg5[%squeeze3A_176, %dma_wait3A_674] : memref<100000x64xf32, #tpu.memory_space<hbm>> -> memref<1x64xf32, #tpu.memory_space<hbm>>
      %dma_wait3A_676 = tpu.memref_squeeze %dma_wait3A_675 : memref<1x64xf32, #tpu.memory_space<hbm>> -> memref<64xf32, #tpu.memory_space<hbm>>
      tpu.wait_dma2 semaphore(%arg15 : memref<!tpu.dma_semaphore, #tpu.memory_space<semaphore_mem>>) src(%dma_wait3A_676 : memref<64xf32, #tpu.memory_space<hbm>>) dst(%dma_wait3A_673 : memref<64xf32, #tpu.memory_space<vmem>>)
      %dma_wait3A_677 = arith.constant 0 : i32
      %dma_wait3A_678 = tpu.memref_slice %arg10[%add3A_192, %dma_wait3A_677] : memref<256x64xf32, #tpu.memory_space<vmem>> -> memref<1x64xf32, #tpu.memory_space<vmem>>
      %dma_wait3A_679 = tpu.memref_squeeze %dma_wait3A_678 : memref<1x64xf32, #tpu.memory_space<vmem>> -> memref<64xf32, #tpu.memory_space<vmem>>
      %dma_wait3A_680 = arith.constant 0 : i32
      %dma_wait3A_681 = tpu.memref_slice %arg4[%squeeze3A_194, %dma_wait3A_680] : memref<1000000x64xf32, #tpu.memory_space<hbm>> -> memref<1x64xf32, #tpu.memory_space<hbm>>
      %dma_wait3A_682 = tpu.memref_squeeze %dma_wait3A_681 : memref<1x64xf32, #tpu.memory_space<hbm>> -> memref<64xf32, #tpu.memory_space<hbm>>
      %dma_wait3A_683 = arith.constant 0 : i32
      %dma_wait3A_684 = tpu.memref_slice %arg10[%add3A_192, %dma_wait3A_683] : memref<256x64xf32, #tpu.memory_space<vmem>> -> memref<1x64xf32, #tpu.memory_space<vmem>>
      %dma_wait3A_685 = tpu.memref_squeeze %dma_wait3A_684 : memref<1x64xf32, #tpu.memory_space<vmem>> -> memref<64xf32, #tpu.memory_space<vmem>>
      %dma_wait3A_686 = arith.constant 0 : i32
      %dma_wait3A_687 = tpu.memref_slice %arg4[%squeeze3A_194, %dma_wait3A_686] : memref<1000000x64xf32, #tpu.memory_space<hbm>> -> memref<1x64xf32, #tpu.memory_space<hbm>>
      %dma_wait3A_688 = tpu.memref_squeeze %dma_wait3A_687 : memref<1x64xf32, #tpu.memory_space<hbm>> -> memref<64xf32, #tpu.memory_space<hbm>>
      tpu.wait_dma2 semaphore(%arg15 : memref<!tpu.dma_semaphore, #tpu.memory_space<semaphore_mem>>) src(%dma_wait3A_688 : memref<64xf32, #tpu.memory_space<hbm>>) dst(%dma_wait3A_685 : memref<64xf32, #tpu.memory_space<vmem>>)
      %dma_wait3A_689 = arith.constant 0 : i32
      %dma_wait3A_690 = tpu.memref_slice %arg11[%add3A_192, %dma_wait3A_689] : memref<256x64xf32, #tpu.memory_space<vmem>> -> memref<1x64xf32, #tpu.memory_space<vmem>>
      %dma_wait3A_691 = tpu.memref_squeeze %dma_wait3A_690 : memref<1x64xf32, #tpu.memory_space<vmem>> -> memref<64xf32, #tpu.memory_space<vmem>>
      %dma_wait3A_692 = arith.constant 0 : i32
      %dma_wait3A_693 = tpu.memref_slice %arg5[%squeeze3A_208, %dma_wait3A_692] : memref<100000x64xf32, #tpu.memory_space<hbm>> -> memref<1x64xf32, #tpu.memory_space<hbm>>
      %dma_wait3A_694 = tpu.memref_squeeze %dma_wait3A_693 : memref<1x64xf32, #tpu.memory_space<hbm>> -> memref<64xf32, #tpu.memory_space<hbm>>
      %dma_wait3A_695 = arith.constant 0 : i32
      %dma_wait3A_696 = tpu.memref_slice %arg11[%add3A_192, %dma_wait3A_695] : memref<256x64xf32, #tpu.memory_space<vmem>> -> memref<1x64xf32, #tpu.memory_space<vmem>>
      %dma_wait3A_697 = tpu.memref_squeeze %dma_wait3A_696 : memref<1x64xf32, #tpu.memory_space<vmem>> -> memref<64xf32, #tpu.memory_space<vmem>>
      %dma_wait3A_698 = arith.constant 0 : i32
      %dma_wait3A_699 = tpu.memref_slice %arg5[%squeeze3A_208, %dma_wait3A_698] : memref<100000x64xf32, #tpu.memory_space<hbm>> -> memref<1x64xf32, #tpu.memory_space<hbm>>
      %dma_wait3A_700 = tpu.memref_squeeze %dma_wait3A_699 : memref<1x64xf32, #tpu.memory_space<hbm>> -> memref<64xf32, #tpu.memory_space<hbm>>
      tpu.wait_dma2 semaphore(%arg15 : memref<!tpu.dma_semaphore, #tpu.memory_space<semaphore_mem>>) src(%dma_wait3A_700 : memref<64xf32, #tpu.memory_space<hbm>>) dst(%dma_wait3A_697 : memref<64xf32, #tpu.memory_space<vmem>>)
      %dma_wait3A_701 = arith.constant 0 : i32
      %dma_wait3A_702 = tpu.memref_slice %arg10[%add3A_224, %dma_wait3A_701] : memref<256x64xf32, #tpu.memory_space<vmem>> -> memref<1x64xf32, #tpu.memory_space<vmem>>
      %dma_wait3A_703 = tpu.memref_squeeze %dma_wait3A_702 : memref<1x64xf32, #tpu.memory_space<vmem>> -> memref<64xf32, #tpu.memory_space<vmem>>
      %dma_wait3A_704 = arith.constant 0 : i32
      %dma_wait3A_705 = tpu.memref_slice %arg4[%squeeze3A_226, %dma_wait3A_704] : memref<1000000x64xf32, #tpu.memory_space<hbm>> -> memref<1x64xf32, #tpu.memory_space<hbm>>
      %dma_wait3A_706 = tpu.memref_squeeze %dma_wait3A_705 : memref<1x64xf32, #tpu.memory_space<hbm>> -> memref<64xf32, #tpu.memory_space<hbm>>
      %dma_wait3A_707 = arith.constant 0 : i32
      %dma_wait3A_708 = tpu.memref_slice %arg10[%add3A_224, %dma_wait3A_707] : memref<256x64xf32, #tpu.memory_space<vmem>> -> memref<1x64xf32, #tpu.memory_space<vmem>>
      %dma_wait3A_709 = tpu.memref_squeeze %dma_wait3A_708 : memref<1x64xf32, #tpu.memory_space<vmem>> -> memref<64xf32, #tpu.memory_space<vmem>>
      %dma_wait3A_710 = arith.constant 0 : i32
      %dma_wait3A_711 = tpu.memref_slice %arg4[%squeeze3A_226, %dma_wait3A_710] : memref<1000000x64xf32, #tpu.memory_space<hbm>> -> memref<1x64xf32, #tpu.memory_space<hbm>>
      %dma_wait3A_712 = tpu.memref_squeeze %dma_wait3A_711 : memref<1x64xf32, #tpu.memory_space<hbm>> -> memref<64xf32, #tpu.memory_space<hbm>>
      tpu.wait_dma2 semaphore(%arg15 : memref<!tpu.dma_semaphore, #tpu.memory_space<semaphore_mem>>) src(%dma_wait3A_712 : memref<64xf32, #tpu.memory_space<hbm>>) dst(%dma_wait3A_709 : memref<64xf32, #tpu.memory_space<vmem>>)
      %dma_wait3A_713 = arith.constant 0 : i32
      %dma_wait3A_714 = tpu.memref_slice %arg11[%add3A_224, %dma_wait3A_713] : memref<256x64xf32, #tpu.memory_space<vmem>> -> memref<1x64xf32, #tpu.memory_space<vmem>>
      %dma_wait3A_715 = tpu.memref_squeeze %dma_wait3A_714 : memref<1x64xf32, #tpu.memory_space<vmem>> -> memref<64xf32, #tpu.memory_space<vmem>>
      %dma_wait3A_716 = arith.constant 0 : i32
      %dma_wait3A_717 = tpu.memref_slice %arg5[%squeeze3A_240, %dma_wait3A_716] : memref<100000x64xf32, #tpu.memory_space<hbm>> -> memref<1x64xf32, #tpu.memory_space<hbm>>
      %dma_wait3A_718 = tpu.memref_squeeze %dma_wait3A_717 : memref<1x64xf32, #tpu.memory_space<hbm>> -> memref<64xf32, #tpu.memory_space<hbm>>
      %dma_wait3A_719 = arith.constant 0 : i32
      %dma_wait3A_720 = tpu.memref_slice %arg11[%add3A_224, %dma_wait3A_719] : memref<256x64xf32, #tpu.memory_space<vmem>> -> memref<1x64xf32, #tpu.memory_space<vmem>>
      %dma_wait3A_721 = tpu.memref_squeeze %dma_wait3A_720 : memref<1x64xf32, #tpu.memory_space<vmem>> -> memref<64xf32, #tpu.memory_space<vmem>>
      %dma_wait3A_722 = arith.constant 0 : i32
      %dma_wait3A_723 = tpu.memref_slice %arg5[%squeeze3A_240, %dma_wait3A_722] : memref<100000x64xf32, #tpu.memory_space<hbm>> -> memref<1x64xf32, #tpu.memory_space<hbm>>
      %dma_wait3A_724 = tpu.memref_squeeze %dma_wait3A_723 : memref<1x64xf32, #tpu.memory_space<hbm>> -> memref<64xf32, #tpu.memory_space<hbm>>
      tpu.wait_dma2 semaphore(%arg15 : memref<!tpu.dma_semaphore, #tpu.memory_space<semaphore_mem>>) src(%dma_wait3A_724 : memref<64xf32, #tpu.memory_space<hbm>>) dst(%dma_wait3A_721 : memref<64xf32, #tpu.memory_space<vmem>>)
      %dma_wait3A_725 = arith.constant 0 : i32
      %dma_wait3A_726 = tpu.memref_slice %arg10[%add3A_256, %dma_wait3A_725] : memref<256x64xf32, #tpu.memory_space<vmem>> -> memref<1x64xf32, #tpu.memory_space<vmem>>
      %dma_wait3A_727 = tpu.memref_squeeze %dma_wait3A_726 : memref<1x64xf32, #tpu.memory_space<vmem>> -> memref<64xf32, #tpu.memory_space<vmem>>
      %dma_wait3A_728 = arith.constant 0 : i32
      %dma_wait3A_729 = tpu.memref_slice %arg4[%squeeze3A_258, %dma_wait3A_728] : memref<1000000x64xf32, #tpu.memory_space<hbm>> -> memref<1x64xf32, #tpu.memory_space<hbm>>
      %dma_wait3A_730 = tpu.memref_squeeze %dma_wait3A_729 : memref<1x64xf32, #tpu.memory_space<hbm>> -> memref<64xf32, #tpu.memory_space<hbm>>
      %dma_wait3A_731 = arith.constant 0 : i32
      %dma_wait3A_732 = tpu.memref_slice %arg10[%add3A_256, %dma_wait3A_731] : memref<256x64xf32, #tpu.memory_space<vmem>> -> memref<1x64xf32, #tpu.memory_space<vmem>>
      %dma_wait3A_733 = tpu.memref_squeeze %dma_wait3A_732 : memref<1x64xf32, #tpu.memory_space<vmem>> -> memref<64xf32, #tpu.memory_space<vmem>>
      %dma_wait3A_734 = arith.constant 0 : i32
      %dma_wait3A_735 = tpu.memref_slice %arg4[%squeeze3A_258, %dma_wait3A_734] : memref<1000000x64xf32, #tpu.memory_space<hbm>> -> memref<1x64xf32, #tpu.memory_space<hbm>>
      %dma_wait3A_736 = tpu.memref_squeeze %dma_wait3A_735 : memref<1x64xf32, #tpu.memory_space<hbm>> -> memref<64xf32, #tpu.memory_space<hbm>>
      tpu.wait_dma2 semaphore(%arg15 : memref<!tpu.dma_semaphore, #tpu.memory_space<semaphore_mem>>) src(%dma_wait3A_736 : memref<64xf32, #tpu.memory_space<hbm>>) dst(%dma_wait3A_733 : memref<64xf32, #tpu.memory_space<vmem>>)
      %dma_wait3A_737 = arith.constant 0 : i32
      %dma_wait3A_738 = tpu.memref_slice %arg11[%add3A_256, %dma_wait3A_737] : memref<256x64xf32, #tpu.memory_space<vmem>> -> memref<1x64xf32, #tpu.memory_space<vmem>>
      %dma_wait3A_739 = tpu.memref_squeeze %dma_wait3A_738 : memref<1x64xf32, #tpu.memory_space<vmem>> -> memref<64xf32, #tpu.memory_space<vmem>>
      %dma_wait3A_740 = arith.constant 0 : i32
      %dma_wait3A_741 = tpu.memref_slice %arg5[%squeeze3A_272, %dma_wait3A_740] : memref<100000x64xf32, #tpu.memory_space<hbm>> -> memref<1x64xf32, #tpu.memory_space<hbm>>
      %dma_wait3A_742 = tpu.memref_squeeze %dma_wait3A_741 : memref<1x64xf32, #tpu.memory_space<hbm>> -> memref<64xf32, #tpu.memory_space<hbm>>
      %dma_wait3A_743 = arith.constant 0 : i32
      %dma_wait3A_744 = tpu.memref_slice %arg11[%add3A_256, %dma_wait3A_743] : memref<256x64xf32, #tpu.memory_space<vmem>> -> memref<1x64xf32, #tpu.memory_space<vmem>>
      %dma_wait3A_745 = tpu.memref_squeeze %dma_wait3A_744 : memref<1x64xf32, #tpu.memory_space<vmem>> -> memref<64xf32, #tpu.memory_space<vmem>>
      %dma_wait3A_746 = arith.constant 0 : i32
      %dma_wait3A_747 = tpu.memref_slice %arg5[%squeeze3A_272, %dma_wait3A_746] : memref<100000x64xf32, #tpu.memory_space<hbm>> -> memref<1x64xf32, #tpu.memory_space<hbm>>
      %dma_wait3A_748 = tpu.memref_squeeze %dma_wait3A_747 : memref<1x64xf32, #tpu.memory_space<hbm>> -> memref<64xf32, #tpu.memory_space<hbm>>
      tpu.wait_dma2 semaphore(%arg15 : memref<!tpu.dma_semaphore, #tpu.memory_space<semaphore_mem>>) src(%dma_wait3A_748 : memref<64xf32, #tpu.memory_space<hbm>>) dst(%dma_wait3A_745 : memref<64xf32, #tpu.memory_space<vmem>>)
      %dma_wait3A_749 = arith.constant 0 : i32
      %dma_wait3A_750 = tpu.memref_slice %arg10[%add3A_288, %dma_wait3A_749] : memref<256x64xf32, #tpu.memory_space<vmem>> -> memref<1x64xf32, #tpu.memory_space<vmem>>
      %dma_wait3A_751 = tpu.memref_squeeze %dma_wait3A_750 : memref<1x64xf32, #tpu.memory_space<vmem>> -> memref<64xf32, #tpu.memory_space<vmem>>
      %dma_wait3A_752 = arith.constant 0 : i32
      %dma_wait3A_753 = tpu.memref_slice %arg4[%squeeze3A_290, %dma_wait3A_752] : memref<1000000x64xf32, #tpu.memory_space<hbm>> -> memref<1x64xf32, #tpu.memory_space<hbm>>
      %dma_wait3A_754 = tpu.memref_squeeze %dma_wait3A_753 : memref<1x64xf32, #tpu.memory_space<hbm>> -> memref<64xf32, #tpu.memory_space<hbm>>
      %dma_wait3A_755 = arith.constant 0 : i32
      %dma_wait3A_756 = tpu.memref_slice %arg10[%add3A_288, %dma_wait3A_755] : memref<256x64xf32, #tpu.memory_space<vmem>> -> memref<1x64xf32, #tpu.memory_space<vmem>>
      %dma_wait3A_757 = tpu.memref_squeeze %dma_wait3A_756 : memref<1x64xf32, #tpu.memory_space<vmem>> -> memref<64xf32, #tpu.memory_space<vmem>>
      %dma_wait3A_758 = arith.constant 0 : i32
      %dma_wait3A_759 = tpu.memref_slice %arg4[%squeeze3A_290, %dma_wait3A_758] : memref<1000000x64xf32, #tpu.memory_space<hbm>> -> memref<1x64xf32, #tpu.memory_space<hbm>>
      %dma_wait3A_760 = tpu.memref_squeeze %dma_wait3A_759 : memref<1x64xf32, #tpu.memory_space<hbm>> -> memref<64xf32, #tpu.memory_space<hbm>>
      tpu.wait_dma2 semaphore(%arg15 : memref<!tpu.dma_semaphore, #tpu.memory_space<semaphore_mem>>) src(%dma_wait3A_760 : memref<64xf32, #tpu.memory_space<hbm>>) dst(%dma_wait3A_757 : memref<64xf32, #tpu.memory_space<vmem>>)
      %dma_wait3A_761 = arith.constant 0 : i32
      %dma_wait3A_762 = tpu.memref_slice %arg11[%add3A_288, %dma_wait3A_761] : memref<256x64xf32, #tpu.memory_space<vmem>> -> memref<1x64xf32, #tpu.memory_space<vmem>>
      %dma_wait3A_763 = tpu.memref_squeeze %dma_wait3A_762 : memref<1x64xf32, #tpu.memory_space<vmem>> -> memref<64xf32, #tpu.memory_space<vmem>>
      %dma_wait3A_764 = arith.constant 0 : i32
      %dma_wait3A_765 = tpu.memref_slice %arg5[%squeeze3A_304, %dma_wait3A_764] : memref<100000x64xf32, #tpu.memory_space<hbm>> -> memref<1x64xf32, #tpu.memory_space<hbm>>
      %dma_wait3A_766 = tpu.memref_squeeze %dma_wait3A_765 : memref<1x64xf32, #tpu.memory_space<hbm>> -> memref<64xf32, #tpu.memory_space<hbm>>
      %dma_wait3A_767 = arith.constant 0 : i32
      %dma_wait3A_768 = tpu.memref_slice %arg11[%add3A_288, %dma_wait3A_767] : memref<256x64xf32, #tpu.memory_space<vmem>> -> memref<1x64xf32, #tpu.memory_space<vmem>>
      %dma_wait3A_769 = tpu.memref_squeeze %dma_wait3A_768 : memref<1x64xf32, #tpu.memory_space<vmem>> -> memref<64xf32, #tpu.memory_space<vmem>>
      %dma_wait3A_770 = arith.constant 0 : i32
      %dma_wait3A_771 = tpu.memref_slice %arg5[%squeeze3A_304, %dma_wait3A_770] : memref<100000x64xf32, #tpu.memory_space<hbm>> -> memref<1x64xf32, #tpu.memory_space<hbm>>
      %dma_wait3A_772 = tpu.memref_squeeze %dma_wait3A_771 : memref<1x64xf32, #tpu.memory_space<hbm>> -> memref<64xf32, #tpu.memory_space<hbm>>
      tpu.wait_dma2 semaphore(%arg15 : memref<!tpu.dma_semaphore, #tpu.memory_space<semaphore_mem>>) src(%dma_wait3A_772 : memref<64xf32, #tpu.memory_space<hbm>>) dst(%dma_wait3A_769 : memref<64xf32, #tpu.memory_space<vmem>>)
      %dma_wait3A_773 = arith.constant 0 : i32
      %dma_wait3A_774 = tpu.memref_slice %arg10[%add3A_320, %dma_wait3A_773] : memref<256x64xf32, #tpu.memory_space<vmem>> -> memref<1x64xf32, #tpu.memory_space<vmem>>
      %dma_wait3A_775 = tpu.memref_squeeze %dma_wait3A_774 : memref<1x64xf32, #tpu.memory_space<vmem>> -> memref<64xf32, #tpu.memory_space<vmem>>
      %dma_wait3A_776 = arith.constant 0 : i32
      %dma_wait3A_777 = tpu.memref_slice %arg4[%squeeze3A_322, %dma_wait3A_776] : memref<1000000x64xf32, #tpu.memory_space<hbm>> -> memref<1x64xf32, #tpu.memory_space<hbm>>
      %dma_wait3A_778 = tpu.memref_squeeze %dma_wait3A_777 : memref<1x64xf32, #tpu.memory_space<hbm>> -> memref<64xf32, #tpu.memory_space<hbm>>
      %dma_wait3A_779 = arith.constant 0 : i32
      %dma_wait3A_780 = tpu.memref_slice %arg10[%add3A_320, %dma_wait3A_779] : memref<256x64xf32, #tpu.memory_space<vmem>> -> memref<1x64xf32, #tpu.memory_space<vmem>>
      %dma_wait3A_781 = tpu.memref_squeeze %dma_wait3A_780 : memref<1x64xf32, #tpu.memory_space<vmem>> -> memref<64xf32, #tpu.memory_space<vmem>>
      %dma_wait3A_782 = arith.constant 0 : i32
      %dma_wait3A_783 = tpu.memref_slice %arg4[%squeeze3A_322, %dma_wait3A_782] : memref<1000000x64xf32, #tpu.memory_space<hbm>> -> memref<1x64xf32, #tpu.memory_space<hbm>>
      %dma_wait3A_784 = tpu.memref_squeeze %dma_wait3A_783 : memref<1x64xf32, #tpu.memory_space<hbm>> -> memref<64xf32, #tpu.memory_space<hbm>>
      tpu.wait_dma2 semaphore(%arg15 : memref<!tpu.dma_semaphore, #tpu.memory_space<semaphore_mem>>) src(%dma_wait3A_784 : memref<64xf32, #tpu.memory_space<hbm>>) dst(%dma_wait3A_781 : memref<64xf32, #tpu.memory_space<vmem>>)
      %dma_wait3A_785 = arith.constant 0 : i32
      %dma_wait3A_786 = tpu.memref_slice %arg11[%add3A_320, %dma_wait3A_785] : memref<256x64xf32, #tpu.memory_space<vmem>> -> memref<1x64xf32, #tpu.memory_space<vmem>>
      %dma_wait3A_787 = tpu.memref_squeeze %dma_wait3A_786 : memref<1x64xf32, #tpu.memory_space<vmem>> -> memref<64xf32, #tpu.memory_space<vmem>>
      %dma_wait3A_788 = arith.constant 0 : i32
      %dma_wait3A_789 = tpu.memref_slice %arg5[%squeeze3A_336, %dma_wait3A_788] : memref<100000x64xf32, #tpu.memory_space<hbm>> -> memref<1x64xf32, #tpu.memory_space<hbm>>
      %dma_wait3A_790 = tpu.memref_squeeze %dma_wait3A_789 : memref<1x64xf32, #tpu.memory_space<hbm>> -> memref<64xf32, #tpu.memory_space<hbm>>
      %dma_wait3A_791 = arith.constant 0 : i32
      %dma_wait3A_792 = tpu.memref_slice %arg11[%add3A_320, %dma_wait3A_791] : memref<256x64xf32, #tpu.memory_space<vmem>> -> memref<1x64xf32, #tpu.memory_space<vmem>>
      %dma_wait3A_793 = tpu.memref_squeeze %dma_wait3A_792 : memref<1x64xf32, #tpu.memory_space<vmem>> -> memref<64xf32, #tpu.memory_space<vmem>>
      %dma_wait3A_794 = arith.constant 0 : i32
      %dma_wait3A_795 = tpu.memref_slice %arg5[%squeeze3A_336, %dma_wait3A_794] : memref<100000x64xf32, #tpu.memory_space<hbm>> -> memref<1x64xf32, #tpu.memory_space<hbm>>
      %dma_wait3A_796 = tpu.memref_squeeze %dma_wait3A_795 : memref<1x64xf32, #tpu.memory_space<hbm>> -> memref<64xf32, #tpu.memory_space<hbm>>
      tpu.wait_dma2 semaphore(%arg15 : memref<!tpu.dma_semaphore, #tpu.memory_space<semaphore_mem>>) src(%dma_wait3A_796 : memref<64xf32, #tpu.memory_space<hbm>>) dst(%dma_wait3A_793 : memref<64xf32, #tpu.memory_space<vmem>>)
      %dma_wait3A_797 = arith.constant 0 : i32
      %dma_wait3A_798 = tpu.memref_slice %arg10[%add3A_352, %dma_wait3A_797] : memref<256x64xf32, #tpu.memory_space<vmem>> -> memref<1x64xf32, #tpu.memory_space<vmem>>
      %dma_wait3A_799 = tpu.memref_squeeze %dma_wait3A_798 : memref<1x64xf32, #tpu.memory_space<vmem>> -> memref<64xf32, #tpu.memory_space<vmem>>
      %dma_wait3A_800 = arith.constant 0 : i32
      %dma_wait3A_801 = tpu.memref_slice %arg4[%squeeze3A_354, %dma_wait3A_800] : memref<1000000x64xf32, #tpu.memory_space<hbm>> -> memref<1x64xf32, #tpu.memory_space<hbm>>
      %dma_wait3A_802 = tpu.memref_squeeze %dma_wait3A_801 : memref<1x64xf32, #tpu.memory_space<hbm>> -> memref<64xf32, #tpu.memory_space<hbm>>
      %dma_wait3A_803 = arith.constant 0 : i32
      %dma_wait3A_804 = tpu.memref_slice %arg10[%add3A_352, %dma_wait3A_803] : memref<256x64xf32, #tpu.memory_space<vmem>> -> memref<1x64xf32, #tpu.memory_space<vmem>>
      %dma_wait3A_805 = tpu.memref_squeeze %dma_wait3A_804 : memref<1x64xf32, #tpu.memory_space<vmem>> -> memref<64xf32, #tpu.memory_space<vmem>>
      %dma_wait3A_806 = arith.constant 0 : i32
      %dma_wait3A_807 = tpu.memref_slice %arg4[%squeeze3A_354, %dma_wait3A_806] : memref<1000000x64xf32, #tpu.memory_space<hbm>> -> memref<1x64xf32, #tpu.memory_space<hbm>>
      %dma_wait3A_808 = tpu.memref_squeeze %dma_wait3A_807 : memref<1x64xf32, #tpu.memory_space<hbm>> -> memref<64xf32, #tpu.memory_space<hbm>>
      tpu.wait_dma2 semaphore(%arg15 : memref<!tpu.dma_semaphore, #tpu.memory_space<semaphore_mem>>) src(%dma_wait3A_808 : memref<64xf32, #tpu.memory_space<hbm>>) dst(%dma_wait3A_805 : memref<64xf32, #tpu.memory_space<vmem>>)
      %dma_wait3A_809 = arith.constant 0 : i32
      %dma_wait3A_810 = tpu.memref_slice %arg11[%add3A_352, %dma_wait3A_809] : memref<256x64xf32, #tpu.memory_space<vmem>> -> memref<1x64xf32, #tpu.memory_space<vmem>>
      %dma_wait3A_811 = tpu.memref_squeeze %dma_wait3A_810 : memref<1x64xf32, #tpu.memory_space<vmem>> -> memref<64xf32, #tpu.memory_space<vmem>>
      %dma_wait3A_812 = arith.constant 0 : i32
      %dma_wait3A_813 = tpu.memref_slice %arg5[%squeeze3A_368, %dma_wait3A_812] : memref<100000x64xf32, #tpu.memory_space<hbm>> -> memref<1x64xf32, #tpu.memory_space<hbm>>
      %dma_wait3A_814 = tpu.memref_squeeze %dma_wait3A_813 : memref<1x64xf32, #tpu.memory_space<hbm>> -> memref<64xf32, #tpu.memory_space<hbm>>
      %dma_wait3A_815 = arith.constant 0 : i32
      %dma_wait3A_816 = tpu.memref_slice %arg11[%add3A_352, %dma_wait3A_815] : memref<256x64xf32, #tpu.memory_space<vmem>> -> memref<1x64xf32, #tpu.memory_space<vmem>>
      %dma_wait3A_817 = tpu.memref_squeeze %dma_wait3A_816 : memref<1x64xf32, #tpu.memory_space<vmem>> -> memref<64xf32, #tpu.memory_space<vmem>>
      %dma_wait3A_818 = arith.constant 0 : i32
      %dma_wait3A_819 = tpu.memref_slice %arg5[%squeeze3A_368, %dma_wait3A_818] : memref<100000x64xf32, #tpu.memory_space<hbm>> -> memref<1x64xf32, #tpu.memory_space<hbm>>
      %dma_wait3A_820 = tpu.memref_squeeze %dma_wait3A_819 : memref<1x64xf32, #tpu.memory_space<hbm>> -> memref<64xf32, #tpu.memory_space<hbm>>
      tpu.wait_dma2 semaphore(%arg15 : memref<!tpu.dma_semaphore, #tpu.memory_space<semaphore_mem>>) src(%dma_wait3A_820 : memref<64xf32, #tpu.memory_space<hbm>>) dst(%dma_wait3A_817 : memref<64xf32, #tpu.memory_space<vmem>>)
      %dma_wait3A_821 = arith.constant 0 : i32
      %dma_wait3A_822 = tpu.memref_slice %arg10[%add3A_384, %dma_wait3A_821] : memref<256x64xf32, #tpu.memory_space<vmem>> -> memref<1x64xf32, #tpu.memory_space<vmem>>
      %dma_wait3A_823 = tpu.memref_squeeze %dma_wait3A_822 : memref<1x64xf32, #tpu.memory_space<vmem>> -> memref<64xf32, #tpu.memory_space<vmem>>
      %dma_wait3A_824 = arith.constant 0 : i32
      %dma_wait3A_825 = tpu.memref_slice %arg4[%squeeze3A_386, %dma_wait3A_824] : memref<1000000x64xf32, #tpu.memory_space<hbm>> -> memref<1x64xf32, #tpu.memory_space<hbm>>
      %dma_wait3A_826 = tpu.memref_squeeze %dma_wait3A_825 : memref<1x64xf32, #tpu.memory_space<hbm>> -> memref<64xf32, #tpu.memory_space<hbm>>
      %dma_wait3A_827 = arith.constant 0 : i32
      %dma_wait3A_828 = tpu.memref_slice %arg10[%add3A_384, %dma_wait3A_827] : memref<256x64xf32, #tpu.memory_space<vmem>> -> memref<1x64xf32, #tpu.memory_space<vmem>>
      %dma_wait3A_829 = tpu.memref_squeeze %dma_wait3A_828 : memref<1x64xf32, #tpu.memory_space<vmem>> -> memref<64xf32, #tpu.memory_space<vmem>>
      %dma_wait3A_830 = arith.constant 0 : i32
      %dma_wait3A_831 = tpu.memref_slice %arg4[%squeeze3A_386, %dma_wait3A_830] : memref<1000000x64xf32, #tpu.memory_space<hbm>> -> memref<1x64xf32, #tpu.memory_space<hbm>>
      %dma_wait3A_832 = tpu.memref_squeeze %dma_wait3A_831 : memref<1x64xf32, #tpu.memory_space<hbm>> -> memref<64xf32, #tpu.memory_space<hbm>>
      tpu.wait_dma2 semaphore(%arg15 : memref<!tpu.dma_semaphore, #tpu.memory_space<semaphore_mem>>) src(%dma_wait3A_832 : memref<64xf32, #tpu.memory_space<hbm>>) dst(%dma_wait3A_829 : memref<64xf32, #tpu.memory_space<vmem>>)
      %dma_wait3A_833 = arith.constant 0 : i32
      %dma_wait3A_834 = tpu.memref_slice %arg11[%add3A_384, %dma_wait3A_833] : memref<256x64xf32, #tpu.memory_space<vmem>> -> memref<1x64xf32, #tpu.memory_space<vmem>>
      %dma_wait3A_835 = tpu.memref_squeeze %dma_wait3A_834 : memref<1x64xf32, #tpu.memory_space<vmem>> -> memref<64xf32, #tpu.memory_space<vmem>>
      %dma_wait3A_836 = arith.constant 0 : i32
      %dma_wait3A_837 = tpu.memref_slice %arg5[%squeeze3A_400, %dma_wait3A_836] : memref<100000x64xf32, #tpu.memory_space<hbm>> -> memref<1x64xf32, #tpu.memory_space<hbm>>
      %dma_wait3A_838 = tpu.memref_squeeze %dma_wait3A_837 : memref<1x64xf32, #tpu.memory_space<hbm>> -> memref<64xf32, #tpu.memory_space<hbm>>
      %dma_wait3A_839 = arith.constant 0 : i32
      %dma_wait3A_840 = tpu.memref_slice %arg11[%add3A_384, %dma_wait3A_839] : memref<256x64xf32, #tpu.memory_space<vmem>> -> memref<1x64xf32, #tpu.memory_space<vmem>>
      %dma_wait3A_841 = tpu.memref_squeeze %dma_wait3A_840 : memref<1x64xf32, #tpu.memory_space<vmem>> -> memref<64xf32, #tpu.memory_space<vmem>>
      %dma_wait3A_842 = arith.constant 0 : i32
      %dma_wait3A_843 = tpu.memref_slice %arg5[%squeeze3A_400, %dma_wait3A_842] : memref<100000x64xf32, #tpu.memory_space<hbm>> -> memref<1x64xf32, #tpu.memory_space<hbm>>
      %dma_wait3A_844 = tpu.memref_squeeze %dma_wait3A_843 : memref<1x64xf32, #tpu.memory_space<hbm>> -> memref<64xf32, #tpu.memory_space<hbm>>
      tpu.wait_dma2 semaphore(%arg15 : memref<!tpu.dma_semaphore, #tpu.memory_space<semaphore_mem>>) src(%dma_wait3A_844 : memref<64xf32, #tpu.memory_space<hbm>>) dst(%dma_wait3A_841 : memref<64xf32, #tpu.memory_space<vmem>>)
      %dma_wait3A_845 = arith.constant 0 : i32
      %dma_wait3A_846 = tpu.memref_slice %arg10[%add3A_416, %dma_wait3A_845] : memref<256x64xf32, #tpu.memory_space<vmem>> -> memref<1x64xf32, #tpu.memory_space<vmem>>
      %dma_wait3A_847 = tpu.memref_squeeze %dma_wait3A_846 : memref<1x64xf32, #tpu.memory_space<vmem>> -> memref<64xf32, #tpu.memory_space<vmem>>
      %dma_wait3A_848 = arith.constant 0 : i32
      %dma_wait3A_849 = tpu.memref_slice %arg4[%squeeze3A_418, %dma_wait3A_848] : memref<1000000x64xf32, #tpu.memory_space<hbm>> -> memref<1x64xf32, #tpu.memory_space<hbm>>
      %dma_wait3A_850 = tpu.memref_squeeze %dma_wait3A_849 : memref<1x64xf32, #tpu.memory_space<hbm>> -> memref<64xf32, #tpu.memory_space<hbm>>
      %dma_wait3A_851 = arith.constant 0 : i32
      %dma_wait3A_852 = tpu.memref_slice %arg10[%add3A_416, %dma_wait3A_851] : memref<256x64xf32, #tpu.memory_space<vmem>> -> memref<1x64xf32, #tpu.memory_space<vmem>>
      %dma_wait3A_853 = tpu.memref_squeeze %dma_wait3A_852 : memref<1x64xf32, #tpu.memory_space<vmem>> -> memref<64xf32, #tpu.memory_space<vmem>>
      %dma_wait3A_854 = arith.constant 0 : i32
      %dma_wait3A_855 = tpu.memref_slice %arg4[%squeeze3A_418, %dma_wait3A_854] : memref<1000000x64xf32, #tpu.memory_space<hbm>> -> memref<1x64xf32, #tpu.memory_space<hbm>>
      %dma_wait3A_856 = tpu.memref_squeeze %dma_wait3A_855 : memref<1x64xf32, #tpu.memory_space<hbm>> -> memref<64xf32, #tpu.memory_space<hbm>>
      tpu.wait_dma2 semaphore(%arg15 : memref<!tpu.dma_semaphore, #tpu.memory_space<semaphore_mem>>) src(%dma_wait3A_856 : memref<64xf32, #tpu.memory_space<hbm>>) dst(%dma_wait3A_853 : memref<64xf32, #tpu.memory_space<vmem>>)
      %dma_wait3A_857 = arith.constant 0 : i32
      %dma_wait3A_858 = tpu.memref_slice %arg11[%add3A_416, %dma_wait3A_857] : memref<256x64xf32, #tpu.memory_space<vmem>> -> memref<1x64xf32, #tpu.memory_space<vmem>>
      %dma_wait3A_859 = tpu.memref_squeeze %dma_wait3A_858 : memref<1x64xf32, #tpu.memory_space<vmem>> -> memref<64xf32, #tpu.memory_space<vmem>>
      %dma_wait3A_860 = arith.constant 0 : i32
      %dma_wait3A_861 = tpu.memref_slice %arg5[%squeeze3A_432, %dma_wait3A_860] : memref<100000x64xf32, #tpu.memory_space<hbm>> -> memref<1x64xf32, #tpu.memory_space<hbm>>
      %dma_wait3A_862 = tpu.memref_squeeze %dma_wait3A_861 : memref<1x64xf32, #tpu.memory_space<hbm>> -> memref<64xf32, #tpu.memory_space<hbm>>
      %dma_wait3A_863 = arith.constant 0 : i32
      %dma_wait3A_864 = tpu.memref_slice %arg11[%add3A_416, %dma_wait3A_863] : memref<256x64xf32, #tpu.memory_space<vmem>> -> memref<1x64xf32, #tpu.memory_space<vmem>>
      %dma_wait3A_865 = tpu.memref_squeeze %dma_wait3A_864 : memref<1x64xf32, #tpu.memory_space<vmem>> -> memref<64xf32, #tpu.memory_space<vmem>>
      %dma_wait3A_866 = arith.constant 0 : i32
      %dma_wait3A_867 = tpu.memref_slice %arg5[%squeeze3A_432, %dma_wait3A_866] : memref<100000x64xf32, #tpu.memory_space<hbm>> -> memref<1x64xf32, #tpu.memory_space<hbm>>
      %dma_wait3A_868 = tpu.memref_squeeze %dma_wait3A_867 : memref<1x64xf32, #tpu.memory_space<hbm>> -> memref<64xf32, #tpu.memory_space<hbm>>
      tpu.wait_dma2 semaphore(%arg15 : memref<!tpu.dma_semaphore, #tpu.memory_space<semaphore_mem>>) src(%dma_wait3A_868 : memref<64xf32, #tpu.memory_space<hbm>>) dst(%dma_wait3A_865 : memref<64xf32, #tpu.memory_space<vmem>>)
      %dma_wait3A_869 = arith.constant 0 : i32
      %dma_wait3A_870 = tpu.memref_slice %arg10[%add3A_448, %dma_wait3A_869] : memref<256x64xf32, #tpu.memory_space<vmem>> -> memref<1x64xf32, #tpu.memory_space<vmem>>
      %dma_wait3A_871 = tpu.memref_squeeze %dma_wait3A_870 : memref<1x64xf32, #tpu.memory_space<vmem>> -> memref<64xf32, #tpu.memory_space<vmem>>
      %dma_wait3A_872 = arith.constant 0 : i32
      %dma_wait3A_873 = tpu.memref_slice %arg4[%squeeze3A_450, %dma_wait3A_872] : memref<1000000x64xf32, #tpu.memory_space<hbm>> -> memref<1x64xf32, #tpu.memory_space<hbm>>
      %dma_wait3A_874 = tpu.memref_squeeze %dma_wait3A_873 : memref<1x64xf32, #tpu.memory_space<hbm>> -> memref<64xf32, #tpu.memory_space<hbm>>
      %dma_wait3A_875 = arith.constant 0 : i32
      %dma_wait3A_876 = tpu.memref_slice %arg10[%add3A_448, %dma_wait3A_875] : memref<256x64xf32, #tpu.memory_space<vmem>> -> memref<1x64xf32, #tpu.memory_space<vmem>>
      %dma_wait3A_877 = tpu.memref_squeeze %dma_wait3A_876 : memref<1x64xf32, #tpu.memory_space<vmem>> -> memref<64xf32, #tpu.memory_space<vmem>>
      %dma_wait3A_878 = arith.constant 0 : i32
      %dma_wait3A_879 = tpu.memref_slice %arg4[%squeeze3A_450, %dma_wait3A_878] : memref<1000000x64xf32, #tpu.memory_space<hbm>> -> memref<1x64xf32, #tpu.memory_space<hbm>>
      %dma_wait3A_880 = tpu.memref_squeeze %dma_wait3A_879 : memref<1x64xf32, #tpu.memory_space<hbm>> -> memref<64xf32, #tpu.memory_space<hbm>>
      tpu.wait_dma2 semaphore(%arg15 : memref<!tpu.dma_semaphore, #tpu.memory_space<semaphore_mem>>) src(%dma_wait3A_880 : memref<64xf32, #tpu.memory_space<hbm>>) dst(%dma_wait3A_877 : memref<64xf32, #tpu.memory_space<vmem>>)
      %dma_wait3A_881 = arith.constant 0 : i32
      %dma_wait3A_882 = tpu.memref_slice %arg11[%add3A_448, %dma_wait3A_881] : memref<256x64xf32, #tpu.memory_space<vmem>> -> memref<1x64xf32, #tpu.memory_space<vmem>>
      %dma_wait3A_883 = tpu.memref_squeeze %dma_wait3A_882 : memref<1x64xf32, #tpu.memory_space<vmem>> -> memref<64xf32, #tpu.memory_space<vmem>>
      %dma_wait3A_884 = arith.constant 0 : i32
      %dma_wait3A_885 = tpu.memref_slice %arg5[%squeeze3A_464, %dma_wait3A_884] : memref<100000x64xf32, #tpu.memory_space<hbm>> -> memref<1x64xf32, #tpu.memory_space<hbm>>
      %dma_wait3A_886 = tpu.memref_squeeze %dma_wait3A_885 : memref<1x64xf32, #tpu.memory_space<hbm>> -> memref<64xf32, #tpu.memory_space<hbm>>
      %dma_wait3A_887 = arith.constant 0 : i32
      %dma_wait3A_888 = tpu.memref_slice %arg11[%add3A_448, %dma_wait3A_887] : memref<256x64xf32, #tpu.memory_space<vmem>> -> memref<1x64xf32, #tpu.memory_space<vmem>>
      %dma_wait3A_889 = tpu.memref_squeeze %dma_wait3A_888 : memref<1x64xf32, #tpu.memory_space<vmem>> -> memref<64xf32, #tpu.memory_space<vmem>>
      %dma_wait3A_890 = arith.constant 0 : i32
      %dma_wait3A_891 = tpu.memref_slice %arg5[%squeeze3A_464, %dma_wait3A_890] : memref<100000x64xf32, #tpu.memory_space<hbm>> -> memref<1x64xf32, #tpu.memory_space<hbm>>
      %dma_wait3A_892 = tpu.memref_squeeze %dma_wait3A_891 : memref<1x64xf32, #tpu.memory_space<hbm>> -> memref<64xf32, #tpu.memory_space<hbm>>
      tpu.wait_dma2 semaphore(%arg15 : memref<!tpu.dma_semaphore, #tpu.memory_space<semaphore_mem>>) src(%dma_wait3A_892 : memref<64xf32, #tpu.memory_space<hbm>>) dst(%dma_wait3A_889 : memref<64xf32, #tpu.memory_space<vmem>>)
      %dma_wait3A_893 = arith.constant 0 : i32
      %dma_wait3A_894 = tpu.memref_slice %arg10[%add3A_480, %dma_wait3A_893] : memref<256x64xf32, #tpu.memory_space<vmem>> -> memref<1x64xf32, #tpu.memory_space<vmem>>
      %dma_wait3A_895 = tpu.memref_squeeze %dma_wait3A_894 : memref<1x64xf32, #tpu.memory_space<vmem>> -> memref<64xf32, #tpu.memory_space<vmem>>
      %dma_wait3A_896 = arith.constant 0 : i32
      %dma_wait3A_897 = tpu.memref_slice %arg4[%squeeze3A_482, %dma_wait3A_896] : memref<1000000x64xf32, #tpu.memory_space<hbm>> -> memref<1x64xf32, #tpu.memory_space<hbm>>
      %dma_wait3A_898 = tpu.memref_squeeze %dma_wait3A_897 : memref<1x64xf32, #tpu.memory_space<hbm>> -> memref<64xf32, #tpu.memory_space<hbm>>
      %dma_wait3A_899 = arith.constant 0 : i32
      %dma_wait3A_900 = tpu.memref_slice %arg10[%add3A_480, %dma_wait3A_899] : memref<256x64xf32, #tpu.memory_space<vmem>> -> memref<1x64xf32, #tpu.memory_space<vmem>>
      %dma_wait3A_901 = tpu.memref_squeeze %dma_wait3A_900 : memref<1x64xf32, #tpu.memory_space<vmem>> -> memref<64xf32, #tpu.memory_space<vmem>>
      %dma_wait3A_902 = arith.constant 0 : i32
      %dma_wait3A_903 = tpu.memref_slice %arg4[%squeeze3A_482, %dma_wait3A_902] : memref<1000000x64xf32, #tpu.memory_space<hbm>> -> memref<1x64xf32, #tpu.memory_space<hbm>>
      %dma_wait3A_904 = tpu.memref_squeeze %dma_wait3A_903 : memref<1x64xf32, #tpu.memory_space<hbm>> -> memref<64xf32, #tpu.memory_space<hbm>>
      tpu.wait_dma2 semaphore(%arg15 : memref<!tpu.dma_semaphore, #tpu.memory_space<semaphore_mem>>) src(%dma_wait3A_904 : memref<64xf32, #tpu.memory_space<hbm>>) dst(%dma_wait3A_901 : memref<64xf32, #tpu.memory_space<vmem>>)
      %dma_wait3A_905 = arith.constant 0 : i32
      %dma_wait3A_906 = tpu.memref_slice %arg11[%add3A_480, %dma_wait3A_905] : memref<256x64xf32, #tpu.memory_space<vmem>> -> memref<1x64xf32, #tpu.memory_space<vmem>>
      %dma_wait3A_907 = tpu.memref_squeeze %dma_wait3A_906 : memref<1x64xf32, #tpu.memory_space<vmem>> -> memref<64xf32, #tpu.memory_space<vmem>>
      %dma_wait3A_908 = arith.constant 0 : i32
      %dma_wait3A_909 = tpu.memref_slice %arg5[%squeeze3A_496, %dma_wait3A_908] : memref<100000x64xf32, #tpu.memory_space<hbm>> -> memref<1x64xf32, #tpu.memory_space<hbm>>
      %dma_wait3A_910 = tpu.memref_squeeze %dma_wait3A_909 : memref<1x64xf32, #tpu.memory_space<hbm>> -> memref<64xf32, #tpu.memory_space<hbm>>
      %dma_wait3A_911 = arith.constant 0 : i32
      %dma_wait3A_912 = tpu.memref_slice %arg11[%add3A_480, %dma_wait3A_911] : memref<256x64xf32, #tpu.memory_space<vmem>> -> memref<1x64xf32, #tpu.memory_space<vmem>>
      %dma_wait3A_913 = tpu.memref_squeeze %dma_wait3A_912 : memref<1x64xf32, #tpu.memory_space<vmem>> -> memref<64xf32, #tpu.memory_space<vmem>>
      %dma_wait3A_914 = arith.constant 0 : i32
      %dma_wait3A_915 = tpu.memref_slice %arg5[%squeeze3A_496, %dma_wait3A_914] : memref<100000x64xf32, #tpu.memory_space<hbm>> -> memref<1x64xf32, #tpu.memory_space<hbm>>
      %dma_wait3A_916 = tpu.memref_squeeze %dma_wait3A_915 : memref<1x64xf32, #tpu.memory_space<hbm>> -> memref<64xf32, #tpu.memory_space<hbm>>
      tpu.wait_dma2 semaphore(%arg15 : memref<!tpu.dma_semaphore, #tpu.memory_space<semaphore_mem>>) src(%dma_wait3A_916 : memref<64xf32, #tpu.memory_space<hbm>>) dst(%dma_wait3A_913 : memref<64xf32, #tpu.memory_space<vmem>>)
      %dma_wait3A_917 = arith.constant 0 : i32
      %dma_wait3A_918 = tpu.memref_slice %arg10[%add3A_512, %dma_wait3A_917] : memref<256x64xf32, #tpu.memory_space<vmem>> -> memref<1x64xf32, #tpu.memory_space<vmem>>
      %dma_wait3A_919 = tpu.memref_squeeze %dma_wait3A_918 : memref<1x64xf32, #tpu.memory_space<vmem>> -> memref<64xf32, #tpu.memory_space<vmem>>
      %dma_wait3A_920 = arith.constant 0 : i32
      %dma_wait3A_921 = tpu.memref_slice %arg4[%squeeze3A_514, %dma_wait3A_920] : memref<1000000x64xf32, #tpu.memory_space<hbm>> -> memref<1x64xf32, #tpu.memory_space<hbm>>
      %dma_wait3A_922 = tpu.memref_squeeze %dma_wait3A_921 : memref<1x64xf32, #tpu.memory_space<hbm>> -> memref<64xf32, #tpu.memory_space<hbm>>
      %dma_wait3A_923 = arith.constant 0 : i32
      %dma_wait3A_924 = tpu.memref_slice %arg10[%add3A_512, %dma_wait3A_923] : memref<256x64xf32, #tpu.memory_space<vmem>> -> memref<1x64xf32, #tpu.memory_space<vmem>>
      %dma_wait3A_925 = tpu.memref_squeeze %dma_wait3A_924 : memref<1x64xf32, #tpu.memory_space<vmem>> -> memref<64xf32, #tpu.memory_space<vmem>>
      %dma_wait3A_926 = arith.constant 0 : i32
      %dma_wait3A_927 = tpu.memref_slice %arg4[%squeeze3A_514, %dma_wait3A_926] : memref<1000000x64xf32, #tpu.memory_space<hbm>> -> memref<1x64xf32, #tpu.memory_space<hbm>>
      %dma_wait3A_928 = tpu.memref_squeeze %dma_wait3A_927 : memref<1x64xf32, #tpu.memory_space<hbm>> -> memref<64xf32, #tpu.memory_space<hbm>>
      tpu.wait_dma2 semaphore(%arg15 : memref<!tpu.dma_semaphore, #tpu.memory_space<semaphore_mem>>) src(%dma_wait3A_928 : memref<64xf32, #tpu.memory_space<hbm>>) dst(%dma_wait3A_925 : memref<64xf32, #tpu.memory_space<vmem>>)
      %dma_wait3A_929 = arith.constant 0 : i32
      %dma_wait3A_930 = tpu.memref_slice %arg11[%add3A_512, %dma_wait3A_929] : memref<256x64xf32, #tpu.memory_space<vmem>> -> memref<1x64xf32, #tpu.memory_space<vmem>>
      %dma_wait3A_931 = tpu.memref_squeeze %dma_wait3A_930 : memref<1x64xf32, #tpu.memory_space<vmem>> -> memref<64xf32, #tpu.memory_space<vmem>>
      %dma_wait3A_932 = arith.constant 0 : i32
      %dma_wait3A_933 = tpu.memref_slice %arg5[%squeeze3A_528, %dma_wait3A_932] : memref<100000x64xf32, #tpu.memory_space<hbm>> -> memref<1x64xf32, #tpu.memory_space<hbm>>
      %dma_wait3A_934 = tpu.memref_squeeze %dma_wait3A_933 : memref<1x64xf32, #tpu.memory_space<hbm>> -> memref<64xf32, #tpu.memory_space<hbm>>
      %dma_wait3A_935 = arith.constant 0 : i32
      %dma_wait3A_936 = tpu.memref_slice %arg11[%add3A_512, %dma_wait3A_935] : memref<256x64xf32, #tpu.memory_space<vmem>> -> memref<1x64xf32, #tpu.memory_space<vmem>>
      %dma_wait3A_937 = tpu.memref_squeeze %dma_wait3A_936 : memref<1x64xf32, #tpu.memory_space<vmem>> -> memref<64xf32, #tpu.memory_space<vmem>>
      %dma_wait3A_938 = arith.constant 0 : i32
      %dma_wait3A_939 = tpu.memref_slice %arg5[%squeeze3A_528, %dma_wait3A_938] : memref<100000x64xf32, #tpu.memory_space<hbm>> -> memref<1x64xf32, #tpu.memory_space<hbm>>
      %dma_wait3A_940 = tpu.memref_squeeze %dma_wait3A_939 : memref<1x64xf32, #tpu.memory_space<hbm>> -> memref<64xf32, #tpu.memory_space<hbm>>
      tpu.wait_dma2 semaphore(%arg15 : memref<!tpu.dma_semaphore, #tpu.memory_space<semaphore_mem>>) src(%dma_wait3A_940 : memref<64xf32, #tpu.memory_space<hbm>>) dst(%dma_wait3A_937 : memref<64xf32, #tpu.memory_space<vmem>>)
      %dma_wait3A_941 = arith.constant 0 : i32
      %dma_wait3A_942 = tpu.memref_slice %arg10[%add3A_544, %dma_wait3A_941] : memref<256x64xf32, #tpu.memory_space<vmem>> -> memref<1x64xf32, #tpu.memory_space<vmem>>
      %dma_wait3A_943 = tpu.memref_squeeze %dma_wait3A_942 : memref<1x64xf32, #tpu.memory_space<vmem>> -> memref<64xf32, #tpu.memory_space<vmem>>
      %dma_wait3A_944 = arith.constant 0 : i32
      %dma_wait3A_945 = tpu.memref_slice %arg4[%squeeze3A_546, %dma_wait3A_944] : memref<1000000x64xf32, #tpu.memory_space<hbm>> -> memref<1x64xf32, #tpu.memory_space<hbm>>
      %dma_wait3A_946 = tpu.memref_squeeze %dma_wait3A_945 : memref<1x64xf32, #tpu.memory_space<hbm>> -> memref<64xf32, #tpu.memory_space<hbm>>
      %dma_wait3A_947 = arith.constant 0 : i32
      %dma_wait3A_948 = tpu.memref_slice %arg10[%add3A_544, %dma_wait3A_947] : memref<256x64xf32, #tpu.memory_space<vmem>> -> memref<1x64xf32, #tpu.memory_space<vmem>>
      %dma_wait3A_949 = tpu.memref_squeeze %dma_wait3A_948 : memref<1x64xf32, #tpu.memory_space<vmem>> -> memref<64xf32, #tpu.memory_space<vmem>>
      %dma_wait3A_950 = arith.constant 0 : i32
      %dma_wait3A_951 = tpu.memref_slice %arg4[%squeeze3A_546, %dma_wait3A_950] : memref<1000000x64xf32, #tpu.memory_space<hbm>> -> memref<1x64xf32, #tpu.memory_space<hbm>>
      %dma_wait3A_952 = tpu.memref_squeeze %dma_wait3A_951 : memref<1x64xf32, #tpu.memory_space<hbm>> -> memref<64xf32, #tpu.memory_space<hbm>>
      tpu.wait_dma2 semaphore(%arg15 : memref<!tpu.dma_semaphore, #tpu.memory_space<semaphore_mem>>) src(%dma_wait3A_952 : memref<64xf32, #tpu.memory_space<hbm>>) dst(%dma_wait3A_949 : memref<64xf32, #tpu.memory_space<vmem>>)
      %dma_wait3A_953 = arith.constant 0 : i32
      %dma_wait3A_954 = tpu.memref_slice %arg11[%add3A_544, %dma_wait3A_953] : memref<256x64xf32, #tpu.memory_space<vmem>> -> memref<1x64xf32, #tpu.memory_space<vmem>>
      %dma_wait3A_955 = tpu.memref_squeeze %dma_wait3A_954 : memref<1x64xf32, #tpu.memory_space<vmem>> -> memref<64xf32, #tpu.memory_space<vmem>>
      %dma_wait3A_956 = arith.constant 0 : i32
      %dma_wait3A_957 = tpu.memref_slice %arg5[%squeeze3A_560, %dma_wait3A_956] : memref<100000x64xf32, #tpu.memory_space<hbm>> -> memref<1x64xf32, #tpu.memory_space<hbm>>
      %dma_wait3A_958 = tpu.memref_squeeze %dma_wait3A_957 : memref<1x64xf32, #tpu.memory_space<hbm>> -> memref<64xf32, #tpu.memory_space<hbm>>
      %dma_wait3A_959 = arith.constant 0 : i32
      %dma_wait3A_960 = tpu.memref_slice %arg11[%add3A_544, %dma_wait3A_959] : memref<256x64xf32, #tpu.memory_space<vmem>> -> memref<1x64xf32, #tpu.memory_space<vmem>>
      %dma_wait3A_961 = tpu.memref_squeeze %dma_wait3A_960 : memref<1x64xf32, #tpu.memory_space<vmem>> -> memref<64xf32, #tpu.memory_space<vmem>>
      %dma_wait3A_962 = arith.constant 0 : i32
      %dma_wait3A_963 = tpu.memref_slice %arg5[%squeeze3A_560, %dma_wait3A_962] : memref<100000x64xf32, #tpu.memory_space<hbm>> -> memref<1x64xf32, #tpu.memory_space<hbm>>
      %dma_wait3A_964 = tpu.memref_squeeze %dma_wait3A_963 : memref<1x64xf32, #tpu.memory_space<hbm>> -> memref<64xf32, #tpu.memory_space<hbm>>
      tpu.wait_dma2 semaphore(%arg15 : memref<!tpu.dma_semaphore, #tpu.memory_space<semaphore_mem>>) src(%dma_wait3A_964 : memref<64xf32, #tpu.memory_space<hbm>>) dst(%dma_wait3A_961 : memref<64xf32, #tpu.memory_space<vmem>>)
      %dma_wait3A_965 = arith.constant 0 : i32
      %dma_wait3A_966 = tpu.memref_slice %arg10[%add3A_576, %dma_wait3A_965] : memref<256x64xf32, #tpu.memory_space<vmem>> -> memref<1x64xf32, #tpu.memory_space<vmem>>
      %dma_wait3A_967 = tpu.memref_squeeze %dma_wait3A_966 : memref<1x64xf32, #tpu.memory_space<vmem>> -> memref<64xf32, #tpu.memory_space<vmem>>
      %dma_wait3A_968 = arith.constant 0 : i32
      %dma_wait3A_969 = tpu.memref_slice %arg4[%squeeze3A_578, %dma_wait3A_968] : memref<1000000x64xf32, #tpu.memory_space<hbm>> -> memref<1x64xf32, #tpu.memory_space<hbm>>
      %dma_wait3A_970 = tpu.memref_squeeze %dma_wait3A_969 : memref<1x64xf32, #tpu.memory_space<hbm>> -> memref<64xf32, #tpu.memory_space<hbm>>
      %dma_wait3A_971 = arith.constant 0 : i32
      %dma_wait3A_972 = tpu.memref_slice %arg10[%add3A_576, %dma_wait3A_971] : memref<256x64xf32, #tpu.memory_space<vmem>> -> memref<1x64xf32, #tpu.memory_space<vmem>>
      %dma_wait3A_973 = tpu.memref_squeeze %dma_wait3A_972 : memref<1x64xf32, #tpu.memory_space<vmem>> -> memref<64xf32, #tpu.memory_space<vmem>>
      %dma_wait3A_974 = arith.constant 0 : i32
      %dma_wait3A_975 = tpu.memref_slice %arg4[%squeeze3A_578, %dma_wait3A_974] : memref<1000000x64xf32, #tpu.memory_space<hbm>> -> memref<1x64xf32, #tpu.memory_space<hbm>>
      %dma_wait3A_976 = tpu.memref_squeeze %dma_wait3A_975 : memref<1x64xf32, #tpu.memory_space<hbm>> -> memref<64xf32, #tpu.memory_space<hbm>>
      tpu.wait_dma2 semaphore(%arg15 : memref<!tpu.dma_semaphore, #tpu.memory_space<semaphore_mem>>) src(%dma_wait3A_976 : memref<64xf32, #tpu.memory_space<hbm>>) dst(%dma_wait3A_973 : memref<64xf32, #tpu.memory_space<vmem>>)
      %dma_wait3A_977 = arith.constant 0 : i32
      %dma_wait3A_978 = tpu.memref_slice %arg11[%add3A_576, %dma_wait3A_977] : memref<256x64xf32, #tpu.memory_space<vmem>> -> memref<1x64xf32, #tpu.memory_space<vmem>>
      %dma_wait3A_979 = tpu.memref_squeeze %dma_wait3A_978 : memref<1x64xf32, #tpu.memory_space<vmem>> -> memref<64xf32, #tpu.memory_space<vmem>>
      %dma_wait3A_980 = arith.constant 0 : i32
      %dma_wait3A_981 = tpu.memref_slice %arg5[%squeeze3A_592, %dma_wait3A_980] : memref<100000x64xf32, #tpu.memory_space<hbm>> -> memref<1x64xf32, #tpu.memory_space<hbm>>
      %dma_wait3A_982 = tpu.memref_squeeze %dma_wait3A_981 : memref<1x64xf32, #tpu.memory_space<hbm>> -> memref<64xf32, #tpu.memory_space<hbm>>
      %dma_wait3A_983 = arith.constant 0 : i32
      %dma_wait3A_984 = tpu.memref_slice %arg11[%add3A_576, %dma_wait3A_983] : memref<256x64xf32, #tpu.memory_space<vmem>> -> memref<1x64xf32, #tpu.memory_space<vmem>>
      %dma_wait3A_985 = tpu.memref_squeeze %dma_wait3A_984 : memref<1x64xf32, #tpu.memory_space<vmem>> -> memref<64xf32, #tpu.memory_space<vmem>>
      %dma_wait3A_986 = arith.constant 0 : i32
      %dma_wait3A_987 = tpu.memref_slice %arg5[%squeeze3A_592, %dma_wait3A_986] : memref<100000x64xf32, #tpu.memory_space<hbm>> -> memref<1x64xf32, #tpu.memory_space<hbm>>
      %dma_wait3A_988 = tpu.memref_squeeze %dma_wait3A_987 : memref<1x64xf32, #tpu.memory_space<hbm>> -> memref<64xf32, #tpu.memory_space<hbm>>
      tpu.wait_dma2 semaphore(%arg15 : memref<!tpu.dma_semaphore, #tpu.memory_space<semaphore_mem>>) src(%dma_wait3A_988 : memref<64xf32, #tpu.memory_space<hbm>>) dst(%dma_wait3A_985 : memref<64xf32, #tpu.memory_space<vmem>>)
    }
    %scan3A_67 = arith.constant 16 : i32
    %scan3A_68 = arith.constant 0 : i32
    %scan3A_69 = arith.constant 256 : i32
    %scan3A_70 = arith.addi %scan3A_68, %scan3A_69 : i32
    %scan3A_71 = arith.constant 1 : i32
    scf.for %scan3A_79 = %scan3A_68 to %scan3A_70 step %scan3A_71  : i32 {
      %mul3A_80 = arith.constant 1 : i32
      %mul3A_81 = arith.muli %scan3A_79, %mul3A_80 : i32
      %add3A_82 = arith.constant 0 : i32
      %add3A_83 = arith.addi %add3A_82, %mul3A_81 : i32
      %broadcast_in_dim3A = arith.constant 0.000000e+00 : f32
      %broadcast_in_dim3A_84 = vector.broadcast %broadcast_in_dim3A : f32 to vector<16xf32>
      %get3A = arith.index_cast %add3A_83 : i32 to index
      %get3A_85 = arith.constant 0 : index
      %get3A_86 = tpu.vector_load %arg10[%get3A, %get3A_85] {strides = array<i32>} : memref<256x64xf32, #tpu.memory_space<vmem>>, vector<16xf32>,
      %get3A_87 = arith.index_cast %add3A_83 : i32 to index
      %get3A_88 = arith.constant 0 : index
      %get3A_89 = tpu.vector_load %arg11[%get3A_87, %get3A_88] {strides = array<i32>} : memref<256x64xf32, #tpu.memory_space<vmem>>, vector<16xf32>,
      %neg3A = arith.constant 0.000000e+00 : f32
      %neg3A_90 = vector.broadcast %neg3A : f32 to vector<16xf32>
      %neg3A_91 = arith.subf %neg3A_90, %get3A_89 : vector<16xf32>
      %exp3A = math.exp %neg3A_91 : vector<16xf32>
      %add3A_92 = arith.constant 1.000000e+00 : f32
      %add3A_93 = vector.broadcast %add3A_92 : f32 to vector<16xf32>
      %add3A_94 = arith.addf %add3A_93, %exp3A : vector<16xf32>
      %div3A = arith.divf %get3A_86, %add3A_94 : vector<16xf32>
      %add3A_95 = arith.addf %broadcast_in_dim3A_84, %div3A : vector<16xf32>
      %get3A_96 = arith.index_cast %add3A_83 : i32 to index
      %get3A_97 = arith.constant 16 : index
      %get3A_98 = tpu.vector_load %arg10[%get3A_96, %get3A_97] {strides = array<i32>} : memref<256x64xf32, #tpu.memory_space<vmem>>, vector<16xf32>,
      %get3A_99 = arith.index_cast %add3A_83 : i32 to index
      %get3A_100 = arith.constant 16 : index
      %get3A_101 = tpu.vector_load %arg11[%get3A_99, %get3A_100] {strides = array<i32>} : memref<256x64xf32, #tpu.memory_space<vmem>>, vector<16xf32>,
      %neg3A_102 = arith.constant 0.000000e+00 : f32
      %neg3A_103 = vector.broadcast %neg3A_102 : f32 to vector<16xf32>
      %neg3A_104 = arith.subf %neg3A_103, %get3A_101 : vector<16xf32>
      %exp3A_105 = math.exp %neg3A_104 : vector<16xf32>
      %add3A_106 = arith.constant 1.000000e+00 : f32
      %add3A_107 = vector.broadcast %add3A_106 : f32 to vector<16xf32>
      %add3A_108 = arith.addf %add3A_107, %exp3A_105 : vector<16xf32>
      %div3A_109 = arith.divf %get3A_98, %add3A_108 : vector<16xf32>
      %add3A_110 = arith.addf %add3A_95, %div3A_109 : vector<16xf32>
      %get3A_111 = arith.index_cast %add3A_83 : i32 to index
      %get3A_112 = arith.constant 32 : index
      %get3A_113 = tpu.vector_load %arg10[%get3A_111, %get3A_112] {strides = array<i32>} : memref<256x64xf32, #tpu.memory_space<vmem>>, vector<16xf32>,
      %get3A_114 = arith.index_cast %add3A_83 : i32 to index
      %get3A_115 = arith.constant 32 : index
      %get3A_116 = tpu.vector_load %arg11[%get3A_114, %get3A_115] {strides = array<i32>} : memref<256x64xf32, #tpu.memory_space<vmem>>, vector<16xf32>,
      %neg3A_117 = arith.constant 0.000000e+00 : f32
      %neg3A_118 = vector.broadcast %neg3A_117 : f32 to vector<16xf32>
      %neg3A_119 = arith.subf %neg3A_118, %get3A_116 : vector<16xf32>
      %exp3A_120 = math.exp %neg3A_119 : vector<16xf32>
      %add3A_121 = arith.constant 1.000000e+00 : f32
      %add3A_122 = vector.broadcast %add3A_121 : f32 to vector<16xf32>
      %add3A_123 = arith.addf %add3A_122, %exp3A_120 : vector<16xf32>
      %div3A_124 = arith.divf %get3A_113, %add3A_123 : vector<16xf32>
      %add3A_125 = arith.addf %add3A_110, %div3A_124 : vector<16xf32>
      %get3A_126 = arith.index_cast %add3A_83 : i32 to index
      %get3A_127 = arith.constant 48 : index
      %get3A_128 = tpu.vector_load %arg10[%get3A_126, %get3A_127] {strides = array<i32>} : memref<256x64xf32, #tpu.memory_space<vmem>>, vector<16xf32>,
      %get3A_129 = arith.index_cast %add3A_83 : i32 to index
      %get3A_130 = arith.constant 48 : index
      %get3A_131 = tpu.vector_load %arg11[%get3A_129, %get3A_130] {strides = array<i32>} : memref<256x64xf32, #tpu.memory_space<vmem>>, vector<16xf32>,
      %neg3A_132 = arith.constant 0.000000e+00 : f32
      %neg3A_133 = vector.broadcast %neg3A_132 : f32 to vector<16xf32>
      %neg3A_134 = arith.subf %neg3A_133, %get3A_131 : vector<16xf32>
      %exp3A_135 = math.exp %neg3A_134 : vector<16xf32>
      %add3A_136 = arith.constant 1.000000e+00 : f32
      %add3A_137 = vector.broadcast %add3A_136 : f32 to vector<16xf32>
      %add3A_138 = arith.addf %add3A_137, %exp3A_135 : vector<16xf32>
      %div3A_139 = arith.divf %get3A_128, %add3A_138 : vector<16xf32>
      %add3A_140 = arith.addf %add3A_125, %div3A_139 : vector<16xf32>
      %mul3A_141 = arith.constant 17 : i32
      %mul3A_142 = arith.muli %add3A_83, %mul3A_141 : i32
      %swap3A = arith.index_cast %mul3A_142 : i32 to index
      %swap3A_143 = tpu.vector_load %arg13[%swap3A] {strides = array<i32>} : memref<4352xf32, #tpu.memory_space<vmem>>, vector<16xf32>,
      tpu.vector_store %arg13[%swap3A], %add3A_140 {strides = array<i32>} : memref<4352xf32, #tpu.memory_space<vmem>>, vector<16xf32>,
    }
    %scan3A_72 = arith.constant 256 : i32
    %iota3A_73 = tpu.iota {dimensions = array<i32: 0>} : vector<16xi32>
    %scan3A_74 = arith.constant 0 : i32
    %scan3A_75 = arith.constant 16 : i32
    %scan3A_76 = arith.addi %scan3A_74, %scan3A_75 : i32
    %scan3A_77 = arith.constant 1 : i32
    scf.for %scan3A_79 = %scan3A_74 to %scan3A_76 step %scan3A_77  : i32 {
      %mul3A_80 = arith.constant 1 : i32
      %mul3A_81 = arith.muli %scan3A_79, %mul3A_80 : i32
      %add3A_82 = arith.constant 0 : i32
      %add3A_83 = arith.addi %add3A_82, %mul3A_81 : i32
      %mul3A_84 = arith.constant 272 : i32
      %mul3A_85 = arith.muli %add3A_83, %mul3A_84 : i32
      %broadcast_in_dim3A = arith.constant 0.000000e+00 : f32
      %broadcast_in_dim3A_86 = vector.broadcast %broadcast_in_dim3A : f32 to vector<16xf32>
      %mul3A_87 = arith.constant 17 : i32
      %mul3A_88 = vector.broadcast %mul3A_87 : i32 to vector<16xi32>
      %mul3A_89 = arith.muli %iota3A_73, %mul3A_88 : vector<16xi32>
      %add3A_90 = vector.broadcast %mul3A_85 : i32 to vector<16xi32>
      %add3A_91 = arith.addi %add3A_90, %mul3A_89 : vector<16xi32>
      %add3A_92 = arith.constant 0 : i32
      %add3A_93 = vector.broadcast %add3A_92 : i32 to vector<16xi32>
      %add3A_94 = arith.addi %add3A_91, %add3A_93 : vector<16xi32>
      %gather3A = tpu.vector_load_idx %arg13[%add3A_94] : memref<4352xf32, #tpu.memory_space<vmem>>[vector<16xi32>], vector<16xf32>,
      %add3A_95 = arith.addf %broadcast_in_dim3A_86, %gather3A : vector<16xf32>
      %mul3A_96 = arith.constant 17 : i32
      %mul3A_97 = vector.broadcast %mul3A_96 : i32 to vector<16xi32>
      %mul3A_98 = arith.muli %iota3A_73, %mul3A_97 : vector<16xi32>
      %add3A_99 = vector.broadcast %mul3A_85 : i32 to vector<16xi32>
      %add3A_100 = arith.addi %add3A_99, %mul3A_98 : vector<16xi32>
      %add3A_101 = arith.constant 1 : i32
      %add3A_102 = vector.broadcast %add3A_101 : i32 to vector<16xi32>
      %add3A_103 = arith.addi %add3A_100, %add3A_102 : vector<16xi32>
      %gather3A_104 = tpu.vector_load_idx %arg13[%add3A_103] : memref<4352xf32, #tpu.memory_space<vmem>>[vector<16xi32>], vector<16xf32>,
      %add3A_105 = arith.addf %add3A_95, %gather3A_104 : vector<16xf32>
      %mul3A_106 = arith.constant 17 : i32
      %mul3A_107 = vector.broadcast %mul3A_106 : i32 to vector<16xi32>
      %mul3A_108 = arith.muli %iota3A_73, %mul3A_107 : vector<16xi32>
      %add3A_109 = vector.broadcast %mul3A_85 : i32 to vector<16xi32>
      %add3A_110 = arith.addi %add3A_109, %mul3A_108 : vector<16xi32>
      %add3A_111 = arith.constant 2 : i32
      %add3A_112 = vector.broadcast %add3A_111 : i32 to vector<16xi32>
      %add3A_113 = arith.addi %add3A_110, %add3A_112 : vector<16xi32>
      %gather3A_114 = tpu.vector_load_idx %arg13[%add3A_113] : memref<4352xf32, #tpu.memory_space<vmem>>[vector<16xi32>], vector<16xf32>,
      %add3A_115 = arith.addf %add3A_105, %gather3A_114 : vector<16xf32>
      %mul3A_116 = arith.constant 17 : i32
      %mul3A_117 = vector.broadcast %mul3A_116 : i32 to vector<16xi32>
      %mul3A_118 = arith.muli %iota3A_73, %mul3A_117 : vector<16xi32>
      %add3A_119 = vector.broadcast %mul3A_85 : i32 to vector<16xi32>
      %add3A_120 = arith.addi %add3A_119, %mul3A_118 : vector<16xi32>
      %add3A_121 = arith.constant 3 : i32
      %add3A_122 = vector.broadcast %add3A_121 : i32 to vector<16xi32>
      %add3A_123 = arith.addi %add3A_120, %add3A_122 : vector<16xi32>
      %gather3A_124 = tpu.vector_load_idx %arg13[%add3A_123] : memref<4352xf32, #tpu.memory_space<vmem>>[vector<16xi32>], vector<16xf32>,
      %add3A_125 = arith.addf %add3A_115, %gather3A_124 : vector<16xf32>
      %mul3A_126 = arith.constant 17 : i32
      %mul3A_127 = vector.broadcast %mul3A_126 : i32 to vector<16xi32>
      %mul3A_128 = arith.muli %iota3A_73, %mul3A_127 : vector<16xi32>
      %add3A_129 = vector.broadcast %mul3A_85 : i32 to vector<16xi32>
      %add3A_130 = arith.addi %add3A_129, %mul3A_128 : vector<16xi32>
      %add3A_131 = arith.constant 4 : i32
      %add3A_132 = vector.broadcast %add3A_131 : i32 to vector<16xi32>
      %add3A_133 = arith.addi %add3A_130, %add3A_132 : vector<16xi32>
      %gather3A_134 = tpu.vector_load_idx %arg13[%add3A_133] : memref<4352xf32, #tpu.memory_space<vmem>>[vector<16xi32>], vector<16xf32>,
      %add3A_135 = arith.addf %add3A_125, %gather3A_134 : vector<16xf32>
      %mul3A_136 = arith.constant 17 : i32
      %mul3A_137 = vector.broadcast %mul3A_136 : i32 to vector<16xi32>
      %mul3A_138 = arith.muli %iota3A_73, %mul3A_137 : vector<16xi32>
      %add3A_139 = vector.broadcast %mul3A_85 : i32 to vector<16xi32>
      %add3A_140 = arith.addi %add3A_139, %mul3A_138 : vector<16xi32>
      %add3A_141 = arith.constant 5 : i32
      %add3A_142 = vector.broadcast %add3A_141 : i32 to vector<16xi32>
      %add3A_143 = arith.addi %add3A_140, %add3A_142 : vector<16xi32>
      %gather3A_144 = tpu.vector_load_idx %arg13[%add3A_143] : memref<4352xf32, #tpu.memory_space<vmem>>[vector<16xi32>], vector<16xf32>,
      %add3A_145 = arith.addf %add3A_135, %gather3A_144 : vector<16xf32>
      %mul3A_146 = arith.constant 17 : i32
      %mul3A_147 = vector.broadcast %mul3A_146 : i32 to vector<16xi32>
      %mul3A_148 = arith.muli %iota3A_73, %mul3A_147 : vector<16xi32>
      %add3A_149 = vector.broadcast %mul3A_85 : i32 to vector<16xi32>
      %add3A_150 = arith.addi %add3A_149, %mul3A_148 : vector<16xi32>
      %add3A_151 = arith.constant 6 : i32
      %add3A_152 = vector.broadcast %add3A_151 : i32 to vector<16xi32>
      %add3A_153 = arith.addi %add3A_150, %add3A_152 : vector<16xi32>
      %gather3A_154 = tpu.vector_load_idx %arg13[%add3A_153] : memref<4352xf32, #tpu.memory_space<vmem>>[vector<16xi32>], vector<16xf32>,
      %add3A_155 = arith.addf %add3A_145, %gather3A_154 : vector<16xf32>
      %mul3A_156 = arith.constant 17 : i32
      %mul3A_157 = vector.broadcast %mul3A_156 : i32 to vector<16xi32>
      %mul3A_158 = arith.muli %iota3A_73, %mul3A_157 : vector<16xi32>
      %add3A_159 = vector.broadcast %mul3A_85 : i32 to vector<16xi32>
      %add3A_160 = arith.addi %add3A_159, %mul3A_158 : vector<16xi32>
      %add3A_161 = arith.constant 7 : i32
      %add3A_162 = vector.broadcast %add3A_161 : i32 to vector<16xi32>
      %add3A_163 = arith.addi %add3A_160, %add3A_162 : vector<16xi32>
      %gather3A_164 = tpu.vector_load_idx %arg13[%add3A_163] : memref<4352xf32, #tpu.memory_space<vmem>>[vector<16xi32>], vector<16xf32>,
      %add3A_165 = arith.addf %add3A_155, %gather3A_164 : vector<16xf32>
      %mul3A_166 = arith.constant 17 : i32
      %mul3A_167 = vector.broadcast %mul3A_166 : i32 to vector<16xi32>
      %mul3A_168 = arith.muli %iota3A_73, %mul3A_167 : vector<16xi32>
      %add3A_169 = vector.broadcast %mul3A_85 : i32 to vector<16xi32>
      %add3A_170 = arith.addi %add3A_169, %mul3A_168 : vector<16xi32>
      %add3A_171 = arith.constant 8 : i32
      %add3A_172 = vector.broadcast %add3A_171 : i32 to vector<16xi32>
      %add3A_173 = arith.addi %add3A_170, %add3A_172 : vector<16xi32>
      %gather3A_174 = tpu.vector_load_idx %arg13[%add3A_173] : memref<4352xf32, #tpu.memory_space<vmem>>[vector<16xi32>], vector<16xf32>,
      %add3A_175 = arith.addf %add3A_165, %gather3A_174 : vector<16xf32>
      %mul3A_176 = arith.constant 17 : i32
      %mul3A_177 = vector.broadcast %mul3A_176 : i32 to vector<16xi32>
      %mul3A_178 = arith.muli %iota3A_73, %mul3A_177 : vector<16xi32>
      %add3A_179 = vector.broadcast %mul3A_85 : i32 to vector<16xi32>
      %add3A_180 = arith.addi %add3A_179, %mul3A_178 : vector<16xi32>
      %add3A_181 = arith.constant 9 : i32
      %add3A_182 = vector.broadcast %add3A_181 : i32 to vector<16xi32>
      %add3A_183 = arith.addi %add3A_180, %add3A_182 : vector<16xi32>
      %gather3A_184 = tpu.vector_load_idx %arg13[%add3A_183] : memref<4352xf32, #tpu.memory_space<vmem>>[vector<16xi32>], vector<16xf32>,
      %add3A_185 = arith.addf %add3A_175, %gather3A_184 : vector<16xf32>
      %mul3A_186 = arith.constant 17 : i32
      %mul3A_187 = vector.broadcast %mul3A_186 : i32 to vector<16xi32>
      %mul3A_188 = arith.muli %iota3A_73, %mul3A_187 : vector<16xi32>
      %add3A_189 = vector.broadcast %mul3A_85 : i32 to vector<16xi32>
      %add3A_190 = arith.addi %add3A_189, %mul3A_188 : vector<16xi32>
      %add3A_191 = arith.constant 10 : i32
      %add3A_192 = vector.broadcast %add3A_191 : i32 to vector<16xi32>
      %add3A_193 = arith.addi %add3A_190, %add3A_192 : vector<16xi32>
      %gather3A_194 = tpu.vector_load_idx %arg13[%add3A_193] : memref<4352xf32, #tpu.memory_space<vmem>>[vector<16xi32>], vector<16xf32>,
      %add3A_195 = arith.addf %add3A_185, %gather3A_194 : vector<16xf32>
      %mul3A_196 = arith.constant 17 : i32
      %mul3A_197 = vector.broadcast %mul3A_196 : i32 to vector<16xi32>
      %mul3A_198 = arith.muli %iota3A_73, %mul3A_197 : vector<16xi32>
      %add3A_199 = vector.broadcast %mul3A_85 : i32 to vector<16xi32>
      %add3A_200 = arith.addi %add3A_199, %mul3A_198 : vector<16xi32>
      %add3A_201 = arith.constant 11 : i32
      %add3A_202 = vector.broadcast %add3A_201 : i32 to vector<16xi32>
      %add3A_203 = arith.addi %add3A_200, %add3A_202 : vector<16xi32>
      %gather3A_204 = tpu.vector_load_idx %arg13[%add3A_203] : memref<4352xf32, #tpu.memory_space<vmem>>[vector<16xi32>], vector<16xf32>,
      %add3A_205 = arith.addf %add3A_195, %gather3A_204 : vector<16xf32>
      %mul3A_206 = arith.constant 17 : i32
      %mul3A_207 = vector.broadcast %mul3A_206 : i32 to vector<16xi32>
      %mul3A_208 = arith.muli %iota3A_73, %mul3A_207 : vector<16xi32>
      %add3A_209 = vector.broadcast %mul3A_85 : i32 to vector<16xi32>
      %add3A_210 = arith.addi %add3A_209, %mul3A_208 : vector<16xi32>
      %add3A_211 = arith.constant 12 : i32
      %add3A_212 = vector.broadcast %add3A_211 : i32 to vector<16xi32>
      %add3A_213 = arith.addi %add3A_210, %add3A_212 : vector<16xi32>
      %gather3A_214 = tpu.vector_load_idx %arg13[%add3A_213] : memref<4352xf32, #tpu.memory_space<vmem>>[vector<16xi32>], vector<16xf32>,
      %add3A_215 = arith.addf %add3A_205, %gather3A_214 : vector<16xf32>
      %mul3A_216 = arith.constant 17 : i32
      %mul3A_217 = vector.broadcast %mul3A_216 : i32 to vector<16xi32>
      %mul3A_218 = arith.muli %iota3A_73, %mul3A_217 : vector<16xi32>
      %add3A_219 = vector.broadcast %mul3A_85 : i32 to vector<16xi32>
      %add3A_220 = arith.addi %add3A_219, %mul3A_218 : vector<16xi32>
      %add3A_221 = arith.constant 13 : i32
      %add3A_222 = vector.broadcast %add3A_221 : i32 to vector<16xi32>
      %add3A_223 = arith.addi %add3A_220, %add3A_222 : vector<16xi32>
      %gather3A_224 = tpu.vector_load_idx %arg13[%add3A_223] : memref<4352xf32, #tpu.memory_space<vmem>>[vector<16xi32>], vector<16xf32>,
      %add3A_225 = arith.addf %add3A_215, %gather3A_224 : vector<16xf32>
      %mul3A_226 = arith.constant 17 : i32
      %mul3A_227 = vector.broadcast %mul3A_226 : i32 to vector<16xi32>
      %mul3A_228 = arith.muli %iota3A_73, %mul3A_227 : vector<16xi32>
      %add3A_229 = vector.broadcast %mul3A_85 : i32 to vector<16xi32>
      %add3A_230 = arith.addi %add3A_229, %mul3A_228 : vector<16xi32>
      %add3A_231 = arith.constant 14 : i32
      %add3A_232 = vector.broadcast %add3A_231 : i32 to vector<16xi32>
      %add3A_233 = arith.addi %add3A_230, %add3A_232 : vector<16xi32>
      %gather3A_234 = tpu.vector_load_idx %arg13[%add3A_233] : memref<4352xf32, #tpu.memory_space<vmem>>[vector<16xi32>], vector<16xf32>,
      %add3A_235 = arith.addf %add3A_225, %gather3A_234 : vector<16xf32>
      %mul3A_236 = arith.constant 17 : i32
      %mul3A_237 = vector.broadcast %mul3A_236 : i32 to vector<16xi32>
      %mul3A_238 = arith.muli %iota3A_73, %mul3A_237 : vector<16xi32>
      %add3A_239 = vector.broadcast %mul3A_85 : i32 to vector<16xi32>
      %add3A_240 = arith.addi %add3A_239, %mul3A_238 : vector<16xi32>
      %add3A_241 = arith.constant 15 : i32
      %add3A_242 = vector.broadcast %add3A_241 : i32 to vector<16xi32>
      %add3A_243 = arith.addi %add3A_240, %add3A_242 : vector<16xi32>
      %gather3A_244 = tpu.vector_load_idx %arg13[%add3A_243] : memref<4352xf32, #tpu.memory_space<vmem>>[vector<16xi32>], vector<16xf32>,
      %add3A_245 = arith.addf %add3A_235, %gather3A_244 : vector<16xf32>
      %mul3A_246 = arith.constant 16 : i32
      %mul3A_247 = arith.muli %add3A_83, %mul3A_246 : i32
      %add3A_248 = arith.constant 256 : i32
      %add3A_249 = arith.addi %add3A_248, %mul3A_247 : i32
      %get3A = arith.index_cast %add3A_249 : i32 to index
      %get3A_250 = tpu.vector_load %arg12[%get3A] {strides = array<i32>} : memref<512xf32, #tpu.memory_space<vmem>>, vector<16xf32>,
      %sub3A = arith.subf %get3A_250, %add3A_245 : vector<16xf32>
      %exp3A = math.exp %sub3A : vector<16xf32>
      %add3A_251 = arith.constant 1.000000e+00 : f32
      %add3A_252 = vector.broadcast %add3A_251 : f32 to vector<16xf32>
      %add3A_253 = arith.addf %add3A_252, %exp3A : vector<16xf32>
      %div3A = arith.constant 1.000000e+00 : f32
      %div3A_254 = vector.broadcast %div3A : f32 to vector<16xf32>
      %div3A_255 = arith.divf %div3A_254, %add3A_253 : vector<16xf32>
      %mul3A_256 = arith.constant 16 : i32
      %mul3A_257 = arith.muli %add3A_83, %mul3A_256 : i32
      %add3A_258 = arith.constant 256 : i32
      %add3A_259 = arith.addi %add3A_258, %mul3A_257 : i32
      %swap3A = arith.index_cast %add3A_259 : i32 to index
      %swap3A_260 = tpu.vector_load %arg14[%swap3A] {strides = array<i32>} : memref<512xf32, #tpu.memory_space<vmem>>, vector<16xf32>,
      tpu.vector_store %arg14[%swap3A], %div3A_255 {strides = array<i32>} : memref<512xf32, #tpu.memory_space<vmem>>, vector<16xf32>,
    }
    %scan3A_78 = arith.constant 16 : i32
    "tpu.region"() ({
      %run_scoped3A = tpu.sem_alloc : memref<!tpu.dma_semaphore, #tpu.memory_space<semaphore_mem>>
      %dma_start3A_79 = tpu.memref_slice %arg7[%mul3A_2] : memref<16384xf32, #tpu.memory_space<hbm>> -> memref<512xf32, #tpu.memory_space<hbm>>
      %dma_start3A_80 = tpu.memref_slice %arg7[%mul3A_2] : memref<16384xf32, #tpu.memory_space<hbm>> -> memref<512xf32, #tpu.memory_space<hbm>>
      tpu.enqueue_dma source(%arg14 : memref<512xf32, #tpu.memory_space<vmem>>) target(%dma_start3A_80 : memref<512xf32, #tpu.memory_space<hbm>>) target_semaphore(%run_scoped3A : memref<!tpu.dma_semaphore, #tpu.memory_space<semaphore_mem>>)
      %dma_wait3A_81 = tpu.memref_slice %arg7[%mul3A_2] : memref<16384xf32, #tpu.memory_space<hbm>> -> memref<512xf32, #tpu.memory_space<hbm>>
      %dma_wait3A_82 = tpu.memref_slice %arg7[%mul3A_2] : memref<16384xf32, #tpu.memory_space<hbm>> -> memref<512xf32, #tpu.memory_space<hbm>>
      tpu.wait_dma2 semaphore(%run_scoped3A : memref<!tpu.dma_semaphore, #tpu.memory_space<semaphore_mem>>) src(%arg14 : memref<512xf32, #tpu.memory_space<vmem>>) dst(%dma_wait3A_82 : memref<512xf32, #tpu.memory_space<hbm>>)
      tpu.yield
    }) : () -> ()
    return
  }
}

</mosaic_0001>

<sc_bundles>
// kernel: kernel.3.cloned.1.call-start
scs
__scs_entry_jumppad:
0x0: {  	(pc) =	sbr.rel $0x88, $3  }
0x1: {  	(tag) =	ssettag $0x0;
	lr =	simm.s32 $0x1  }
0x2: {  	[smem:$0x3F9C] =	sst lr;
	_ =	strace $0xD0000000  }
0x3: {  	_ = 	snop  }
0x4: {  	_ = 	snop  }
0x5: {  	_ = 	snop  }
0x6: {  	_ = 	snop  }
0x7: {  	_ = 	snop  }
__scs_overlays_trampoline_lowered:
0x8: {  	[smem:$0x3FAB] =	sst s0  }
0x9: {  	[smem:$0x3FAC] =	sst s1  }
0xa: {  	[smem:$0x3FAD] =	sst s2  }
0xb: {  	[smem:$0x3FAE] =	sst s3  }
0xc: {  	[smem:$0x3FAF] =	sst s4  }
0xd: {  	[smem:$0x3FB0] =	sst s5  }
0xe: {  	[smem:$0x3FB1] =	sst s6  }
0xf: {  	[smem:$0x3FB2] =	sst s7  }
0x10: {  	[smem:$0x3FB3] =	sst s8  }
0x11: {  	[smem:$0x3FB4] =	sst s9;
	s0 =	simm.s32 @!p0 $0x0  }
0x12: {  	s1 =	sld [smem:$0x3F9A];
	s0 =	simm.s32 @p0 $0x1  }
0x13: {  	[smem:$0x3FB5] =	sst s0;
	s0 =	simm.s32 @!p1 $0x0  }
0x14: {  	s2 =	sld [smem:$0x3F99];
	s0 =	simm.s32 @p1 $0x1  }
0x15: {  	[smem:$0x3FB6] =	sst s0;
	s0 =	simm.s32 @!p2 $0x0  }
0x16: {  	s3 =	sld [smem:$0x3FDB];
	s0 =	simm.s32 @p2 $0x1  }
0x17: {  	s4 =	simm.s32 $0x1BF5;
	[smem:$0x3FB8] =	sst s0  }
0x18: {  	s0 =	sld [smem:$0x3F9B];
	_ =	swait.ge [sflag:s4], $0x0  }
0x19: {  	s7 =	sld [smem:$0x3F9C]  }
0x1a: {  	s8 =	sadd.s32 $0xFFFFE003, lr  }
0x1b: {  	s9 =	sadd.s32 $0xFFFFFEF7, lr;
	s5 =	simm.s32 $0xFFFFFFFF;
	p2 =	slt.u32 s8, $0xFFFFF086  }
0x1c: {  	p1 =	slt.u32 s9, $0xF7A;
	s5 =	simm.s32 @!p2 $0x0  }
0x1d: {  	s5 =	simm.s32 @p1 $0x1;
	p0 =	seq.s32 s7, s2  }
0x1e: {  	s7 =	smul.u32 @!p0 $0xF7A, s2;
	p2 =	seq.s32 @!p0 s5, $0x0  }
0x1f: {  	s9 =	smul.u32 $0xF7A, s1;
	s8 =	simm.s32 @!p0 $0x1BF5;
	p2 =	por !p2, p0  }
0x20: {  	[sflag:s8] =	ssyncset.s32 @!p0 $0xFFFFF086;
	s6 =	sadd.s32 @!p0 s3, s7;
	s7 =	simm.s32 @!p0 $0x108  }
0x21: {  	s3 =	sadd.s32 s3, s9;
	s6 =	sadd.s32 @!p0 $0x88, s6;
	s7 =	simm.s32 @p2 $0x1082  }
0x22: {  	[simem:s7], [sflag:s8] =	dma.local @!p0 [hbm:s6], $0xF7A  }
0x23: {  	s9 =	sor.u32 $0xD0000000, s2;
	s6 =	simm.s32 $0x108;
	_ =	swait.ge @!p0 [sflag:s8], $0x0  }
0x24: {  	s3 =	sadd.s32 $0x88, s3;
	s6 =	simm.s32 @!p1 $0x1082;
	[sflag:s4] =	ssyncset.s32 $0xFFFFF086  }
0x25: {  	[simem:s6], [sflag:s4] =	dma.local [hbm:s3], $0xF7A  }
0x26: {  	[smem:$0x3F9C] =	sst s1;
	(tag) =	ssettag s2;
	_ =	strace s9  }
0x27: {  	s1 =	sld [smem:$0x3FAC]  }
0x28: {  	s2 =	sld [smem:$0x3FAD]  }
0x29: {  	s4 =	sld [smem:$0x3FAF]  }
0x2a: {  	p0 =	seq.s32 s5, $0x0;
	s5 =	sld [smem:$0x3FB0]  }
0x2b: {  	s6 =	sld [smem:$0x3FB1]  }
0x2c: {  	s7 =	sld [smem:$0x3FB2]  }
0x2d: {  	s3 =	simm.s32 $0x108;
	s8 =	sld [smem:$0x3FB3]  }
0x2e: {  	s3 =	simm.s32 @!p0 $0x1082;
	s9 =	sld [smem:$0x3FB4]  }
0x2f: {  	lr =	sadd.s32 s0, s3;
	s0 =	sld [smem:$0x3FAB]  }
0x30: {  	s3 =	sld [smem:$0x3FAE]  }
0x31: {  	[smem:$0x3FB7] =	sst s10  }
0x32: {  	s10 =	sld [smem:$0x3FB5];
	_ =	sdelay $0x3  }
0x33: {  	p0 =	seq.s32 s10, $0x1;
	s10 =	sld [smem:$0x3FB7];
	_ =	sdelay $0x3  }
0x34: {  	[smem:$0x3FB7] =	sst s10  }
0x35: {  	s10 =	sld [smem:$0x3FB6];
	_ =	sdelay $0x3  }
0x36: {  	p1 =	seq.s32 s10, $0x1;
	s10 =	sld [smem:$0x3FB7];
	_ =	sdelay $0x3  }
0x37: {  	[smem:$0x3FB7] =	sst s10  }
0x38: {  	s10 =	sld [smem:$0x3FB8]  }
0x39: {  	_ = 	snop;
	(pc) =	sbr.ind lr, $3  }
0x3a: {  	_ = 	snop  }
0x3b: {  	_ = 	snop  }
0x3c: {  	p2 =	seq.s32 s10, $0x1;
	s10 =	sld [smem:$0x3FB7]  }
0x3d: {  	_ =	shalt  }
0x3e: {  	_ =	shalt  }
0x3f: {  	_ =	shalt  }
0x40: {  	_ =	shalt  }
0x41: {  	_ =	shalt  }
0x42: {  	_ =	shalt  }
0x43: {  	_ =	shalt  }
0x44: {  	_ =	shalt  }
0x45: {  	_ =	shalt  }
0x46: {  	_ =	shalt  }
0x47: {  	_ =	shalt  }
0x48: {  	_ =	shalt  }
0x49: {  	_ =	shalt  }
0x4a: {  	_ =	shalt  }
0x4b: {  	_ =	shalt  }
0x4c: {  	_ =	shalt  }
0x4d: {  	_ =	shalt  }
0x4e: {  	_ =	shalt  }
0x4f: {  	_ =	shalt  }
0x50: {  	_ =	shalt  }
0x51: {  	_ =	shalt  }
0x52: {  	_ =	shalt  }
0x53: {  	_ =	shalt  }
0x54: {  	_ =	shalt  }
0x55: {  	_ =	shalt  }
0x56: {  	_ =	shalt  }
0x57: {  	_ =	shalt  }
0x58: {  	_ =	shalt  }
0x59: {  	_ =	shalt  }
0x5a: {  	_ =	shalt  }
0x5b: {  	_ =	shalt  }
0x5c: {  	_ =	shalt  }
0x5d: {  	_ =	shalt  }
0x5e: {  	_ =	shalt  }
0x5f: {  	_ =	shalt  }
0x60: {  	_ =	shalt  }
0x61: {  	_ =	shalt  }
0x62: {  	_ =	shalt  }
0x63: {  	_ =	shalt  }
0x64: {  	_ =	shalt  }
0x65: {  	_ =	shalt  }
0x66: {  	_ =	shalt  }
0x67: {  	_ =	shalt  }
0x68: {  	_ =	shalt  }
0x69: {  	_ =	shalt  }
0x6a: {  	_ =	shalt  }
0x6b: {  	_ =	shalt  }
0x6c: {  	_ =	shalt  }
0x6d: {  	_ =	shalt  }
0x6e: {  	_ =	shalt  }
0x6f: {  	_ =	shalt  }
0x70: {  	_ =	shalt  }
0x71: {  	_ =	shalt  }
0x72: {  	_ =	shalt  }
0x73: {  	_ =	shalt  }
0x74: {  	_ =	shalt  }
0x75: {  	_ =	shalt  }
0x76: {  	_ =	shalt  }
0x77: {  	_ =	shalt  }
0x78: {  	_ =	shalt  }
0x79: {  	_ =	shalt  }
0x7a: {  	_ =	shalt  }
0x7b: {  	_ =	shalt  }
0x7c: {  	_ =	shalt  }
0x7d: {  	_ =	shalt  }
0x7e: {  	_ =	shalt  }
0x7f: {  	_ =	shalt  }
0x80: {  	_ =	shalt  }
0x81: {  	_ =	shalt  }
0x82: {  	_ =	shalt  }
0x83: {  	_ =	shalt  }
0x84: {  	_ =	shalt  }
0x85: {  	_ =	shalt  }
0x86: {  	_ =	shalt  }
0x87: {  	_ =	shalt  }
.Lfunc_end0:
.L_simem_size_0:
called_computation_lowered:
.L_overlay_start_0:
0x88: {  	s2 =	sld [smem:$0x3FD9]  }
0x89: {  	s3 =	sld [smem:$0x3FFE];
	_ =	sdelay $0x1  }
0x8a: {  	s1 =	srdreg.scid  }
0x8b: {  	s0 =	sand.u32 $0x1, s1  }
0x8c: {  	s17 =	sshll.u32 s0, $0xA;
	s2 =	sadd.s32 s3, s2  }
0x8d: {  	s2 =	sadd.s32 s2, s17  }
0x8e: {  	[smem:$0x3FC3] =	sst s2  }
0x8f: {  	_ = 	snop  }
0x90: {  	s2 =	sld [smem:$0x3FC9]  }
0x91: {  	s18 =	sld [smem:$0x3FC8]  }
0x92: {  	s4 =	sld [smem:$0x3FD0];
	(tm) =	ssettm $0x1  }
0x93: {  	s5 =	sld [smem:$0x3FFB];
	_ =	sdelay $0x3  }
0x94: {  	_ =	strace s5  }
0x95: {  	s5 =	sld [smem:$0x3FFC];
	_ =	sdelay $0x3  }
0x96: {  	_ =	strace s5  }
0x97: {  	s5 =	sld [smem:$0x3FFD];
	_ =	sdelay $0x3  }
0x98: {  	_ =	strace s5  }
0x99: {  	_ =	strace $0x8FFFFFFF  }
0x9a: {  	s19 =	sld [smem:$0x3FDB];
	_ =	sdelay $0x1  }
0x9b: {  	s6 =	simm.s32 $_scs_section_size  }
0x9c: {  	s7 =	simm.s32 $_size__tile_overlayer_lowered;
	s8 =	simm.s32 $_tile_overlayer_lowered  }
0x9d: {  	s22 =	simm.s32 $0x1BFF;
	s21 =	sshll.u32 s8, $0x1;
	s5 =	sadd.s32 s6, s19  }
0x9e: {  	s9 =	simm.s32 $0x0;
	s20 =	sshll.u32 s7, $0x1;
	s7 =	sadd.s32 s21, s5  }
0x9f: {  	[timem:s9], [sflag:s22] =	dma.local [hbm:s7], s20  }
0xa0: {  	_ =	swait.ge [sflag:s22], s20  }
0xa1: {  	s6 =	ssub.s32 $0x0, s20;
	[sflag:s22] =	ssyncset.done $0x0  }
0xa2: {  	[sflag:s22] =	ssyncadd.s32 s6;
	_ =	sdelay $0x1  }
0xa3: {  	s23 =	simm.s32 $0x1B8B  }
0xa4: {  	_ =	swait.ge [sflag:s23], $0x1  }
0xa5: {  	[sflag:s23] =	ssyncset.done $0x0  }
0xa6: {  	s25 =	simm.s32 $0x1B8E;
	s24 =	sld [smem:$0x3FFE];
	[sflag:s23] =	ssyncadd.s32 $0xFFFFFFFF  }
0xa7: {  	s26 =	simm.s32 $execute0_lowered;
	[smem:$0x3FD2] =	sst s25  }
0xa8: {  	s7 =	sshll.u32 s26, $0x1;
	_ =	strace $0x80000046;
	[dreg:$0x1] =	wrdreg $0xFFFFFFFF  }
0xa9: {  	s28 =	simm.s32 $_size_execute0_lowered;
	s5 =	sadd.s32 s5, s7;
	[dreg:$0x0] =	wrdreg $0x0  }
0xaa: {  	s7 =	sshll.u32 s28, $0x1;
	[dreg:$0x2] =	wrdreg s5  }
0xab: {  	[dreg:$0x3] =	wrdreg s7  }
0xac: {  	[dreg:$0x4] =	wrdreg $0xC0  }
0xad: {  	_ =	task [dreg:s9], $0x5FFFF  }
0xae: {  	[dreg:$0x1] =	wrdreg $0xFFFFFFFF  }
0xaf: {  	[dreg:$0x0] =	wrdreg $0x60  }
0xb0: {  	[dreg:$0x2] =	wrdreg s2  }
0xb1: {  	[dreg:$0x3] =	wrdreg s18  }
0xb2: {  	[dreg:$0x4] =	wrdreg s24  }
0xb3: {  	[dreg:$0x5] =	wrdreg s4  }
0xb4: {  	[dreg:$0x6] =	wrdreg $0x9  }
0xb5: {  	_ =	task.clear_ibuf [dreg:s9], $0x7FFFF;
	_ =	strace $0x90000046  }
0xb6: {  	s29 =	simm.s32 $0x9;
	_ =	strace $0x80000048  }
0xb7: {  	_ =	swait.ge [sflag:s29], $0x1  }
0xb8: {  	[sflag:s29] =	ssyncadd.s32 $0xFFFFFFFF  }
0xb9: {  	_ =	strace $0x90000048  }
0xba: {  	_ =	sfence  }
0xbb: {  	s30 =	sld [smem:$0x0];
	_ =	sdelay $0x2  }
0xbc: {  	s31 =	sshll.u32 s1, $0xD;
	s1 =	sshrl.u32 s1, $0x2  }
0xbd: {  	s3 =	sand.u32 $0x4000, s31;
	s1 =	sadd.s32 s1, s30  }
0xbe: {  	s0 =	sor.u32 s3, s0;
	s1 =	sshll.u32 s1, $0x11  }
0xbf: {  	s0 =	sor.u32 s1, s0  }
0xc0: {  	s0 =	sadd.s32 $0x8F2B, s0  }
0xc1: {  	[sflag:s0] =	ssyncadd.remote.s32 $0x1  }
0xc2: {  	_ =	sfence.sel $0xFFFF  }
0xc3: {  	[dreg:$0x0] =	wrdreg $0xFFFFFFFF;
	(pc) =	sbr.abs _section_cstart, $3  }
0xc4: {  	[dreg:$0x1] =	wrdreg $0xFFFFFFFF  }
0xc5: {  	_ =	task.clear_ibuf [dreg:s9], $0x2FFFF;
	_ =	strace $0x9FFFFFFF  }
0xc6: {  	(tm) =	ssettm $0x7FFFFFFF  }
0xc7: {  	_ =	shalt  }
tec
execute0_lowered:
.L_overlay_start_1:
0x0: {  	(tag) =	ssettag $0x1  }
0x1: {  	s6 =	rddreg [dreg:$0x0]  }
0x2: {  	s7 =	rddreg [dreg:$0x1]  }
0x3: {  	s5 =	rddreg [dreg:$0x2]  }
0x4: {  	s8 =	rddreg [dreg:$0x3]  }
0x5: {  	s0 =	rddreg [dreg:$0x4]  }
0x6: {  	s1 =	simm.s32 $0x0;
	s2 =	srdreg.scid;
	s13 =	simm.s32 $0x280  }
0x7: {  	s14 =	simm.s32 $0x10480;
	s15 =	simm.s32 $0x300;
	s16 =	simm.s32 $0x10500  }
0x8: {  	s17 =	simm.s32 $0x380;
	s18 =	simm.s32 $0x10580;
	s19 =	simm.s32 $0x1  }
0x9: {  	v0 =	vlaneseq.u32;
	s20 =	simm.s32 $0x2;
	s21 =	simm.s32 $0x10600;
	s22 =	simm.s32 $0x11700  }
0xa: {  	s23 =	simm.s32 $0x0;
	[smem:$0x7FF] =	sst s1;
	s3 =	sadd.s32 $0x186C00, s5;
	v0 =	vmul.u32 $0x11, v0  }
0xb: {  	s9 =	sand.u32 $0x1, s2;
	s4 =	sadd.s32 $0x200, s5;
	s2 =	stileid.u32  }
0xc: {  	s5 =	sadd.s32 $0x10C9000, s5;
	_ =	strace $0x80000047;
	s10 =	ssub.s32 $0x2, s9;
	v1 =	vadd.s32 $0x1, v0;
	v2 =	vadd.s32 $0x2, v0;
	v3 =	vadd.s32 $0x3, v0  }
0xd: {  	s12 =	sshll.u32 s2, $0x7;
	s9 =	sshll.u32 s9, $0x6;
	s11 =	sshrl.u32 s10, $0x1;
	v4 =	vadd.s32 $0x4, v0;
	v5 =	vadd.s32 $0x5, v0;
	v6 =	vadd.s32 $0x6, v0  }
0xe: {  	s9 =	sor.u32 s9, s12;
	s12 =	simm.s32 $0x10400;
	v7 =	vadd.s32 $0x7, v0;
	v8 =	vadd.s32 $0x8, v0;
	v9 =	vadd.s32 $0x9, v0;
	s10 =	ssub.s32 s10, s11  }
0xf: {  	v10 =	vadd.s32 $0xA, v0;
	v11 =	vadd.s32 $0xB, v0;
	v12 =	vadd.s32 $0xC, v0;
	s6 =	sadd.s32 s6, s9;
	s7 =	sadd.s32 s7, s9;
	s8 =	sadd.s32 s8, s9  }
0x10: {  	v13 =	vadd.s32 $0xD, v0;
	v14 =	vadd.s32 $0xE, v0;
	v15 =	vadd.s32 $0xF, v0;
	s11 =	simm.s32 $0x80;
	s9 =	smax.u32 s10, $0x1;
	s10 =	simm.s32 $0x3  }
.LBB2_1:
0x11: {  	[tilespmem:s1], [sflag:$0x3] =	stream.linear.gather [hbm4b:s6+s1], $0x200, $0x38;
	[tilespmem:$0x11900] =	vst v63  }
0x12: {  	_ =	swait.ge [sflag:s10], $0x200  }
0x13: {  	[sflag:s10] =	ssyncset.done $0x0  }
0x14: {  	s24 =	simm.s32 $0x200;
	[sflag:s10] =	ssyncadd.s32 $0xFFFFFE00  }
0x15: {  	[tilespmem:s24], [sflag:$0x3] =	stream.linear.gather [hbm4b:s7+s1], $0x200, $0x38;
	[tilespmem:$0x11900] =	vst v63  }
0x16: {  	_ =	swait.ge [sflag:s10], $0x200  }
0x17: {  	[sflag:s10] =	ssyncset.done $0x0  }
0x18: {  	[sflag:s10] =	ssyncadd.s32 $0xFFFFFE00  }
0x19: {  	[tilespmem:s12], [sflag:$0x2] =	stream.indirect.gather [hbm4b:s5+s11], $0x1, s24, s11, $0xb8;
	[tilespmem:$0x11900] =	vst v63  }
0x1a: {  	_ = 	snop  }
0x1b: {  	[tilespmem:s14], [sflag:$0x2] =	stream.indirect.gather [hbm4b:s5+s11], $0x1, s13, s11, $0xb8;
	[tilespmem:$0x11900] =	vst v63  }
0x1c: {  	_ = 	snop  }
0x1d: {  	[tilespmem:s16], [sflag:$0x2] =	stream.indirect.gather [hbm4b:s5+s11], $0x1, s15, s11, $0xb8;
	[tilespmem:$0x11900] =	vst v63  }
0x1e: {  	s25 =	simm.s32 $0x0;
	s26 =	simm.s32 $0x0  }
0x1f: {  	[tilespmem:s18], [sflag:$0x2] =	stream.indirect.gather [hbm4b:s5+s11], $0x1, s17, s11, $0xb8;
	[tilespmem:$0x11900] =	vst v63  }
.LBB2_2:
0x20: {  	v16 =	vld [tilespmem:s25+$0x0];
	_ =	sdelay $0x3  }
0x21: {  	v18 =	vld [tilespmem:s24+$0x0]  }
0x22: {  	v17 =	vshll.u32 v16, $0x4  }
0x23: {  	(v2sf) =	vpush v17, $0x0;
	_ =	sdelay $0x2  }
0x24: {  	v16 =	vshll.u32 v18, $0x4  }
0x25: {  	(v2sf) =	vpush v16, $0x0;
	_ =	sdelay $0x3  }
0x26: {  	(v2sf) =	vpush v17, $0x1;
	_ =	sdelay $0x3  }
0x27: {  	(v2sf) =	vpush v16, $0x1;
	_ =	sdelay $0x2  }
0x28: {  	s29 =	spop (v2sf)  }
0x29: {  	s28 =	sshra.s32 s26, $0x2;
	(v2sf) =	vpush v17, $0x2;
	s29 =	sand.u32 $0x1FFFFFF0, s29  }
0x2a: {  	s30 =	sadd.s32 $0x400, s28;
	s31 =	sadd.s32 s3, s29;
	s29 =	simm.s32 $0x0  }
0x2b: {  	[tilespmem:s30], [sflag:$0x1] =	stream.linear.gather [hbm4b:s31+s29], $0x80, $0x38;
	[tilespmem:$0x11900] =	vst v63  }
0x2c: {  	s31 =	spop (v2sf)  }
0x2d: {  	(v2sf) =	vpush v16, $0x2;
	s30 =	sand.u32 $0x1FFFFFF0, s31  }
0x2e: {  	s31 =	sadd.s32 $0x8400, s28;
	s30 =	sadd.s32 s4, s30  }
0x2f: {  	[tilespmem:s31], [sflag:$0x1] =	stream.linear.gather [hbm4b:s30+s29], $0x80, $0x38;
	[tilespmem:$0x11900] =	vst v63  }
0x30: {  	s31 =	spop (v2sf)  }
0x31: {  	(v2sf) =	vpush v17, $0x3;
	s30 =	sand.u32 $0x1FFFFFF0, s31  }
0x32: {  	s31 =	sadd.s32 $0x480, s28;
	s30 =	sadd.s32 s3, s30  }
0x33: {  	[tilespmem:s31], [sflag:$0x1] =	stream.linear.gather [hbm4b:s30+s29], $0x80, $0x38;
	[tilespmem:$0x11900] =	vst v63  }
0x34: {  	s31 =	spop (v2sf)  }
0x35: {  	(v2sf) =	vpush v16, $0x3;
	s30 =	sand.u32 $0x1FFFFFF0, s31  }
0x36: {  	s31 =	sadd.s32 $0x8480, s28;
	s30 =	sadd.s32 s4, s30  }
0x37: {  	[tilespmem:s31], [sflag:$0x1] =	stream.linear.gather [hbm4b:s30+s29], $0x80, $0x38;
	[tilespmem:$0x11900] =	vst v63  }
0x38: {  	s31 =	spop (v2sf)  }
0x39: {  	(v2sf) =	vpush v17, $0x4;
	s30 =	sand.u32 $0x1FFFFFF0, s31  }
0x3a: {  	s31 =	sadd.s32 $0x500, s28;
	s30 =	sadd.s32 s3, s30  }
0x3b: {  	[tilespmem:s31], [sflag:$0x1] =	stream.linear.gather [hbm4b:s30+s29], $0x80, $0x38;
	[tilespmem:$0x11900] =	vst v63  }
0x3c: {  	s31 =	spop (v2sf)  }
0x3d: {  	(v2sf) =	vpush v16, $0x4;
	s30 =	sand.u32 $0x1FFFFFF0, s31  }
0x3e: {  	s31 =	sadd.s32 $0x8500, s28;
	s30 =	sadd.s32 s4, s30  }
0x3f: {  	[tilespmem:s31], [sflag:$0x1] =	stream.linear.gather [hbm4b:s30+s29], $0x80, $0x38;
	[tilespmem:$0x11900] =	vst v63  }
0x40: {  	s31 =	spop (v2sf)  }
0x41: {  	(v2sf) =	vpush v17, $0x5;
	s30 =	sand.u32 $0x1FFFFFF0, s31  }
0x42: {  	s31 =	sadd.s32 $0x580, s28;
	s30 =	sadd.s32 s3, s30  }
0x43: {  	[tilespmem:s31], [sflag:$0x1] =	stream.linear.gather [hbm4b:s30+s29], $0x80, $0x38;
	[tilespmem:$0x11900] =	vst v63  }
0x44: {  	s31 =	spop (v2sf)  }
0x45: {  	(v2sf) =	vpush v16, $0x5;
	s30 =	sand.u32 $0x1FFFFFF0, s31  }
0x46: {  	s31 =	sadd.s32 $0x8580, s28;
	s30 =	sadd.s32 s4, s30  }
0x47: {  	[tilespmem:s31], [sflag:$0x1] =	stream.linear.gather [hbm4b:s30+s29], $0x80, $0x38;
	[tilespmem:$0x11900] =	vst v63  }
0x48: {  	s31 =	spop (v2sf)  }
0x49: {  	(v2sf) =	vpush v17, $0x6;
	s30 =	sand.u32 $0x1FFFFFF0, s31  }
0x4a: {  	s31 =	sadd.s32 $0x600, s28;
	s30 =	sadd.s32 s3, s30  }
0x4b: {  	[tilespmem:s31], [sflag:$0x1] =	stream.linear.gather [hbm4b:s30+s29], $0x80, $0x38;
	[tilespmem:$0x11900] =	vst v63  }
0x4c: {  	s31 =	spop (v2sf)  }
0x4d: {  	(v2sf) =	vpush v16, $0x6;
	s30 =	sand.u32 $0x1FFFFFF0, s31  }
0x4e: {  	s31 =	sadd.s32 $0x8600, s28;
	s30 =	sadd.s32 s4, s30  }
0x4f: {  	[tilespmem:s31], [sflag:$0x1] =	stream.linear.gather [hbm4b:s30+s29], $0x80, $0x38;
	[tilespmem:$0x11900] =	vst v63  }
0x50: {  	s31 =	spop (v2sf)  }
0x51: {  	(v2sf) =	vpush v17, $0x7;
	s30 =	sand.u32 $0x1FFFFFF0, s31  }
0x52: {  	s31 =	sadd.s32 $0x680, s28;
	s30 =	sadd.s32 s3, s30  }
0x53: {  	[tilespmem:s31], [sflag:$0x1] =	stream.linear.gather [hbm4b:s30+s29], $0x80, $0x38;
	[tilespmem:$0x11900] =	vst v63  }
0x54: {  	s31 =	spop (v2sf)  }
0x55: {  	(v2sf) =	vpush v16, $0x7;
	s30 =	sand.u32 $0x1FFFFFF0, s31  }
0x56: {  	s31 =	sadd.s32 $0x8680, s28;
	s30 =	sadd.s32 s4, s30  }
0x57: {  	[tilespmem:s31], [sflag:$0x1] =	stream.linear.gather [hbm4b:s30+s29], $0x80, $0x38;
	[tilespmem:$0x11900] =	vst v63  }
0x58: {  	s31 =	spop (v2sf)  }
0x59: {  	(v2sf) =	vpush v17, $0x8;
	s30 =	sand.u32 $0x1FFFFFF0, s31  }
0x5a: {  	s31 =	sadd.s32 $0x700, s28;
	s30 =	sadd.s32 s3, s30  }
0x5b: {  	[tilespmem:s31], [sflag:$0x1] =	stream.linear.gather [hbm4b:s30+s29], $0x80, $0x38;
	[tilespmem:$0x11900] =	vst v63  }
0x5c: {  	s31 =	spop (v2sf)  }
0x5d: {  	(v2sf) =	vpush v16, $0x8;
	s30 =	sand.u32 $0x1FFFFFF0, s31  }
0x5e: {  	s31 =	sadd.s32 $0x8700, s28;
	s30 =	sadd.s32 s4, s30  }
0x5f: {  	[tilespmem:s31], [sflag:$0x1] =	stream.linear.gather [hbm4b:s30+s29], $0x80, $0x38;
	[tilespmem:$0x11900] =	vst v63  }
0x60: {  	s31 =	spop (v2sf)  }
0x61: {  	(v2sf) =	vpush v17, $0x9;
	s30 =	sand.u32 $0x1FFFFFF0, s31  }
0x62: {  	s31 =	sadd.s32 $0x780, s28;
	s30 =	sadd.s32 s3, s30  }
0x63: {  	[tilespmem:s31], [sflag:$0x1] =	stream.linear.gather [hbm4b:s30+s29], $0x80, $0x38;
	[tilespmem:$0x11900] =	vst v63  }
0x64: {  	s31 =	spop (v2sf)  }
0x65: {  	(v2sf) =	vpush v16, $0x9;
	s30 =	sand.u32 $0x1FFFFFF0, s31  }
0x66: {  	s31 =	sadd.s32 $0x8780, s28;
	s30 =	sadd.s32 s4, s30  }
0x67: {  	[tilespmem:s31], [sflag:$0x1] =	stream.linear.gather [hbm4b:s30+s29], $0x80, $0x38;
	[tilespmem:$0x11900] =	vst v63  }
0x68: {  	s31 =	spop (v2sf)  }
0x69: {  	(v2sf) =	vpush v17, $0xA;
	s30 =	sand.u32 $0x1FFFFFF0, s31  }
0x6a: {  	s31 =	sadd.s32 $0x800, s28;
	s30 =	sadd.s32 s3, s30  }
0x6b: {  	[tilespmem:s31], [sflag:$0x1] =	stream.linear.gather [hbm4b:s30+s29], $0x80, $0x38;
	[tilespmem:$0x11900] =	vst v63  }
0x6c: {  	s31 =	spop (v2sf)  }
0x6d: {  	(v2sf) =	vpush v16, $0xA;
	s30 =	sand.u32 $0x1FFFFFF0, s31  }
0x6e: {  	s31 =	sadd.s32 $0x8800, s28;
	s30 =	sadd.s32 s4, s30  }
0x6f: {  	[tilespmem:s31], [sflag:$0x1] =	stream.linear.gather [hbm4b:s30+s29], $0x80, $0x38;
	[tilespmem:$0x11900] =	vst v63  }
0x70: {  	s31 =	spop (v2sf)  }
0x71: {  	(v2sf) =	vpush v17, $0xB;
	s30 =	sand.u32 $0x1FFFFFF0, s31  }
0x72: {  	s31 =	sadd.s32 $0x880, s28;
	s30 =	sadd.s32 s3, s30  }
0x73: {  	[tilespmem:s31], [sflag:$0x1] =	stream.linear.gather [hbm4b:s30+s29], $0x80, $0x38;
	[tilespmem:$0x11900] =	vst v63  }
0x74: {  	s31 =	spop (v2sf)  }
0x75: {  	(v2sf) =	vpush v16, $0xB;
	s30 =	sand.u32 $0x1FFFFFF0, s31  }
0x76: {  	s31 =	sadd.s32 $0x8880, s28;
	s30 =	sadd.s32 s4, s30  }
0x77: {  	[tilespmem:s31], [sflag:$0x1] =	stream.linear.gather [hbm4b:s30+s29], $0x80, $0x38;
	[tilespmem:$0x11900] =	vst v63  }
0x78: {  	s31 =	spop (v2sf)  }
0x79: {  	(v2sf) =	vpush v17, $0xC;
	s30 =	sand.u32 $0x1FFFFFF0, s31  }
0x7a: {  	s31 =	sadd.s32 $0x900, s28;
	s30 =	sadd.s32 s3, s30  }
0x7b: {  	[tilespmem:s31], [sflag:$0x1] =	stream.linear.gather [hbm4b:s30+s29], $0x80, $0x38;
	[tilespmem:$0x11900] =	vst v63  }
0x7c: {  	s31 =	spop (v2sf)  }
0x7d: {  	(v2sf) =	vpush v16, $0xC;
	s30 =	sand.u32 $0x1FFFFFF0, s31  }
0x7e: {  	s31 =	sadd.s32 $0x8900, s28;
	s30 =	sadd.s32 s4, s30  }
0x7f: {  	[tilespmem:s31], [sflag:$0x1] =	stream.linear.gather [hbm4b:s30+s29], $0x80, $0x38;
	[tilespmem:$0x11900] =	vst v63  }
0x80: {  	s31 =	spop (v2sf)  }
0x81: {  	(v2sf) =	vpush v17, $0xD;
	s30 =	sand.u32 $0x1FFFFFF0, s31  }
0x82: {  	s31 =	sadd.s32 $0x980, s28;
	s30 =	sadd.s32 s3, s30  }
0x83: {  	[tilespmem:s31], [sflag:$0x1] =	stream.linear.gather [hbm4b:s30+s29], $0x80, $0x38;
	[tilespmem:$0x11900] =	vst v63  }
0x84: {  	s31 =	spop (v2sf)  }
0x85: {  	(v2sf) =	vpush v16, $0xD;
	s30 =	sand.u32 $0x1FFFFFF0, s31  }
0x86: {  	s31 =	sadd.s32 $0x8980, s28;
	s30 =	sadd.s32 s4, s30  }
0x87: {  	[tilespmem:s31], [sflag:$0x1] =	stream.linear.gather [hbm4b:s30+s29], $0x80, $0x38;
	[tilespmem:$0x11900] =	vst v63  }
0x88: {  	s31 =	spop (v2sf)  }
0x89: {  	(v2sf) =	vpush v17, $0xE;
	s30 =	sand.u32 $0x1FFFFFF0, s31  }
0x8a: {  	s31 =	sadd.s32 $0xA00, s28;
	s30 =	sadd.s32 s3, s30  }
0x8b: {  	[tilespmem:s31], [sflag:$0x1] =	stream.linear.gather [hbm4b:s30+s29], $0x80, $0x38;
	[tilespmem:$0x11900] =	vst v63  }
0x8c: {  	s31 =	spop (v2sf)  }
0x8d: {  	(v2sf) =	vpush v16, $0xE;
	s30 =	sand.u32 $0x1FFFFFF0, s31  }
0x8e: {  	s31 =	sadd.s32 $0x8A00, s28;
	s30 =	sadd.s32 s4, s30  }
0x8f: {  	[tilespmem:s31], [sflag:$0x1] =	stream.linear.gather [hbm4b:s30+s29], $0x80, $0x38;
	[tilespmem:$0x11900] =	vst v63  }
0x90: {  	s31 =	spop (v2sf)  }
0x91: {  	(v2sf) =	vpush v17, $0xF;
	s30 =	sand.u32 $0x1FFFFFF0, s31  }
0x92: {  	s31 =	sadd.s32 $0xA80, s28;
	s30 =	sadd.s32 s3, s30  }
0x93: {  	[tilespmem:s31], [sflag:$0x1] =	stream.linear.gather [hbm4b:s30+s29], $0x80, $0x38;
	[tilespmem:$0x11900] =	vst v63  }
0x94: {  	s31 =	spop (v2sf)  }
0x95: {  	(v2sf) =	vpush v16, $0xF;
	s30 =	sand.u32 $0x1FFFFFF0, s31  }
0x96: {  	s31 =	sadd.s32 $0x8A80, s28;
	s30 =	sadd.s32 s4, s30  }
0x97: {  	[tilespmem:s31], [sflag:$0x1] =	stream.linear.gather [hbm4b:s30+s29], $0x80, $0x38;
	[tilespmem:$0x11900] =	vst v63  }
0x98: {  	s31 =	spop (v2sf)  }
0x99: {  	s30 =	sand.u32 $0x1FFFFFF0, s31  }
0x9a: {  	s31 =	sadd.s32 $0xB00, s28;
	s30 =	sadd.s32 s3, s30  }
0x9b: {  	[tilespmem:s31], [sflag:$0x1] =	stream.linear.gather [hbm4b:s30+s29], $0x80, $0x38;
	[tilespmem:$0x11900] =	vst v63  }
0x9c: {  	s31 =	spop (v2sf)  }
0x9d: {  	s30 =	sand.u32 $0x1FFFFFF0, s31  }
0x9e: {  	s31 =	sadd.s32 $0x8B00, s28;
	s30 =	sadd.s32 s4, s30  }
0x9f: {  	[tilespmem:s31], [sflag:$0x1] =	stream.linear.gather [hbm4b:s30+s29], $0x80, $0x38;
	[tilespmem:$0x11900] =	vst v63  }
0xa0: {  	s31 =	spop (v2sf)  }
0xa1: {  	s30 =	sand.u32 $0x1FFFFFF0, s31  }
0xa2: {  	s31 =	sadd.s32 $0xB80, s28;
	s30 =	sadd.s32 s3, s30  }
0xa3: {  	[tilespmem:s31], [sflag:$0x1] =	stream.linear.gather [hbm4b:s30+s29], $0x80, $0x38;
	[tilespmem:$0x11900] =	vst v63  }
0xa4: {  	s31 =	spop (v2sf)  }
0xa5: {  	s30 =	sand.u32 $0x1FFFFFF0, s31  }
0xa6: {  	s28 =	sadd.s32 $0x8B80, s28;
	s30 =	sadd.s32 s4, s30  }
0xa7: {  	[tilespmem:s28], [sflag:$0x1] =	stream.linear.gather [hbm4b:s30+s29], $0x80, $0x38;
	[tilespmem:$0x11900] =	vst v63  }
0xa8: {  	_ =	swait.ge [sflag:s19], $0x80  }
0xa9: {  	[sflag:s19] =	ssyncset.done $0x0  }
0xaa: {  	[sflag:s19] =	ssyncadd.s32 $0xFFFFFF80  }
0xab: {  	_ =	swait.ge [sflag:s19], $0x80  }
0xac: {  	[sflag:s19] =	ssyncset.done $0x0  }
0xad: {  	[sflag:s19] =	ssyncadd.s32 $0xFFFFFF80  }
0xae: {  	_ =	swait.ge [sflag:s19], $0x80  }
0xaf: {  	[sflag:s19] =	ssyncset.done $0x0  }
0xb0: {  	[sflag:s19] =	ssyncadd.s32 $0xFFFFFF80  }
0xb1: {  	_ =	swait.ge [sflag:s19], $0x80  }
0xb2: {  	[sflag:s19] =	ssyncset.done $0x0  }
0xb3: {  	[sflag:s19] =	ssyncadd.s32 $0xFFFFFF80  }
0xb4: {  	_ =	swait.ge [sflag:s19], $0x80  }
0xb5: {  	[sflag:s19] =	ssyncset.done $0x0  }
0xb6: {  	[sflag:s19] =	ssyncadd.s32 $0xFFFFFF80  }
0xb7: {  	_ =	swait.ge [sflag:s19], $0x80  }
0xb8: {  	[sflag:s19] =	ssyncset.done $0x0  }
0xb9: {  	[sflag:s19] =	ssyncadd.s32 $0xFFFFFF80  }
0xba: {  	_ =	swait.ge [sflag:s19], $0x80  }
0xbb: {  	[sflag:s19] =	ssyncset.done $0x0  }
0xbc: {  	[sflag:s19] =	ssyncadd.s32 $0xFFFFFF80  }
0xbd: {  	_ =	swait.ge [sflag:s19], $0x80  }
0xbe: {  	[sflag:s19] =	ssyncset.done $0x0  }
0xbf: {  	[sflag:s19] =	ssyncadd.s32 $0xFFFFFF80  }
0xc0: {  	_ =	swait.ge [sflag:s19], $0x80  }
0xc1: {  	[sflag:s19] =	ssyncset.done $0x0  }
0xc2: {  	[sflag:s19] =	ssyncadd.s32 $0xFFFFFF80  }
0xc3: {  	_ =	swait.ge [sflag:s19], $0x80  }
0xc4: {  	[sflag:s19] =	ssyncset.done $0x0  }
0xc5: {  	[sflag:s19] =	ssyncadd.s32 $0xFFFFFF80  }
0xc6: {  	_ =	swait.ge [sflag:s19], $0x80  }
0xc7: {  	[sflag:s19] =	ssyncset.done $0x0  }
0xc8: {  	[sflag:s19] =	ssyncadd.s32 $0xFFFFFF80  }
0xc9: {  	_ =	swait.ge [sflag:s19], $0x80  }
0xca: {  	[sflag:s19] =	ssyncset.done $0x0  }
0xcb: {  	[sflag:s19] =	ssyncadd.s32 $0xFFFFFF80  }
0xcc: {  	_ =	swait.ge [sflag:s19], $0x80  }
0xcd: {  	[sflag:s19] =	ssyncset.done $0x0  }
0xce: {  	[sflag:s19] =	ssyncadd.s32 $0xFFFFFF80  }
0xcf: {  	_ =	swait.ge [sflag:s19], $0x80  }
0xd0: {  	[sflag:s19] =	ssyncset.done $0x0  }
0xd1: {  	[sflag:s19] =	ssyncadd.s32 $0xFFFFFF80  }
0xd2: {  	_ =	swait.ge [sflag:s19], $0x80  }
0xd3: {  	[sflag:s19] =	ssyncset.done $0x0  }
0xd4: {  	[sflag:s19] =	ssyncadd.s32 $0xFFFFFF80  }
0xd5: {  	_ =	swait.ge [sflag:s19], $0x80  }
0xd6: {  	[sflag:s19] =	ssyncset.done $0x0  }
0xd7: {  	[sflag:s19] =	ssyncadd.s32 $0xFFFFFF80  }
0xd8: {  	_ =	swait.ge [sflag:s19], $0x80  }
0xd9: {  	[sflag:s19] =	ssyncset.done $0x0  }
0xda: {  	[sflag:s19] =	ssyncadd.s32 $0xFFFFFF80  }
0xdb: {  	_ =	swait.ge [sflag:s19], $0x80  }
0xdc: {  	[sflag:s19] =	ssyncset.done $0x0  }
0xdd: {  	[sflag:s19] =	ssyncadd.s32 $0xFFFFFF80  }
0xde: {  	_ =	swait.ge [sflag:s19], $0x80  }
0xdf: {  	[sflag:s19] =	ssyncset.done $0x0  }
0xe0: {  	[sflag:s19] =	ssyncadd.s32 $0xFFFFFF80  }
0xe1: {  	_ =	swait.ge [sflag:s19], $0x80  }
0xe2: {  	[sflag:s19] =	ssyncset.done $0x0  }
0xe3: {  	[sflag:s19] =	ssyncadd.s32 $0xFFFFFF80  }
0xe4: {  	_ =	swait.ge [sflag:s19], $0x80  }
0xe5: {  	[sflag:s19] =	ssyncset.done $0x0  }
0xe6: {  	[sflag:s19] =	ssyncadd.s32 $0xFFFFFF80  }
0xe7: {  	_ =	swait.ge [sflag:s19], $0x80  }
0xe8: {  	[sflag:s19] =	ssyncset.done $0x0  }
0xe9: {  	[sflag:s19] =	ssyncadd.s32 $0xFFFFFF80  }
0xea: {  	_ =	swait.ge [sflag:s19], $0x80  }
0xeb: {  	[sflag:s19] =	ssyncset.done $0x0  }
0xec: {  	[sflag:s19] =	ssyncadd.s32 $0xFFFFFF80  }
0xed: {  	_ =	swait.ge [sflag:s19], $0x80  }
0xee: {  	[sflag:s19] =	ssyncset.done $0x0  }
0xef: {  	[sflag:s19] =	ssyncadd.s32 $0xFFFFFF80  }
0xf0: {  	_ =	swait.ge [sflag:s19], $0x80  }
0xf1: {  	[sflag:s19] =	ssyncset.done $0x0  }
0xf2: {  	[sflag:s19] =	ssyncadd.s32 $0xFFFFFF80  }
0xf3: {  	_ =	swait.ge [sflag:s19], $0x80  }
0xf4: {  	[sflag:s19] =	ssyncset.done $0x0  }
0xf5: {  	[sflag:s19] =	ssyncadd.s32 $0xFFFFFF80  }
0xf6: {  	_ =	swait.ge [sflag:s19], $0x80  }
0xf7: {  	[sflag:s19] =	ssyncset.done $0x0  }
0xf8: {  	[sflag:s19] =	ssyncadd.s32 $0xFFFFFF80  }
0xf9: {  	_ =	swait.ge [sflag:s19], $0x80  }
0xfa: {  	[sflag:s19] =	ssyncset.done $0x0  }
0xfb: {  	[sflag:s19] =	ssyncadd.s32 $0xFFFFFF80  }
0xfc: {  	_ =	swait.ge [sflag:s19], $0x80  }
0xfd: {  	[sflag:s19] =	ssyncset.done $0x0  }
0xfe: {  	[sflag:s19] =	ssyncadd.s32 $0xFFFFFF80  }
0xff: {  	_ =	swait.ge [sflag:s19], $0x80  }
0x100: {  	[sflag:s19] =	ssyncset.done $0x0  }
0x101: {  	[sflag:s19] =	ssyncadd.s32 $0xFFFFFF80  }
0x102: {  	p0 =	sne.s32 s26, $0x1E000;
	_ =	swait.ge [sflag:s19], $0x80  }
.Ltmp0:
0x103: {  	[sflag:s19] =	ssyncset.done $0x0;
	(pc) =	sbr.rel @p0 .LBB2_2-.Ltmp0, $4  }
0x104: {  	[sflag:s19] =	ssyncadd.s32 $0xFFFFFF80  }
0x105: {  	_ =	swait.ge [sflag:s19], $0x80  }
0x106: {  	s25 =	sadd.s32 $0x10, s25;
	[sflag:s19] =	ssyncset.done $0x0  }
0x107: {  	s24 =	sadd.s32 $0x10, s24;
	s26 =	sadd.s32 $0x2000, s26;
	[sflag:s19] =	ssyncadd.s32 $0xFFFFFF80  }
0x108: {  	s24 =	simm.s32 $0x0  }
0x109: {  	v16 =	vld [tilespmem:s24+$0x8400];
	_ =	sdelay $0x1  }
0x10a: {  	v17 =	vld [tilespmem:s24+$0x8410];
	_ =	sdelay $0x2  }
0x10b: {  	v18 =	vld [tilespmem:s24+$0x8420];
	v16 =	vsub.f32 $0.0e+00, v16;
	_ =	sdelay $0x1  }
0x10c: {  	v19 =	vld [tilespmem:s24+$0x8430];
	v17 =	vsub.f32 $0.0e+00, v17;
	v16 =	vmul.f32 $1.442695020e+00, v16;
	_ =	sdelay $0x1  }
0x10d: {  	v17 =	vmul.f32 $1.442695020e+00, v17;
	(erf) = vpow2.f32 v16  }
0x10e: {  	v18 =	vsub.f32 $0.0e+00, v18  }
0x10f: {  	(erf) = vpow2.f32 v17  }
0x110: {  	v58 =	vsub.f32 $0.0e+00, v19;
	v16 =	vmul.f32 $1.442695020e+00, v18;
	_ =	sdelay $0x1  }
0x111: {  	v17 =	vmul.f32 $1.442695020e+00, v58;
	(erf) = vpow2.f32 v16;
	_ =	sdelay $0x1  }
0x112: {  	(erf) = vpow2.f32 v17;
	_ =	sdelay $0x1  }
0x113: {  	v16 =	vpop (erf)  }
0x114: {  	v16 =	vadd.f32 $1.000000000e+00, v16  }
0x115: {  	v17 =	vpop (erf)  }
0x116: {  	v17 =	vadd.f32 $1.000000000e+00, v17  }
0x117: {  	(erf) = vrcp.f32 v16  }
0x118: {  	v16 =	vpop (erf)  }
0x119: {  	(erf) = vrcp.f32 v17;
	v16 =	vadd.f32 $1.000000000e+00, v16  }
0x11a: {  	v17 =	vpop (erf)  }
0x11b: {  	v17 =	vadd.f32 $1.000000000e+00, v17;
	(erf) = vrcp.f32 v16  }
0x11c: {  	v16 =	vld [tilespmem:s24+$0x400]  }
0x11d: {  	(erf) = vrcp.f32 v17  }
0x11e: {  	v17 =	vld [tilespmem:s24+$0x410];
	_ =	sdelay $0x1  }
0x11f: {  	v59 =	vld [tilespmem:s24+$0x420];
	v60 =	vpop (erf)  }
0x120: {  	v16 =	vmul.f32 v60, v16  }
0x121: {  	v61 =	vld [tilespmem:s24+$0x430];
	v20 =	vpop (erf)  }
0x122: {  	v17 =	vmul.f32 v20, v17;
	v16 =	vadd.f32 $0.0e+00, v16  }
0x123: {  	v62 =	vpop (erf)  }
0x124: {  	v16 =	vadd.f32 v17, v16;
	v17 =	vmul.f32 v62, v59  }
0x125: {  	v63 =	vpop (erf)  }
0x126: {  	v16 =	vadd.f32 v17, v16;
	v17 =	vmul.f32 v63, v61;
	_ =	sdelay $0x1  }
0x127: {  	v16 =	vadd.f32 v17, v16  }
0x128: {  	s24 =	simm.s32 $0x10600  }
0x129: {  	s25 =	simm.s32 $0x80;
	s26 =	simm.s32 $0x400;
	[tilespmem:s24+$0x0] =	vst v16  }
.LBB2_4:
0x12a: {  	p0 =	sne.s32 s26, $0x1FE00;
	v16 =	vld [tilespmem:s25+$0x8400];
	_ =	sdelay $0x1  }
0x12b: {  	v17 =	vld [tilespmem:s25+$0x8410];
	_ =	sdelay $0x1  }
0x12c: {  	v18 =	vld [tilespmem:s25+$0x8420]  }
0x12d: {  	v16 =	vsub.f32 $0.0e+00, v16  }
0x12e: {  	v19 =	vld [tilespmem:s25+$0x8430]  }
0x12f: {  	v16 =	vmul.f32 $1.442695020e+00, v16;
	v17 =	vsub.f32 $0.0e+00, v17;
	_ =	sdelay $0x1  }
0x130: {  	v17 =	vmul.f32 $1.442695020e+00, v17;
	v18 =	vsub.f32 $0.0e+00, v18;
	(erf) = vpow2.f32 v16;
	_ =	sdelay $0x1  }
0x131: {  	v16 =	vmul.f32 $1.442695020e+00, v18;
	v18 =	vsub.f32 $0.0e+00, v19;
	(erf) = vpow2.f32 v17;
	_ =	sdelay $0x1  }
0x132: {  	v17 =	vmul.f32 $1.442695020e+00, v18;
	(erf) = vpow2.f32 v16;
	_ =	sdelay $0x1  }
0x133: {  	(erf) = vpow2.f32 v17;
	_ =	sdelay $0x2  }
0x134: {  	v16 =	vpop (erf)  }
0x135: {  	v18 =	vadd.f32 $1.000000000e+00, v16  }
0x136: {  	v17 =	vpop (erf)  }
0x137: {  	v19 =	vadd.f32 $1.000000000e+00, v17;
	(erf) = vrcp.f32 v18  }
0x138: {  	v16 =	vpop (erf)  }
0x139: {  	v16 =	vadd.f32 $1.000000000e+00, v16;
	(erf) = vrcp.f32 v19  }
0x13a: {  	v17 =	vpop (erf)  }
0x13b: {  	v17 =	vadd.f32 $1.000000000e+00, v17;
	(erf) = vrcp.f32 v16  }
0x13c: {  	v16 =	vld [tilespmem:s25+$0x400]  }
0x13d: {  	(erf) = vrcp.f32 v17  }
0x13e: {  	v17 =	vld [tilespmem:s25+$0x410];
	_ =	sdelay $0x1  }
0x13f: {  	v18 =	vld [tilespmem:s25+$0x420];
	v19 =	vpop (erf)  }
0x140: {  	v16 =	vmul.f32 v19, v16  }
0x141: {  	v19 =	vld [tilespmem:s25+$0x430];
	v20 =	vpop (erf)  }
0x142: {  	v16 =	vadd.f32 $0.0e+00, v16;
	v17 =	vmul.f32 v20, v17  }
0x143: {  	v20 =	vpop (erf)  }
0x144: {  	v16 =	vadd.f32 v17, v16;
	v17 =	vmul.f32 v20, v18  }
0x145: {  	v18 =	vpop (erf)  }
.Ltmp1:
0x146: {  	v16 =	vadd.f32 v17, v16;
	v17 =	vmul.f32 v18, v19;
	(pc) =	sbr.rel @p0 .LBB2_4-.Ltmp1, $4  }
0x147: {  	_ = 	snop  }
0x148: {  	v16 =	vadd.f32 v17, v16  }
0x149: {  	s24 =	sadd.s32 $0x11, s24  }
0x14a: {  	s25 =	sshra.s32 s26, $0x2;
	s26 =	sadd.s32 $0x200, s26;
	[tilespmem:s24+$0x0] =	vst v16  }
0x14b: {  	v16 =	vld [tilespmem:s25+$0x8400];
	_ =	sdelay $0x1  }
0x14c: {  	v17 =	vld [tilespmem:s25+$0x8410];
	_ =	sdelay $0x2  }
0x14d: {  	v18 =	vld [tilespmem:s25+$0x8420];
	v16 =	vsub.f32 $0.0e+00, v16;
	_ =	sdelay $0x1  }
0x14e: {  	v19 =	vld [tilespmem:s25+$0x8430];
	v17 =	vsub.f32 $0.0e+00, v17;
	v16 =	vmul.f32 $1.442695020e+00, v16;
	_ =	sdelay $0x1  }
0x14f: {  	v17 =	vmul.f32 $1.442695020e+00, v17;
	(erf) = vpow2.f32 v16  }
0x150: {  	v18 =	vsub.f32 $0.0e+00, v18  }
0x151: {  	(erf) = vpow2.f32 v17  }
0x152: {  	v16 =	vmul.f32 $1.442695020e+00, v18;
	v18 =	vsub.f32 $0.0e+00, v19;
	_ =	sdelay $0x1  }
0x153: {  	v17 =	vmul.f32 $1.442695020e+00, v18;
	(erf) = vpow2.f32 v16;
	_ =	sdelay $0x1  }
0x154: {  	(erf) = vpow2.f32 v17;
	_ =	sdelay $0x1  }
0x155: {  	v16 =	vpop (erf)  }
0x156: {  	v16 =	vadd.f32 $1.000000000e+00, v16  }
0x157: {  	v17 =	vpop (erf)  }
0x158: {  	v17 =	vadd.f32 $1.000000000e+00, v17  }
0x159: {  	(erf) = vrcp.f32 v16  }
0x15a: {  	v16 =	vpop (erf)  }
0x15b: {  	(erf) = vrcp.f32 v17;
	v16 =	vadd.f32 $1.000000000e+00, v16  }
0x15c: {  	v17 =	vpop (erf)  }
0x15d: {  	v17 =	vadd.f32 $1.000000000e+00, v17;
	(erf) = vrcp.f32 v16  }
0x15e: {  	v16 =	vld [tilespmem:s25+$0x400]  }
0x15f: {  	(erf) = vrcp.f32 v17  }
0x160: {  	v17 =	vld [tilespmem:s25+$0x410];
	_ =	sdelay $0x1  }
0x161: {  	v18 =	vld [tilespmem:s25+$0x420];
	v19 =	vpop (erf)  }
0x162: {  	v16 =	vmul.f32 v19, v16  }
0x163: {  	v19 =	vld [tilespmem:s25+$0x430];
	v20 =	vpop (erf)  }
0x164: {  	v17 =	vmul.f32 v20, v17;
	v16 =	vadd.f32 $0.0e+00, v16  }
0x165: {  	v41 =	vpop (erf)  }
0x166: {  	v16 =	vadd.f32 v17, v16;
	v17 =	vmul.f32 v41, v18  }
0x167: {  	v18 =	vpop (erf)  }
0x168: {  	v16 =	vadd.f32 v17, v16;
	v17 =	vmul.f32 v18, v19;
	_ =	sdelay $0x1  }
0x169: {  	v16 =	vadd.f32 v17, v16  }
0x16a: {  	s24 =	sadd.s32 $0x11, s24  }
0x16b: {  	[tilespmem:s24+$0x0] =	vst v16  }
0x16c: {  	_ =	swait.ge [sflag:s20], $0x80  }
0x16d: {  	[sflag:s20] =	ssyncset.done $0x0  }
0x16e: {  	[sflag:s20] =	ssyncadd.s32 $0xFFFFFF80  }
0x16f: {  	_ =	swait.ge [sflag:s20], $0x80  }
0x170: {  	[sflag:s20] =	ssyncset.done $0x0  }
0x171: {  	[sflag:s20] =	ssyncadd.s32 $0xFFFFFF80  }
0x172: {  	s24 =	simm.s32 $0x0;
	_ =	swait.ge [sflag:s20], $0x80  }
0x173: {  	v16 =	vadd.s32 s24, v0;
	[sflag:s20] =	ssyncset.done $0x0  }
0x174: {  	[sflag:s20] =	ssyncadd.s32 $0xFFFFFF80  }
0x175: {  	v17 =	vadd.s32 s24, v1;
	_ =	swait.ge [sflag:s20], $0x80  }
0x176: {  	[sflag:s20] =	ssyncset.done $0x0  }
0x177: {  	v18 =	vadd.s32 s24, v2;
	[sflag:s20] =	ssyncadd.s32 $0xFFFFFF80  }
0x178: {  	v16 =	vld.idx.msk [tilespmem:v16+s21+$0x0], $0xffff  }
0x179: {  	v19 =	vadd.s32 s24, v3  }
0x17a: {  	v17 =	vld.idx.msk [tilespmem:v17+s21+$0x0], $0xffff  }
0x17b: {  	v42 =	vadd.s32 s24, v4  }
0x17c: {  	v18 =	vld.idx.msk [tilespmem:v18+s21+$0x0], $0xffff  }
0x17d: {  	v21 =	vadd.s32 s24, v5;
	v16 =	vadd.f32 $0.0e+00, v16  }
0x17e: {  	v19 =	vld.idx.msk [tilespmem:v19+s21+$0x0], $0xffff  }
0x17f: {  	v22 =	vadd.s32 s24, v6;
	v16 =	vadd.f32 v17, v16  }
0x180: {  	v17 =	vld.idx.msk [tilespmem:v42+s21+$0x0], $0xffff  }
0x181: {  	v43 =	vadd.s32 s24, v7;
	v16 =	vadd.f32 v18, v16  }
0x182: {  	v18 =	vld.idx.msk [tilespmem:v21+s21+$0x0], $0xffff  }
0x183: {  	v44 =	vadd.s32 s24, v8;
	v16 =	vadd.f32 v19, v16  }
0x184: {  	v19 =	vld.idx.msk [tilespmem:v22+s21+$0x0], $0xffff  }
0x185: {  	v45 =	vadd.s32 s24, v9;
	v16 =	vadd.f32 v17, v16  }
0x186: {  	v17 =	vld.idx.msk [tilespmem:v43+s21+$0x0], $0xffff  }
0x187: {  	v46 =	vadd.s32 s24, v10;
	v16 =	vadd.f32 v18, v16  }
0x188: {  	v18 =	vld.idx.msk [tilespmem:v44+s21+$0x0], $0xffff  }
0x189: {  	v47 =	vadd.s32 s24, v11;
	v16 =	vadd.f32 v19, v16  }
0x18a: {  	v19 =	vld.idx.msk [tilespmem:v45+s21+$0x0], $0xffff  }
0x18b: {  	v48 =	vadd.s32 s24, v12;
	v16 =	vadd.f32 v17, v16  }
0x18c: {  	v17 =	vld.idx.msk [tilespmem:v46+s21+$0x0], $0xffff  }
0x18d: {  	v49 =	vadd.s32 s24, v13;
	v16 =	vadd.f32 v18, v16  }
0x18e: {  	v18 =	vld.idx.msk [tilespmem:v47+s21+$0x0], $0xffff  }
0x18f: {  	v50 =	vadd.s32 s24, v14;
	v16 =	vadd.f32 v19, v16  }
0x190: {  	v19 =	vld.idx.msk [tilespmem:v48+s21+$0x0], $0xffff  }
0x191: {  	v51 =	vadd.s32 s24, v15;
	v16 =	vadd.f32 v17, v16  }
0x192: {  	v17 =	vld.idx.msk [tilespmem:v49+s21+$0x0], $0xffff  }
0x193: {  	v16 =	vadd.f32 v18, v16  }
0x194: {  	v18 =	vld.idx.msk [tilespmem:v50+s21+$0x0], $0xffff  }
0x195: {  	v16 =	vadd.f32 v19, v16  }
0x196: {  	v19 =	vld.idx.msk [tilespmem:v51+s21+$0x0], $0xffff  }
0x197: {  	s31 =	simm.s32 $0x10400;
	v16 =	vadd.f32 v17, v16  }
0x198: {  	v17 =	vld [tilespmem:s31+$0x0]  }
0x199: {  	v16 =	vadd.f32 v18, v16;
	_ =	sdelay $0x1  }
0x19a: {  	v16 =	vadd.f32 v19, v16;
	_ =	sdelay $0x1  }
0x19b: {  	v16 =	vsub.f32 v17, v16;
	_ =	sdelay $0x1  }
0x19c: {  	v16 =	vmul.f32 $1.442695020e+00, v16;
	_ =	sdelay $0x1  }
0x19d: {  	(erf) = vpow2.f32 v16;
	_ =	sdelay $0x8  }
0x19e: {  	v16 =	vpop (erf)  }
0x19f: {  	v16 =	vadd.f32 $1.000000000e+00, v16;
	_ =	sdelay $0x1  }
0x1a0: {  	(erf) = vrcp.f32 v16;
	_ =	sdelay $0x4  }
0x1a1: {  	s26 =	simm.s32 $0x110  }
0x1a2: {  	v16 =	vadd.s32 s26, v0;
	_ =	sdelay $0x1  }
0x1a3: {  	v17 =	vadd.s32 s26, v1  }
0x1a4: {  	s25 =	simm.s32 $0x11700;
	v18 =	vpop (erf)  }
0x1a5: {  	v19 =	vadd.s32 s26, v2;
	[tilespmem:s25+$0x0] =	vst v18  }
0x1a6: {  	v16 =	vld.idx.msk [tilespmem:v16+s21+$0x0], $0xffff  }
0x1a7: {  	v18 =	vadd.s32 s26, v3  }
0x1a8: {  	v17 =	vld.idx.msk [tilespmem:v17+s21+$0x0], $0xffff  }
0x1a9: {  	v52 =	vadd.s32 s26, v4  }
0x1aa: {  	v19 =	vld.idx.msk [tilespmem:v19+s21+$0x0], $0xffff  }
0x1ab: {  	v53 =	vadd.s32 s26, v5;
	v16 =	vadd.f32 $0.0e+00, v16  }
0x1ac: {  	v18 =	vld.idx.msk [tilespmem:v18+s21+$0x0], $0xffff  }
0x1ad: {  	v54 =	vadd.s32 s26, v6;
	v16 =	vadd.f32 v17, v16  }
0x1ae: {  	v17 =	vld.idx.msk [tilespmem:v52+s21+$0x0], $0xffff  }
0x1af: {  	v55 =	vadd.s32 s26, v7;
	v16 =	vadd.f32 v19, v16  }
0x1b0: {  	v19 =	vld.idx.msk [tilespmem:v53+s21+$0x0], $0xffff  }
0x1b1: {  	v56 =	vadd.s32 s26, v8;
	v16 =	vadd.f32 v18, v16  }
0x1b2: {  	v18 =	vld.idx.msk [tilespmem:v54+s21+$0x0], $0xffff  }
0x1b3: {  	v57 =	vadd.s32 s26, v9;
	v16 =	vadd.f32 v17, v16  }
0x1b4: {  	v17 =	vld.idx.msk [tilespmem:v55+s21+$0x0], $0xffff  }
0x1b5: {  	v58 =	vadd.s32 s26, v10;
	v16 =	vadd.f32 v19, v16  }
0x1b6: {  	v19 =	vld.idx.msk [tilespmem:v56+s21+$0x0], $0xffff  }
0x1b7: {  	v59 =	vadd.s32 s26, v11;
	v16 =	vadd.f32 v18, v16  }
0x1b8: {  	v18 =	vld.idx.msk [tilespmem:v57+s21+$0x0], $0xffff  }
0x1b9: {  	v60 =	vadd.s32 s26, v12;
	v16 =	vadd.f32 v17, v16  }
0x1ba: {  	v17 =	vld.idx.msk [tilespmem:v58+s21+$0x0], $0xffff  }
0x1bb: {  	v61 =	vadd.s32 s26, v13;
	v16 =	vadd.f32 v19, v16  }
0x1bc: {  	v19 =	vld.idx.msk [tilespmem:v59+s21+$0x0], $0xffff  }
0x1bd: {  	v62 =	vadd.s32 s26, v14;
	v16 =	vadd.f32 v18, v16  }
0x1be: {  	v18 =	vld.idx.msk [tilespmem:v60+s21+$0x0], $0xffff  }
0x1bf: {  	v63 =	vadd.s32 s26, v15;
	v16 =	vadd.f32 v17, v16  }
0x1c0: {  	v17 =	vld.idx.msk [tilespmem:v61+s21+$0x0], $0xffff  }
0x1c1: {  	v16 =	vadd.f32 v19, v16  }
0x1c2: {  	v19 =	vld.idx.msk [tilespmem:v62+s21+$0x0], $0xffff  }
0x1c3: {  	v16 =	vadd.f32 v18, v16  }
0x1c4: {  	v18 =	vld.idx.msk [tilespmem:v63+s21+$0x0], $0xffff  }
0x1c5: {  	s26 =	simm.s32 $0x10410;
	v16 =	vadd.f32 v17, v16  }
0x1c6: {  	v17 =	vld [tilespmem:s26+$0x0]  }
0x1c7: {  	v16 =	vadd.f32 v19, v16;
	_ =	sdelay $0x1  }
0x1c8: {  	v16 =	vadd.f32 v18, v16;
	_ =	sdelay $0x1  }
0x1c9: {  	v16 =	vsub.f32 v17, v16;
	_ =	sdelay $0x1  }
0x1ca: {  	v16 =	vmul.f32 $1.442695020e+00, v16;
	_ =	sdelay $0x1  }
0x1cb: {  	(erf) = vpow2.f32 v16;
	_ =	sdelay $0x8  }
0x1cc: {  	v16 =	vpop (erf)  }
0x1cd: {  	v16 =	vadd.f32 $1.000000000e+00, v16;
	_ =	sdelay $0x1  }
0x1ce: {  	(erf) = vrcp.f32 v16;
	_ =	sdelay $0x4  }
0x1cf: {  	s28 =	simm.s32 $0x220  }
0x1d0: {  	s29 =	simm.s32 $0x330;
	v16 =	vadd.s32 s28, v0  }
.LBB2_6:
0x1d1: {  	p0 =	sne.s32 s29, $0xFF0  }
0x1d2: {  	v17 =	vadd.s32 s28, v1  }
0x1d3: {  	s25 =	sadd.s32 $0x10, s25;
	v18 =	vpop (erf)  }
0x1d4: {  	v19 =	vadd.s32 s28, v2;
	[tilespmem:s25+$0x0] =	vst v18  }
0x1d5: {  	v16 =	vld.idx.msk [tilespmem:v16+s21+$0x0], $0xffff  }
0x1d6: {  	v18 =	vadd.s32 s28, v3  }
0x1d7: {  	v17 =	vld.idx.msk [tilespmem:v17+s21+$0x0], $0xffff  }
0x1d8: {  	v20 =	vadd.s32 s28, v4  }
0x1d9: {  	v19 =	vld.idx.msk [tilespmem:v19+s21+$0x0], $0xffff  }
0x1da: {  	v21 =	vadd.s32 s28, v5  }
0x1db: {  	v16 =	vadd.f32 $0.0e+00, v16;
	v18 =	vld.idx.msk [tilespmem:v18+s21+$0x0], $0xffff  }
0x1dc: {  	v22 =	vadd.s32 s28, v6  }
0x1dd: {  	v16 =	vadd.f32 v17, v16;
	v17 =	vld.idx.msk [tilespmem:v20+s21+$0x0], $0xffff  }
0x1de: {  	v20 =	vadd.s32 s28, v7  }
0x1df: {  	v16 =	vadd.f32 v19, v16;
	v19 =	vld.idx.msk [tilespmem:v21+s21+$0x0], $0xffff  }
0x1e0: {  	v21 =	vadd.s32 s28, v8  }
0x1e1: {  	v16 =	vadd.f32 v18, v16;
	v18 =	vld.idx.msk [tilespmem:v22+s21+$0x0], $0xffff  }
0x1e2: {  	v22 =	vadd.s32 s28, v9  }
0x1e3: {  	v16 =	vadd.f32 v17, v16;
	v17 =	vld.idx.msk [tilespmem:v20+s21+$0x0], $0xffff  }
0x1e4: {  	v20 =	vadd.s32 s28, v10  }
0x1e5: {  	v16 =	vadd.f32 v19, v16;
	v19 =	vld.idx.msk [tilespmem:v21+s21+$0x0], $0xffff  }
0x1e6: {  	v21 =	vadd.s32 s28, v11  }
0x1e7: {  	v16 =	vadd.f32 v18, v16;
	v18 =	vld.idx.msk [tilespmem:v22+s21+$0x0], $0xffff  }
0x1e8: {  	v22 =	vadd.s32 s28, v12  }
0x1e9: {  	v16 =	vadd.f32 v17, v16;
	v17 =	vld.idx.msk [tilespmem:v20+s21+$0x0], $0xffff  }
0x1ea: {  	v20 =	vadd.s32 s28, v13  }
0x1eb: {  	v16 =	vadd.f32 v19, v16;
	v19 =	vld.idx.msk [tilespmem:v21+s21+$0x0], $0xffff  }
0x1ec: {  	v21 =	vadd.s32 s28, v14  }
0x1ed: {  	v16 =	vadd.f32 v18, v16;
	v18 =	vld.idx.msk [tilespmem:v22+s21+$0x0], $0xffff  }
0x1ee: {  	v22 =	vadd.s32 s28, v15;
	s28 =	smov.u32 s29  }
0x1ef: {  	v16 =	vadd.f32 v17, v16;
	v17 =	vld.idx.msk [tilespmem:v20+s21+$0x0], $0xffff;
	_ =	sdelay $0x1  }
0x1f0: {  	v16 =	vadd.f32 v19, v16;
	v19 =	vld.idx.msk [tilespmem:v21+s21+$0x0], $0xffff;
	_ =	sdelay $0x1  }
0x1f1: {  	v16 =	vadd.f32 v18, v16;
	v18 =	vld.idx.msk [tilespmem:v22+s21+$0x0], $0xffff;
	_ =	sdelay $0x1  }
0x1f2: {  	s26 =	sadd.s32 $0x10, s26;
	v16 =	vadd.f32 v17, v16  }
0x1f3: {  	v17 =	vld [tilespmem:s26+$0x0]  }
0x1f4: {  	v16 =	vadd.f32 v19, v16;
	_ =	sdelay $0x1  }
0x1f5: {  	v16 =	vadd.f32 v18, v16;
	_ =	sdelay $0x1  }
0x1f6: {  	v16 =	vsub.f32 v17, v16;
	_ =	sdelay $0x1  }
0x1f7: {  	v16 =	vmul.f32 $1.442695020e+00, v16;
	_ =	sdelay $0x1  }
0x1f8: {  	(erf) = vpow2.f32 v16;
	_ =	sdelay $0x8  }
0x1f9: {  	v16 =	vpop (erf)  }
0x1fa: {  	v16 =	vadd.f32 $1.000000000e+00, v16;
	_ =	sdelay $0x1  }
0x1fb: {  	(erf) = vrcp.f32 v16;
	_ =	sdelay $0x1  }
.Ltmp2:
0x1fc: {  	(pc) =	sbr.rel @p0 .LBB2_6-.Ltmp2, $2  }
0x1fd: {  	_ =	sdelay $0x2  }
0x1fe: {  	s29 =	sadd.s32 $0x110, s29;
	v16 =	vadd.s32 s28, v0  }
0x1ff: {  	_ = 	snop  }
0x200: {  	v17 =	vadd.s32 s28, v1  }
0x201: {  	s25 =	sadd.s32 $0x10, s25;
	v18 =	vpop (erf)  }
0x202: {  	v19 =	vadd.s32 s28, v2;
	[tilespmem:s25+$0x0] =	vst v18  }
0x203: {  	v16 =	vld.idx.msk [tilespmem:v16+s21+$0x0], $0xffff  }
0x204: {  	v46 =	vadd.s32 s28, v3  }
0x205: {  	v17 =	vld.idx.msk [tilespmem:v17+s21+$0x0], $0xffff  }
0x206: {  	v20 =	vadd.s32 s28, v4  }
0x207: {  	v19 =	vld.idx.msk [tilespmem:v19+s21+$0x0], $0xffff  }
0x208: {  	v21 =	vadd.s32 s28, v5;
	v16 =	vadd.f32 $0.0e+00, v16  }
0x209: {  	v18 =	vld.idx.msk [tilespmem:v46+s21+$0x0], $0xffff  }
0x20a: {  	v22 =	vadd.s32 s28, v6;
	v16 =	vadd.f32 v17, v16  }
0x20b: {  	v17 =	vld.idx.msk [tilespmem:v20+s21+$0x0], $0xffff  }
0x20c: {  	v47 =	vadd.s32 s28, v7;
	v16 =	vadd.f32 v19, v16  }
0x20d: {  	v48 =	vld.idx.msk [tilespmem:v21+s21+$0x0], $0xffff  }
0x20e: {  	v49 =	vadd.s32 s28, v8;
	v16 =	vadd.f32 v18, v16  }
0x20f: {  	v50 =	vld.idx.msk [tilespmem:v22+s21+$0x0], $0xffff  }
0x210: {  	v51 =	vadd.s32 s28, v9;
	v16 =	vadd.f32 v17, v16  }
0x211: {  	v17 =	vld.idx.msk [tilespmem:v47+s21+$0x0], $0xffff  }
0x212: {  	v52 =	vadd.s32 s28, v10;
	v16 =	vadd.f32 v48, v16  }
0x213: {  	v53 =	vld.idx.msk [tilespmem:v49+s21+$0x0], $0xffff  }
0x214: {  	v54 =	vadd.s32 s28, v11;
	v16 =	vadd.f32 v50, v16  }
0x215: {  	v55 =	vld.idx.msk [tilespmem:v51+s21+$0x0], $0xffff  }
0x216: {  	v56 =	vadd.s32 s28, v12;
	v16 =	vadd.f32 v17, v16  }
0x217: {  	v17 =	vld.idx.msk [tilespmem:v52+s21+$0x0], $0xffff  }
0x218: {  	v57 =	vadd.s32 s28, v13;
	v16 =	vadd.f32 v53, v16  }
0x219: {  	v58 =	vld.idx.msk [tilespmem:v54+s21+$0x0], $0xffff  }
0x21a: {  	v59 =	vadd.s32 s28, v14;
	v16 =	vadd.f32 v55, v16  }
0x21b: {  	v60 =	vld.idx.msk [tilespmem:v56+s21+$0x0], $0xffff  }
0x21c: {  	v61 =	vadd.s32 s28, v15;
	v16 =	vadd.f32 v17, v16  }
0x21d: {  	v17 =	vld.idx.msk [tilespmem:v57+s21+$0x0], $0xffff  }
0x21e: {  	v16 =	vadd.f32 v58, v16  }
0x21f: {  	v62 =	vld.idx.msk [tilespmem:v59+s21+$0x0], $0xffff  }
0x220: {  	v16 =	vadd.f32 v60, v16  }
0x221: {  	v63 =	vld.idx.msk [tilespmem:v61+s21+$0x0], $0xffff  }
0x222: {  	s26 =	sadd.s32 $0x10, s26;
	v16 =	vadd.f32 v17, v16  }
0x223: {  	v17 =	vld [tilespmem:s26+$0x0]  }
0x224: {  	v16 =	vadd.f32 v62, v16;
	_ =	sdelay $0x1  }
0x225: {  	v16 =	vadd.f32 v63, v16;
	_ =	sdelay $0x1  }
0x226: {  	v16 =	vsub.f32 v17, v16;
	_ =	sdelay $0x1  }
0x227: {  	v16 =	vmul.f32 $1.442695020e+00, v16;
	_ =	sdelay $0x1  }
0x228: {  	(erf) = vpow2.f32 v16;
	_ =	sdelay $0x8  }
0x229: {  	v16 =	vpop (erf)  }
0x22a: {  	v16 =	vadd.f32 $1.000000000e+00, v16;
	_ =	sdelay $0x1  }
0x22b: {  	(erf) = vrcp.f32 v16;
	_ =	sdelay $0x8  }
0x22c: {  	s25 =	sadd.s32 $0x10, s25;
	v16 =	vpop (erf)  }
0x22d: {  	s28 =	simm.s32 $0x300;
	s26 =	simm.s32 $0x100;
	[tilespmem:s25+$0x0] =	vst v16  }
.LBB2_8:
0x22e: {  	v16 =	vld [tilespmem:s26+$0x0];
	_ =	sdelay $0x3  }
0x22f: {  	v18 =	vld [tilespmem:s28+$0x0]  }
0x230: {  	v17 =	vshll.u32 v16, $0x4  }
0x231: {  	(v2sf) =	vpush v17, $0x0;
	_ =	sdelay $0x2  }
0x232: {  	v16 =	vshll.u32 v18, $0x4  }
0x233: {  	(v2sf) =	vpush v16, $0x0;
	_ =	sdelay $0x3  }
0x234: {  	(v2sf) =	vpush v17, $0x1;
	_ =	sdelay $0x3  }
0x235: {  	(v2sf) =	vpush v16, $0x1;
	_ =	sdelay $0x2  }
0x236: {  	s25 =	spop (v2sf)  }
0x237: {  	s29 =	sshra.s32 s24, $0x2;
	(v2sf) =	vpush v17, $0x2;
	s25 =	sand.u32 $0x1FFFFFF0, s25  }
0x238: {  	s30 =	sadd.s32 $0x400, s29;
	s31 =	sadd.s32 s3, s25;
	s25 =	simm.s32 $0x0  }
0x239: {  	[tilespmem:s30], [sflag:$0x1] =	stream.linear.gather [hbm4b:s31+s25], $0x80, $0x38;
	[tilespmem:$0x11900] =	vst v63  }
0x23a: {  	s31 =	spop (v2sf)  }
0x23b: {  	(v2sf) =	vpush v16, $0x2;
	s30 =	sand.u32 $0x1FFFFFF0, s31  }
0x23c: {  	s31 =	sadd.s32 $0x8400, s29;
	s30 =	sadd.s32 s4, s30  }
0x23d: {  	[tilespmem:s31], [sflag:$0x1] =	stream.linear.gather [hbm4b:s30+s25], $0x80, $0x38;
	[tilespmem:$0x11900] =	vst v63  }
0x23e: {  	s31 =	spop (v2sf)  }
0x23f: {  	(v2sf) =	vpush v17, $0x3;
	s30 =	sand.u32 $0x1FFFFFF0, s31  }
0x240: {  	s31 =	sadd.s32 $0x480, s29;
	s30 =	sadd.s32 s3, s30  }
0x241: {  	[tilespmem:s31], [sflag:$0x1] =	stream.linear.gather [hbm4b:s30+s25], $0x80, $0x38;
	[tilespmem:$0x11900] =	vst v63  }
0x242: {  	s31 =	spop (v2sf)  }
0x243: {  	(v2sf) =	vpush v16, $0x3;
	s30 =	sand.u32 $0x1FFFFFF0, s31  }
0x244: {  	s31 =	sadd.s32 $0x8480, s29;
	s30 =	sadd.s32 s4, s30  }
0x245: {  	[tilespmem:s31], [sflag:$0x1] =	stream.linear.gather [hbm4b:s30+s25], $0x80, $0x38;
	[tilespmem:$0x11900] =	vst v63  }
0x246: {  	s31 =	spop (v2sf)  }
0x247: {  	(v2sf) =	vpush v17, $0x4;
	s30 =	sand.u32 $0x1FFFFFF0, s31  }
0x248: {  	s31 =	sadd.s32 $0x500, s29;
	s30 =	sadd.s32 s3, s30  }
0x249: {  	[tilespmem:s31], [sflag:$0x1] =	stream.linear.gather [hbm4b:s30+s25], $0x80, $0x38;
	[tilespmem:$0x11900] =	vst v63  }
0x24a: {  	s31 =	spop (v2sf)  }
0x24b: {  	(v2sf) =	vpush v16, $0x4;
	s30 =	sand.u32 $0x1FFFFFF0, s31  }
0x24c: {  	s31 =	sadd.s32 $0x8500, s29;
	s30 =	sadd.s32 s4, s30  }
0x24d: {  	[tilespmem:s31], [sflag:$0x1] =	stream.linear.gather [hbm4b:s30+s25], $0x80, $0x38;
	[tilespmem:$0x11900] =	vst v63  }
0x24e: {  	s31 =	spop (v2sf)  }
0x24f: {  	(v2sf) =	vpush v17, $0x5;
	s30 =	sand.u32 $0x1FFFFFF0, s31  }
0x250: {  	s31 =	sadd.s32 $0x580, s29;
	s30 =	sadd.s32 s3, s30  }
0x251: {  	[tilespmem:s31], [sflag:$0x1] =	stream.linear.gather [hbm4b:s30+s25], $0x80, $0x38;
	[tilespmem:$0x11900] =	vst v63  }
0x252: {  	s31 =	spop (v2sf)  }
0x253: {  	(v2sf) =	vpush v16, $0x5;
	s30 =	sand.u32 $0x1FFFFFF0, s31  }
0x254: {  	s31 =	sadd.s32 $0x8580, s29;
	s30 =	sadd.s32 s4, s30  }
0x255: {  	[tilespmem:s31], [sflag:$0x1] =	stream.linear.gather [hbm4b:s30+s25], $0x80, $0x38;
	[tilespmem:$0x11900] =	vst v63  }
0x256: {  	s31 =	spop (v2sf)  }
0x257: {  	(v2sf) =	vpush v17, $0x6;
	s30 =	sand.u32 $0x1FFFFFF0, s31  }
0x258: {  	s31 =	sadd.s32 $0x600, s29;
	s30 =	sadd.s32 s3, s30  }
0x259: {  	[tilespmem:s31], [sflag:$0x1] =	stream.linear.gather [hbm4b:s30+s25], $0x80, $0x38;
	[tilespmem:$0x11900] =	vst v63  }
0x25a: {  	s31 =	spop (v2sf)  }
0x25b: {  	(v2sf) =	vpush v16, $0x6;
	s30 =	sand.u32 $0x1FFFFFF0, s31  }
0x25c: {  	s31 =	sadd.s32 $0x8600, s29;
	s30 =	sadd.s32 s4, s30  }
0x25d: {  	[tilespmem:s31], [sflag:$0x1] =	stream.linear.gather [hbm4b:s30+s25], $0x80, $0x38;
	[tilespmem:$0x11900] =	vst v63  }
0x25e: {  	s31 =	spop (v2sf)  }
0x25f: {  	(v2sf) =	vpush v17, $0x7;
	s30 =	sand.u32 $0x1FFFFFF0, s31  }
0x260: {  	s31 =	sadd.s32 $0x680, s29;
	s30 =	sadd.s32 s3, s30  }
0x261: {  	[tilespmem:s31], [sflag:$0x1] =	stream.linear.gather [hbm4b:s30+s25], $0x80, $0x38;
	[tilespmem:$0x11900] =	vst v63  }
0x262: {  	s31 =	spop (v2sf)  }
0x263: {  	(v2sf) =	vpush v16, $0x7;
	s30 =	sand.u32 $0x1FFFFFF0, s31  }
0x264: {  	s31 =	sadd.s32 $0x8680, s29;
	s30 =	sadd.s32 s4, s30  }
0x265: {  	[tilespmem:s31], [sflag:$0x1] =	stream.linear.gather [hbm4b:s30+s25], $0x80, $0x38;
	[tilespmem:$0x11900] =	vst v63  }
0x266: {  	s31 =	spop (v2sf)  }
0x267: {  	(v2sf) =	vpush v17, $0x8;
	s30 =	sand.u32 $0x1FFFFFF0, s31  }
0x268: {  	s31 =	sadd.s32 $0x700, s29;
	s30 =	sadd.s32 s3, s30  }
0x269: {  	[tilespmem:s31], [sflag:$0x1] =	stream.linear.gather [hbm4b:s30+s25], $0x80, $0x38;
	[tilespmem:$0x11900] =	vst v63  }
0x26a: {  	s31 =	spop (v2sf)  }
0x26b: {  	(v2sf) =	vpush v16, $0x8;
	s30 =	sand.u32 $0x1FFFFFF0, s31  }
0x26c: {  	s31 =	sadd.s32 $0x8700, s29;
	s30 =	sadd.s32 s4, s30  }
0x26d: {  	[tilespmem:s31], [sflag:$0x1] =	stream.linear.gather [hbm4b:s30+s25], $0x80, $0x38;
	[tilespmem:$0x11900] =	vst v63  }
0x26e: {  	s31 =	spop (v2sf)  }
0x26f: {  	(v2sf) =	vpush v17, $0x9;
	s30 =	sand.u32 $0x1FFFFFF0, s31  }
0x270: {  	s31 =	sadd.s32 $0x780, s29;
	s30 =	sadd.s32 s3, s30  }
0x271: {  	[tilespmem:s31], [sflag:$0x1] =	stream.linear.gather [hbm4b:s30+s25], $0x80, $0x38;
	[tilespmem:$0x11900] =	vst v63  }
0x272: {  	s31 =	spop (v2sf)  }
0x273: {  	(v2sf) =	vpush v16, $0x9;
	s30 =	sand.u32 $0x1FFFFFF0, s31  }
0x274: {  	s31 =	sadd.s32 $0x8780, s29;
	s30 =	sadd.s32 s4, s30  }
0x275: {  	[tilespmem:s31], [sflag:$0x1] =	stream.linear.gather [hbm4b:s30+s25], $0x80, $0x38;
	[tilespmem:$0x11900] =	vst v63  }
0x276: {  	s31 =	spop (v2sf)  }
0x277: {  	(v2sf) =	vpush v17, $0xA;
	s30 =	sand.u32 $0x1FFFFFF0, s31  }
0x278: {  	s31 =	sadd.s32 $0x800, s29;
	s30 =	sadd.s32 s3, s30  }
0x279: {  	[tilespmem:s31], [sflag:$0x1] =	stream.linear.gather [hbm4b:s30+s25], $0x80, $0x38;
	[tilespmem:$0x11900] =	vst v63  }
0x27a: {  	s31 =	spop (v2sf)  }
0x27b: {  	(v2sf) =	vpush v16, $0xA;
	s30 =	sand.u32 $0x1FFFFFF0, s31  }
0x27c: {  	s31 =	sadd.s32 $0x8800, s29;
	s30 =	sadd.s32 s4, s30  }
0x27d: {  	[tilespmem:s31], [sflag:$0x1] =	stream.linear.gather [hbm4b:s30+s25], $0x80, $0x38;
	[tilespmem:$0x11900] =	vst v63  }
0x27e: {  	s31 =	spop (v2sf)  }
0x27f: {  	(v2sf) =	vpush v17, $0xB;
	s30 =	sand.u32 $0x1FFFFFF0, s31  }
0x280: {  	s31 =	sadd.s32 $0x880, s29;
	s30 =	sadd.s32 s3, s30  }
0x281: {  	[tilespmem:s31], [sflag:$0x1] =	stream.linear.gather [hbm4b:s30+s25], $0x80, $0x38;
	[tilespmem:$0x11900] =	vst v63  }
0x282: {  	s31 =	spop (v2sf)  }
0x283: {  	(v2sf) =	vpush v16, $0xB;
	s30 =	sand.u32 $0x1FFFFFF0, s31  }
0x284: {  	s31 =	sadd.s32 $0x8880, s29;
	s30 =	sadd.s32 s4, s30  }
0x285: {  	[tilespmem:s31], [sflag:$0x1] =	stream.linear.gather [hbm4b:s30+s25], $0x80, $0x38;
	[tilespmem:$0x11900] =	vst v63  }
0x286: {  	s31 =	spop (v2sf)  }
0x287: {  	(v2sf) =	vpush v17, $0xC;
	s30 =	sand.u32 $0x1FFFFFF0, s31  }
0x288: {  	s31 =	sadd.s32 $0x900, s29;
	s30 =	sadd.s32 s3, s30  }
0x289: {  	[tilespmem:s31], [sflag:$0x1] =	stream.linear.gather [hbm4b:s30+s25], $0x80, $0x38;
	[tilespmem:$0x11900] =	vst v63  }
0x28a: {  	s31 =	spop (v2sf)  }
0x28b: {  	(v2sf) =	vpush v16, $0xC;
	s30 =	sand.u32 $0x1FFFFFF0, s31  }
0x28c: {  	s31 =	sadd.s32 $0x8900, s29;
	s30 =	sadd.s32 s4, s30  }
0x28d: {  	[tilespmem:s31], [sflag:$0x1] =	stream.linear.gather [hbm4b:s30+s25], $0x80, $0x38;
	[tilespmem:$0x11900] =	vst v63  }
0x28e: {  	s31 =	spop (v2sf)  }
0x28f: {  	(v2sf) =	vpush v17, $0xD;
	s30 =	sand.u32 $0x1FFFFFF0, s31  }
0x290: {  	s31 =	sadd.s32 $0x980, s29;
	s30 =	sadd.s32 s3, s30  }
0x291: {  	[tilespmem:s31], [sflag:$0x1] =	stream.linear.gather [hbm4b:s30+s25], $0x80, $0x38;
	[tilespmem:$0x11900] =	vst v63  }
0x292: {  	s31 =	spop (v2sf)  }
0x293: {  	(v2sf) =	vpush v16, $0xD;
	s30 =	sand.u32 $0x1FFFFFF0, s31  }
0x294: {  	s31 =	sadd.s32 $0x8980, s29;
	s30 =	sadd.s32 s4, s30  }
0x295: {  	[tilespmem:s31], [sflag:$0x1] =	stream.linear.gather [hbm4b:s30+s25], $0x80, $0x38;
	[tilespmem:$0x11900] =	vst v63  }
0x296: {  	s31 =	spop (v2sf)  }
0x297: {  	(v2sf) =	vpush v17, $0xE;
	s30 =	sand.u32 $0x1FFFFFF0, s31  }
0x298: {  	s31 =	sadd.s32 $0xA00, s29;
	s30 =	sadd.s32 s3, s30  }
0x299: {  	[tilespmem:s31], [sflag:$0x1] =	stream.linear.gather [hbm4b:s30+s25], $0x80, $0x38;
	[tilespmem:$0x11900] =	vst v63  }
0x29a: {  	s31 =	spop (v2sf)  }
0x29b: {  	(v2sf) =	vpush v16, $0xE;
	s30 =	sand.u32 $0x1FFFFFF0, s31  }
0x29c: {  	s31 =	sadd.s32 $0x8A00, s29;
	s30 =	sadd.s32 s4, s30  }
0x29d: {  	[tilespmem:s31], [sflag:$0x1] =	stream.linear.gather [hbm4b:s30+s25], $0x80, $0x38;
	[tilespmem:$0x11900] =	vst v63  }
0x29e: {  	s31 =	spop (v2sf)  }
0x29f: {  	(v2sf) =	vpush v17, $0xF;
	s30 =	sand.u32 $0x1FFFFFF0, s31  }
0x2a0: {  	s31 =	sadd.s32 $0xA80, s29;
	s30 =	sadd.s32 s3, s30  }
0x2a1: {  	[tilespmem:s31], [sflag:$0x1] =	stream.linear.gather [hbm4b:s30+s25], $0x80, $0x38;
	[tilespmem:$0x11900] =	vst v63  }
0x2a2: {  	s31 =	spop (v2sf)  }
0x2a3: {  	(v2sf) =	vpush v16, $0xF;
	s30 =	sand.u32 $0x1FFFFFF0, s31  }
0x2a4: {  	s31 =	sadd.s32 $0x8A80, s29;
	s30 =	sadd.s32 s4, s30  }
0x2a5: {  	[tilespmem:s31], [sflag:$0x1] =	stream.linear.gather [hbm4b:s30+s25], $0x80, $0x38;
	[tilespmem:$0x11900] =	vst v63  }
0x2a6: {  	s31 =	spop (v2sf)  }
0x2a7: {  	s30 =	sand.u32 $0x1FFFFFF0, s31  }
0x2a8: {  	s31 =	sadd.s32 $0xB00, s29;
	s30 =	sadd.s32 s3, s30  }
0x2a9: {  	[tilespmem:s31], [sflag:$0x1] =	stream.linear.gather [hbm4b:s30+s25], $0x80, $0x38;
	[tilespmem:$0x11900] =	vst v63  }
0x2aa: {  	s31 =	spop (v2sf)  }
0x2ab: {  	s30 =	sand.u32 $0x1FFFFFF0, s31  }
0x2ac: {  	s31 =	sadd.s32 $0x8B00, s29;
	s30 =	sadd.s32 s4, s30  }
0x2ad: {  	[tilespmem:s31], [sflag:$0x1] =	stream.linear.gather [hbm4b:s30+s25], $0x80, $0x38;
	[tilespmem:$0x11900] =	vst v63  }
0x2ae: {  	s31 =	spop (v2sf)  }
0x2af: {  	s30 =	sand.u32 $0x1FFFFFF0, s31  }
0x2b0: {  	s31 =	sadd.s32 $0xB80, s29;
	s30 =	sadd.s32 s3, s30  }
0x2b1: {  	[tilespmem:s31], [sflag:$0x1] =	stream.linear.gather [hbm4b:s30+s25], $0x80, $0x38;
	[tilespmem:$0x11900] =	vst v63  }
0x2b2: {  	s31 =	spop (v2sf)  }
0x2b3: {  	s30 =	sand.u32 $0x1FFFFFF0, s31  }
0x2b4: {  	s29 =	sadd.s32 $0x8B80, s29;
	s30 =	sadd.s32 s4, s30  }
0x2b5: {  	[tilespmem:s29], [sflag:$0x1] =	stream.linear.gather [hbm4b:s30+s25], $0x80, $0x38;
	[tilespmem:$0x11900] =	vst v63  }
0x2b6: {  	_ =	swait.ge [sflag:s19], $0x80  }
0x2b7: {  	[sflag:s19] =	ssyncset.done $0x0  }
0x2b8: {  	[sflag:s19] =	ssyncadd.s32 $0xFFFFFF80  }
0x2b9: {  	_ =	swait.ge [sflag:s19], $0x80  }
0x2ba: {  	[sflag:s19] =	ssyncset.done $0x0  }
0x2bb: {  	[sflag:s19] =	ssyncadd.s32 $0xFFFFFF80  }
0x2bc: {  	_ =	swait.ge [sflag:s19], $0x80  }
0x2bd: {  	[sflag:s19] =	ssyncset.done $0x0  }
0x2be: {  	[sflag:s19] =	ssyncadd.s32 $0xFFFFFF80  }
0x2bf: {  	_ =	swait.ge [sflag:s19], $0x80  }
0x2c0: {  	[sflag:s19] =	ssyncset.done $0x0  }
0x2c1: {  	[sflag:s19] =	ssyncadd.s32 $0xFFFFFF80  }
0x2c2: {  	_ =	swait.ge [sflag:s19], $0x80  }
0x2c3: {  	[sflag:s19] =	ssyncset.done $0x0  }
0x2c4: {  	[sflag:s19] =	ssyncadd.s32 $0xFFFFFF80  }
0x2c5: {  	_ =	swait.ge [sflag:s19], $0x80  }
0x2c6: {  	[sflag:s19] =	ssyncset.done $0x0  }
0x2c7: {  	[sflag:s19] =	ssyncadd.s32 $0xFFFFFF80  }
0x2c8: {  	_ =	swait.ge [sflag:s19], $0x80  }
0x2c9: {  	[sflag:s19] =	ssyncset.done $0x0  }
0x2ca: {  	[sflag:s19] =	ssyncadd.s32 $0xFFFFFF80  }
0x2cb: {  	_ =	swait.ge [sflag:s19], $0x80  }
0x2cc: {  	[sflag:s19] =	ssyncset.done $0x0  }
0x2cd: {  	[sflag:s19] =	ssyncadd.s32 $0xFFFFFF80  }
0x2ce: {  	_ =	swait.ge [sflag:s19], $0x80  }
0x2cf: {  	[sflag:s19] =	ssyncset.done $0x0  }
0x2d0: {  	[sflag:s19] =	ssyncadd.s32 $0xFFFFFF80  }
0x2d1: {  	_ =	swait.ge [sflag:s19], $0x80  }
0x2d2: {  	[sflag:s19] =	ssyncset.done $0x0  }
0x2d3: {  	[sflag:s19] =	ssyncadd.s32 $0xFFFFFF80  }
0x2d4: {  	_ =	swait.ge [sflag:s19], $0x80  }
0x2d5: {  	[sflag:s19] =	ssyncset.done $0x0  }
0x2d6: {  	[sflag:s19] =	ssyncadd.s32 $0xFFFFFF80  }
0x2d7: {  	_ =	swait.ge [sflag:s19], $0x80  }
0x2d8: {  	[sflag:s19] =	ssyncset.done $0x0  }
0x2d9: {  	[sflag:s19] =	ssyncadd.s32 $0xFFFFFF80  }
0x2da: {  	_ =	swait.ge [sflag:s19], $0x80  }
0x2db: {  	[sflag:s19] =	ssyncset.done $0x0  }
0x2dc: {  	[sflag:s19] =	ssyncadd.s32 $0xFFFFFF80  }
0x2dd: {  	_ =	swait.ge [sflag:s19], $0x80  }
0x2de: {  	[sflag:s19] =	ssyncset.done $0x0  }
0x2df: {  	[sflag:s19] =	ssyncadd.s32 $0xFFFFFF80  }
0x2e0: {  	_ =	swait.ge [sflag:s19], $0x80  }
0x2e1: {  	[sflag:s19] =	ssyncset.done $0x0  }
0x2e2: {  	[sflag:s19] =	ssyncadd.s32 $0xFFFFFF80  }
0x2e3: {  	_ =	swait.ge [sflag:s19], $0x80  }
0x2e4: {  	[sflag:s19] =	ssyncset.done $0x0  }
0x2e5: {  	[sflag:s19] =	ssyncadd.s32 $0xFFFFFF80  }
0x2e6: {  	_ =	swait.ge [sflag:s19], $0x80  }
0x2e7: {  	[sflag:s19] =	ssyncset.done $0x0  }
0x2e8: {  	[sflag:s19] =	ssyncadd.s32 $0xFFFFFF80  }
0x2e9: {  	_ =	swait.ge [sflag:s19], $0x80  }
0x2ea: {  	[sflag:s19] =	ssyncset.done $0x0  }
0x2eb: {  	[sflag:s19] =	ssyncadd.s32 $0xFFFFFF80  }
0x2ec: {  	_ =	swait.ge [sflag:s19], $0x80  }
0x2ed: {  	[sflag:s19] =	ssyncset.done $0x0  }
0x2ee: {  	[sflag:s19] =	ssyncadd.s32 $0xFFFFFF80  }
0x2ef: {  	_ =	swait.ge [sflag:s19], $0x80  }
0x2f0: {  	[sflag:s19] =	ssyncset.done $0x0  }
0x2f1: {  	[sflag:s19] =	ssyncadd.s32 $0xFFFFFF80  }
0x2f2: {  	_ =	swait.ge [sflag:s19], $0x80  }
0x2f3: {  	[sflag:s19] =	ssyncset.done $0x0  }
0x2f4: {  	[sflag:s19] =	ssyncadd.s32 $0xFFFFFF80  }
0x2f5: {  	_ =	swait.ge [sflag:s19], $0x80  }
0x2f6: {  	[sflag:s19] =	ssyncset.done $0x0  }
0x2f7: {  	[sflag:s19] =	ssyncadd.s32 $0xFFFFFF80  }
0x2f8: {  	_ =	swait.ge [sflag:s19], $0x80  }
0x2f9: {  	[sflag:s19] =	ssyncset.done $0x0  }
0x2fa: {  	[sflag:s19] =	ssyncadd.s32 $0xFFFFFF80  }
0x2fb: {  	_ =	swait.ge [sflag:s19], $0x80  }
0x2fc: {  	[sflag:s19] =	ssyncset.done $0x0  }
0x2fd: {  	[sflag:s19] =	ssyncadd.s32 $0xFFFFFF80  }
0x2fe: {  	_ =	swait.ge [sflag:s19], $0x80  }
0x2ff: {  	[sflag:s19] =	ssyncset.done $0x0  }
0x300: {  	[sflag:s19] =	ssyncadd.s32 $0xFFFFFF80  }
0x301: {  	_ =	swait.ge [sflag:s19], $0x80  }
0x302: {  	[sflag:s19] =	ssyncset.done $0x0  }
0x303: {  	[sflag:s19] =	ssyncadd.s32 $0xFFFFFF80  }
0x304: {  	_ =	swait.ge [sflag:s19], $0x80  }
0x305: {  	[sflag:s19] =	ssyncset.done $0x0  }
0x306: {  	[sflag:s19] =	ssyncadd.s32 $0xFFFFFF80  }
0x307: {  	_ =	swait.ge [sflag:s19], $0x80  }
0x308: {  	[sflag:s19] =	ssyncset.done $0x0  }
0x309: {  	[sflag:s19] =	ssyncadd.s32 $0xFFFFFF80  }
0x30a: {  	_ =	swait.ge [sflag:s19], $0x80  }
0x30b: {  	[sflag:s19] =	ssyncset.done $0x0  }
0x30c: {  	[sflag:s19] =	ssyncadd.s32 $0xFFFFFF80  }
0x30d: {  	_ =	swait.ge [sflag:s19], $0x80  }
0x30e: {  	[sflag:s19] =	ssyncset.done $0x0  }
0x30f: {  	[sflag:s19] =	ssyncadd.s32 $0xFFFFFF80  }
0x310: {  	p0 =	sne.s32 s24, $0x1E000;
	_ =	swait.ge [sflag:s19], $0x80  }
.Ltmp3:
0x311: {  	[sflag:s19] =	ssyncset.done $0x0;
	(pc) =	sbr.rel @p0 .LBB2_8-.Ltmp3, $4  }
0x312: {  	[sflag:s19] =	ssyncadd.s32 $0xFFFFFF80  }
0x313: {  	_ =	swait.ge [sflag:s19], $0x80  }
0x314: {  	s26 =	sadd.s32 $0x10, s26;
	[sflag:s19] =	ssyncset.done $0x0  }
0x315: {  	s28 =	sadd.s32 $0x10, s28;
	s24 =	sadd.s32 $0x2000, s24;
	[sflag:s19] =	ssyncadd.s32 $0xFFFFFF80  }
0x316: {  	s24 =	simm.s32 $0x0  }
0x317: {  	v16 =	vld [tilespmem:s24+$0x8400];
	_ =	sdelay $0x1  }
0x318: {  	v17 =	vld [tilespmem:s24+$0x8410];
	_ =	sdelay $0x2  }
0x319: {  	v18 =	vld [tilespmem:s24+$0x8420];
	v16 =	vsub.f32 $0.0e+00, v16;
	_ =	sdelay $0x1  }
0x31a: {  	v19 =	vld [tilespmem:s24+$0x8430];
	v17 =	vsub.f32 $0.0e+00, v17;
	v16 =	vmul.f32 $1.442695020e+00, v16;
	_ =	sdelay $0x1  }
0x31b: {  	v17 =	vmul.f32 $1.442695020e+00, v17;
	(erf) = vpow2.f32 v16  }
0x31c: {  	v18 =	vsub.f32 $0.0e+00, v18  }
0x31d: {  	(erf) = vpow2.f32 v17  }
0x31e: {  	v58 =	vsub.f32 $0.0e+00, v19;
	v16 =	vmul.f32 $1.442695020e+00, v18;
	_ =	sdelay $0x1  }
0x31f: {  	v17 =	vmul.f32 $1.442695020e+00, v58;
	(erf) = vpow2.f32 v16;
	_ =	sdelay $0x1  }
0x320: {  	(erf) = vpow2.f32 v17;
	_ =	sdelay $0x1  }
0x321: {  	v16 =	vpop (erf)  }
0x322: {  	v16 =	vadd.f32 $1.000000000e+00, v16  }
0x323: {  	v17 =	vpop (erf)  }
0x324: {  	v17 =	vadd.f32 $1.000000000e+00, v17  }
0x325: {  	(erf) = vrcp.f32 v16  }
0x326: {  	v16 =	vpop (erf)  }
0x327: {  	(erf) = vrcp.f32 v17;
	v16 =	vadd.f32 $1.000000000e+00, v16  }
0x328: {  	v17 =	vpop (erf)  }
0x329: {  	v17 =	vadd.f32 $1.000000000e+00, v17;
	(erf) = vrcp.f32 v16  }
0x32a: {  	v16 =	vld [tilespmem:s24+$0x400]  }
0x32b: {  	(erf) = vrcp.f32 v17  }
0x32c: {  	v17 =	vld [tilespmem:s24+$0x410];
	_ =	sdelay $0x1  }
0x32d: {  	v59 =	vld [tilespmem:s24+$0x420];
	v60 =	vpop (erf)  }
0x32e: {  	v16 =	vmul.f32 v60, v16  }
0x32f: {  	v61 =	vld [tilespmem:s24+$0x430];
	v20 =	vpop (erf)  }
0x330: {  	v17 =	vmul.f32 v20, v17;
	v16 =	vadd.f32 $0.0e+00, v16  }
0x331: {  	v62 =	vpop (erf)  }
0x332: {  	v16 =	vadd.f32 v17, v16;
	v17 =	vmul.f32 v62, v59  }
0x333: {  	v63 =	vpop (erf)  }
0x334: {  	v16 =	vadd.f32 v17, v16;
	v17 =	vmul.f32 v63, v61;
	_ =	sdelay $0x1  }
0x335: {  	v16 =	vadd.f32 v17, v16  }
0x336: {  	s24 =	simm.s32 $0x10600  }
0x337: {  	s26 =	simm.s32 $0x80;
	s28 =	simm.s32 $0x400;
	[tilespmem:s24+$0x0] =	vst v16  }
.LBB2_10:
0x338: {  	p0 =	sne.s32 s28, $0x1FE00;
	v16 =	vld [tilespmem:s26+$0x8400];
	_ =	sdelay $0x1  }
0x339: {  	v17 =	vld [tilespmem:s26+$0x8410];
	_ =	sdelay $0x1  }
0x33a: {  	v18 =	vld [tilespmem:s26+$0x8420]  }
0x33b: {  	v16 =	vsub.f32 $0.0e+00, v16  }
0x33c: {  	v19 =	vld [tilespmem:s26+$0x8430]  }
0x33d: {  	v16 =	vmul.f32 $1.442695020e+00, v16;
	v17 =	vsub.f32 $0.0e+00, v17;
	_ =	sdelay $0x1  }
0x33e: {  	v17 =	vmul.f32 $1.442695020e+00, v17;
	v18 =	vsub.f32 $0.0e+00, v18;
	(erf) = vpow2.f32 v16;
	_ =	sdelay $0x1  }
0x33f: {  	v16 =	vmul.f32 $1.442695020e+00, v18;
	v18 =	vsub.f32 $0.0e+00, v19;
	(erf) = vpow2.f32 v17;
	_ =	sdelay $0x1  }
0x340: {  	v17 =	vmul.f32 $1.442695020e+00, v18;
	(erf) = vpow2.f32 v16;
	_ =	sdelay $0x1  }
0x341: {  	(erf) = vpow2.f32 v17;
	_ =	sdelay $0x2  }
0x342: {  	v16 =	vpop (erf)  }
0x343: {  	v18 =	vadd.f32 $1.000000000e+00, v16  }
0x344: {  	v17 =	vpop (erf)  }
0x345: {  	v19 =	vadd.f32 $1.000000000e+00, v17;
	(erf) = vrcp.f32 v18  }
0x346: {  	v16 =	vpop (erf)  }
0x347: {  	v16 =	vadd.f32 $1.000000000e+00, v16;
	(erf) = vrcp.f32 v19  }
0x348: {  	v17 =	vpop (erf)  }
0x349: {  	v17 =	vadd.f32 $1.000000000e+00, v17;
	(erf) = vrcp.f32 v16  }
0x34a: {  	v16 =	vld [tilespmem:s26+$0x400]  }
0x34b: {  	(erf) = vrcp.f32 v17  }
0x34c: {  	v17 =	vld [tilespmem:s26+$0x410];
	_ =	sdelay $0x1  }
0x34d: {  	v18 =	vld [tilespmem:s26+$0x420];
	v19 =	vpop (erf)  }
0x34e: {  	v16 =	vmul.f32 v19, v16  }
0x34f: {  	v19 =	vld [tilespmem:s26+$0x430];
	v20 =	vpop (erf)  }
0x350: {  	v16 =	vadd.f32 $0.0e+00, v16;
	v17 =	vmul.f32 v20, v17  }
0x351: {  	v20 =	vpop (erf)  }
0x352: {  	v16 =	vadd.f32 v17, v16;
	v17 =	vmul.f32 v20, v18  }
0x353: {  	v18 =	vpop (erf)  }
.Ltmp4:
0x354: {  	v16 =	vadd.f32 v17, v16;
	v17 =	vmul.f32 v18, v19;
	(pc) =	sbr.rel @p0 .LBB2_10-.Ltmp4, $4  }
0x355: {  	_ = 	snop  }
0x356: {  	v16 =	vadd.f32 v17, v16  }
0x357: {  	s24 =	sadd.s32 $0x11, s24  }
0x358: {  	s26 =	sshra.s32 s28, $0x2;
	s28 =	sadd.s32 $0x200, s28;
	[tilespmem:s24+$0x0] =	vst v16  }
0x359: {  	v16 =	vld [tilespmem:s26+$0x8400];
	_ =	sdelay $0x1  }
0x35a: {  	v17 =	vld [tilespmem:s26+$0x8410];
	_ =	sdelay $0x2  }
0x35b: {  	v18 =	vld [tilespmem:s26+$0x8420];
	v16 =	vsub.f32 $0.0e+00, v16;
	_ =	sdelay $0x1  }
0x35c: {  	v19 =	vld [tilespmem:s26+$0x8430];
	v17 =	vsub.f32 $0.0e+00, v17;
	v16 =	vmul.f32 $1.442695020e+00, v16;
	_ =	sdelay $0x1  }
0x35d: {  	v17 =	vmul.f32 $1.442695020e+00, v17;
	(erf) = vpow2.f32 v16  }
0x35e: {  	v18 =	vsub.f32 $0.0e+00, v18  }
0x35f: {  	(erf) = vpow2.f32 v17  }
0x360: {  	v16 =	vmul.f32 $1.442695020e+00, v18;
	v18 =	vsub.f32 $0.0e+00, v19;
	_ =	sdelay $0x1  }
0x361: {  	v17 =	vmul.f32 $1.442695020e+00, v18;
	(erf) = vpow2.f32 v16;
	_ =	sdelay $0x1  }
0x362: {  	(erf) = vpow2.f32 v17;
	_ =	sdelay $0x1  }
0x363: {  	v16 =	vpop (erf)  }
0x364: {  	v16 =	vadd.f32 $1.000000000e+00, v16  }
0x365: {  	v17 =	vpop (erf)  }
0x366: {  	v17 =	vadd.f32 $1.000000000e+00, v17  }
0x367: {  	(erf) = vrcp.f32 v16  }
0x368: {  	v16 =	vpop (erf)  }
0x369: {  	(erf) = vrcp.f32 v17;
	v16 =	vadd.f32 $1.000000000e+00, v16  }
0x36a: {  	v17 =	vpop (erf)  }
0x36b: {  	v17 =	vadd.f32 $1.000000000e+00, v17;
	(erf) = vrcp.f32 v16  }
0x36c: {  	v16 =	vld [tilespmem:s26+$0x400]  }
0x36d: {  	(erf) = vrcp.f32 v17  }
0x36e: {  	v17 =	vld [tilespmem:s26+$0x410];
	_ =	sdelay $0x1  }
0x36f: {  	v18 =	vld [tilespmem:s26+$0x420];
	v19 =	vpop (erf)  }
0x370: {  	v16 =	vmul.f32 v19, v16  }
0x371: {  	v19 =	vld [tilespmem:s26+$0x430];
	v20 =	vpop (erf)  }
0x372: {  	v17 =	vmul.f32 v20, v17;
	v16 =	vadd.f32 $0.0e+00, v16  }
0x373: {  	v41 =	vpop (erf)  }
0x374: {  	v16 =	vadd.f32 v17, v16;
	v17 =	vmul.f32 v41, v18  }
0x375: {  	v18 =	vpop (erf)  }
0x376: {  	v16 =	vadd.f32 v17, v16;
	v17 =	vmul.f32 v18, v19;
	v18 =	vadd.s32 s25, v0;
	_ =	sdelay $0x1  }
0x377: {  	v16 =	vadd.f32 v17, v16;
	v17 =	vadd.s32 s25, v1  }
0x378: {  	s24 =	sadd.s32 $0x11, s24  }
0x379: {  	[tilespmem:s24+$0x0] =	vst v16;
	v16 =	vadd.s32 s25, v2  }
0x37a: {  	v18 =	vld.idx.msk [tilespmem:v18+s21+$0x0], $0xffff  }
0x37b: {  	v19 =	vadd.s32 s25, v3  }
0x37c: {  	v17 =	vld.idx.msk [tilespmem:v17+s21+$0x0], $0xffff  }
0x37d: {  	v42 =	vadd.s32 s25, v4  }
0x37e: {  	v16 =	vld.idx.msk [tilespmem:v16+s21+$0x0], $0xffff  }
0x37f: {  	v21 =	vadd.s32 s25, v5;
	v18 =	vadd.f32 $0.0e+00, v18  }
0x380: {  	v19 =	vld.idx.msk [tilespmem:v19+s21+$0x0], $0xffff  }
0x381: {  	v22 =	vadd.s32 s25, v6;
	v17 =	vadd.f32 v17, v18  }
0x382: {  	v18 =	vld.idx.msk [tilespmem:v42+s21+$0x0], $0xffff  }
0x383: {  	v43 =	vadd.s32 s25, v7;
	v16 =	vadd.f32 v16, v17  }
0x384: {  	v17 =	vld.idx.msk [tilespmem:v21+s21+$0x0], $0xffff  }
0x385: {  	v44 =	vadd.s32 s25, v8;
	v16 =	vadd.f32 v19, v16  }
0x386: {  	v19 =	vld.idx.msk [tilespmem:v22+s21+$0x0], $0xffff  }
0x387: {  	v45 =	vadd.s32 s25, v9;
	v16 =	vadd.f32 v18, v16  }
0x388: {  	v18 =	vld.idx.msk [tilespmem:v43+s21+$0x0], $0xffff  }
0x389: {  	v46 =	vadd.s32 s25, v10;
	v16 =	vadd.f32 v17, v16  }
0x38a: {  	v17 =	vld.idx.msk [tilespmem:v44+s21+$0x0], $0xffff  }
0x38b: {  	v47 =	vadd.s32 s25, v11;
	v16 =	vadd.f32 v19, v16  }
0x38c: {  	v19 =	vld.idx.msk [tilespmem:v45+s21+$0x0], $0xffff  }
0x38d: {  	v48 =	vadd.s32 s25, v12;
	v16 =	vadd.f32 v18, v16  }
0x38e: {  	v18 =	vld.idx.msk [tilespmem:v46+s21+$0x0], $0xffff  }
0x38f: {  	v49 =	vadd.s32 s25, v13;
	v16 =	vadd.f32 v17, v16  }
0x390: {  	v17 =	vld.idx.msk [tilespmem:v47+s21+$0x0], $0xffff  }
0x391: {  	v50 =	vadd.s32 s25, v14;
	v16 =	vadd.f32 v19, v16  }
0x392: {  	v19 =	vld.idx.msk [tilespmem:v48+s21+$0x0], $0xffff  }
0x393: {  	v51 =	vadd.s32 s25, v15;
	v16 =	vadd.f32 v18, v16  }
0x394: {  	v18 =	vld.idx.msk [tilespmem:v49+s21+$0x0], $0xffff  }
0x395: {  	v16 =	vadd.f32 v17, v16  }
0x396: {  	v17 =	vld.idx.msk [tilespmem:v50+s21+$0x0], $0xffff  }
0x397: {  	v16 =	vadd.f32 v19, v16  }
0x398: {  	v19 =	vld.idx.msk [tilespmem:v51+s21+$0x0], $0xffff  }
0x399: {  	s30 =	simm.s32 $0x10500;
	v16 =	vadd.f32 v18, v16  }
0x39a: {  	v18 =	vld [tilespmem:s30+$0x0]  }
0x39b: {  	v16 =	vadd.f32 v17, v16;
	_ =	sdelay $0x1  }
0x39c: {  	v16 =	vadd.f32 v19, v16;
	_ =	sdelay $0x1  }
0x39d: {  	v16 =	vsub.f32 v18, v16;
	_ =	sdelay $0x1  }
0x39e: {  	v16 =	vmul.f32 $1.442695020e+00, v16;
	_ =	sdelay $0x1  }
0x39f: {  	(erf) = vpow2.f32 v16;
	_ =	sdelay $0x8  }
0x3a0: {  	v16 =	vpop (erf)  }
0x3a1: {  	v16 =	vadd.f32 $1.000000000e+00, v16;
	_ =	sdelay $0x1  }
0x3a2: {  	(erf) = vrcp.f32 v16;
	_ =	sdelay $0x4  }
0x3a3: {  	s31 =	simm.s32 $0x110  }
0x3a4: {  	v16 =	vadd.s32 s31, v0;
	_ =	sdelay $0x1  }
0x3a5: {  	v17 =	vadd.s32 s31, v1  }
0x3a6: {  	s24 =	simm.s32 $0x11800;
	v18 =	vpop (erf)  }
0x3a7: {  	v19 =	vadd.s32 s31, v2;
	[tilespmem:s24+$0x0] =	vst v18  }
0x3a8: {  	v16 =	vld.idx.msk [tilespmem:v16+s21+$0x0], $0xffff  }
0x3a9: {  	v18 =	vadd.s32 s31, v3  }
0x3aa: {  	v17 =	vld.idx.msk [tilespmem:v17+s21+$0x0], $0xffff  }
0x3ab: {  	v52 =	vadd.s32 s31, v4  }
0x3ac: {  	v19 =	vld.idx.msk [tilespmem:v19+s21+$0x0], $0xffff  }
0x3ad: {  	v53 =	vadd.s32 s31, v5;
	v16 =	vadd.f32 $0.0e+00, v16  }
0x3ae: {  	v18 =	vld.idx.msk [tilespmem:v18+s21+$0x0], $0xffff  }
0x3af: {  	v54 =	vadd.s32 s31, v6;
	v16 =	vadd.f32 v17, v16  }
0x3b0: {  	v17 =	vld.idx.msk [tilespmem:v52+s21+$0x0], $0xffff  }
0x3b1: {  	v55 =	vadd.s32 s31, v7;
	v16 =	vadd.f32 v19, v16  }
0x3b2: {  	v19 =	vld.idx.msk [tilespmem:v53+s21+$0x0], $0xffff  }
0x3b3: {  	v56 =	vadd.s32 s31, v8;
	v16 =	vadd.f32 v18, v16  }
0x3b4: {  	v18 =	vld.idx.msk [tilespmem:v54+s21+$0x0], $0xffff  }
0x3b5: {  	v57 =	vadd.s32 s31, v9;
	v16 =	vadd.f32 v17, v16  }
0x3b6: {  	v17 =	vld.idx.msk [tilespmem:v55+s21+$0x0], $0xffff  }
0x3b7: {  	v58 =	vadd.s32 s31, v10;
	v16 =	vadd.f32 v19, v16  }
0x3b8: {  	v19 =	vld.idx.msk [tilespmem:v56+s21+$0x0], $0xffff  }
0x3b9: {  	v59 =	vadd.s32 s31, v11;
	v16 =	vadd.f32 v18, v16  }
0x3ba: {  	v18 =	vld.idx.msk [tilespmem:v57+s21+$0x0], $0xffff  }
0x3bb: {  	v60 =	vadd.s32 s31, v12;
	v16 =	vadd.f32 v17, v16  }
0x3bc: {  	v17 =	vld.idx.msk [tilespmem:v58+s21+$0x0], $0xffff  }
0x3bd: {  	v61 =	vadd.s32 s31, v13;
	v16 =	vadd.f32 v19, v16  }
0x3be: {  	v19 =	vld.idx.msk [tilespmem:v59+s21+$0x0], $0xffff  }
0x3bf: {  	v62 =	vadd.s32 s31, v14;
	v16 =	vadd.f32 v18, v16  }
0x3c0: {  	v18 =	vld.idx.msk [tilespmem:v60+s21+$0x0], $0xffff  }
0x3c1: {  	v63 =	vadd.s32 s31, v15;
	v16 =	vadd.f32 v17, v16  }
0x3c2: {  	v17 =	vld.idx.msk [tilespmem:v61+s21+$0x0], $0xffff  }
0x3c3: {  	v16 =	vadd.f32 v19, v16  }
0x3c4: {  	v19 =	vld.idx.msk [tilespmem:v62+s21+$0x0], $0xffff  }
0x3c5: {  	v16 =	vadd.f32 v18, v16  }
0x3c6: {  	v18 =	vld.idx.msk [tilespmem:v63+s21+$0x0], $0xffff  }
0x3c7: {  	s25 =	simm.s32 $0x10510;
	v16 =	vadd.f32 v17, v16  }
0x3c8: {  	v17 =	vld [tilespmem:s25+$0x0]  }
0x3c9: {  	v16 =	vadd.f32 v19, v16;
	_ =	sdelay $0x1  }
0x3ca: {  	v16 =	vadd.f32 v18, v16;
	_ =	sdelay $0x1  }
0x3cb: {  	v16 =	vsub.f32 v17, v16;
	_ =	sdelay $0x1  }
0x3cc: {  	v16 =	vmul.f32 $1.442695020e+00, v16;
	_ =	sdelay $0x1  }
0x3cd: {  	(erf) = vpow2.f32 v16;
	_ =	sdelay $0x8  }
0x3ce: {  	v16 =	vpop (erf)  }
0x3cf: {  	v16 =	vadd.f32 $1.000000000e+00, v16;
	_ =	sdelay $0x1  }
0x3d0: {  	(erf) = vrcp.f32 v16;
	_ =	sdelay $0x4  }
0x3d1: {  	s26 =	simm.s32 $0x220  }
0x3d2: {  	s28 =	simm.s32 $0x330;
	v16 =	vadd.s32 s26, v0  }
.LBB2_12:
0x3d3: {  	p0 =	sne.s32 s28, $0xFF0  }
0x3d4: {  	v17 =	vadd.s32 s26, v1  }
0x3d5: {  	s24 =	sadd.s32 $0x10, s24;
	v18 =	vpop (erf)  }
0x3d6: {  	v19 =	vadd.s32 s26, v2;
	[tilespmem:s24+$0x0] =	vst v18  }
0x3d7: {  	v16 =	vld.idx.msk [tilespmem:v16+s21+$0x0], $0xffff  }
0x3d8: {  	v18 =	vadd.s32 s26, v3  }
0x3d9: {  	v17 =	vld.idx.msk [tilespmem:v17+s21+$0x0], $0xffff  }
0x3da: {  	v20 =	vadd.s32 s26, v4  }
0x3db: {  	v19 =	vld.idx.msk [tilespmem:v19+s21+$0x0], $0xffff  }
0x3dc: {  	v21 =	vadd.s32 s26, v5  }
0x3dd: {  	v16 =	vadd.f32 $0.0e+00, v16;
	v18 =	vld.idx.msk [tilespmem:v18+s21+$0x0], $0xffff  }
0x3de: {  	v22 =	vadd.s32 s26, v6  }
0x3df: {  	v16 =	vadd.f32 v17, v16;
	v17 =	vld.idx.msk [tilespmem:v20+s21+$0x0], $0xffff  }
0x3e0: {  	v20 =	vadd.s32 s26, v7  }
0x3e1: {  	v16 =	vadd.f32 v19, v16;
	v19 =	vld.idx.msk [tilespmem:v21+s21+$0x0], $0xffff  }
0x3e2: {  	v21 =	vadd.s32 s26, v8  }
0x3e3: {  	v16 =	vadd.f32 v18, v16;
	v18 =	vld.idx.msk [tilespmem:v22+s21+$0x0], $0xffff  }
0x3e4: {  	v22 =	vadd.s32 s26, v9  }
0x3e5: {  	v16 =	vadd.f32 v17, v16;
	v17 =	vld.idx.msk [tilespmem:v20+s21+$0x0], $0xffff  }
0x3e6: {  	v20 =	vadd.s32 s26, v10  }
0x3e7: {  	v16 =	vadd.f32 v19, v16;
	v19 =	vld.idx.msk [tilespmem:v21+s21+$0x0], $0xffff  }
0x3e8: {  	v21 =	vadd.s32 s26, v11  }
0x3e9: {  	v16 =	vadd.f32 v18, v16;
	v18 =	vld.idx.msk [tilespmem:v22+s21+$0x0], $0xffff  }
0x3ea: {  	v22 =	vadd.s32 s26, v12  }
0x3eb: {  	v16 =	vadd.f32 v17, v16;
	v17 =	vld.idx.msk [tilespmem:v20+s21+$0x0], $0xffff  }
0x3ec: {  	v20 =	vadd.s32 s26, v13  }
0x3ed: {  	v16 =	vadd.f32 v19, v16;
	v19 =	vld.idx.msk [tilespmem:v21+s21+$0x0], $0xffff  }
0x3ee: {  	v21 =	vadd.s32 s26, v14  }
0x3ef: {  	v16 =	vadd.f32 v18, v16;
	v18 =	vld.idx.msk [tilespmem:v22+s21+$0x0], $0xffff  }
0x3f0: {  	v22 =	vadd.s32 s26, v15;
	s26 =	smov.u32 s28  }
0x3f1: {  	v16 =	vadd.f32 v17, v16;
	v17 =	vld.idx.msk [tilespmem:v20+s21+$0x0], $0xffff;
	_ =	sdelay $0x1  }
0x3f2: {  	v16 =	vadd.f32 v19, v16;
	v19 =	vld.idx.msk [tilespmem:v21+s21+$0x0], $0xffff;
	_ =	sdelay $0x1  }
0x3f3: {  	v16 =	vadd.f32 v18, v16;
	v18 =	vld.idx.msk [tilespmem:v22+s21+$0x0], $0xffff;
	_ =	sdelay $0x1  }
0x3f4: {  	s25 =	sadd.s32 $0x10, s25;
	v16 =	vadd.f32 v17, v16  }
0x3f5: {  	v17 =	vld [tilespmem:s25+$0x0]  }
0x3f6: {  	v16 =	vadd.f32 v19, v16;
	_ =	sdelay $0x1  }
0x3f7: {  	v16 =	vadd.f32 v18, v16;
	_ =	sdelay $0x1  }
0x3f8: {  	v16 =	vsub.f32 v17, v16;
	_ =	sdelay $0x1  }
0x3f9: {  	v16 =	vmul.f32 $1.442695020e+00, v16;
	_ =	sdelay $0x1  }
0x3fa: {  	(erf) = vpow2.f32 v16;
	_ =	sdelay $0x8  }
0x3fb: {  	v16 =	vpop (erf)  }
0x3fc: {  	v16 =	vadd.f32 $1.000000000e+00, v16;
	_ =	sdelay $0x1  }
0x3fd: {  	(erf) = vrcp.f32 v16;
	_ =	sdelay $0x1  }
.Ltmp5:
0x3fe: {  	(pc) =	sbr.rel @p0 .LBB2_12-.Ltmp5, $2  }
0x3ff: {  	_ =	sdelay $0x2  }
0x400: {  	s28 =	sadd.s32 $0x110, s28;
	v16 =	vadd.s32 s26, v0  }
0x401: {  	_ = 	snop  }
0x402: {  	v17 =	vadd.s32 s26, v1  }
0x403: {  	s24 =	sadd.s32 $0x10, s24;
	v18 =	vpop (erf)  }
0x404: {  	v19 =	vadd.s32 s26, v2;
	[tilespmem:s24+$0x0] =	vst v18  }
0x405: {  	v16 =	vld.idx.msk [tilespmem:v16+s21+$0x0], $0xffff  }
0x406: {  	v46 =	vadd.s32 s26, v3  }
0x407: {  	v17 =	vld.idx.msk [tilespmem:v17+s21+$0x0], $0xffff  }
0x408: {  	v20 =	vadd.s32 s26, v4  }
0x409: {  	v19 =	vld.idx.msk [tilespmem:v19+s21+$0x0], $0xffff  }
0x40a: {  	v21 =	vadd.s32 s26, v5;
	v16 =	vadd.f32 $0.0e+00, v16  }
0x40b: {  	v18 =	vld.idx.msk [tilespmem:v46+s21+$0x0], $0xffff  }
0x40c: {  	v22 =	vadd.s32 s26, v6;
	v16 =	vadd.f32 v17, v16  }
0x40d: {  	v17 =	vld.idx.msk [tilespmem:v20+s21+$0x0], $0xffff  }
0x40e: {  	v47 =	vadd.s32 s26, v7;
	v16 =	vadd.f32 v19, v16  }
0x40f: {  	v48 =	vld.idx.msk [tilespmem:v21+s21+$0x0], $0xffff  }
0x410: {  	v49 =	vadd.s32 s26, v8;
	v16 =	vadd.f32 v18, v16  }
0x411: {  	v50 =	vld.idx.msk [tilespmem:v22+s21+$0x0], $0xffff  }
0x412: {  	v51 =	vadd.s32 s26, v9;
	v16 =	vadd.f32 v17, v16  }
0x413: {  	v17 =	vld.idx.msk [tilespmem:v47+s21+$0x0], $0xffff  }
0x414: {  	v52 =	vadd.s32 s26, v10;
	v16 =	vadd.f32 v48, v16  }
0x415: {  	v53 =	vld.idx.msk [tilespmem:v49+s21+$0x0], $0xffff  }
0x416: {  	v54 =	vadd.s32 s26, v11;
	v16 =	vadd.f32 v50, v16  }
0x417: {  	v55 =	vld.idx.msk [tilespmem:v51+s21+$0x0], $0xffff  }
0x418: {  	v56 =	vadd.s32 s26, v12;
	v16 =	vadd.f32 v17, v16  }
0x419: {  	v17 =	vld.idx.msk [tilespmem:v52+s21+$0x0], $0xffff  }
0x41a: {  	v57 =	vadd.s32 s26, v13;
	v16 =	vadd.f32 v53, v16  }
0x41b: {  	v58 =	vld.idx.msk [tilespmem:v54+s21+$0x0], $0xffff  }
0x41c: {  	v59 =	vadd.s32 s26, v14;
	v16 =	vadd.f32 v55, v16  }
0x41d: {  	v60 =	vld.idx.msk [tilespmem:v56+s21+$0x0], $0xffff  }
0x41e: {  	v61 =	vadd.s32 s26, v15;
	v16 =	vadd.f32 v17, v16  }
0x41f: {  	v17 =	vld.idx.msk [tilespmem:v57+s21+$0x0], $0xffff  }
0x420: {  	v16 =	vadd.f32 v58, v16  }
0x421: {  	v62 =	vld.idx.msk [tilespmem:v59+s21+$0x0], $0xffff  }
0x422: {  	v16 =	vadd.f32 v60, v16  }
0x423: {  	v63 =	vld.idx.msk [tilespmem:v61+s21+$0x0], $0xffff  }
0x424: {  	s25 =	sadd.s32 $0x10, s25;
	v16 =	vadd.f32 v17, v16  }
0x425: {  	v17 =	vld [tilespmem:s25+$0x0]  }
0x426: {  	v16 =	vadd.f32 v62, v16;
	_ =	sdelay $0x1  }
0x427: {  	v16 =	vadd.f32 v63, v16;
	_ =	sdelay $0x1  }
0x428: {  	v16 =	vsub.f32 v17, v16;
	_ =	sdelay $0x1  }
0x429: {  	v16 =	vmul.f32 $1.442695020e+00, v16;
	_ =	sdelay $0x1  }
0x42a: {  	(erf) = vpow2.f32 v16;
	_ =	sdelay $0x8  }
0x42b: {  	v16 =	vpop (erf)  }
0x42c: {  	v16 =	vadd.f32 $1.000000000e+00, v16;
	_ =	sdelay $0x1  }
0x42d: {  	(erf) = vrcp.f32 v16;
	_ =	sdelay $0x7  }
0x42e: {  	s23 =	sadd.s32 $0x1, s23  }
0x42f: {  	p0 =	sne.s32 s23, s9;
	s24 =	sadd.s32 $0x10, s24;
	v16 =	vpop (erf)  }
.Ltmp6:
0x430: {  	[tilespmem:s24+$0x0] =	vst v16;
	(pc) =	sbr.rel @p0 .LBB2_1-.Ltmp6, $4  }
0x431: {  	[hbm4b:s8+s1] =	stream.linear.scatter [tilespmem:s22], [sflag:$0x3], $0x200, $0x38;
	[tilespmem:$0x11900] =	vst v63  }
0x432: {  	_ =	swait.ge [sflag:s10], $0x200  }
0x433: {  	[sflag:s10] =	ssyncset.done $0x0  }
0x434: {  	[sflag:s10] =	ssyncadd.s32 $0xFFFFFE00  }
0x435: {  	_ =	sfence.sel $0x180000  }
0x436: {  	[bflag:$0x0] =	sbarrier.arrive $0xFFFF  }
0x437: {  	p0 =	sne.s32 s2, $0x0;
	_ =	strace $0x90000047  }
0x438: {  	s0 =	sadd.s32 @!p0 $0x100000, s0;
	[bflag:$0x2] =	sbarrier.arrive $0xFFFF  }
0x439: {  	[sflag:s0] =	ssyncadd.tile.s32 @!p0 $0x1;
	_ =	shalt  }
.Lfunc_end2:
_tile_overlayer_lowered:
.L_overlay_start_2:
0x43a: {  	(tag) =	ssettag $0x2  }
0x43b: {  	s0 =	rddreg [dreg:$0x0];
	s2 =	stileid.u32  }
0x43c: {  	s1 =	rddreg [dreg:$0x1];
	p0 =	sne.s32 s2, $0x0  }
0x43d: {  	s3 =	rddreg [dreg:$0x2];
	[bflag:$0x3] =	sbarrier.arrive $0xFFFF;
	s2 =	simm.s32 @!p0 $0x1C03  }
0x43e: {  	[timem:s3], [sflag:s2] =	dma.local @!p0 [hbm:s0], s1  }
0x43f: {  	s0 =	simm.s32 @!p0 $0x3  }
0x440: {  	_ =	swait.ge @!p0 [sflag:s0], s1  }
0x441: {  	s1 =	ssub.s32 @!p0 $0x0, s1;
	[sflag:s0] =	ssyncset.done @!p0 $0x0  }
0x442: {  	[sflag:s0] =	ssyncadd.s32 @!p0 s1  }
0x443: {  	[bflag:$0x3] =	sbarrier.arrive $0xFFFF  }
0x444: {  	_ =	shalt  }

</sc_bundles>
